<compile_context>
chip_gen: v7x
topology: tpu7x:2x2x1
jax: 0.10.2.dev20260603
libtpu: 0.0.44.dev20260713+nightly
codegen_flags: <defaults>
</compile_context>

<pallas_src>
import functools

import jax
import jax.numpy as jnp
from jax import lax
from jax.experimental import pallas as pl
from jax.experimental.pallas import tpu as pltpu
from jax.experimental.pallas import tpu_sc as plsc

N_NODES = 10000
N_EDGES = 320000
D = 128

NC = 2
NS = 16
NW = NC * NS

CB = 128
NCH = 159
E_PAD = NS * NCH * CB
NPAD = 10240
HALF = NPAD // 2
RPT = HALF // NS

BR = 1024
GRID = NPAD // BR


def _sc_degree_body(dst_hbm, out_hbm, dst_v, buf_v, acc_s, d0, d1, d2, d3):
    dsem = [d0, d1, d2, d3]
    c = lax.axis_index("c")
    s = lax.axis_index("s")
    wid = c * NS + s
    base = s * RPT

    pltpu.sync_copy(dst_hbm.at[wid], dst_v)

    @pl.loop(0, 64)
    def _(i):
        for j in range(D // 16):
            buf_v[i, pl.ds(j * 16, 16)] = jnp.zeros((16,), jnp.float32)

    for k in range(RPT // 64):
        pltpu.sync_copy(buf_v.at[pl.ds(0, 64)],
                        acc_s.at[pl.ds(base + k * 64, 64)])
    plsc.subcore_barrier()

    @pl.loop(0, CB)
    def _(i):
        for j in range(D // 16):
            buf_v[i, pl.ds(j * 16, 16)] = jnp.full((16,), 1.0, jnp.float32)

    def _deg_scatter(j, sem):
        idx = plsc.Indices(dst_v.at[j], ignored_value=-1)
        pltpu.async_copy(buf_v, acc_s.at[idx], sem, add=True)

    def _deg_wait(j, sem):
        idx = plsc.Indices(dst_v.at[j], ignored_value=-1)
        pltpu.make_async_copy(buf_v, acc_s.at[idx], sem).wait()

    nfull = (NCH // 4) * 4

    @pl.loop(0, NCH // 4)
    def _(jj):
        for b in range(4):
            j = jj * 4 + b

            @pl.when(j >= 4)
            def _():
                _deg_wait(j - 4, dsem[b])

            _deg_scatter(j, dsem[b])

    for j in range(nfull, NCH):
        _deg_wait(j - 4, dsem[j % 4])
        _deg_scatter(j, dsem[j % 4])

    for j in range(NCH - 4, NCH):
        _deg_wait(j, dsem[j % 4])
    plsc.subcore_barrier()

    for k in range(RPT // 64):
        r0 = base + k * 64
        pltpu.sync_copy(acc_s.at[pl.ds(r0, 64)], buf_v.at[pl.ds(0, 64)])
        pltpu.sync_copy(buf_v.at[pl.ds(0, 64)], out_hbm.at[c].at[pl.ds(r0, 64)])


def _sc_scatter_body(g_hbm, src_hbm, dst_hbm, out_hbm,
                     src_v, dst_v, b0, b1, b2, acc_s,
                     g0, g1, g2, s0, s1, s2):
    c = lax.axis_index("c")
    s = lax.axis_index("s")
    wid = c * NS + s
    base = s * RPT
    bufs = [b0, b1, b2]
    gsem = [g0, g1, g2]
    ssem = [s0, s1, s2]

    pltpu.sync_copy(src_hbm.at[wid], src_v)
    pltpu.sync_copy(dst_hbm.at[wid], dst_v)

    def _gather(j, b):
        idx = plsc.Indices(src_v.at[j], ignored_value=-1)
        pltpu.async_copy(g_hbm.at[idx], bufs[b], gsem[b])

    def _gather_wait(j, b):
        idx = plsc.Indices(src_v.at[j], ignored_value=-1)
        pltpu.make_async_copy(g_hbm.at[idx], bufs[b], gsem[b]).wait()

    def _scatter(j, b):
        idx = plsc.Indices(dst_v.at[j], ignored_value=-1)
        pltpu.async_copy(bufs[b], acc_s.at[idx], ssem[b], add=True)

    def _scatter_wait(j, b):
        idx = plsc.Indices(dst_v.at[j], ignored_value=-1)
        pltpu.make_async_copy(bufs[b], acc_s.at[idx], ssem[b]).wait()

    for b in range(2):
        _gather(b, b)

    @pl.loop(0, 64)
    def _(i):
        for j in range(D // 16):
            b2[i, pl.ds(j * 16, 16)] = jnp.zeros((16,), jnp.float32)

    for k in range(RPT // 64):
        pltpu.sync_copy(b2.at[pl.ds(0, 64)],
                        acc_s.at[pl.ds(base + k * 64, 64)])
    plsc.subcore_barrier()

    @pl.loop(0, NCH // 3)
    def _(jj):
        for b in range(3):
            j = jj * 3 + b
            _gather_wait(j, b)
            _scatter(j, b)
            t = (b + 2) % 3
            jn = j + 2

            @pl.when(jn < NCH)
            def _():
                prev = jn - 3

                @pl.when(prev >= 0)
                def _():
                    _scatter_wait(prev, t)

                _gather(jn, t)

    for b in range(3):
        _scatter_wait(NCH - 3 + b, b)
    plsc.subcore_barrier()

    for k in range(RPT // 64):
        r0 = base + k * 64
        pltpu.sync_copy(acc_s.at[pl.ds(r0, 64)], b0.at[pl.ds(0, 64)])
        pltpu.sync_copy(b0.at[pl.ds(0, 64)], out_hbm.at[c].at[pl.ds(r0, 64)])


@functools.cache
def _sc_kernels():
    mesh = plsc.VectorSubcoreMesh(core_axis_name="c", subcore_axis_name="s",
                                  num_cores=NC, num_subcores=NS)
    sc_degree = pl.kernel(
        _sc_degree_body,
        out_type=jax.ShapeDtypeStruct((NC, HALF, D), jnp.float32),
        mesh=mesh,
        scratch_types=[
            pltpu.VMEM((NCH, CB), jnp.int32),
            pltpu.VMEM((CB, D), jnp.float32),
            pltpu.VMEM_SHARED((HALF, D), jnp.float32),
        ] + [pltpu.SemaphoreType.DMA] * 4,
    )
    sc_scatter = pl.kernel(
        _sc_scatter_body,
        out_type=jax.ShapeDtypeStruct((NC, HALF, D), jnp.float32),
        mesh=mesh,
        scratch_types=[
            pltpu.VMEM((NCH, CB), jnp.int32),
            pltpu.VMEM((NCH, CB), jnp.int32),
            pltpu.VMEM((CB, D), jnp.float32),
            pltpu.VMEM((CB, D), jnp.float32),
            pltpu.VMEM((CB, D), jnp.float32),
            pltpu.VMEM_SHARED((HALF, D), jnp.float32),
        ] + [pltpu.SemaphoreType.DMA] * 6,
    )
    return sc_degree, sc_scatter


def _mm_scale_body(x_ref, w_ref, dg_ref, o_ref):
    dinv = lax.rsqrt(dg_ref[:, 0:1] + 1.0)
    o_ref[...] = jnp.dot(x_ref[...], w_ref[...],
                         preferred_element_type=jnp.float32) * dinv


def _mid_body(s_ref, g_ref, dg_ref, w_ref, b_ref, o_ref):
    dinv = lax.rsqrt(dg_ref[:, 0:1] + 1.0)
    z = dinv * (s_ref[...] + g_ref[...]) + b_ref[...]
    r = jnp.maximum(z, 0.0)
    o_ref[...] = jnp.dot(r, w_ref[...],
                         preferred_element_type=jnp.float32) * dinv


def _final_body(s_ref, g_ref, dg_ref, b_ref, o_ref):
    dinv = lax.rsqrt(dg_ref[:, 0:1] + 1.0)
    z = dinv * (s_ref[...] + g_ref[...]) + b_ref[...]
    m = jnp.max(z, axis=1, keepdims=True)
    e = jnp.exp(z - m)
    o_ref[...] = (z - m) - jnp.log(jnp.sum(e, axis=1, keepdims=True))


_row_spec = pl.BlockSpec((BR, D), lambda i: (i, 0))
_deg_spec = pl.BlockSpec((BR, D), lambda i: (i, 0))
_w_spec = pl.BlockSpec((D, D), lambda i: (0, 0))
_b_spec = pl.BlockSpec((1, D), lambda i: (0, 0))
_out_struct = jax.ShapeDtypeStruct((NPAD, D), jnp.float32)

_tc_mm_scale = pl.pallas_call(
    _mm_scale_body, grid=(GRID,),
    in_specs=[_row_spec, _w_spec, _deg_spec], out_specs=_row_spec,
    out_shape=_out_struct)

_tc_mid = pl.pallas_call(
    _mid_body, grid=(GRID,),
    in_specs=[_row_spec, _row_spec, _deg_spec, _w_spec, _b_spec],
    out_specs=_row_spec, out_shape=_out_struct)

_tc_final = pl.pallas_call(
    _final_body, grid=(GRID,),
    in_specs=[_row_spec, _row_spec, _deg_spec, _b_spec],
    out_specs=_row_spec, out_shape=_out_struct)


def kernel(x, edge_index, W1, b1, W2, b2):
    src = edge_index[0].astype(jnp.int32)
    dst = edge_index[1].astype(jnp.int32)

    neg1 = jnp.int32(-1)

    fill = jnp.full((E_PAD - N_EDGES,), -1, jnp.int32)
    src_p = jnp.concatenate([src, fill])
    dst_p = jnp.concatenate([dst, fill])
    in_a = (dst_p >= 0) & (dst_p < HALF)
    in_b = dst_p >= HALF

    def slab(a):
        return a.reshape(NCH, NS, CB).transpose(1, 0, 2)

    s_sl = jnp.stack([slab(jnp.where(in_a, src_p, neg1)),
                      slab(jnp.where(in_b, src_p, neg1))])
    d_sl = jnp.stack([slab(jnp.where(in_a, dst_p, neg1)),
                      slab(jnp.where(in_b, dst_p - HALF, neg1))])
    src_slabs = s_sl.reshape(NW, NCH, CB)
    dst_slabs = d_sl.reshape(NW, NCH, CB)

    x_pad = jnp.zeros((NPAD, D), jnp.float32).at[:N_NODES].set(x)
    b1r = b1.reshape(1, D)
    b2r = b2.reshape(1, D)

    sc_degree, sc_scatter = _sc_kernels()
    deg = sc_degree(dst_slabs).reshape(NPAD, D)

    g1 = _tc_mm_scale(x_pad, W1, deg)
    s1 = sc_scatter(g1, src_slabs, dst_slabs).reshape(NPAD, D)
    g2 = _tc_mid(s1, g1, deg, W2, b1r)
    s2 = sc_scatter(g2, src_slabs, dst_slabs).reshape(NPAD, D)
    out = _tc_final(s2, g2, deg, b2r)
    return out[:N_NODES]

# --- scband reference (transcript-rebuilt; emitter-appended) ---
"""Pipeline reference for scband-gcn-42915313222045 (READ-ONLY COPY).

The authoritative reference and input builder live on the scoring server;
editing this copy changes nothing except your own understanding.
"""

import jax, jax.numpy as jnp
import numpy as np

N_NODES = 10000
N_EDGES = 320000
D_IN = 128
D_HID = 128
D_OUT = 128

def setup_inputs(seed: int = 0) -> dict:
    key = jax.random.key(seed)
    k1, k2, k3, k4, k5, k6 = jax.random.split(key, 6)
    x = jax.random.normal(k1, (N_NODES, D_IN), dtype=jnp.float32)
    edge_index = jax.random.randint(k2, (2, N_EDGES), 0, N_NODES, dtype=jnp.int64 if jax.config.jax_enable_x64 else jnp.int32).astype(jnp.int32)
    W1 = jax.random.normal(k3, (D_IN, D_HID), dtype=jnp.float32) * (1.0 / np.sqrt(D_IN))
    b1 = jnp.zeros((D_HID,), dtype=jnp.float32)
    W2 = jax.random.normal(k4, (D_HID, D_OUT), dtype=jnp.float32) * (1.0 / np.sqrt(D_HID))
    b2 = jnp.zeros((D_OUT,), dtype=jnp.float32)
    return {"x": x, "edge_index": edge_index, "W1": W1, "b1": b1, "W2": W2, "b2": b2}

def _gcn_conv(x, src, dst, W, b):
    # x: [N, d_in], src/dst: [E'] (self-loops already appended)
    N = x.shape[0]
    deg = jnp.zeros((N,), dtype=jnp.float32).at[dst].add(1.0)
    dinv = jnp.where(deg > 0, 1.0 / jnp.sqrt(deg), 0.0)
    norm = dinv[src] * dinv[dst]  # [E']
    h = x @ W  # [N, d_out]
    msg = jnp.take(h, src, axis=0) * norm[:, None]  # gather + scale
    out = jnp.zeros((N, W.shape[1]), dtype=jnp.float32).at[dst].add(msg)  # scatter-add
    return out + b

def reference(x, edge_index, W1, b1, W2, b2):
    N = x.shape[0]
    loop = jnp.arange(N, dtype=edge_index.dtype)
    src = jnp.concatenate([edge_index[0], loop])
    dst = jnp.concatenate([edge_index[1], loop])
    h = _gcn_conv(x, src, dst, W1, b1)
    h = jax.nn.relu(h)
    h = _gcn_conv(h, src, dst, W2, b2)
    return jax.nn.log_softmax(h, axis=1)

if __name__ == "__main__":
    import jax
    _d = setup_inputs()
    print(jax.jit(kernel)(*tuple(_d.values())))

</pallas_src>

<mosaic_0001>
#map = affine_map<(d0, d1) -> (0, 0, 0)>
module attributes {stable_mosaic.version = 14 : i64} {
  func.func @_sc_degree_body(%arg0: i32, %arg1: i32, %arg2: memref<32x159x128xi32, #tpu.memory_space<hbm>>, %arg3: memref<2x5120x128xf32, #tpu.memory_space<hbm>>, %arg4: memref<159x128xi32, #tpu.memory_space<vmem>>, %arg5: memref<128x128xf32, #tpu.memory_space<vmem>>, %arg6: memref<5120x128xf32, #tpu.memory_space<vmem_shared>>, %arg7: memref<!tpu.dma_semaphore, #tpu.memory_space<semaphore_mem>>, %arg8: memref<!tpu.dma_semaphore, #tpu.memory_space<semaphore_mem>>, %arg9: memref<!tpu.dma_semaphore, #tpu.memory_space<semaphore_mem>>, %arg10: memref<!tpu.dma_semaphore, #tpu.memory_space<semaphore_mem>>) attributes {dimension_semantics = [#tpu.dimension_semantics<core_parallel>, #tpu.dimension_semantics<subcore_parallel>], iteration_bounds = array<i64: 2, 16>, scalar_prefetch = 0 : i64, scratch_operands = 7 : i64, tpu.core_type = #tpu.core_type<sc_vector_subcore>, window_params = [{transform_indices = #map}, {transform_indices = #map}]} {
    %mul3A = arith.constant 16 : i32
    %mul3A_0 = arith.muli %arg0, %mul3A : i32
    %add3A = arith.addi %mul3A_0, %arg1 : i32
    %mul3A_1 = arith.constant 320 : i32
    %mul3A_2 = arith.muli %arg1, %mul3A_1 : i32
    "tpu.region"() ({
      %run_scoped3A = tpu.sem_alloc : memref<!tpu.dma_semaphore, #tpu.memory_space<semaphore_mem>>
      %dma_start3A_109 = arith.constant 0 : i32
      %dma_start3A_110 = arith.constant 0 : i32
      %dma_start3A_111 = tpu.memref_slice %arg2[%add3A, %dma_start3A_109, %dma_start3A_110] : memref<32x159x128xi32, #tpu.memory_space<hbm>> -> memref<1x159x128xi32, #tpu.memory_space<hbm>>
      %dma_start3A_112 = tpu.memref_squeeze %dma_start3A_111 : memref<1x159x128xi32, #tpu.memory_space<hbm>> -> memref<159x128xi32, #tpu.memory_space<hbm>>
      %dma_start3A_113 = arith.constant 0 : i32
      %dma_start3A_114 = arith.constant 0 : i32
      %dma_start3A_115 = tpu.memref_slice %arg2[%add3A, %dma_start3A_113, %dma_start3A_114] : memref<32x159x128xi32, #tpu.memory_space<hbm>> -> memref<1x159x128xi32, #tpu.memory_space<hbm>>
      %dma_start3A_116 = tpu.memref_squeeze %dma_start3A_115 : memref<1x159x128xi32, #tpu.memory_space<hbm>> -> memref<159x128xi32, #tpu.memory_space<hbm>>
      tpu.enqueue_dma source(%dma_start3A_116 : memref<159x128xi32, #tpu.memory_space<hbm>>) target(%arg4 : memref<159x128xi32, #tpu.memory_space<vmem>>) target_semaphore(%run_scoped3A : memref<!tpu.dma_semaphore, #tpu.memory_space<semaphore_mem>>)
      %dma_wait3A_117 = arith.constant 0 : i32
      %dma_wait3A_118 = arith.constant 0 : i32
      %dma_wait3A_119 = tpu.memref_slice %arg2[%add3A, %dma_wait3A_117, %dma_wait3A_118] : memref<32x159x128xi32, #tpu.memory_space<hbm>> -> memref<1x159x128xi32, #tpu.memory_space<hbm>>
      %dma_wait3A_120 = tpu.memref_squeeze %dma_wait3A_119 : memref<1x159x128xi32, #tpu.memory_space<hbm>> -> memref<159x128xi32, #tpu.memory_space<hbm>>
      %dma_wait3A_121 = arith.constant 0 : i32
      %dma_wait3A_122 = arith.constant 0 : i32
      %dma_wait3A_123 = tpu.memref_slice %arg2[%add3A, %dma_wait3A_121, %dma_wait3A_122] : memref<32x159x128xi32, #tpu.memory_space<hbm>> -> memref<1x159x128xi32, #tpu.memory_space<hbm>>
      %dma_wait3A_124 = tpu.memref_squeeze %dma_wait3A_123 : memref<1x159x128xi32, #tpu.memory_space<hbm>> -> memref<159x128xi32, #tpu.memory_space<hbm>>
      tpu.wait_dma2 semaphore(%run_scoped3A : memref<!tpu.dma_semaphore, #tpu.memory_space<semaphore_mem>>) src(%dma_wait3A_124 : memref<159x128xi32, #tpu.memory_space<hbm>>) dst(%arg4 : memref<159x128xi32, #tpu.memory_space<vmem>>)
      tpu.yield
    }) : () -> ()
    %scan3A = arith.constant 0 : i32
    %scan3A_3 = arith.constant 64 : i32
    %scan3A_4 = arith.addi %scan3A, %scan3A_3 : i32
    %scan3A_5 = arith.constant 1 : i32
    scf.for %scan3A_109 = %scan3A to %scan3A_4 step %scan3A_5  : i32 {
      %mul3A_110 = arith.constant 1 : i32
      %mul3A_111 = arith.muli %scan3A_109, %mul3A_110 : i32
      %add3A_112 = arith.constant 0 : i32
      %add3A_113 = arith.addi %add3A_112, %mul3A_111 : i32
      %broadcast_in_dim3A = arith.constant 0.000000e+00 : f32
      %broadcast_in_dim3A_114 = vector.broadcast %broadcast_in_dim3A : f32 to vector<16xf32>
      %swap3A = arith.index_cast %add3A_113 : i32 to index
      %swap3A_115 = arith.constant 0 : index
      %swap3A_116 = tpu.vector_load %arg5[%swap3A, %swap3A_115] {strides = array<i32>} : memref<128x128xf32, #tpu.memory_space<vmem>>, vector<1x16xf32>,
      %swap3A_117 = vector.shape_cast %swap3A_116 : vector<1x16xf32> to vector<16xf32>
      %swap3A_118 = vector.shape_cast %broadcast_in_dim3A_114 : vector<16xf32> to vector<1x16xf32>
      tpu.vector_store %arg5[%swap3A, %swap3A_115], %swap3A_118 {strides = array<i32>} : memref<128x128xf32, #tpu.memory_space<vmem>>, vector<1x16xf32>,
      %broadcast_in_dim3A_119 = arith.constant 0.000000e+00 : f32
      %broadcast_in_dim3A_120 = vector.broadcast %broadcast_in_dim3A_119 : f32 to vector<16xf32>
      %swap3A_121 = arith.index_cast %add3A_113 : i32 to index
      %swap3A_122 = arith.constant 16 : index
      %swap3A_123 = tpu.vector_load %arg5[%swap3A_121, %swap3A_122] {strides = array<i32>} : memref<128x128xf32, #tpu.memory_space<vmem>>, vector<1x16xf32>,
      %swap3A_124 = vector.shape_cast %swap3A_123 : vector<1x16xf32> to vector<16xf32>
      %swap3A_125 = vector.shape_cast %broadcast_in_dim3A_120 : vector<16xf32> to vector<1x16xf32>
      tpu.vector_store %arg5[%swap3A_121, %swap3A_122], %swap3A_125 {strides = array<i32>} : memref<128x128xf32, #tpu.memory_space<vmem>>, vector<1x16xf32>,
      %broadcast_in_dim3A_126 = arith.constant 0.000000e+00 : f32
      %broadcast_in_dim3A_127 = vector.broadcast %broadcast_in_dim3A_126 : f32 to vector<16xf32>
      %swap3A_128 = arith.index_cast %add3A_113 : i32 to index
      %swap3A_129 = arith.constant 32 : index
      %swap3A_130 = tpu.vector_load %arg5[%swap3A_128, %swap3A_129] {strides = array<i32>} : memref<128x128xf32, #tpu.memory_space<vmem>>, vector<1x16xf32>,
      %swap3A_131 = vector.shape_cast %swap3A_130 : vector<1x16xf32> to vector<16xf32>
      %swap3A_132 = vector.shape_cast %broadcast_in_dim3A_127 : vector<16xf32> to vector<1x16xf32>
      tpu.vector_store %arg5[%swap3A_128, %swap3A_129], %swap3A_132 {strides = array<i32>} : memref<128x128xf32, #tpu.memory_space<vmem>>, vector<1x16xf32>,
      %broadcast_in_dim3A_133 = arith.constant 0.000000e+00 : f32
      %broadcast_in_dim3A_134 = vector.broadcast %broadcast_in_dim3A_133 : f32 to vector<16xf32>
      %swap3A_135 = arith.index_cast %add3A_113 : i32 to index
      %swap3A_136 = arith.constant 48 : index
      %swap3A_137 = tpu.vector_load %arg5[%swap3A_135, %swap3A_136] {strides = array<i32>} : memref<128x128xf32, #tpu.memory_space<vmem>>, vector<1x16xf32>,
      %swap3A_138 = vector.shape_cast %swap3A_137 : vector<1x16xf32> to vector<16xf32>
      %swap3A_139 = vector.shape_cast %broadcast_in_dim3A_134 : vector<16xf32> to vector<1x16xf32>
      tpu.vector_store %arg5[%swap3A_135, %swap3A_136], %swap3A_139 {strides = array<i32>} : memref<128x128xf32, #tpu.memory_space<vmem>>, vector<1x16xf32>,
      %broadcast_in_dim3A_140 = arith.constant 0.000000e+00 : f32
      %broadcast_in_dim3A_141 = vector.broadcast %broadcast_in_dim3A_140 : f32 to vector<16xf32>
      %swap3A_142 = arith.index_cast %add3A_113 : i32 to index
      %swap3A_143 = arith.constant 64 : index
      %swap3A_144 = tpu.vector_load %arg5[%swap3A_142, %swap3A_143] {strides = array<i32>} : memref<128x128xf32, #tpu.memory_space<vmem>>, vector<1x16xf32>,
      %swap3A_145 = vector.shape_cast %swap3A_144 : vector<1x16xf32> to vector<16xf32>
      %swap3A_146 = vector.shape_cast %broadcast_in_dim3A_141 : vector<16xf32> to vector<1x16xf32>
      tpu.vector_store %arg5[%swap3A_142, %swap3A_143], %swap3A_146 {strides = array<i32>} : memref<128x128xf32, #tpu.memory_space<vmem>>, vector<1x16xf32>,
      %broadcast_in_dim3A_147 = arith.constant 0.000000e+00 : f32
      %broadcast_in_dim3A_148 = vector.broadcast %broadcast_in_dim3A_147 : f32 to vector<16xf32>
      %swap3A_149 = arith.index_cast %add3A_113 : i32 to index
      %swap3A_150 = arith.constant 80 : index
      %swap3A_151 = tpu.vector_load %arg5[%swap3A_149, %swap3A_150] {strides = array<i32>} : memref<128x128xf32, #tpu.memory_space<vmem>>, vector<1x16xf32>,
      %swap3A_152 = vector.shape_cast %swap3A_151 : vector<1x16xf32> to vector<16xf32>
      %swap3A_153 = vector.shape_cast %broadcast_in_dim3A_148 : vector<16xf32> to vector<1x16xf32>
      tpu.vector_store %arg5[%swap3A_149, %swap3A_150], %swap3A_153 {strides = array<i32>} : memref<128x128xf32, #tpu.memory_space<vmem>>, vector<1x16xf32>,
      %broadcast_in_dim3A_154 = arith.constant 0.000000e+00 : f32
      %broadcast_in_dim3A_155 = vector.broadcast %broadcast_in_dim3A_154 : f32 to vector<16xf32>
      %swap3A_156 = arith.index_cast %add3A_113 : i32 to index
      %swap3A_157 = arith.constant 96 : index
      %swap3A_158 = tpu.vector_load %arg5[%swap3A_156, %swap3A_157] {strides = array<i32>} : memref<128x128xf32, #tpu.memory_space<vmem>>, vector<1x16xf32>,
      %swap3A_159 = vector.shape_cast %swap3A_158 : vector<1x16xf32> to vector<16xf32>
      %swap3A_160 = vector.shape_cast %broadcast_in_dim3A_155 : vector<16xf32> to vector<1x16xf32>
      tpu.vector_store %arg5[%swap3A_156, %swap3A_157], %swap3A_160 {strides = array<i32>} : memref<128x128xf32, #tpu.memory_space<vmem>>, vector<1x16xf32>,
      %broadcast_in_dim3A_161 = arith.constant 0.000000e+00 : f32
      %broadcast_in_dim3A_162 = vector.broadcast %broadcast_in_dim3A_161 : f32 to vector<16xf32>
      %swap3A_163 = arith.index_cast %add3A_113 : i32 to index
      %swap3A_164 = arith.constant 112 : index
      %swap3A_165 = tpu.vector_load %arg5[%swap3A_163, %swap3A_164] {strides = array<i32>} : memref<128x128xf32, #tpu.memory_space<vmem>>, vector<1x16xf32>,
      %swap3A_166 = vector.shape_cast %swap3A_165 : vector<1x16xf32> to vector<16xf32>
      %swap3A_167 = vector.shape_cast %broadcast_in_dim3A_162 : vector<16xf32> to vector<1x16xf32>
      tpu.vector_store %arg5[%swap3A_163, %swap3A_164], %swap3A_167 {strides = array<i32>} : memref<128x128xf32, #tpu.memory_space<vmem>>, vector<1x16xf32>,
    }
    %scan3A_6 = arith.constant 64 : i32
    %add3A_7 = arith.constant 0 : i32
    %add3A_8 = arith.addi %mul3A_2, %add3A_7 : i32
    "tpu.region"() ({
      %run_scoped3A = tpu.sem_alloc : memref<!tpu.dma_semaphore, #tpu.memory_space<semaphore_mem>>
      %dma_start3A_109 = arith.constant 0 : i32
      %dma_start3A_110 = arith.constant 0 : i32
      %dma_start3A_111 = tpu.memref_slice %arg5[%dma_start3A_109, %dma_start3A_110] : memref<128x128xf32, #tpu.memory_space<vmem>> -> memref<64x128xf32, #tpu.memory_space<vmem>>
      %dma_start3A_112 = arith.constant 0 : i32
      %dma_start3A_113 = tpu.memref_slice %arg6[%add3A_8, %dma_start3A_112] : memref<5120x128xf32, #tpu.memory_space<vmem_shared>> -> memref<64x128xf32, #tpu.memory_space<vmem_shared>>
      %dma_start3A_114 = arith.constant 0 : i32
      %dma_start3A_115 = tpu.memref_slice %arg6[%add3A_8, %dma_start3A_114] : memref<5120x128xf32, #tpu.memory_space<vmem_shared>> -> memref<64x128xf32, #tpu.memory_space<vmem_shared>>
      %dma_start3A_116 = arith.constant 0 : i32
      %dma_start3A_117 = arith.constant 0 : i32
      %dma_start3A_118 = tpu.memref_slice %arg5[%dma_start3A_116, %dma_start3A_117] : memref<128x128xf32, #tpu.memory_space<vmem>> -> memref<64x128xf32, #tpu.memory_space<vmem>>
      tpu.enqueue_dma source(%dma_start3A_118 : memref<64x128xf32, #tpu.memory_space<vmem>>) target(%dma_start3A_115 : memref<64x128xf32, #tpu.memory_space<vmem_shared>>) target_semaphore(%run_scoped3A : memref<!tpu.dma_semaphore, #tpu.memory_space<semaphore_mem>>)
      %dma_wait3A_119 = arith.constant 0 : i32
      %dma_wait3A_120 = arith.constant 0 : i32
      %dma_wait3A_121 = tpu.memref_slice %arg5[%dma_wait3A_119, %dma_wait3A_120] : memref<128x128xf32, #tpu.memory_space<vmem>> -> memref<64x128xf32, #tpu.memory_space<vmem>>
      %dma_wait3A_122 = arith.constant 0 : i32
      %dma_wait3A_123 = tpu.memref_slice %arg6[%add3A_8, %dma_wait3A_122] : memref<5120x128xf32, #tpu.memory_space<vmem_shared>> -> memref<64x128xf32, #tpu.memory_space<vmem_shared>>
      %dma_wait3A_124 = arith.constant 0 : i32
      %dma_wait3A_125 = tpu.memref_slice %arg6[%add3A_8, %dma_wait3A_124] : memref<5120x128xf32, #tpu.memory_space<vmem_shared>> -> memref<64x128xf32, #tpu.memory_space<vmem_shared>>
      %dma_wait3A_126 = arith.constant 0 : i32
      %dma_wait3A_127 = arith.constant 0 : i32
      %dma_wait3A_128 = tpu.memref_slice %arg5[%dma_wait3A_126, %dma_wait3A_127] : memref<128x128xf32, #tpu.memory_space<vmem>> -> memref<64x128xf32, #tpu.memory_space<vmem>>
      tpu.wait_dma2 semaphore(%run_scoped3A : memref<!tpu.dma_semaphore, #tpu.memory_space<semaphore_mem>>) src(%dma_wait3A_128 : memref<64x128xf32, #tpu.memory_space<vmem>>) dst(%dma_wait3A_125 : memref<64x128xf32, #tpu.memory_space<vmem_shared>>)
      tpu.yield
    }) : () -> ()
    %add3A_9 = arith.constant 64 : i32
    %add3A_10 = arith.addi %mul3A_2, %add3A_9 : i32
    "tpu.region"() ({
      %run_scoped3A = tpu.sem_alloc : memref<!tpu.dma_semaphore, #tpu.memory_space<semaphore_mem>>
      %dma_start3A_109 = arith.constant 0 : i32
      %dma_start3A_110 = arith.constant 0 : i32
      %dma_start3A_111 = tpu.memref_slice %arg5[%dma_start3A_109, %dma_start3A_110] : memref<128x128xf32, #tpu.memory_space<vmem>> -> memref<64x128xf32, #tpu.memory_space<vmem>>
      %dma_start3A_112 = arith.constant 0 : i32
      %dma_start3A_113 = tpu.memref_slice %arg6[%add3A_10, %dma_start3A_112] : memref<5120x128xf32, #tpu.memory_space<vmem_shared>> -> memref<64x128xf32, #tpu.memory_space<vmem_shared>>
      %dma_start3A_114 = arith.constant 0 : i32
      %dma_start3A_115 = tpu.memref_slice %arg6[%add3A_10, %dma_start3A_114] : memref<5120x128xf32, #tpu.memory_space<vmem_shared>> -> memref<64x128xf32, #tpu.memory_space<vmem_shared>>
      %dma_start3A_116 = arith.constant 0 : i32
      %dma_start3A_117 = arith.constant 0 : i32
      %dma_start3A_118 = tpu.memref_slice %arg5[%dma_start3A_116, %dma_start3A_117] : memref<128x128xf32, #tpu.memory_space<vmem>> -> memref<64x128xf32, #tpu.memory_space<vmem>>
      tpu.enqueue_dma source(%dma_start3A_118 : memref<64x128xf32, #tpu.memory_space<vmem>>) target(%dma_start3A_115 : memref<64x128xf32, #tpu.memory_space<vmem_shared>>) target_semaphore(%run_scoped3A : memref<!tpu.dma_semaphore, #tpu.memory_space<semaphore_mem>>)
      %dma_wait3A_119 = arith.constant 0 : i32
      %dma_wait3A_120 = arith.constant 0 : i32
      %dma_wait3A_121 = tpu.memref_slice %arg5[%dma_wait3A_119, %dma_wait3A_120] : memref<128x128xf32, #tpu.memory_space<vmem>> -> memref<64x128xf32, #tpu.memory_space<vmem>>
      %dma_wait3A_122 = arith.constant 0 : i32
      %dma_wait3A_123 = tpu.memref_slice %arg6[%add3A_10, %dma_wait3A_122] : memref<5120x128xf32, #tpu.memory_space<vmem_shared>> -> memref<64x128xf32, #tpu.memory_space<vmem_shared>>
      %dma_wait3A_124 = arith.constant 0 : i32
      %dma_wait3A_125 = tpu.memref_slice %arg6[%add3A_10, %dma_wait3A_124] : memref<5120x128xf32, #tpu.memory_space<vmem_shared>> -> memref<64x128xf32, #tpu.memory_space<vmem_shared>>
      %dma_wait3A_126 = arith.constant 0 : i32
      %dma_wait3A_127 = arith.constant 0 : i32
      %dma_wait3A_128 = tpu.memref_slice %arg5[%dma_wait3A_126, %dma_wait3A_127] : memref<128x128xf32, #tpu.memory_space<vmem>> -> memref<64x128xf32, #tpu.memory_space<vmem>>
      tpu.wait_dma2 semaphore(%run_scoped3A : memref<!tpu.dma_semaphore, #tpu.memory_space<semaphore_mem>>) src(%dma_wait3A_128 : memref<64x128xf32, #tpu.memory_space<vmem>>) dst(%dma_wait3A_125 : memref<64x128xf32, #tpu.memory_space<vmem_shared>>)
      tpu.yield
    }) : () -> ()
    %add3A_11 = arith.constant 128 : i32
    %add3A_12 = arith.addi %mul3A_2, %add3A_11 : i32
    "tpu.region"() ({
      %run_scoped3A = tpu.sem_alloc : memref<!tpu.dma_semaphore, #tpu.memory_space<semaphore_mem>>
      %dma_start3A_109 = arith.constant 0 : i32
      %dma_start3A_110 = arith.constant 0 : i32
      %dma_start3A_111 = tpu.memref_slice %arg5[%dma_start3A_109, %dma_start3A_110] : memref<128x128xf32, #tpu.memory_space<vmem>> -> memref<64x128xf32, #tpu.memory_space<vmem>>
      %dma_start3A_112 = arith.constant 0 : i32
      %dma_start3A_113 = tpu.memref_slice %arg6[%add3A_12, %dma_start3A_112] : memref<5120x128xf32, #tpu.memory_space<vmem_shared>> -> memref<64x128xf32, #tpu.memory_space<vmem_shared>>
      %dma_start3A_114 = arith.constant 0 : i32
      %dma_start3A_115 = tpu.memref_slice %arg6[%add3A_12, %dma_start3A_114] : memref<5120x128xf32, #tpu.memory_space<vmem_shared>> -> memref<64x128xf32, #tpu.memory_space<vmem_shared>>
      %dma_start3A_116 = arith.constant 0 : i32
      %dma_start3A_117 = arith.constant 0 : i32
      %dma_start3A_118 = tpu.memref_slice %arg5[%dma_start3A_116, %dma_start3A_117] : memref<128x128xf32, #tpu.memory_space<vmem>> -> memref<64x128xf32, #tpu.memory_space<vmem>>
      tpu.enqueue_dma source(%dma_start3A_118 : memref<64x128xf32, #tpu.memory_space<vmem>>) target(%dma_start3A_115 : memref<64x128xf32, #tpu.memory_space<vmem_shared>>) target_semaphore(%run_scoped3A : memref<!tpu.dma_semaphore, #tpu.memory_space<semaphore_mem>>)
      %dma_wait3A_119 = arith.constant 0 : i32
      %dma_wait3A_120 = arith.constant 0 : i32
      %dma_wait3A_121 = tpu.memref_slice %arg5[%dma_wait3A_119, %dma_wait3A_120] : memref<128x128xf32, #tpu.memory_space<vmem>> -> memref<64x128xf32, #tpu.memory_space<vmem>>
      %dma_wait3A_122 = arith.constant 0 : i32
      %dma_wait3A_123 = tpu.memref_slice %arg6[%add3A_12, %dma_wait3A_122] : memref<5120x128xf32, #tpu.memory_space<vmem_shared>> -> memref<64x128xf32, #tpu.memory_space<vmem_shared>>
      %dma_wait3A_124 = arith.constant 0 : i32
      %dma_wait3A_125 = tpu.memref_slice %arg6[%add3A_12, %dma_wait3A_124] : memref<5120x128xf32, #tpu.memory_space<vmem_shared>> -> memref<64x128xf32, #tpu.memory_space<vmem_shared>>
      %dma_wait3A_126 = arith.constant 0 : i32
      %dma_wait3A_127 = arith.constant 0 : i32
      %dma_wait3A_128 = tpu.memref_slice %arg5[%dma_wait3A_126, %dma_wait3A_127] : memref<128x128xf32, #tpu.memory_space<vmem>> -> memref<64x128xf32, #tpu.memory_space<vmem>>
      tpu.wait_dma2 semaphore(%run_scoped3A : memref<!tpu.dma_semaphore, #tpu.memory_space<semaphore_mem>>) src(%dma_wait3A_128 : memref<64x128xf32, #tpu.memory_space<vmem>>) dst(%dma_wait3A_125 : memref<64x128xf32, #tpu.memory_space<vmem_shared>>)
      tpu.yield
    }) : () -> ()
    %add3A_13 = arith.constant 192 : i32
    %add3A_14 = arith.addi %mul3A_2, %add3A_13 : i32
    "tpu.region"() ({
      %run_scoped3A = tpu.sem_alloc : memref<!tpu.dma_semaphore, #tpu.memory_space<semaphore_mem>>
      %dma_start3A_109 = arith.constant 0 : i32
      %dma_start3A_110 = arith.constant 0 : i32
      %dma_start3A_111 = tpu.memref_slice %arg5[%dma_start3A_109, %dma_start3A_110] : memref<128x128xf32, #tpu.memory_space<vmem>> -> memref<64x128xf32, #tpu.memory_space<vmem>>
      %dma_start3A_112 = arith.constant 0 : i32
      %dma_start3A_113 = tpu.memref_slice %arg6[%add3A_14, %dma_start3A_112] : memref<5120x128xf32, #tpu.memory_space<vmem_shared>> -> memref<64x128xf32, #tpu.memory_space<vmem_shared>>
      %dma_start3A_114 = arith.constant 0 : i32
      %dma_start3A_115 = tpu.memref_slice %arg6[%add3A_14, %dma_start3A_114] : memref<5120x128xf32, #tpu.memory_space<vmem_shared>> -> memref<64x128xf32, #tpu.memory_space<vmem_shared>>
      %dma_start3A_116 = arith.constant 0 : i32
      %dma_start3A_117 = arith.constant 0 : i32
      %dma_start3A_118 = tpu.memref_slice %arg5[%dma_start3A_116, %dma_start3A_117] : memref<128x128xf32, #tpu.memory_space<vmem>> -> memref<64x128xf32, #tpu.memory_space<vmem>>
      tpu.enqueue_dma source(%dma_start3A_118 : memref<64x128xf32, #tpu.memory_space<vmem>>) target(%dma_start3A_115 : memref<64x128xf32, #tpu.memory_space<vmem_shared>>) target_semaphore(%run_scoped3A : memref<!tpu.dma_semaphore, #tpu.memory_space<semaphore_mem>>)
      %dma_wait3A_119 = arith.constant 0 : i32
      %dma_wait3A_120 = arith.constant 0 : i32
      %dma_wait3A_121 = tpu.memref_slice %arg5[%dma_wait3A_119, %dma_wait3A_120] : memref<128x128xf32, #tpu.memory_space<vmem>> -> memref<64x128xf32, #tpu.memory_space<vmem>>
      %dma_wait3A_122 = arith.constant 0 : i32
      %dma_wait3A_123 = tpu.memref_slice %arg6[%add3A_14, %dma_wait3A_122] : memref<5120x128xf32, #tpu.memory_space<vmem_shared>> -> memref<64x128xf32, #tpu.memory_space<vmem_shared>>
      %dma_wait3A_124 = arith.constant 0 : i32
      %dma_wait3A_125 = tpu.memref_slice %arg6[%add3A_14, %dma_wait3A_124] : memref<5120x128xf32, #tpu.memory_space<vmem_shared>> -> memref<64x128xf32, #tpu.memory_space<vmem_shared>>
      %dma_wait3A_126 = arith.constant 0 : i32
      %dma_wait3A_127 = arith.constant 0 : i32
      %dma_wait3A_128 = tpu.memref_slice %arg5[%dma_wait3A_126, %dma_wait3A_127] : memref<128x128xf32, #tpu.memory_space<vmem>> -> memref<64x128xf32, #tpu.memory_space<vmem>>
      tpu.wait_dma2 semaphore(%run_scoped3A : memref<!tpu.dma_semaphore, #tpu.memory_space<semaphore_mem>>) src(%dma_wait3A_128 : memref<64x128xf32, #tpu.memory_space<vmem>>) dst(%dma_wait3A_125 : memref<64x128xf32, #tpu.memory_space<vmem_shared>>)
      tpu.yield
    }) : () -> ()
    %add3A_15 = arith.constant 256 : i32
    %add3A_16 = arith.addi %mul3A_2, %add3A_15 : i32
    "tpu.region"() ({
      %run_scoped3A = tpu.sem_alloc : memref<!tpu.dma_semaphore, #tpu.memory_space<semaphore_mem>>
      %dma_start3A_109 = arith.constant 0 : i32
      %dma_start3A_110 = arith.constant 0 : i32
      %dma_start3A_111 = tpu.memref_slice %arg5[%dma_start3A_109, %dma_start3A_110] : memref<128x128xf32, #tpu.memory_space<vmem>> -> memref<64x128xf32, #tpu.memory_space<vmem>>
      %dma_start3A_112 = arith.constant 0 : i32
      %dma_start3A_113 = tpu.memref_slice %arg6[%add3A_16, %dma_start3A_112] : memref<5120x128xf32, #tpu.memory_space<vmem_shared>> -> memref<64x128xf32, #tpu.memory_space<vmem_shared>>
      %dma_start3A_114 = arith.constant 0 : i32
      %dma_start3A_115 = tpu.memref_slice %arg6[%add3A_16, %dma_start3A_114] : memref<5120x128xf32, #tpu.memory_space<vmem_shared>> -> memref<64x128xf32, #tpu.memory_space<vmem_shared>>
      %dma_start3A_116 = arith.constant 0 : i32
      %dma_start3A_117 = arith.constant 0 : i32
      %dma_start3A_118 = tpu.memref_slice %arg5[%dma_start3A_116, %dma_start3A_117] : memref<128x128xf32, #tpu.memory_space<vmem>> -> memref<64x128xf32, #tpu.memory_space<vmem>>
      tpu.enqueue_dma source(%dma_start3A_118 : memref<64x128xf32, #tpu.memory_space<vmem>>) target(%dma_start3A_115 : memref<64x128xf32, #tpu.memory_space<vmem_shared>>) target_semaphore(%run_scoped3A : memref<!tpu.dma_semaphore, #tpu.memory_space<semaphore_mem>>)
      %dma_wait3A_119 = arith.constant 0 : i32
      %dma_wait3A_120 = arith.constant 0 : i32
      %dma_wait3A_121 = tpu.memref_slice %arg5[%dma_wait3A_119, %dma_wait3A_120] : memref<128x128xf32, #tpu.memory_space<vmem>> -> memref<64x128xf32, #tpu.memory_space<vmem>>
      %dma_wait3A_122 = arith.constant 0 : i32
      %dma_wait3A_123 = tpu.memref_slice %arg6[%add3A_16, %dma_wait3A_122] : memref<5120x128xf32, #tpu.memory_space<vmem_shared>> -> memref<64x128xf32, #tpu.memory_space<vmem_shared>>
      %dma_wait3A_124 = arith.constant 0 : i32
      %dma_wait3A_125 = tpu.memref_slice %arg6[%add3A_16, %dma_wait3A_124] : memref<5120x128xf32, #tpu.memory_space<vmem_shared>> -> memref<64x128xf32, #tpu.memory_space<vmem_shared>>
      %dma_wait3A_126 = arith.constant 0 : i32
      %dma_wait3A_127 = arith.constant 0 : i32
      %dma_wait3A_128 = tpu.memref_slice %arg5[%dma_wait3A_126, %dma_wait3A_127] : memref<128x128xf32, #tpu.memory_space<vmem>> -> memref<64x128xf32, #tpu.memory_space<vmem>>
      tpu.wait_dma2 semaphore(%run_scoped3A : memref<!tpu.dma_semaphore, #tpu.memory_space<semaphore_mem>>) src(%dma_wait3A_128 : memref<64x128xf32, #tpu.memory_space<vmem>>) dst(%dma_wait3A_125 : memref<64x128xf32, #tpu.memory_space<vmem_shared>>)
      tpu.yield
    }) : () -> ()
    %barrier3A = arith.constant 0 : index
    tpu.barrier barrier_id(%barrier3A)
    %scan3A_17 = arith.constant 0 : i32
    %scan3A_18 = arith.constant 128 : i32
    %scan3A_19 = arith.addi %scan3A_17, %scan3A_18 : i32
    %scan3A_20 = arith.constant 1 : i32
    scf.for %scan3A_109 = %scan3A_17 to %scan3A_19 step %scan3A_20  : i32 {
      %mul3A_110 = arith.constant 1 : i32
      %mul3A_111 = arith.muli %scan3A_109, %mul3A_110 : i32
      %add3A_112 = arith.constant 0 : i32
      %add3A_113 = arith.addi %add3A_112, %mul3A_111 : i32
      %broadcast_in_dim3A = arith.constant 1.000000e+00 : f32
      %broadcast_in_dim3A_114 = vector.broadcast %broadcast_in_dim3A : f32 to vector<16xf32>
      %swap3A = arith.index_cast %add3A_113 : i32 to index
      %swap3A_115 = arith.constant 0 : index
      %swap3A_116 = tpu.vector_load %arg5[%swap3A, %swap3A_115] {strides = array<i32>} : memref<128x128xf32, #tpu.memory_space<vmem>>, vector<1x16xf32>,
      %swap3A_117 = vector.shape_cast %swap3A_116 : vector<1x16xf32> to vector<16xf32>
      %swap3A_118 = vector.shape_cast %broadcast_in_dim3A_114 : vector<16xf32> to vector<1x16xf32>
      tpu.vector_store %arg5[%swap3A, %swap3A_115], %swap3A_118 {strides = array<i32>} : memref<128x128xf32, #tpu.memory_space<vmem>>, vector<1x16xf32>,
      %broadcast_in_dim3A_119 = arith.constant 1.000000e+00 : f32
      %broadcast_in_dim3A_120 = vector.broadcast %broadcast_in_dim3A_119 : f32 to vector<16xf32>
      %swap3A_121 = arith.index_cast %add3A_113 : i32 to index
      %swap3A_122 = arith.constant 16 : index
      %swap3A_123 = tpu.vector_load %arg5[%swap3A_121, %swap3A_122] {strides = array<i32>} : memref<128x128xf32, #tpu.memory_space<vmem>>, vector<1x16xf32>,
      %swap3A_124 = vector.shape_cast %swap3A_123 : vector<1x16xf32> to vector<16xf32>
      %swap3A_125 = vector.shape_cast %broadcast_in_dim3A_120 : vector<16xf32> to vector<1x16xf32>
      tpu.vector_store %arg5[%swap3A_121, %swap3A_122], %swap3A_125 {strides = array<i32>} : memref<128x128xf32, #tpu.memory_space<vmem>>, vector<1x16xf32>,
      %broadcast_in_dim3A_126 = arith.constant 1.000000e+00 : f32
      %broadcast_in_dim3A_127 = vector.broadcast %broadcast_in_dim3A_126 : f32 to vector<16xf32>
      %swap3A_128 = arith.index_cast %add3A_113 : i32 to index
      %swap3A_129 = arith.constant 32 : index
      %swap3A_130 = tpu.vector_load %arg5[%swap3A_128, %swap3A_129] {strides = array<i32>} : memref<128x128xf32, #tpu.memory_space<vmem>>, vector<1x16xf32>,
      %swap3A_131 = vector.shape_cast %swap3A_130 : vector<1x16xf32> to vector<16xf32>
      %swap3A_132 = vector.shape_cast %broadcast_in_dim3A_127 : vector<16xf32> to vector<1x16xf32>
      tpu.vector_store %arg5[%swap3A_128, %swap3A_129], %swap3A_132 {strides = array<i32>} : memref<128x128xf32, #tpu.memory_space<vmem>>, vector<1x16xf32>,
      %broadcast_in_dim3A_133 = arith.constant 1.000000e+00 : f32
      %broadcast_in_dim3A_134 = vector.broadcast %broadcast_in_dim3A_133 : f32 to vector<16xf32>
      %swap3A_135 = arith.index_cast %add3A_113 : i32 to index
      %swap3A_136 = arith.constant 48 : index
      %swap3A_137 = tpu.vector_load %arg5[%swap3A_135, %swap3A_136] {strides = array<i32>} : memref<128x128xf32, #tpu.memory_space<vmem>>, vector<1x16xf32>,
      %swap3A_138 = vector.shape_cast %swap3A_137 : vector<1x16xf32> to vector<16xf32>
      %swap3A_139 = vector.shape_cast %broadcast_in_dim3A_134 : vector<16xf32> to vector<1x16xf32>
      tpu.vector_store %arg5[%swap3A_135, %swap3A_136], %swap3A_139 {strides = array<i32>} : memref<128x128xf32, #tpu.memory_space<vmem>>, vector<1x16xf32>,
      %broadcast_in_dim3A_140 = arith.constant 1.000000e+00 : f32
      %broadcast_in_dim3A_141 = vector.broadcast %broadcast_in_dim3A_140 : f32 to vector<16xf32>
      %swap3A_142 = arith.index_cast %add3A_113 : i32 to index
      %swap3A_143 = arith.constant 64 : index
      %swap3A_144 = tpu.vector_load %arg5[%swap3A_142, %swap3A_143] {strides = array<i32>} : memref<128x128xf32, #tpu.memory_space<vmem>>, vector<1x16xf32>,
      %swap3A_145 = vector.shape_cast %swap3A_144 : vector<1x16xf32> to vector<16xf32>
      %swap3A_146 = vector.shape_cast %broadcast_in_dim3A_141 : vector<16xf32> to vector<1x16xf32>
      tpu.vector_store %arg5[%swap3A_142, %swap3A_143], %swap3A_146 {strides = array<i32>} : memref<128x128xf32, #tpu.memory_space<vmem>>, vector<1x16xf32>,
      %broadcast_in_dim3A_147 = arith.constant 1.000000e+00 : f32
      %broadcast_in_dim3A_148 = vector.broadcast %broadcast_in_dim3A_147 : f32 to vector<16xf32>
      %swap3A_149 = arith.index_cast %add3A_113 : i32 to index
      %swap3A_150 = arith.constant 80 : index
      %swap3A_151 = tpu.vector_load %arg5[%swap3A_149, %swap3A_150] {strides = array<i32>} : memref<128x128xf32, #tpu.memory_space<vmem>>, vector<1x16xf32>,
      %swap3A_152 = vector.shape_cast %swap3A_151 : vector<1x16xf32> to vector<16xf32>
      %swap3A_153 = vector.shape_cast %broadcast_in_dim3A_148 : vector<16xf32> to vector<1x16xf32>
      tpu.vector_store %arg5[%swap3A_149, %swap3A_150], %swap3A_153 {strides = array<i32>} : memref<128x128xf32, #tpu.memory_space<vmem>>, vector<1x16xf32>,
      %broadcast_in_dim3A_154 = arith.constant 1.000000e+00 : f32
      %broadcast_in_dim3A_155 = vector.broadcast %broadcast_in_dim3A_154 : f32 to vector<16xf32>
      %swap3A_156 = arith.index_cast %add3A_113 : i32 to index
      %swap3A_157 = arith.constant 96 : index
      %swap3A_158 = tpu.vector_load %arg5[%swap3A_156, %swap3A_157] {strides = array<i32>} : memref<128x128xf32, #tpu.memory_space<vmem>>, vector<1x16xf32>,
      %swap3A_159 = vector.shape_cast %swap3A_158 : vector<1x16xf32> to vector<16xf32>
      %swap3A_160 = vector.shape_cast %broadcast_in_dim3A_155 : vector<16xf32> to vector<1x16xf32>
      tpu.vector_store %arg5[%swap3A_156, %swap3A_157], %swap3A_160 {strides = array<i32>} : memref<128x128xf32, #tpu.memory_space<vmem>>, vector<1x16xf32>,
      %broadcast_in_dim3A_161 = arith.constant 1.000000e+00 : f32
      %broadcast_in_dim3A_162 = vector.broadcast %broadcast_in_dim3A_161 : f32 to vector<16xf32>
      %swap3A_163 = arith.index_cast %add3A_113 : i32 to index
      %swap3A_164 = arith.constant 112 : index
      %swap3A_165 = tpu.vector_load %arg5[%swap3A_163, %swap3A_164] {strides = array<i32>} : memref<128x128xf32, #tpu.memory_space<vmem>>, vector<1x16xf32>,
      %swap3A_166 = vector.shape_cast %swap3A_165 : vector<1x16xf32> to vector<16xf32>
      %swap3A_167 = vector.shape_cast %broadcast_in_dim3A_162 : vector<16xf32> to vector<1x16xf32>
      tpu.vector_store %arg5[%swap3A_163, %swap3A_164], %swap3A_167 {strides = array<i32>} : memref<128x128xf32, #tpu.memory_space<vmem>>, vector<1x16xf32>,
    }
    %scan3A_21 = arith.constant 128 : i32
    %scan3A_22 = arith.constant 0 : i32
    %scan3A_23 = arith.constant 39 : i32
    %scan3A_24 = arith.addi %scan3A_22, %scan3A_23 : i32
    %scan3A_25 = arith.constant 1 : i32
    scf.for %scan3A_109 = %scan3A_22 to %scan3A_24 step %scan3A_25  : i32 {
      %mul3A_110 = arith.constant 1 : i32
      %mul3A_111 = arith.muli %scan3A_109, %mul3A_110 : i32
      %add3A_112 = arith.constant 0 : i32
      %add3A_113 = arith.addi %add3A_112, %mul3A_111 : i32
      %mul3A_114 = arith.constant 4 : i32
      %mul3A_115 = arith.muli %add3A_113, %mul3A_114 : i32
      %add3A_116 = arith.constant 0 : i32
      %add3A_117 = arith.addi %mul3A_115, %add3A_116 : i32
      %ge3A = arith.constant 4 : i32
      %ge3A_118 = arith.cmpi sge, %add3A_117, %ge3A : i32
      %convert_element_type3A = arith.extui %ge3A_118 : i1 to i32
      %cond3A = arith.constant 0 : i32
      %cond3A_119 = arith.cmpi ne, %convert_element_type3A, %cond3A : i32
      scf.if %cond3A_119 {
        %sub3A = arith.constant 4 : i32
        %sub3A_175 = arith.subi %add3A_117, %sub3A : i32
        %dma_wait3A_176 = arith.constant 0 : i32
        %dma_wait3A_177 = tpu.memref_slice %arg4[%sub3A_175, %dma_wait3A_176] : memref<159x128xi32, #tpu.memory_space<vmem>> -> memref<1x128xi32, #tpu.memory_space<vmem>>
        %dma_wait3A_178 = tpu.memref_squeeze %dma_wait3A_177 : memref<1x128xi32, #tpu.memory_space<vmem>> -> memref<128xi32, #tpu.memory_space<vmem>>
        %dma_wait3A_179 = arith.constant 0 : i32
        %dma_wait3A_180 = arith.constant 0 : i32
        %dma_wait3A_181 = tpu.memref_slice %arg6[%dma_wait3A_179, %dma_wait3A_180] : memref<5120x128xf32, #tpu.memory_space<vmem_shared>> -> memref<5120x128xf32, #tpu.memory_space<vmem_shared>>
        tpu.wait_indirect_dma semaphore(%arg7 : memref<!tpu.dma_semaphore, #tpu.memory_space<semaphore_mem>>) src(%arg5 : memref<128x128xf32, #tpu.memory_space<vmem>>) dst(%dma_wait3A_181 : memref<5120x128xf32, #tpu.memory_space<vmem_shared>>)
      } else {
      }
      %dma_start3A_120 = arith.constant 0 : i32
      %dma_start3A_121 = tpu.memref_slice %arg4[%add3A_117, %dma_start3A_120] : memref<159x128xi32, #tpu.memory_space<vmem>> -> memref<1x128xi32, #tpu.memory_space<vmem>>
      %dma_start3A_122 = tpu.memref_squeeze %dma_start3A_121 : memref<1x128xi32, #tpu.memory_space<vmem>> -> memref<128xi32, #tpu.memory_space<vmem>>
      %dma_start3A_123 = arith.constant 0 : i32
      %dma_start3A_124 = arith.constant 0 : i32
      %dma_start3A_125 = tpu.memref_slice %arg6[%dma_start3A_123, %dma_start3A_124] : memref<5120x128xf32, #tpu.memory_space<vmem_shared>> -> memref<5120x128xf32, #tpu.memory_space<vmem_shared>>
      %dma_start3A_126 = arith.constant -1 : i32
      tpu.enqueue_indirect_dma source(%arg5 : memref<128x128xf32, #tpu.memory_space<vmem>>) target(%dma_start3A_125 : memref<5120x128xf32, #tpu.memory_space<vmem_shared>>) offsets(%dma_start3A_122 : memref<128xi32, #tpu.memory_space<vmem>>) offset_filter(%dma_start3A_126) semaphore(%arg7 : memref<!tpu.dma_semaphore, #tpu.memory_space<semaphore_mem>>) {add = true}
      %mul3A_127 = arith.constant 4 : i32
      %mul3A_128 = arith.muli %add3A_113, %mul3A_127 : i32
      %add3A_129 = arith.constant 1 : i32
      %add3A_130 = arith.addi %mul3A_128, %add3A_129 : i32
      %ge3A_131 = arith.constant 4 : i32
      %ge3A_132 = arith.cmpi sge, %add3A_130, %ge3A_131 : i32
      %convert_element_type3A_133 = arith.extui %ge3A_132 : i1 to i32
      %cond3A_134 = arith.constant 0 : i32
      %cond3A_135 = arith.cmpi ne, %convert_element_type3A_133, %cond3A_134 : i32
      scf.if %cond3A_135 {
        %sub3A = arith.constant 4 : i32
        %sub3A_175 = arith.subi %add3A_130, %sub3A : i32
        %dma_wait3A_176 = arith.constant 0 : i32
        %dma_wait3A_177 = tpu.memref_slice %arg4[%sub3A_175, %dma_wait3A_176] : memref<159x128xi32, #tpu.memory_space<vmem>> -> memref<1x128xi32, #tpu.memory_space<vmem>>
        %dma_wait3A_178 = tpu.memref_squeeze %dma_wait3A_177 : memref<1x128xi32, #tpu.memory_space<vmem>> -> memref<128xi32, #tpu.memory_space<vmem>>
        %dma_wait3A_179 = arith.constant 0 : i32
        %dma_wait3A_180 = arith.constant 0 : i32
        %dma_wait3A_181 = tpu.memref_slice %arg6[%dma_wait3A_179, %dma_wait3A_180] : memref<5120x128xf32, #tpu.memory_space<vmem_shared>> -> memref<5120x128xf32, #tpu.memory_space<vmem_shared>>
        tpu.wait_indirect_dma semaphore(%arg8 : memref<!tpu.dma_semaphore, #tpu.memory_space<semaphore_mem>>) src(%arg5 : memref<128x128xf32, #tpu.memory_space<vmem>>) dst(%dma_wait3A_181 : memref<5120x128xf32, #tpu.memory_space<vmem_shared>>)
      } else {
      }
      %dma_start3A_136 = arith.constant 0 : i32
      %dma_start3A_137 = tpu.memref_slice %arg4[%add3A_130, %dma_start3A_136] : memref<159x128xi32, #tpu.memory_space<vmem>> -> memref<1x128xi32, #tpu.memory_space<vmem>>
      %dma_start3A_138 = tpu.memref_squeeze %dma_start3A_137 : memref<1x128xi32, #tpu.memory_space<vmem>> -> memref<128xi32, #tpu.memory_space<vmem>>
      %dma_start3A_139 = arith.constant 0 : i32
      %dma_start3A_140 = arith.constant 0 : i32
      %dma_start3A_141 = tpu.memref_slice %arg6[%dma_start3A_139, %dma_start3A_140] : memref<5120x128xf32, #tpu.memory_space<vmem_shared>> -> memref<5120x128xf32, #tpu.memory_space<vmem_shared>>
      %dma_start3A_142 = arith.constant -1 : i32
      tpu.enqueue_indirect_dma source(%arg5 : memref<128x128xf32, #tpu.memory_space<vmem>>) target(%dma_start3A_141 : memref<5120x128xf32, #tpu.memory_space<vmem_shared>>) offsets(%dma_start3A_138 : memref<128xi32, #tpu.memory_space<vmem>>) offset_filter(%dma_start3A_142) semaphore(%arg8 : memref<!tpu.dma_semaphore, #tpu.memory_space<semaphore_mem>>) {add = true}
      %mul3A_143 = arith.constant 4 : i32
      %mul3A_144 = arith.muli %add3A_113, %mul3A_143 : i32
      %add3A_145 = arith.constant 2 : i32
      %add3A_146 = arith.addi %mul3A_144, %add3A_145 : i32
      %ge3A_147 = arith.constant 4 : i32
      %ge3A_148 = arith.cmpi sge, %add3A_146, %ge3A_147 : i32
      %convert_element_type3A_149 = arith.extui %ge3A_148 : i1 to i32
      %cond3A_150 = arith.constant 0 : i32
      %cond3A_151 = arith.cmpi ne, %convert_element_type3A_149, %cond3A_150 : i32
      scf.if %cond3A_151 {
        %sub3A = arith.constant 4 : i32
        %sub3A_175 = arith.subi %add3A_146, %sub3A : i32
        %dma_wait3A_176 = arith.constant 0 : i32
        %dma_wait3A_177 = tpu.memref_slice %arg4[%sub3A_175, %dma_wait3A_176] : memref<159x128xi32, #tpu.memory_space<vmem>> -> memref<1x128xi32, #tpu.memory_space<vmem>>
        %dma_wait3A_178 = tpu.memref_squeeze %dma_wait3A_177 : memref<1x128xi32, #tpu.memory_space<vmem>> -> memref<128xi32, #tpu.memory_space<vmem>>
        %dma_wait3A_179 = arith.constant 0 : i32
        %dma_wait3A_180 = arith.constant 0 : i32
        %dma_wait3A_181 = tpu.memref_slice %arg6[%dma_wait3A_179, %dma_wait3A_180] : memref<5120x128xf32, #tpu.memory_space<vmem_shared>> -> memref<5120x128xf32, #tpu.memory_space<vmem_shared>>
        tpu.wait_indirect_dma semaphore(%arg9 : memref<!tpu.dma_semaphore, #tpu.memory_space<semaphore_mem>>) src(%arg5 : memref<128x128xf32, #tpu.memory_space<vmem>>) dst(%dma_wait3A_181 : memref<5120x128xf32, #tpu.memory_space<vmem_shared>>)
      } else {
      }
      %dma_start3A_152 = arith.constant 0 : i32
      %dma_start3A_153 = tpu.memref_slice %arg4[%add3A_146, %dma_start3A_152] : memref<159x128xi32, #tpu.memory_space<vmem>> -> memref<1x128xi32, #tpu.memory_space<vmem>>
      %dma_start3A_154 = tpu.memref_squeeze %dma_start3A_153 : memref<1x128xi32, #tpu.memory_space<vmem>> -> memref<128xi32, #tpu.memory_space<vmem>>
      %dma_start3A_155 = arith.constant 0 : i32
      %dma_start3A_156 = arith.constant 0 : i32
      %dma_start3A_157 = tpu.memref_slice %arg6[%dma_start3A_155, %dma_start3A_156] : memref<5120x128xf32, #tpu.memory_space<vmem_shared>> -> memref<5120x128xf32, #tpu.memory_space<vmem_shared>>
      %dma_start3A_158 = arith.constant -1 : i32
      tpu.enqueue_indirect_dma source(%arg5 : memref<128x128xf32, #tpu.memory_space<vmem>>) target(%dma_start3A_157 : memref<5120x128xf32, #tpu.memory_space<vmem_shared>>) offsets(%dma_start3A_154 : memref<128xi32, #tpu.memory_space<vmem>>) offset_filter(%dma_start3A_158) semaphore(%arg9 : memref<!tpu.dma_semaphore, #tpu.memory_space<semaphore_mem>>) {add = true}
      %mul3A_159 = arith.constant 4 : i32
      %mul3A_160 = arith.muli %add3A_113, %mul3A_159 : i32
      %add3A_161 = arith.constant 3 : i32
      %add3A_162 = arith.addi %mul3A_160, %add3A_161 : i32
      %ge3A_163 = arith.constant 4 : i32
      %ge3A_164 = arith.cmpi sge, %add3A_162, %ge3A_163 : i32
      %convert_element_type3A_165 = arith.extui %ge3A_164 : i1 to i32
      %cond3A_166 = arith.constant 0 : i32
      %cond3A_167 = arith.cmpi ne, %convert_element_type3A_165, %cond3A_166 : i32
      scf.if %cond3A_167 {
        %sub3A = arith.constant 4 : i32
        %sub3A_175 = arith.subi %add3A_162, %sub3A : i32
        %dma_wait3A_176 = arith.constant 0 : i32
        %dma_wait3A_177 = tpu.memref_slice %arg4[%sub3A_175, %dma_wait3A_176] : memref<159x128xi32, #tpu.memory_space<vmem>> -> memref<1x128xi32, #tpu.memory_space<vmem>>
        %dma_wait3A_178 = tpu.memref_squeeze %dma_wait3A_177 : memref<1x128xi32, #tpu.memory_space<vmem>> -> memref<128xi32, #tpu.memory_space<vmem>>
        %dma_wait3A_179 = arith.constant 0 : i32
        %dma_wait3A_180 = arith.constant 0 : i32
        %dma_wait3A_181 = tpu.memref_slice %arg6[%dma_wait3A_179, %dma_wait3A_180] : memref<5120x128xf32, #tpu.memory_space<vmem_shared>> -> memref<5120x128xf32, #tpu.memory_space<vmem_shared>>
        tpu.wait_indirect_dma semaphore(%arg10 : memref<!tpu.dma_semaphore, #tpu.memory_space<semaphore_mem>>) src(%arg5 : memref<128x128xf32, #tpu.memory_space<vmem>>) dst(%dma_wait3A_181 : memref<5120x128xf32, #tpu.memory_space<vmem_shared>>)
      } else {
      }
      %dma_start3A_168 = arith.constant 0 : i32
      %dma_start3A_169 = tpu.memref_slice %arg4[%add3A_162, %dma_start3A_168] : memref<159x128xi32, #tpu.memory_space<vmem>> -> memref<1x128xi32, #tpu.memory_space<vmem>>
      %dma_start3A_170 = tpu.memref_squeeze %dma_start3A_169 : memref<1x128xi32, #tpu.memory_space<vmem>> -> memref<128xi32, #tpu.memory_space<vmem>>
      %dma_start3A_171 = arith.constant 0 : i32
      %dma_start3A_172 = arith.constant 0 : i32
      %dma_start3A_173 = tpu.memref_slice %arg6[%dma_start3A_171, %dma_start3A_172] : memref<5120x128xf32, #tpu.memory_space<vmem_shared>> -> memref<5120x128xf32, #tpu.memory_space<vmem_shared>>
      %dma_start3A_174 = arith.constant -1 : i32
      tpu.enqueue_indirect_dma source(%arg5 : memref<128x128xf32, #tpu.memory_space<vmem>>) target(%dma_start3A_173 : memref<5120x128xf32, #tpu.memory_space<vmem_shared>>) offsets(%dma_start3A_170 : memref<128xi32, #tpu.memory_space<vmem>>) offset_filter(%dma_start3A_174) semaphore(%arg10 : memref<!tpu.dma_semaphore, #tpu.memory_space<semaphore_mem>>) {add = true}
    }
    %scan3A_26 = arith.constant 39 : i32
    %dma_wait3A = arith.constant 152 : i32
    %dma_wait3A_27 = arith.constant 0 : i32
    %dma_wait3A_28 = tpu.memref_slice %arg4[%dma_wait3A, %dma_wait3A_27] : memref<159x128xi32, #tpu.memory_space<vmem>> -> memref<1x128xi32, #tpu.memory_space<vmem>>
    %dma_wait3A_29 = tpu.memref_squeeze %dma_wait3A_28 : memref<1x128xi32, #tpu.memory_space<vmem>> -> memref<128xi32, #tpu.memory_space<vmem>>
    %dma_wait3A_30 = arith.constant 0 : i32
    %dma_wait3A_31 = arith.constant 0 : i32
    %dma_wait3A_32 = tpu.memref_slice %arg6[%dma_wait3A_30, %dma_wait3A_31] : memref<5120x128xf32, #tpu.memory_space<vmem_shared>> -> memref<5120x128xf32, #tpu.memory_space<vmem_shared>>
    tpu.wait_indirect_dma semaphore(%arg7 : memref<!tpu.dma_semaphore, #tpu.memory_space<semaphore_mem>>) src(%arg5 : memref<128x128xf32, #tpu.memory_space<vmem>>) dst(%dma_wait3A_32 : memref<5120x128xf32, #tpu.memory_space<vmem_shared>>)
    %dma_start3A = arith.constant 156 : i32
    %dma_start3A_33 = arith.constant 0 : i32
    %dma_start3A_34 = tpu.memref_slice %arg4[%dma_start3A, %dma_start3A_33] : memref<159x128xi32, #tpu.memory_space<vmem>> -> memref<1x128xi32, #tpu.memory_space<vmem>>
    %dma_start3A_35 = tpu.memref_squeeze %dma_start3A_34 : memref<1x128xi32, #tpu.memory_space<vmem>> -> memref<128xi32, #tpu.memory_space<vmem>>
    %dma_start3A_36 = arith.constant 0 : i32
    %dma_start3A_37 = arith.constant 0 : i32
    %dma_start3A_38 = tpu.memref_slice %arg6[%dma_start3A_36, %dma_start3A_37] : memref<5120x128xf32, #tpu.memory_space<vmem_shared>> -> memref<5120x128xf32, #tpu.memory_space<vmem_shared>>
    %dma_start3A_39 = arith.constant -1 : i32
    tpu.enqueue_indirect_dma source(%arg5 : memref<128x128xf32, #tpu.memory_space<vmem>>) target(%dma_start3A_38 : memref<5120x128xf32, #tpu.memory_space<vmem_shared>>) offsets(%dma_start3A_35 : memref<128xi32, #tpu.memory_space<vmem>>) offset_filter(%dma_start3A_39) semaphore(%arg7 : memref<!tpu.dma_semaphore, #tpu.memory_space<semaphore_mem>>) {add = true}
    %dma_wait3A_40 = arith.constant 153 : i32
    %dma_wait3A_41 = arith.constant 0 : i32
    %dma_wait3A_42 = tpu.memref_slice %arg4[%dma_wait3A_40, %dma_wait3A_41] : memref<159x128xi32, #tpu.memory_space<vmem>> -> memref<1x128xi32, #tpu.memory_space<vmem>>
    %dma_wait3A_43 = tpu.memref_squeeze %dma_wait3A_42 : memref<1x128xi32, #tpu.memory_space<vmem>> -> memref<128xi32, #tpu.memory_space<vmem>>
    %dma_wait3A_44 = arith.constant 0 : i32
    %dma_wait3A_45 = arith.constant 0 : i32
    %dma_wait3A_46 = tpu.memref_slice %arg6[%dma_wait3A_44, %dma_wait3A_45] : memref<5120x128xf32, #tpu.memory_space<vmem_shared>> -> memref<5120x128xf32, #tpu.memory_space<vmem_shared>>
    tpu.wait_indirect_dma semaphore(%arg8 : memref<!tpu.dma_semaphore, #tpu.memory_space<semaphore_mem>>) src(%arg5 : memref<128x128xf32, #tpu.memory_space<vmem>>) dst(%dma_wait3A_46 : memref<5120x128xf32, #tpu.memory_space<vmem_shared>>)
    %dma_start3A_47 = arith.constant 157 : i32
    %dma_start3A_48 = arith.constant 0 : i32
    %dma_start3A_49 = tpu.memref_slice %arg4[%dma_start3A_47, %dma_start3A_48] : memref<159x128xi32, #tpu.memory_space<vmem>> -> memref<1x128xi32, #tpu.memory_space<vmem>>
    %dma_start3A_50 = tpu.memref_squeeze %dma_start3A_49 : memref<1x128xi32, #tpu.memory_space<vmem>> -> memref<128xi32, #tpu.memory_space<vmem>>
    %dma_start3A_51 = arith.constant 0 : i32
    %dma_start3A_52 = arith.constant 0 : i32
    %dma_start3A_53 = tpu.memref_slice %arg6[%dma_start3A_51, %dma_start3A_52] : memref<5120x128xf32, #tpu.memory_space<vmem_shared>> -> memref<5120x128xf32, #tpu.memory_space<vmem_shared>>
    %dma_start3A_54 = arith.constant -1 : i32
    tpu.enqueue_indirect_dma source(%arg5 : memref<128x128xf32, #tpu.memory_space<vmem>>) target(%dma_start3A_53 : memref<5120x128xf32, #tpu.memory_space<vmem_shared>>) offsets(%dma_start3A_50 : memref<128xi32, #tpu.memory_space<vmem>>) offset_filter(%dma_start3A_54) semaphore(%arg8 : memref<!tpu.dma_semaphore, #tpu.memory_space<semaphore_mem>>) {add = true}
    %dma_wait3A_55 = arith.constant 154 : i32
    %dma_wait3A_56 = arith.constant 0 : i32
    %dma_wait3A_57 = tpu.memref_slice %arg4[%dma_wait3A_55, %dma_wait3A_56] : memref<159x128xi32, #tpu.memory_space<vmem>> -> memref<1x128xi32, #tpu.memory_space<vmem>>
    %dma_wait3A_58 = tpu.memref_squeeze %dma_wait3A_57 : memref<1x128xi32, #tpu.memory_space<vmem>> -> memref<128xi32, #tpu.memory_space<vmem>>
    %dma_wait3A_59 = arith.constant 0 : i32
    %dma_wait3A_60 = arith.constant 0 : i32
    %dma_wait3A_61 = tpu.memref_slice %arg6[%dma_wait3A_59, %dma_wait3A_60] : memref<5120x128xf32, #tpu.memory_space<vmem_shared>> -> memref<5120x128xf32, #tpu.memory_space<vmem_shared>>
    tpu.wait_indirect_dma semaphore(%arg9 : memref<!tpu.dma_semaphore, #tpu.memory_space<semaphore_mem>>) src(%arg5 : memref<128x128xf32, #tpu.memory_space<vmem>>) dst(%dma_wait3A_61 : memref<5120x128xf32, #tpu.memory_space<vmem_shared>>)
    %dma_start3A_62 = arith.constant 158 : i32
    %dma_start3A_63 = arith.constant 0 : i32
    %dma_start3A_64 = tpu.memref_slice %arg4[%dma_start3A_62, %dma_start3A_63] : memref<159x128xi32, #tpu.memory_space<vmem>> -> memref<1x128xi32, #tpu.memory_space<vmem>>
    %dma_start3A_65 = tpu.memref_squeeze %dma_start3A_64 : memref<1x128xi32, #tpu.memory_space<vmem>> -> memref<128xi32, #tpu.memory_space<vmem>>
    %dma_start3A_66 = arith.constant 0 : i32
    %dma_start3A_67 = arith.constant 0 : i32
    %dma_start3A_68 = tpu.memref_slice %arg6[%dma_start3A_66, %dma_start3A_67] : memref<5120x128xf32, #tpu.memory_space<vmem_shared>> -> memref<5120x128xf32, #tpu.memory_space<vmem_shared>>
    %dma_start3A_69 = arith.constant -1 : i32
    tpu.enqueue_indirect_dma source(%arg5 : memref<128x128xf32, #tpu.memory_space<vmem>>) target(%dma_start3A_68 : memref<5120x128xf32, #tpu.memory_space<vmem_shared>>) offsets(%dma_start3A_65 : memref<128xi32, #tpu.memory_space<vmem>>) offset_filter(%dma_start3A_69) semaphore(%arg9 : memref<!tpu.dma_semaphore, #tpu.memory_space<semaphore_mem>>) {add = true}
    %dma_wait3A_70 = arith.constant 155 : i32
    %dma_wait3A_71 = arith.constant 0 : i32
    %dma_wait3A_72 = tpu.memref_slice %arg4[%dma_wait3A_70, %dma_wait3A_71] : memref<159x128xi32, #tpu.memory_space<vmem>> -> memref<1x128xi32, #tpu.memory_space<vmem>>
    %dma_wait3A_73 = tpu.memref_squeeze %dma_wait3A_72 : memref<1x128xi32, #tpu.memory_space<vmem>> -> memref<128xi32, #tpu.memory_space<vmem>>
    %dma_wait3A_74 = arith.constant 0 : i32
    %dma_wait3A_75 = arith.constant 0 : i32
    %dma_wait3A_76 = tpu.memref_slice %arg6[%dma_wait3A_74, %dma_wait3A_75] : memref<5120x128xf32, #tpu.memory_space<vmem_shared>> -> memref<5120x128xf32, #tpu.memory_space<vmem_shared>>
    tpu.wait_indirect_dma semaphore(%arg10 : memref<!tpu.dma_semaphore, #tpu.memory_space<semaphore_mem>>) src(%arg5 : memref<128x128xf32, #tpu.memory_space<vmem>>) dst(%dma_wait3A_76 : memref<5120x128xf32, #tpu.memory_space<vmem_shared>>)
    %dma_wait3A_77 = arith.constant 156 : i32
    %dma_wait3A_78 = arith.constant 0 : i32
    %dma_wait3A_79 = tpu.memref_slice %arg4[%dma_wait3A_77, %dma_wait3A_78] : memref<159x128xi32, #tpu.memory_space<vmem>> -> memref<1x128xi32, #tpu.memory_space<vmem>>
    %dma_wait3A_80 = tpu.memref_squeeze %dma_wait3A_79 : memref<1x128xi32, #tpu.memory_space<vmem>> -> memref<128xi32, #tpu.memory_space<vmem>>
    %dma_wait3A_81 = arith.constant 0 : i32
    %dma_wait3A_82 = arith.constant 0 : i32
    %dma_wait3A_83 = tpu.memref_slice %arg6[%dma_wait3A_81, %dma_wait3A_82] : memref<5120x128xf32, #tpu.memory_space<vmem_shared>> -> memref<5120x128xf32, #tpu.memory_space<vmem_shared>>
    tpu.wait_indirect_dma semaphore(%arg7 : memref<!tpu.dma_semaphore, #tpu.memory_space<semaphore_mem>>) src(%arg5 : memref<128x128xf32, #tpu.memory_space<vmem>>) dst(%dma_wait3A_83 : memref<5120x128xf32, #tpu.memory_space<vmem_shared>>)
    %dma_wait3A_84 = arith.constant 157 : i32
    %dma_wait3A_85 = arith.constant 0 : i32
    %dma_wait3A_86 = tpu.memref_slice %arg4[%dma_wait3A_84, %dma_wait3A_85] : memref<159x128xi32, #tpu.memory_space<vmem>> -> memref<1x128xi32, #tpu.memory_space<vmem>>
    %dma_wait3A_87 = tpu.memref_squeeze %dma_wait3A_86 : memref<1x128xi32, #tpu.memory_space<vmem>> -> memref<128xi32, #tpu.memory_space<vmem>>
    %dma_wait3A_88 = arith.constant 0 : i32
    %dma_wait3A_89 = arith.constant 0 : i32
    %dma_wait3A_90 = tpu.memref_slice %arg6[%dma_wait3A_88, %dma_wait3A_89] : memref<5120x128xf32, #tpu.memory_space<vmem_shared>> -> memref<5120x128xf32, #tpu.memory_space<vmem_shared>>
    tpu.wait_indirect_dma semaphore(%arg8 : memref<!tpu.dma_semaphore, #tpu.memory_space<semaphore_mem>>) src(%arg5 : memref<128x128xf32, #tpu.memory_space<vmem>>) dst(%dma_wait3A_90 : memref<5120x128xf32, #tpu.memory_space<vmem_shared>>)
    %dma_wait3A_91 = arith.constant 158 : i32
    %dma_wait3A_92 = arith.constant 0 : i32
    %dma_wait3A_93 = tpu.memref_slice %arg4[%dma_wait3A_91, %dma_wait3A_92] : memref<159x128xi32, #tpu.memory_space<vmem>> -> memref<1x128xi32, #tpu.memory_space<vmem>>
    %dma_wait3A_94 = tpu.memref_squeeze %dma_wait3A_93 : memref<1x128xi32, #tpu.memory_space<vmem>> -> memref<128xi32, #tpu.memory_space<vmem>>
    %dma_wait3A_95 = arith.constant 0 : i32
    %dma_wait3A_96 = arith.constant 0 : i32
    %dma_wait3A_97 = tpu.memref_slice %arg6[%dma_wait3A_95, %dma_wait3A_96] : memref<5120x128xf32, #tpu.memory_space<vmem_shared>> -> memref<5120x128xf32, #tpu.memory_space<vmem_shared>>
    tpu.wait_indirect_dma semaphore(%arg9 : memref<!tpu.dma_semaphore, #tpu.memory_space<semaphore_mem>>) src(%arg5 : memref<128x128xf32, #tpu.memory_space<vmem>>) dst(%dma_wait3A_97 : memref<5120x128xf32, #tpu.memory_space<vmem_shared>>)
    %barrier3A_98 = arith.constant 0 : index
    tpu.barrier barrier_id(%barrier3A_98)
    %add3A_99 = arith.constant 0 : i32
    %add3A_100 = arith.addi %mul3A_2, %add3A_99 : i32
    "tpu.region"() ({
      %run_scoped3A = tpu.sem_alloc : memref<!tpu.dma_semaphore, #tpu.memory_space<semaphore_mem>>
      %dma_start3A_109 = arith.constant 0 : i32
      %dma_start3A_110 = arith.constant 0 : i32
      %dma_start3A_111 = tpu.memref_slice %arg5[%dma_start3A_109, %dma_start3A_110] : memref<128x128xf32, #tpu.memory_space<vmem>> -> memref<64x128xf32, #tpu.memory_space<vmem>>
      %dma_start3A_112 = arith.constant 0 : i32
      %dma_start3A_113 = tpu.memref_slice %arg6[%add3A_100, %dma_start3A_112] : memref<5120x128xf32, #tpu.memory_space<vmem_shared>> -> memref<64x128xf32, #tpu.memory_space<vmem_shared>>
      %dma_start3A_114 = arith.constant 0 : i32
      %dma_start3A_115 = arith.constant 0 : i32
      %dma_start3A_116 = tpu.memref_slice %arg5[%dma_start3A_114, %dma_start3A_115] : memref<128x128xf32, #tpu.memory_space<vmem>> -> memref<64x128xf32, #tpu.memory_space<vmem>>
      %dma_start3A_117 = arith.constant 0 : i32
      %dma_start3A_118 = tpu.memref_slice %arg6[%add3A_100, %dma_start3A_117] : memref<5120x128xf32, #tpu.memory_space<vmem_shared>> -> memref<64x128xf32, #tpu.memory_space<vmem_shared>>
      tpu.enqueue_dma source(%dma_start3A_118 : memref<64x128xf32, #tpu.memory_space<vmem_shared>>) target(%dma_start3A_116 : memref<64x128xf32, #tpu.memory_space<vmem>>) target_semaphore(%run_scoped3A : memref<!tpu.dma_semaphore, #tpu.memory_space<semaphore_mem>>)
      %dma_wait3A_119 = arith.constant 0 : i32
      %dma_wait3A_120 = arith.constant 0 : i32
      %dma_wait3A_121 = tpu.memref_slice %arg5[%dma_wait3A_119, %dma_wait3A_120] : memref<128x128xf32, #tpu.memory_space<vmem>> -> memref<64x128xf32, #tpu.memory_space<vmem>>
      %dma_wait3A_122 = arith.constant 0 : i32
      %dma_wait3A_123 = tpu.memref_slice %arg6[%add3A_100, %dma_wait3A_122] : memref<5120x128xf32, #tpu.memory_space<vmem_shared>> -> memref<64x128xf32, #tpu.memory_space<vmem_shared>>
      %dma_wait3A_124 = arith.constant 0 : i32
      %dma_wait3A_125 = arith.constant 0 : i32
      %dma_wait3A_126 = tpu.memref_slice %arg5[%dma_wait3A_124, %dma_wait3A_125] : memref<128x128xf32, #tpu.memory_space<vmem>> -> memref<64x128xf32, #tpu.memory_space<vmem>>
      %dma_wait3A_127 = arith.constant 0 : i32
      %dma_wait3A_128 = tpu.memref_slice %arg6[%add3A_100, %dma_wait3A_127] : memref<5120x128xf32, #tpu.memory_space<vmem_shared>> -> memref<64x128xf32, #tpu.memory_space<vmem_shared>>
      tpu.wait_dma2 semaphore(%run_scoped3A : memref<!tpu.dma_semaphore, #tpu.memory_space<semaphore_mem>>) src(%dma_wait3A_128 : memref<64x128xf32, #tpu.memory_space<vmem_shared>>) dst(%dma_wait3A_126 : memref<64x128xf32, #tpu.memory_space<vmem>>)
      tpu.yield
    }) : () -> ()
    "tpu.region"() ({
      %run_scoped3A = tpu.sem_alloc : memref<!tpu.dma_semaphore, #tpu.memory_space<semaphore_mem>>
      %dma_start3A_109 = arith.constant 0 : i32
      %dma_start3A_110 = arith.constant 0 : i32
      %dma_start3A_111 = tpu.memref_slice %arg5[%dma_start3A_109, %dma_start3A_110] : memref<128x128xf32, #tpu.memory_space<vmem>> -> memref<64x128xf32, #tpu.memory_space<vmem>>
      %dma_start3A_112 = arith.constant 0 : i32
      %dma_start3A_113 = arith.constant 0 : i32
      %dma_start3A_114 = tpu.memref_slice %arg3[%arg0, %dma_start3A_112, %dma_start3A_113] : memref<2x5120x128xf32, #tpu.memory_space<hbm>> -> memref<1x5120x128xf32, #tpu.memory_space<hbm>>
      %dma_start3A_115 = tpu.memref_squeeze %dma_start3A_114 : memref<1x5120x128xf32, #tpu.memory_space<hbm>> -> memref<5120x128xf32, #tpu.memory_space<hbm>>
      %dma_start3A_116 = arith.constant 0 : i32
      %dma_start3A_117 = tpu.memref_slice %dma_start3A_115[%add3A_100, %dma_start3A_116] : memref<5120x128xf32, #tpu.memory_space<hbm>> -> memref<64x128xf32, #tpu.memory_space<hbm>>
      %dma_start3A_118 = arith.constant 0 : i32
      %dma_start3A_119 = arith.constant 0 : i32
      %dma_start3A_120 = tpu.memref_slice %arg3[%arg0, %dma_start3A_118, %dma_start3A_119] : memref<2x5120x128xf32, #tpu.memory_space<hbm>> -> memref<1x5120x128xf32, #tpu.memory_space<hbm>>
      %dma_start3A_121 = tpu.memref_squeeze %dma_start3A_120 : memref<1x5120x128xf32, #tpu.memory_space<hbm>> -> memref<5120x128xf32, #tpu.memory_space<hbm>>
      %dma_start3A_122 = arith.constant 0 : i32
      %dma_start3A_123 = tpu.memref_slice %dma_start3A_121[%add3A_100, %dma_start3A_122] : memref<5120x128xf32, #tpu.memory_space<hbm>> -> memref<64x128xf32, #tpu.memory_space<hbm>>
      %dma_start3A_124 = arith.constant 0 : i32
      %dma_start3A_125 = arith.constant 0 : i32
      %dma_start3A_126 = tpu.memref_slice %arg5[%dma_start3A_124, %dma_start3A_125] : memref<128x128xf32, #tpu.memory_space<vmem>> -> memref<64x128xf32, #tpu.memory_space<vmem>>
      tpu.enqueue_dma source(%dma_start3A_126 : memref<64x128xf32, #tpu.memory_space<vmem>>) target(%dma_start3A_123 : memref<64x128xf32, #tpu.memory_space<hbm>>) target_semaphore(%run_scoped3A : memref<!tpu.dma_semaphore, #tpu.memory_space<semaphore_mem>>)
      %dma_wait3A_127 = arith.constant 0 : i32
      %dma_wait3A_128 = arith.constant 0 : i32
      %dma_wait3A_129 = tpu.memref_slice %arg5[%dma_wait3A_127, %dma_wait3A_128] : memref<128x128xf32, #tpu.memory_space<vmem>> -> memref<64x128xf32, #tpu.memory_space<vmem>>
      %dma_wait3A_130 = arith.constant 0 : i32
      %dma_wait3A_131 = arith.constant 0 : i32
      %dma_wait3A_132 = tpu.memref_slice %arg3[%arg0, %dma_wait3A_130, %dma_wait3A_131] : memref<2x5120x128xf32, #tpu.memory_space<hbm>> -> memref<1x5120x128xf32, #tpu.memory_space<hbm>>
      %dma_wait3A_133 = tpu.memref_squeeze %dma_wait3A_132 : memref<1x5120x128xf32, #tpu.memory_space<hbm>> -> memref<5120x128xf32, #tpu.memory_space<hbm>>
      %dma_wait3A_134 = arith.constant 0 : i32
      %dma_wait3A_135 = tpu.memref_slice %dma_wait3A_133[%add3A_100, %dma_wait3A_134] : memref<5120x128xf32, #tpu.memory_space<hbm>> -> memref<64x128xf32, #tpu.memory_space<hbm>>
      %dma_wait3A_136 = arith.constant 0 : i32
      %dma_wait3A_137 = arith.constant 0 : i32
      %dma_wait3A_138 = tpu.memref_slice %arg3[%arg0, %dma_wait3A_136, %dma_wait3A_137] : memref<2x5120x128xf32, #tpu.memory_space<hbm>> -> memref<1x5120x128xf32, #tpu.memory_space<hbm>>
      %dma_wait3A_139 = tpu.memref_squeeze %dma_wait3A_138 : memref<1x5120x128xf32, #tpu.memory_space<hbm>> -> memref<5120x128xf32, #tpu.memory_space<hbm>>
      %dma_wait3A_140 = arith.constant 0 : i32
      %dma_wait3A_141 = tpu.memref_slice %dma_wait3A_139[%add3A_100, %dma_wait3A_140] : memref<5120x128xf32, #tpu.memory_space<hbm>> -> memref<64x128xf32, #tpu.memory_space<hbm>>
      %dma_wait3A_142 = arith.constant 0 : i32
      %dma_wait3A_143 = arith.constant 0 : i32
      %dma_wait3A_144 = tpu.memref_slice %arg5[%dma_wait3A_142, %dma_wait3A_143] : memref<128x128xf32, #tpu.memory_space<vmem>> -> memref<64x128xf32, #tpu.memory_space<vmem>>
      tpu.wait_dma2 semaphore(%run_scoped3A : memref<!tpu.dma_semaphore, #tpu.memory_space<semaphore_mem>>) src(%dma_wait3A_144 : memref<64x128xf32, #tpu.memory_space<vmem>>) dst(%dma_wait3A_141 : memref<64x128xf32, #tpu.memory_space<hbm>>)
      tpu.yield
    }) : () -> ()
    %add3A_101 = arith.constant 64 : i32
    %add3A_102 = arith.addi %mul3A_2, %add3A_101 : i32
    "tpu.region"() ({
      %run_scoped3A = tpu.sem_alloc : memref<!tpu.dma_semaphore, #tpu.memory_space<semaphore_mem>>
      %dma_start3A_109 = arith.constant 0 : i32
      %dma_start3A_110 = arith.constant 0 : i32
      %dma_start3A_111 = tpu.memref_slice %arg5[%dma_start3A_109, %dma_start3A_110] : memref<128x128xf32, #tpu.memory_space<vmem>> -> memref<64x128xf32, #tpu.memory_space<vmem>>
      %dma_start3A_112 = arith.constant 0 : i32
      %dma_start3A_113 = tpu.memref_slice %arg6[%add3A_102, %dma_start3A_112] : memref<5120x128xf32, #tpu.memory_space<vmem_shared>> -> memref<64x128xf32, #tpu.memory_space<vmem_shared>>
      %dma_start3A_114 = arith.constant 0 : i32
      %dma_start3A_115 = arith.constant 0 : i32
      %dma_start3A_116 = tpu.memref_slice %arg5[%dma_start3A_114, %dma_start3A_115] : memref<128x128xf32, #tpu.memory_space<vmem>> -> memref<64x128xf32, #tpu.memory_space<vmem>>
      %dma_start3A_117 = arith.constant 0 : i32
      %dma_start3A_118 = tpu.memref_slice %arg6[%add3A_102, %dma_start3A_117] : memref<5120x128xf32, #tpu.memory_space<vmem_shared>> -> memref<64x128xf32, #tpu.memory_space<vmem_shared>>
      tpu.enqueue_dma source(%dma_start3A_118 : memref<64x128xf32, #tpu.memory_space<vmem_shared>>) target(%dma_start3A_116 : memref<64x128xf32, #tpu.memory_space<vmem>>) target_semaphore(%run_scoped3A : memref<!tpu.dma_semaphore, #tpu.memory_space<semaphore_mem>>)
      %dma_wait3A_119 = arith.constant 0 : i32
      %dma_wait3A_120 = arith.constant 0 : i32
      %dma_wait3A_121 = tpu.memref_slice %arg5[%dma_wait3A_119, %dma_wait3A_120] : memref<128x128xf32, #tpu.memory_space<vmem>> -> memref<64x128xf32, #tpu.memory_space<vmem>>
      %dma_wait3A_122 = arith.constant 0 : i32
      %dma_wait3A_123 = tpu.memref_slice %arg6[%add3A_102, %dma_wait3A_122] : memref<5120x128xf32, #tpu.memory_space<vmem_shared>> -> memref<64x128xf32, #tpu.memory_space<vmem_shared>>
      %dma_wait3A_124 = arith.constant 0 : i32
      %dma_wait3A_125 = arith.constant 0 : i32
      %dma_wait3A_126 = tpu.memref_slice %arg5[%dma_wait3A_124, %dma_wait3A_125] : memref<128x128xf32, #tpu.memory_space<vmem>> -> memref<64x128xf32, #tpu.memory_space<vmem>>
      %dma_wait3A_127 = arith.constant 0 : i32
      %dma_wait3A_128 = tpu.memref_slice %arg6[%add3A_102, %dma_wait3A_127] : memref<5120x128xf32, #tpu.memory_space<vmem_shared>> -> memref<64x128xf32, #tpu.memory_space<vmem_shared>>
      tpu.wait_dma2 semaphore(%run_scoped3A : memref<!tpu.dma_semaphore, #tpu.memory_space<semaphore_mem>>) src(%dma_wait3A_128 : memref<64x128xf32, #tpu.memory_space<vmem_shared>>) dst(%dma_wait3A_126 : memref<64x128xf32, #tpu.memory_space<vmem>>)
      tpu.yield
    }) : () -> ()
    "tpu.region"() ({
      %run_scoped3A = tpu.sem_alloc : memref<!tpu.dma_semaphore, #tpu.memory_space<semaphore_mem>>
      %dma_start3A_109 = arith.constant 0 : i32
      %dma_start3A_110 = arith.constant 0 : i32
      %dma_start3A_111 = tpu.memref_slice %arg5[%dma_start3A_109, %dma_start3A_110] : memref<128x128xf32, #tpu.memory_space<vmem>> -> memref<64x128xf32, #tpu.memory_space<vmem>>
      %dma_start3A_112 = arith.constant 0 : i32
      %dma_start3A_113 = arith.constant 0 : i32
      %dma_start3A_114 = tpu.memref_slice %arg3[%arg0, %dma_start3A_112, %dma_start3A_113] : memref<2x5120x128xf32, #tpu.memory_space<hbm>> -> memref<1x5120x128xf32, #tpu.memory_space<hbm>>
      %dma_start3A_115 = tpu.memref_squeeze %dma_start3A_114 : memref<1x5120x128xf32, #tpu.memory_space<hbm>> -> memref<5120x128xf32, #tpu.memory_space<hbm>>
      %dma_start3A_116 = arith.constant 0 : i32
      %dma_start3A_117 = tpu.memref_slice %dma_start3A_115[%add3A_102, %dma_start3A_116] : memref<5120x128xf32, #tpu.memory_space<hbm>> -> memref<64x128xf32, #tpu.memory_space<hbm>>
      %dma_start3A_118 = arith.constant 0 : i32
      %dma_start3A_119 = arith.constant 0 : i32
      %dma_start3A_120 = tpu.memref_slice %arg3[%arg0, %dma_start3A_118, %dma_start3A_119] : memref<2x5120x128xf32, #tpu.memory_space<hbm>> -> memref<1x5120x128xf32, #tpu.memory_space<hbm>>
      %dma_start3A_121 = tpu.memref_squeeze %dma_start3A_120 : memref<1x5120x128xf32, #tpu.memory_space<hbm>> -> memref<5120x128xf32, #tpu.memory_space<hbm>>
      %dma_start3A_122 = arith.constant 0 : i32
      %dma_start3A_123 = tpu.memref_slice %dma_start3A_121[%add3A_102, %dma_start3A_122] : memref<5120x128xf32, #tpu.memory_space<hbm>> -> memref<64x128xf32, #tpu.memory_space<hbm>>
      %dma_start3A_124 = arith.constant 0 : i32
      %dma_start3A_125 = arith.constant 0 : i32
      %dma_start3A_126 = tpu.memref_slice %arg5[%dma_start3A_124, %dma_start3A_125] : memref<128x128xf32, #tpu.memory_space<vmem>> -> memref<64x128xf32, #tpu.memory_space<vmem>>
      tpu.enqueue_dma source(%dma_start3A_126 : memref<64x128xf32, #tpu.memory_space<vmem>>) target(%dma_start3A_123 : memref<64x128xf32, #tpu.memory_space<hbm>>) target_semaphore(%run_scoped3A : memref<!tpu.dma_semaphore, #tpu.memory_space<semaphore_mem>>)
      %dma_wait3A_127 = arith.constant 0 : i32
      %dma_wait3A_128 = arith.constant 0 : i32
      %dma_wait3A_129 = tpu.memref_slice %arg5[%dma_wait3A_127, %dma_wait3A_128] : memref<128x128xf32, #tpu.memory_space<vmem>> -> memref<64x128xf32, #tpu.memory_space<vmem>>
      %dma_wait3A_130 = arith.constant 0 : i32
      %dma_wait3A_131 = arith.constant 0 : i32
      %dma_wait3A_132 = tpu.memref_slice %arg3[%arg0, %dma_wait3A_130, %dma_wait3A_131] : memref<2x5120x128xf32, #tpu.memory_space<hbm>> -> memref<1x5120x128xf32, #tpu.memory_space<hbm>>
      %dma_wait3A_133 = tpu.memref_squeeze %dma_wait3A_132 : memref<1x5120x128xf32, #tpu.memory_space<hbm>> -> memref<5120x128xf32, #tpu.memory_space<hbm>>
      %dma_wait3A_134 = arith.constant 0 : i32
      %dma_wait3A_135 = tpu.memref_slice %dma_wait3A_133[%add3A_102, %dma_wait3A_134] : memref<5120x128xf32, #tpu.memory_space<hbm>> -> memref<64x128xf32, #tpu.memory_space<hbm>>
      %dma_wait3A_136 = arith.constant 0 : i32
      %dma_wait3A_137 = arith.constant 0 : i32
      %dma_wait3A_138 = tpu.memref_slice %arg3[%arg0, %dma_wait3A_136, %dma_wait3A_137] : memref<2x5120x128xf32, #tpu.memory_space<hbm>> -> memref<1x5120x128xf32, #tpu.memory_space<hbm>>
      %dma_wait3A_139 = tpu.memref_squeeze %dma_wait3A_138 : memref<1x5120x128xf32, #tpu.memory_space<hbm>> -> memref<5120x128xf32, #tpu.memory_space<hbm>>
      %dma_wait3A_140 = arith.constant 0 : i32
      %dma_wait3A_141 = tpu.memref_slice %dma_wait3A_139[%add3A_102, %dma_wait3A_140] : memref<5120x128xf32, #tpu.memory_space<hbm>> -> memref<64x128xf32, #tpu.memory_space<hbm>>
      %dma_wait3A_142 = arith.constant 0 : i32
      %dma_wait3A_143 = arith.constant 0 : i32
      %dma_wait3A_144 = tpu.memref_slice %arg5[%dma_wait3A_142, %dma_wait3A_143] : memref<128x128xf32, #tpu.memory_space<vmem>> -> memref<64x128xf32, #tpu.memory_space<vmem>>
      tpu.wait_dma2 semaphore(%run_scoped3A : memref<!tpu.dma_semaphore, #tpu.memory_space<semaphore_mem>>) src(%dma_wait3A_144 : memref<64x128xf32, #tpu.memory_space<vmem>>) dst(%dma_wait3A_141 : memref<64x128xf32, #tpu.memory_space<hbm>>)
      tpu.yield
    }) : () -> ()
    %add3A_103 = arith.constant 128 : i32
    %add3A_104 = arith.addi %mul3A_2, %add3A_103 : i32
    "tpu.region"() ({
      %run_scoped3A = tpu.sem_alloc : memref<!tpu.dma_semaphore, #tpu.memory_space<semaphore_mem>>
      %dma_start3A_109 = arith.constant 0 : i32
      %dma_start3A_110 = arith.constant 0 : i32
      %dma_start3A_111 = tpu.memref_slice %arg5[%dma_start3A_109, %dma_start3A_110] : memref<128x128xf32, #tpu.memory_space<vmem>> -> memref<64x128xf32, #tpu.memory_space<vmem>>
      %dma_start3A_112 = arith.constant 0 : i32
      %dma_start3A_113 = tpu.memref_slice %arg6[%add3A_104, %dma_start3A_112] : memref<5120x128xf32, #tpu.memory_space<vmem_shared>> -> memref<64x128xf32, #tpu.memory_space<vmem_shared>>
      %dma_start3A_114 = arith.constant 0 : i32
      %dma_start3A_115 = arith.constant 0 : i32
      %dma_start3A_116 = tpu.memref_slice %arg5[%dma_start3A_114, %dma_start3A_115] : memref<128x128xf32, #tpu.memory_space<vmem>> -> memref<64x128xf32, #tpu.memory_space<vmem>>
      %dma_start3A_117 = arith.constant 0 : i32
      %dma_start3A_118 = tpu.memref_slice %arg6[%add3A_104, %dma_start3A_117] : memref<5120x128xf32, #tpu.memory_space<vmem_shared>> -> memref<64x128xf32, #tpu.memory_space<vmem_shared>>
      tpu.enqueue_dma source(%dma_start3A_118 : memref<64x128xf32, #tpu.memory_space<vmem_shared>>) target(%dma_start3A_116 : memref<64x128xf32, #tpu.memory_space<vmem>>) target_semaphore(%run_scoped3A : memref<!tpu.dma_semaphore, #tpu.memory_space<semaphore_mem>>)
      %dma_wait3A_119 = arith.constant 0 : i32
      %dma_wait3A_120 = arith.constant 0 : i32
      %dma_wait3A_121 = tpu.memref_slice %arg5[%dma_wait3A_119, %dma_wait3A_120] : memref<128x128xf32, #tpu.memory_space<vmem>> -> memref<64x128xf32, #tpu.memory_space<vmem>>
      %dma_wait3A_122 = arith.constant 0 : i32
      %dma_wait3A_123 = tpu.memref_slice %arg6[%add3A_104, %dma_wait3A_122] : memref<5120x128xf32, #tpu.memory_space<vmem_shared>> -> memref<64x128xf32, #tpu.memory_space<vmem_shared>>
      %dma_wait3A_124 = arith.constant 0 : i32
      %dma_wait3A_125 = arith.constant 0 : i32
      %dma_wait3A_126 = tpu.memref_slice %arg5[%dma_wait3A_124, %dma_wait3A_125] : memref<128x128xf32, #tpu.memory_space<vmem>> -> memref<64x128xf32, #tpu.memory_space<vmem>>
      %dma_wait3A_127 = arith.constant 0 : i32
      %dma_wait3A_128 = tpu.memref_slice %arg6[%add3A_104, %dma_wait3A_127] : memref<5120x128xf32, #tpu.memory_space<vmem_shared>> -> memref<64x128xf32, #tpu.memory_space<vmem_shared>>
      tpu.wait_dma2 semaphore(%run_scoped3A : memref<!tpu.dma_semaphore, #tpu.memory_space<semaphore_mem>>) src(%dma_wait3A_128 : memref<64x128xf32, #tpu.memory_space<vmem_shared>>) dst(%dma_wait3A_126 : memref<64x128xf32, #tpu.memory_space<vmem>>)
      tpu.yield
    }) : () -> ()
    "tpu.region"() ({
      %run_scoped3A = tpu.sem_alloc : memref<!tpu.dma_semaphore, #tpu.memory_space<semaphore_mem>>
      %dma_start3A_109 = arith.constant 0 : i32
      %dma_start3A_110 = arith.constant 0 : i32
      %dma_start3A_111 = tpu.memref_slice %arg5[%dma_start3A_109, %dma_start3A_110] : memref<128x128xf32, #tpu.memory_space<vmem>> -> memref<64x128xf32, #tpu.memory_space<vmem>>
      %dma_start3A_112 = arith.constant 0 : i32
      %dma_start3A_113 = arith.constant 0 : i32
      %dma_start3A_114 = tpu.memref_slice %arg3[%arg0, %dma_start3A_112, %dma_start3A_113] : memref<2x5120x128xf32, #tpu.memory_space<hbm>> -> memref<1x5120x128xf32, #tpu.memory_space<hbm>>
      %dma_start3A_115 = tpu.memref_squeeze %dma_start3A_114 : memref<1x5120x128xf32, #tpu.memory_space<hbm>> -> memref<5120x128xf32, #tpu.memory_space<hbm>>
      %dma_start3A_116 = arith.constant 0 : i32
      %dma_start3A_117 = tpu.memref_slice %dma_start3A_115[%add3A_104, %dma_start3A_116] : memref<5120x128xf32, #tpu.memory_space<hbm>> -> memref<64x128xf32, #tpu.memory_space<hbm>>
      %dma_start3A_118 = arith.constant 0 : i32
      %dma_start3A_119 = arith.constant 0 : i32
      %dma_start3A_120 = tpu.memref_slice %arg3[%arg0, %dma_start3A_118, %dma_start3A_119] : memref<2x5120x128xf32, #tpu.memory_space<hbm>> -> memref<1x5120x128xf32, #tpu.memory_space<hbm>>
      %dma_start3A_121 = tpu.memref_squeeze %dma_start3A_120 : memref<1x5120x128xf32, #tpu.memory_space<hbm>> -> memref<5120x128xf32, #tpu.memory_space<hbm>>
      %dma_start3A_122 = arith.constant 0 : i32
      %dma_start3A_123 = tpu.memref_slice %dma_start3A_121[%add3A_104, %dma_start3A_122] : memref<5120x128xf32, #tpu.memory_space<hbm>> -> memref<64x128xf32, #tpu.memory_space<hbm>>
      %dma_start3A_124 = arith.constant 0 : i32
      %dma_start3A_125 = arith.constant 0 : i32
      %dma_start3A_126 = tpu.memref_slice %arg5[%dma_start3A_124, %dma_start3A_125] : memref<128x128xf32, #tpu.memory_space<vmem>> -> memref<64x128xf32, #tpu.memory_space<vmem>>
      tpu.enqueue_dma source(%dma_start3A_126 : memref<64x128xf32, #tpu.memory_space<vmem>>) target(%dma_start3A_123 : memref<64x128xf32, #tpu.memory_space<hbm>>) target_semaphore(%run_scoped3A : memref<!tpu.dma_semaphore, #tpu.memory_space<semaphore_mem>>)
      %dma_wait3A_127 = arith.constant 0 : i32
      %dma_wait3A_128 = arith.constant 0 : i32
      %dma_wait3A_129 = tpu.memref_slice %arg5[%dma_wait3A_127, %dma_wait3A_128] : memref<128x128xf32, #tpu.memory_space<vmem>> -> memref<64x128xf32, #tpu.memory_space<vmem>>
      %dma_wait3A_130 = arith.constant 0 : i32
      %dma_wait3A_131 = arith.constant 0 : i32
      %dma_wait3A_132 = tpu.memref_slice %arg3[%arg0, %dma_wait3A_130, %dma_wait3A_131] : memref<2x5120x128xf32, #tpu.memory_space<hbm>> -> memref<1x5120x128xf32, #tpu.memory_space<hbm>>
      %dma_wait3A_133 = tpu.memref_squeeze %dma_wait3A_132 : memref<1x5120x128xf32, #tpu.memory_space<hbm>> -> memref<5120x128xf32, #tpu.memory_space<hbm>>
      %dma_wait3A_134 = arith.constant 0 : i32
      %dma_wait3A_135 = tpu.memref_slice %dma_wait3A_133[%add3A_104, %dma_wait3A_134] : memref<5120x128xf32, #tpu.memory_space<hbm>> -> memref<64x128xf32, #tpu.memory_space<hbm>>
      %dma_wait3A_136 = arith.constant 0 : i32
      %dma_wait3A_137 = arith.constant 0 : i32
      %dma_wait3A_138 = tpu.memref_slice %arg3[%arg0, %dma_wait3A_136, %dma_wait3A_137] : memref<2x5120x128xf32, #tpu.memory_space<hbm>> -> memref<1x5120x128xf32, #tpu.memory_space<hbm>>
      %dma_wait3A_139 = tpu.memref_squeeze %dma_wait3A_138 : memref<1x5120x128xf32, #tpu.memory_space<hbm>> -> memref<5120x128xf32, #tpu.memory_space<hbm>>
      %dma_wait3A_140 = arith.constant 0 : i32
      %dma_wait3A_141 = tpu.memref_slice %dma_wait3A_139[%add3A_104, %dma_wait3A_140] : memref<5120x128xf32, #tpu.memory_space<hbm>> -> memref<64x128xf32, #tpu.memory_space<hbm>>
      %dma_wait3A_142 = arith.constant 0 : i32
      %dma_wait3A_143 = arith.constant 0 : i32
      %dma_wait3A_144 = tpu.memref_slice %arg5[%dma_wait3A_142, %dma_wait3A_143] : memref<128x128xf32, #tpu.memory_space<vmem>> -> memref<64x128xf32, #tpu.memory_space<vmem>>
      tpu.wait_dma2 semaphore(%run_scoped3A : memref<!tpu.dma_semaphore, #tpu.memory_space<semaphore_mem>>) src(%dma_wait3A_144 : memref<64x128xf32, #tpu.memory_space<vmem>>) dst(%dma_wait3A_141 : memref<64x128xf32, #tpu.memory_space<hbm>>)
      tpu.yield
    }) : () -> ()
    %add3A_105 = arith.constant 192 : i32
    %add3A_106 = arith.addi %mul3A_2, %add3A_105 : i32
    "tpu.region"() ({
      %run_scoped3A = tpu.sem_alloc : memref<!tpu.dma_semaphore, #tpu.memory_space<semaphore_mem>>
      %dma_start3A_109 = arith.constant 0 : i32
      %dma_start3A_110 = arith.constant 0 : i32
      %dma_start3A_111 = tpu.memref_slice %arg5[%dma_start3A_109, %dma_start3A_110] : memref<128x128xf32, #tpu.memory_space<vmem>> -> memref<64x128xf32, #tpu.memory_space<vmem>>
      %dma_start3A_112 = arith.constant 0 : i32
      %dma_start3A_113 = tpu.memref_slice %arg6[%add3A_106, %dma_start3A_112] : memref<5120x128xf32, #tpu.memory_space<vmem_shared>> -> memref<64x128xf32, #tpu.memory_space<vmem_shared>>
      %dma_start3A_114 = arith.constant 0 : i32
      %dma_start3A_115 = arith.constant 0 : i32
      %dma_start3A_116 = tpu.memref_slice %arg5[%dma_start3A_114, %dma_start3A_115] : memref<128x128xf32, #tpu.memory_space<vmem>> -> memref<64x128xf32, #tpu.memory_space<vmem>>
      %dma_start3A_117 = arith.constant 0 : i32
      %dma_start3A_118 = tpu.memref_slice %arg6[%add3A_106, %dma_start3A_117] : memref<5120x128xf32, #tpu.memory_space<vmem_shared>> -> memref<64x128xf32, #tpu.memory_space<vmem_shared>>
      tpu.enqueue_dma source(%dma_start3A_118 : memref<64x128xf32, #tpu.memory_space<vmem_shared>>) target(%dma_start3A_116 : memref<64x128xf32, #tpu.memory_space<vmem>>) target_semaphore(%run_scoped3A : memref<!tpu.dma_semaphore, #tpu.memory_space<semaphore_mem>>)
      %dma_wait3A_119 = arith.constant 0 : i32
      %dma_wait3A_120 = arith.constant 0 : i32
      %dma_wait3A_121 = tpu.memref_slice %arg5[%dma_wait3A_119, %dma_wait3A_120] : memref<128x128xf32, #tpu.memory_space<vmem>> -> memref<64x128xf32, #tpu.memory_space<vmem>>
      %dma_wait3A_122 = arith.constant 0 : i32
      %dma_wait3A_123 = tpu.memref_slice %arg6[%add3A_106, %dma_wait3A_122] : memref<5120x128xf32, #tpu.memory_space<vmem_shared>> -> memref<64x128xf32, #tpu.memory_space<vmem_shared>>
      %dma_wait3A_124 = arith.constant 0 : i32
      %dma_wait3A_125 = arith.constant 0 : i32
      %dma_wait3A_126 = tpu.memref_slice %arg5[%dma_wait3A_124, %dma_wait3A_125] : memref<128x128xf32, #tpu.memory_space<vmem>> -> memref<64x128xf32, #tpu.memory_space<vmem>>
      %dma_wait3A_127 = arith.constant 0 : i32
      %dma_wait3A_128 = tpu.memref_slice %arg6[%add3A_106, %dma_wait3A_127] : memref<5120x128xf32, #tpu.memory_space<vmem_shared>> -> memref<64x128xf32, #tpu.memory_space<vmem_shared>>
      tpu.wait_dma2 semaphore(%run_scoped3A : memref<!tpu.dma_semaphore, #tpu.memory_space<semaphore_mem>>) src(%dma_wait3A_128 : memref<64x128xf32, #tpu.memory_space<vmem_shared>>) dst(%dma_wait3A_126 : memref<64x128xf32, #tpu.memory_space<vmem>>)
      tpu.yield
    }) : () -> ()
    "tpu.region"() ({
      %run_scoped3A = tpu.sem_alloc : memref<!tpu.dma_semaphore, #tpu.memory_space<semaphore_mem>>
      %dma_start3A_109 = arith.constant 0 : i32
      %dma_start3A_110 = arith.constant 0 : i32
      %dma_start3A_111 = tpu.memref_slice %arg5[%dma_start3A_109, %dma_start3A_110] : memref<128x128xf32, #tpu.memory_space<vmem>> -> memref<64x128xf32, #tpu.memory_space<vmem>>
      %dma_start3A_112 = arith.constant 0 : i32
      %dma_start3A_113 = arith.constant 0 : i32
      %dma_start3A_114 = tpu.memref_slice %arg3[%arg0, %dma_start3A_112, %dma_start3A_113] : memref<2x5120x128xf32, #tpu.memory_space<hbm>> -> memref<1x5120x128xf32, #tpu.memory_space<hbm>>
      %dma_start3A_115 = tpu.memref_squeeze %dma_start3A_114 : memref<1x5120x128xf32, #tpu.memory_space<hbm>> -> memref<5120x128xf32, #tpu.memory_space<hbm>>
      %dma_start3A_116 = arith.constant 0 : i32
      %dma_start3A_117 = tpu.memref_slice %dma_start3A_115[%add3A_106, %dma_start3A_116] : memref<5120x128xf32, #tpu.memory_space<hbm>> -> memref<64x128xf32, #tpu.memory_space<hbm>>
      %dma_start3A_118 = arith.constant 0 : i32
      %dma_start3A_119 = arith.constant 0 : i32
      %dma_start3A_120 = tpu.memref_slice %arg3[%arg0, %dma_start3A_118, %dma_start3A_119] : memref<2x5120x128xf32, #tpu.memory_space<hbm>> -> memref<1x5120x128xf32, #tpu.memory_space<hbm>>
      %dma_start3A_121 = tpu.memref_squeeze %dma_start3A_120 : memref<1x5120x128xf32, #tpu.memory_space<hbm>> -> memref<5120x128xf32, #tpu.memory_space<hbm>>
      %dma_start3A_122 = arith.constant 0 : i32
      %dma_start3A_123 = tpu.memref_slice %dma_start3A_121[%add3A_106, %dma_start3A_122] : memref<5120x128xf32, #tpu.memory_space<hbm>> -> memref<64x128xf32, #tpu.memory_space<hbm>>
      %dma_start3A_124 = arith.constant 0 : i32
      %dma_start3A_125 = arith.constant 0 : i32
      %dma_start3A_126 = tpu.memref_slice %arg5[%dma_start3A_124, %dma_start3A_125] : memref<128x128xf32, #tpu.memory_space<vmem>> -> memref<64x128xf32, #tpu.memory_space<vmem>>
      tpu.enqueue_dma source(%dma_start3A_126 : memref<64x128xf32, #tpu.memory_space<vmem>>) target(%dma_start3A_123 : memref<64x128xf32, #tpu.memory_space<hbm>>) target_semaphore(%run_scoped3A : memref<!tpu.dma_semaphore, #tpu.memory_space<semaphore_mem>>)
      %dma_wait3A_127 = arith.constant 0 : i32
      %dma_wait3A_128 = arith.constant 0 : i32
      %dma_wait3A_129 = tpu.memref_slice %arg5[%dma_wait3A_127, %dma_wait3A_128] : memref<128x128xf32, #tpu.memory_space<vmem>> -> memref<64x128xf32, #tpu.memory_space<vmem>>
      %dma_wait3A_130 = arith.constant 0 : i32
      %dma_wait3A_131 = arith.constant 0 : i32
      %dma_wait3A_132 = tpu.memref_slice %arg3[%arg0, %dma_wait3A_130, %dma_wait3A_131] : memref<2x5120x128xf32, #tpu.memory_space<hbm>> -> memref<1x5120x128xf32, #tpu.memory_space<hbm>>
      %dma_wait3A_133 = tpu.memref_squeeze %dma_wait3A_132 : memref<1x5120x128xf32, #tpu.memory_space<hbm>> -> memref<5120x128xf32, #tpu.memory_space<hbm>>
      %dma_wait3A_134 = arith.constant 0 : i32
      %dma_wait3A_135 = tpu.memref_slice %dma_wait3A_133[%add3A_106, %dma_wait3A_134] : memref<5120x128xf32, #tpu.memory_space<hbm>> -> memref<64x128xf32, #tpu.memory_space<hbm>>
      %dma_wait3A_136 = arith.constant 0 : i32
      %dma_wait3A_137 = arith.constant 0 : i32
      %dma_wait3A_138 = tpu.memref_slice %arg3[%arg0, %dma_wait3A_136, %dma_wait3A_137] : memref<2x5120x128xf32, #tpu.memory_space<hbm>> -> memref<1x5120x128xf32, #tpu.memory_space<hbm>>
      %dma_wait3A_139 = tpu.memref_squeeze %dma_wait3A_138 : memref<1x5120x128xf32, #tpu.memory_space<hbm>> -> memref<5120x128xf32, #tpu.memory_space<hbm>>
      %dma_wait3A_140 = arith.constant 0 : i32
      %dma_wait3A_141 = tpu.memref_slice %dma_wait3A_139[%add3A_106, %dma_wait3A_140] : memref<5120x128xf32, #tpu.memory_space<hbm>> -> memref<64x128xf32, #tpu.memory_space<hbm>>
      %dma_wait3A_142 = arith.constant 0 : i32
      %dma_wait3A_143 = arith.constant 0 : i32
      %dma_wait3A_144 = tpu.memref_slice %arg5[%dma_wait3A_142, %dma_wait3A_143] : memref<128x128xf32, #tpu.memory_space<vmem>> -> memref<64x128xf32, #tpu.memory_space<vmem>>
      tpu.wait_dma2 semaphore(%run_scoped3A : memref<!tpu.dma_semaphore, #tpu.memory_space<semaphore_mem>>) src(%dma_wait3A_144 : memref<64x128xf32, #tpu.memory_space<vmem>>) dst(%dma_wait3A_141 : memref<64x128xf32, #tpu.memory_space<hbm>>)
      tpu.yield
    }) : () -> ()
    %add3A_107 = arith.constant 256 : i32
    %add3A_108 = arith.addi %mul3A_2, %add3A_107 : i32
    "tpu.region"() ({
      %run_scoped3A = tpu.sem_alloc : memref<!tpu.dma_semaphore, #tpu.memory_space<semaphore_mem>>
      %dma_start3A_109 = arith.constant 0 : i32
      %dma_start3A_110 = arith.constant 0 : i32
      %dma_start3A_111 = tpu.memref_slice %arg5[%dma_start3A_109, %dma_start3A_110] : memref<128x128xf32, #tpu.memory_space<vmem>> -> memref<64x128xf32, #tpu.memory_space<vmem>>
      %dma_start3A_112 = arith.constant 0 : i32
      %dma_start3A_113 = tpu.memref_slice %arg6[%add3A_108, %dma_start3A_112] : memref<5120x128xf32, #tpu.memory_space<vmem_shared>> -> memref<64x128xf32, #tpu.memory_space<vmem_shared>>
      %dma_start3A_114 = arith.constant 0 : i32
      %dma_start3A_115 = arith.constant 0 : i32
      %dma_start3A_116 = tpu.memref_slice %arg5[%dma_start3A_114, %dma_start3A_115] : memref<128x128xf32, #tpu.memory_space<vmem>> -> memref<64x128xf32, #tpu.memory_space<vmem>>
      %dma_start3A_117 = arith.constant 0 : i32
      %dma_start3A_118 = tpu.memref_slice %arg6[%add3A_108, %dma_start3A_117] : memref<5120x128xf32, #tpu.memory_space<vmem_shared>> -> memref<64x128xf32, #tpu.memory_space<vmem_shared>>
      tpu.enqueue_dma source(%dma_start3A_118 : memref<64x128xf32, #tpu.memory_space<vmem_shared>>) target(%dma_start3A_116 : memref<64x128xf32, #tpu.memory_space<vmem>>) target_semaphore(%run_scoped3A : memref<!tpu.dma_semaphore, #tpu.memory_space<semaphore_mem>>)
      %dma_wait3A_119 = arith.constant 0 : i32
      %dma_wait3A_120 = arith.constant 0 : i32
      %dma_wait3A_121 = tpu.memref_slice %arg5[%dma_wait3A_119, %dma_wait3A_120] : memref<128x128xf32, #tpu.memory_space<vmem>> -> memref<64x128xf32, #tpu.memory_space<vmem>>
      %dma_wait3A_122 = arith.constant 0 : i32
      %dma_wait3A_123 = tpu.memref_slice %arg6[%add3A_108, %dma_wait3A_122] : memref<5120x128xf32, #tpu.memory_space<vmem_shared>> -> memref<64x128xf32, #tpu.memory_space<vmem_shared>>
      %dma_wait3A_124 = arith.constant 0 : i32
      %dma_wait3A_125 = arith.constant 0 : i32
      %dma_wait3A_126 = tpu.memref_slice %arg5[%dma_wait3A_124, %dma_wait3A_125] : memref<128x128xf32, #tpu.memory_space<vmem>> -> memref<64x128xf32, #tpu.memory_space<vmem>>
      %dma_wait3A_127 = arith.constant 0 : i32
      %dma_wait3A_128 = tpu.memref_slice %arg6[%add3A_108, %dma_wait3A_127] : memref<5120x128xf32, #tpu.memory_space<vmem_shared>> -> memref<64x128xf32, #tpu.memory_space<vmem_shared>>
      tpu.wait_dma2 semaphore(%run_scoped3A : memref<!tpu.dma_semaphore, #tpu.memory_space<semaphore_mem>>) src(%dma_wait3A_128 : memref<64x128xf32, #tpu.memory_space<vmem_shared>>) dst(%dma_wait3A_126 : memref<64x128xf32, #tpu.memory_space<vmem>>)
      tpu.yield
    }) : () -> ()
    "tpu.region"() ({
      %run_scoped3A = tpu.sem_alloc : memref<!tpu.dma_semaphore, #tpu.memory_space<semaphore_mem>>
      %dma_start3A_109 = arith.constant 0 : i32
      %dma_start3A_110 = arith.constant 0 : i32
      %dma_start3A_111 = tpu.memref_slice %arg5[%dma_start3A_109, %dma_start3A_110] : memref<128x128xf32, #tpu.memory_space<vmem>> -> memref<64x128xf32, #tpu.memory_space<vmem>>
      %dma_start3A_112 = arith.constant 0 : i32
      %dma_start3A_113 = arith.constant 0 : i32
      %dma_start3A_114 = tpu.memref_slice %arg3[%arg0, %dma_start3A_112, %dma_start3A_113] : memref<2x5120x128xf32, #tpu.memory_space<hbm>> -> memref<1x5120x128xf32, #tpu.memory_space<hbm>>
      %dma_start3A_115 = tpu.memref_squeeze %dma_start3A_114 : memref<1x5120x128xf32, #tpu.memory_space<hbm>> -> memref<5120x128xf32, #tpu.memory_space<hbm>>
      %dma_start3A_116 = arith.constant 0 : i32
      %dma_start3A_117 = tpu.memref_slice %dma_start3A_115[%add3A_108, %dma_start3A_116] : memref<5120x128xf32, #tpu.memory_space<hbm>> -> memref<64x128xf32, #tpu.memory_space<hbm>>
      %dma_start3A_118 = arith.constant 0 : i32
      %dma_start3A_119 = arith.constant 0 : i32
      %dma_start3A_120 = tpu.memref_slice %arg3[%arg0, %dma_start3A_118, %dma_start3A_119] : memref<2x5120x128xf32, #tpu.memory_space<hbm>> -> memref<1x5120x128xf32, #tpu.memory_space<hbm>>
      %dma_start3A_121 = tpu.memref_squeeze %dma_start3A_120 : memref<1x5120x128xf32, #tpu.memory_space<hbm>> -> memref<5120x128xf32, #tpu.memory_space<hbm>>
      %dma_start3A_122 = arith.constant 0 : i32
      %dma_start3A_123 = tpu.memref_slice %dma_start3A_121[%add3A_108, %dma_start3A_122] : memref<5120x128xf32, #tpu.memory_space<hbm>> -> memref<64x128xf32, #tpu.memory_space<hbm>>
      %dma_start3A_124 = arith.constant 0 : i32
      %dma_start3A_125 = arith.constant 0 : i32
      %dma_start3A_126 = tpu.memref_slice %arg5[%dma_start3A_124, %dma_start3A_125] : memref<128x128xf32, #tpu.memory_space<vmem>> -> memref<64x128xf32, #tpu.memory_space<vmem>>
      tpu.enqueue_dma source(%dma_start3A_126 : memref<64x128xf32, #tpu.memory_space<vmem>>) target(%dma_start3A_123 : memref<64x128xf32, #tpu.memory_space<hbm>>) target_semaphore(%run_scoped3A : memref<!tpu.dma_semaphore, #tpu.memory_space<semaphore_mem>>)
      %dma_wait3A_127 = arith.constant 0 : i32
      %dma_wait3A_128 = arith.constant 0 : i32
      %dma_wait3A_129 = tpu.memref_slice %arg5[%dma_wait3A_127, %dma_wait3A_128] : memref<128x128xf32, #tpu.memory_space<vmem>> -> memref<64x128xf32, #tpu.memory_space<vmem>>
      %dma_wait3A_130 = arith.constant 0 : i32
      %dma_wait3A_131 = arith.constant 0 : i32
      %dma_wait3A_132 = tpu.memref_slice %arg3[%arg0, %dma_wait3A_130, %dma_wait3A_131] : memref<2x5120x128xf32, #tpu.memory_space<hbm>> -> memref<1x5120x128xf32, #tpu.memory_space<hbm>>
      %dma_wait3A_133 = tpu.memref_squeeze %dma_wait3A_132 : memref<1x5120x128xf32, #tpu.memory_space<hbm>> -> memref<5120x128xf32, #tpu.memory_space<hbm>>
      %dma_wait3A_134 = arith.constant 0 : i32
      %dma_wait3A_135 = tpu.memref_slice %dma_wait3A_133[%add3A_108, %dma_wait3A_134] : memref<5120x128xf32, #tpu.memory_space<hbm>> -> memref<64x128xf32, #tpu.memory_space<hbm>>
      %dma_wait3A_136 = arith.constant 0 : i32
      %dma_wait3A_137 = arith.constant 0 : i32
      %dma_wait3A_138 = tpu.memref_slice %arg3[%arg0, %dma_wait3A_136, %dma_wait3A_137] : memref<2x5120x128xf32, #tpu.memory_space<hbm>> -> memref<1x5120x128xf32, #tpu.memory_space<hbm>>
      %dma_wait3A_139 = tpu.memref_squeeze %dma_wait3A_138 : memref<1x5120x128xf32, #tpu.memory_space<hbm>> -> memref<5120x128xf32, #tpu.memory_space<hbm>>
      %dma_wait3A_140 = arith.constant 0 : i32
      %dma_wait3A_141 = tpu.memref_slice %dma_wait3A_139[%add3A_108, %dma_wait3A_140] : memref<5120x128xf32, #tpu.memory_space<hbm>> -> memref<64x128xf32, #tpu.memory_space<hbm>>
      %dma_wait3A_142 = arith.constant 0 : i32
      %dma_wait3A_143 = arith.constant 0 : i32
      %dma_wait3A_144 = tpu.memref_slice %arg5[%dma_wait3A_142, %dma_wait3A_143] : memref<128x128xf32, #tpu.memory_space<vmem>> -> memref<64x128xf32, #tpu.memory_space<vmem>>
      tpu.wait_dma2 semaphore(%run_scoped3A : memref<!tpu.dma_semaphore, #tpu.memory_space<semaphore_mem>>) src(%dma_wait3A_144 : memref<64x128xf32, #tpu.memory_space<vmem>>) dst(%dma_wait3A_141 : memref<64x128xf32, #tpu.memory_space<hbm>>)
      tpu.yield
    }) : () -> ()
    return
  }
}

#map = affine_map<(d0, d1) -> (0, 0)>
#map1 = affine_map<(d0, d1) -> (0, 0, 0)>
module attributes {stable_mosaic.version = 14 : i64} {
  func.func @_sc_scatter_body(%arg0: i32, %arg1: i32, %arg2: memref<10240x128xf32, #tpu.memory_space<hbm>>, %arg3: memref<32x159x128xi32, #tpu.memory_space<hbm>>, %arg4: memref<32x159x128xi32, #tpu.memory_space<hbm>>, %arg5: memref<2x5120x128xf32, #tpu.memory_space<hbm>>, %arg6: memref<159x128xi32, #tpu.memory_space<vmem>>, %arg7: memref<159x128xi32, #tpu.memory_space<vmem>>, %arg8: memref<128x128xf32, #tpu.memory_space<vmem>>, %arg9: memref<128x128xf32, #tpu.memory_space<vmem>>, %arg10: memref<128x128xf32, #tpu.memory_space<vmem>>, %arg11: memref<5120x128xf32, #tpu.memory_space<vmem_shared>>, %arg12: memref<!tpu.dma_semaphore, #tpu.memory_space<semaphore_mem>>, %arg13: memref<!tpu.dma_semaphore, #tpu.memory_space<semaphore_mem>>, %arg14: memref<!tpu.dma_semaphore, #tpu.memory_space<semaphore_mem>>, %arg15: memref<!tpu.dma_semaphore, #tpu.memory_space<semaphore_mem>>, %arg16: memref<!tpu.dma_semaphore, #tpu.memory_space<semaphore_mem>>, %arg17: memref<!tpu.dma_semaphore, #tpu.memory_space<semaphore_mem>>) attributes {dimension_semantics = [#tpu.dimension_semantics<core_parallel>, #tpu.dimension_semantics<subcore_parallel>], iteration_bounds = array<i64: 2, 16>, scalar_prefetch = 0 : i64, scratch_operands = 12 : i64, tpu.core_type = #tpu.core_type<sc_vector_subcore>, window_params = [{transform_indices = #map}, {transform_indices = #map1}, {transform_indices = #map1}, {transform_indices = #map1}]} {
    %mul3A = arith.constant 16 : i32
    %mul3A_0 = arith.muli %arg0, %mul3A : i32
    %add3A = arith.addi %mul3A_0, %arg1 : i32
    %mul3A_1 = arith.constant 320 : i32
    %mul3A_2 = arith.muli %arg1, %mul3A_1 : i32
    "tpu.region"() ({
      %run_scoped3A = tpu.sem_alloc : memref<!tpu.dma_semaphore, #tpu.memory_space<semaphore_mem>>
      %dma_start3A_68 = arith.constant 0 : i32
      %dma_start3A_69 = arith.constant 0 : i32
      %dma_start3A_70 = tpu.memref_slice %arg3[%add3A, %dma_start3A_68, %dma_start3A_69] : memref<32x159x128xi32, #tpu.memory_space<hbm>> -> memref<1x159x128xi32, #tpu.memory_space<hbm>>
      %dma_start3A_71 = tpu.memref_squeeze %dma_start3A_70 : memref<1x159x128xi32, #tpu.memory_space<hbm>> -> memref<159x128xi32, #tpu.memory_space<hbm>>
      %dma_start3A_72 = arith.constant 0 : i32
      %dma_start3A_73 = arith.constant 0 : i32
      %dma_start3A_74 = tpu.memref_slice %arg3[%add3A, %dma_start3A_72, %dma_start3A_73] : memref<32x159x128xi32, #tpu.memory_space<hbm>> -> memref<1x159x128xi32, #tpu.memory_space<hbm>>
      %dma_start3A_75 = tpu.memref_squeeze %dma_start3A_74 : memref<1x159x128xi32, #tpu.memory_space<hbm>> -> memref<159x128xi32, #tpu.memory_space<hbm>>
      tpu.enqueue_dma source(%dma_start3A_75 : memref<159x128xi32, #tpu.memory_space<hbm>>) target(%arg6 : memref<159x128xi32, #tpu.memory_space<vmem>>) target_semaphore(%run_scoped3A : memref<!tpu.dma_semaphore, #tpu.memory_space<semaphore_mem>>)
      %dma_wait3A_76 = arith.constant 0 : i32
      %dma_wait3A_77 = arith.constant 0 : i32
      %dma_wait3A_78 = tpu.memref_slice %arg3[%add3A, %dma_wait3A_76, %dma_wait3A_77] : memref<32x159x128xi32, #tpu.memory_space<hbm>> -> memref<1x159x128xi32, #tpu.memory_space<hbm>>
      %dma_wait3A_79 = tpu.memref_squeeze %dma_wait3A_78 : memref<1x159x128xi32, #tpu.memory_space<hbm>> -> memref<159x128xi32, #tpu.memory_space<hbm>>
      %dma_wait3A_80 = arith.constant 0 : i32
      %dma_wait3A_81 = arith.constant 0 : i32
      %dma_wait3A_82 = tpu.memref_slice %arg3[%add3A, %dma_wait3A_80, %dma_wait3A_81] : memref<32x159x128xi32, #tpu.memory_space<hbm>> -> memref<1x159x128xi32, #tpu.memory_space<hbm>>
      %dma_wait3A_83 = tpu.memref_squeeze %dma_wait3A_82 : memref<1x159x128xi32, #tpu.memory_space<hbm>> -> memref<159x128xi32, #tpu.memory_space<hbm>>
      tpu.wait_dma2 semaphore(%run_scoped3A : memref<!tpu.dma_semaphore, #tpu.memory_space<semaphore_mem>>) src(%dma_wait3A_83 : memref<159x128xi32, #tpu.memory_space<hbm>>) dst(%arg6 : memref<159x128xi32, #tpu.memory_space<vmem>>)
      tpu.yield
    }) : () -> ()
    "tpu.region"() ({
      %run_scoped3A = tpu.sem_alloc : memref<!tpu.dma_semaphore, #tpu.memory_space<semaphore_mem>>
      %dma_start3A_68 = arith.constant 0 : i32
      %dma_start3A_69 = arith.constant 0 : i32
      %dma_start3A_70 = tpu.memref_slice %arg4[%add3A, %dma_start3A_68, %dma_start3A_69] : memref<32x159x128xi32, #tpu.memory_space<hbm>> -> memref<1x159x128xi32, #tpu.memory_space<hbm>>
      %dma_start3A_71 = tpu.memref_squeeze %dma_start3A_70 : memref<1x159x128xi32, #tpu.memory_space<hbm>> -> memref<159x128xi32, #tpu.memory_space<hbm>>
      %dma_start3A_72 = arith.constant 0 : i32
      %dma_start3A_73 = arith.constant 0 : i32
      %dma_start3A_74 = tpu.memref_slice %arg4[%add3A, %dma_start3A_72, %dma_start3A_73] : memref<32x159x128xi32, #tpu.memory_space<hbm>> -> memref<1x159x128xi32, #tpu.memory_space<hbm>>
      %dma_start3A_75 = tpu.memref_squeeze %dma_start3A_74 : memref<1x159x128xi32, #tpu.memory_space<hbm>> -> memref<159x128xi32, #tpu.memory_space<hbm>>
      tpu.enqueue_dma source(%dma_start3A_75 : memref<159x128xi32, #tpu.memory_space<hbm>>) target(%arg7 : memref<159x128xi32, #tpu.memory_space<vmem>>) target_semaphore(%run_scoped3A : memref<!tpu.dma_semaphore, #tpu.memory_space<semaphore_mem>>)
      %dma_wait3A_76 = arith.constant 0 : i32
      %dma_wait3A_77 = arith.constant 0 : i32
      %dma_wait3A_78 = tpu.memref_slice %arg4[%add3A, %dma_wait3A_76, %dma_wait3A_77] : memref<32x159x128xi32, #tpu.memory_space<hbm>> -> memref<1x159x128xi32, #tpu.memory_space<hbm>>
      %dma_wait3A_79 = tpu.memref_squeeze %dma_wait3A_78 : memref<1x159x128xi32, #tpu.memory_space<hbm>> -> memref<159x128xi32, #tpu.memory_space<hbm>>
      %dma_wait3A_80 = arith.constant 0 : i32
      %dma_wait3A_81 = arith.constant 0 : i32
      %dma_wait3A_82 = tpu.memref_slice %arg4[%add3A, %dma_wait3A_80, %dma_wait3A_81] : memref<32x159x128xi32, #tpu.memory_space<hbm>> -> memref<1x159x128xi32, #tpu.memory_space<hbm>>
      %dma_wait3A_83 = tpu.memref_squeeze %dma_wait3A_82 : memref<1x159x128xi32, #tpu.memory_space<hbm>> -> memref<159x128xi32, #tpu.memory_space<hbm>>
      tpu.wait_dma2 semaphore(%run_scoped3A : memref<!tpu.dma_semaphore, #tpu.memory_space<semaphore_mem>>) src(%dma_wait3A_83 : memref<159x128xi32, #tpu.memory_space<hbm>>) dst(%arg7 : memref<159x128xi32, #tpu.memory_space<vmem>>)
      tpu.yield
    }) : () -> ()
    %dma_start3A = arith.constant 0 : i32
    %dma_start3A_3 = arith.constant 0 : i32
    %dma_start3A_4 = tpu.memref_slice %arg6[%dma_start3A, %dma_start3A_3] : memref<159x128xi32, #tpu.memory_space<vmem>> -> memref<1x128xi32, #tpu.memory_space<vmem>>
    %dma_start3A_5 = tpu.memref_squeeze %dma_start3A_4 : memref<1x128xi32, #tpu.memory_space<vmem>> -> memref<128xi32, #tpu.memory_space<vmem>>
    %dma_start3A_6 = arith.constant 0 : i32
    %dma_start3A_7 = arith.constant 0 : i32
    %dma_start3A_8 = tpu.memref_slice %arg2[%dma_start3A_6, %dma_start3A_7] : memref<10240x128xf32, #tpu.memory_space<hbm>> -> memref<10240x128xf32, #tpu.memory_space<hbm>>
    %dma_start3A_9 = arith.constant -1 : i32
    tpu.enqueue_indirect_dma source(%dma_start3A_8 : memref<10240x128xf32, #tpu.memory_space<hbm>>) target(%arg8 : memref<128x128xf32, #tpu.memory_space<vmem>>) offsets(%dma_start3A_5 : memref<128xi32, #tpu.memory_space<vmem>>) offset_filter(%dma_start3A_9) semaphore(%arg12 : memref<!tpu.dma_semaphore, #tpu.memory_space<semaphore_mem>>)
    %dma_start3A_10 = arith.constant 1 : i32
    %dma_start3A_11 = arith.constant 0 : i32
    %dma_start3A_12 = tpu.memref_slice %arg6[%dma_start3A_10, %dma_start3A_11] : memref<159x128xi32, #tpu.memory_space<vmem>> -> memref<1x128xi32, #tpu.memory_space<vmem>>
    %dma_start3A_13 = tpu.memref_squeeze %dma_start3A_12 : memref<1x128xi32, #tpu.memory_space<vmem>> -> memref<128xi32, #tpu.memory_space<vmem>>
    %dma_start3A_14 = arith.constant 0 : i32
    %dma_start3A_15 = arith.constant 0 : i32
    %dma_start3A_16 = tpu.memref_slice %arg2[%dma_start3A_14, %dma_start3A_15] : memref<10240x128xf32, #tpu.memory_space<hbm>> -> memref<10240x128xf32, #tpu.memory_space<hbm>>
    %dma_start3A_17 = arith.constant -1 : i32
    tpu.enqueue_indirect_dma source(%dma_start3A_16 : memref<10240x128xf32, #tpu.memory_space<hbm>>) target(%arg9 : memref<128x128xf32, #tpu.memory_space<vmem>>) offsets(%dma_start3A_13 : memref<128xi32, #tpu.memory_space<vmem>>) offset_filter(%dma_start3A_17) semaphore(%arg13 : memref<!tpu.dma_semaphore, #tpu.memory_space<semaphore_mem>>)
    %scan3A = arith.constant 0 : i32
    %scan3A_18 = arith.constant 64 : i32
    %scan3A_19 = arith.addi %scan3A, %scan3A_18 : i32
    %scan3A_20 = arith.constant 1 : i32
    scf.for %scan3A_68 = %scan3A to %scan3A_19 step %scan3A_20  : i32 {
      %mul3A_69 = arith.constant 1 : i32
      %mul3A_70 = arith.muli %scan3A_68, %mul3A_69 : i32
      %add3A_71 = arith.constant 0 : i32
      %add3A_72 = arith.addi %add3A_71, %mul3A_70 : i32
      %broadcast_in_dim3A = arith.constant 0.000000e+00 : f32
      %broadcast_in_dim3A_73 = vector.broadcast %broadcast_in_dim3A : f32 to vector<16xf32>
      %swap3A = arith.index_cast %add3A_72 : i32 to index
      %swap3A_74 = arith.constant 0 : index
      %swap3A_75 = tpu.vector_load %arg10[%swap3A, %swap3A_74] {strides = array<i32>} : memref<128x128xf32, #tpu.memory_space<vmem>>, vector<1x16xf32>,
      %swap3A_76 = vector.shape_cast %swap3A_75 : vector<1x16xf32> to vector<16xf32>
      %swap3A_77 = vector.shape_cast %broadcast_in_dim3A_73 : vector<16xf32> to vector<1x16xf32>
      tpu.vector_store %arg10[%swap3A, %swap3A_74], %swap3A_77 {strides = array<i32>} : memref<128x128xf32, #tpu.memory_space<vmem>>, vector<1x16xf32>,
      %broadcast_in_dim3A_78 = arith.constant 0.000000e+00 : f32
      %broadcast_in_dim3A_79 = vector.broadcast %broadcast_in_dim3A_78 : f32 to vector<16xf32>
      %swap3A_80 = arith.index_cast %add3A_72 : i32 to index
      %swap3A_81 = arith.constant 16 : index
      %swap3A_82 = tpu.vector_load %arg10[%swap3A_80, %swap3A_81] {strides = array<i32>} : memref<128x128xf32, #tpu.memory_space<vmem>>, vector<1x16xf32>,
      %swap3A_83 = vector.shape_cast %swap3A_82 : vector<1x16xf32> to vector<16xf32>
      %swap3A_84 = vector.shape_cast %broadcast_in_dim3A_79 : vector<16xf32> to vector<1x16xf32>
      tpu.vector_store %arg10[%swap3A_80, %swap3A_81], %swap3A_84 {strides = array<i32>} : memref<128x128xf32, #tpu.memory_space<vmem>>, vector<1x16xf32>,
      %broadcast_in_dim3A_85 = arith.constant 0.000000e+00 : f32
      %broadcast_in_dim3A_86 = vector.broadcast %broadcast_in_dim3A_85 : f32 to vector<16xf32>
      %swap3A_87 = arith.index_cast %add3A_72 : i32 to index
      %swap3A_88 = arith.constant 32 : index
      %swap3A_89 = tpu.vector_load %arg10[%swap3A_87, %swap3A_88] {strides = array<i32>} : memref<128x128xf32, #tpu.memory_space<vmem>>, vector<1x16xf32>,
      %swap3A_90 = vector.shape_cast %swap3A_89 : vector<1x16xf32> to vector<16xf32>
      %swap3A_91 = vector.shape_cast %broadcast_in_dim3A_86 : vector<16xf32> to vector<1x16xf32>
      tpu.vector_store %arg10[%swap3A_87, %swap3A_88], %swap3A_91 {strides = array<i32>} : memref<128x128xf32, #tpu.memory_space<vmem>>, vector<1x16xf32>,
      %broadcast_in_dim3A_92 = arith.constant 0.000000e+00 : f32
      %broadcast_in_dim3A_93 = vector.broadcast %broadcast_in_dim3A_92 : f32 to vector<16xf32>
      %swap3A_94 = arith.index_cast %add3A_72 : i32 to index
      %swap3A_95 = arith.constant 48 : index
      %swap3A_96 = tpu.vector_load %arg10[%swap3A_94, %swap3A_95] {strides = array<i32>} : memref<128x128xf32, #tpu.memory_space<vmem>>, vector<1x16xf32>,
      %swap3A_97 = vector.shape_cast %swap3A_96 : vector<1x16xf32> to vector<16xf32>
      %swap3A_98 = vector.shape_cast %broadcast_in_dim3A_93 : vector<16xf32> to vector<1x16xf32>
      tpu.vector_store %arg10[%swap3A_94, %swap3A_95], %swap3A_98 {strides = array<i32>} : memref<128x128xf32, #tpu.memory_space<vmem>>, vector<1x16xf32>,
      %broadcast_in_dim3A_99 = arith.constant 0.000000e+00 : f32
      %broadcast_in_dim3A_100 = vector.broadcast %broadcast_in_dim3A_99 : f32 to vector<16xf32>
      %swap3A_101 = arith.index_cast %add3A_72 : i32 to index
      %swap3A_102 = arith.constant 64 : index
      %swap3A_103 = tpu.vector_load %arg10[%swap3A_101, %swap3A_102] {strides = array<i32>} : memref<128x128xf32, #tpu.memory_space<vmem>>, vector<1x16xf32>,
      %swap3A_104 = vector.shape_cast %swap3A_103 : vector<1x16xf32> to vector<16xf32>
      %swap3A_105 = vector.shape_cast %broadcast_in_dim3A_100 : vector<16xf32> to vector<1x16xf32>
      tpu.vector_store %arg10[%swap3A_101, %swap3A_102], %swap3A_105 {strides = array<i32>} : memref<128x128xf32, #tpu.memory_space<vmem>>, vector<1x16xf32>,
      %broadcast_in_dim3A_106 = arith.constant 0.000000e+00 : f32
      %broadcast_in_dim3A_107 = vector.broadcast %broadcast_in_dim3A_106 : f32 to vector<16xf32>
      %swap3A_108 = arith.index_cast %add3A_72 : i32 to index
      %swap3A_109 = arith.constant 80 : index
      %swap3A_110 = tpu.vector_load %arg10[%swap3A_108, %swap3A_109] {strides = array<i32>} : memref<128x128xf32, #tpu.memory_space<vmem>>, vector<1x16xf32>,
      %swap3A_111 = vector.shape_cast %swap3A_110 : vector<1x16xf32> to vector<16xf32>
      %swap3A_112 = vector.shape_cast %broadcast_in_dim3A_107 : vector<16xf32> to vector<1x16xf32>
      tpu.vector_store %arg10[%swap3A_108, %swap3A_109], %swap3A_112 {strides = array<i32>} : memref<128x128xf32, #tpu.memory_space<vmem>>, vector<1x16xf32>,
      %broadcast_in_dim3A_113 = arith.constant 0.000000e+00 : f32
      %broadcast_in_dim3A_114 = vector.broadcast %broadcast_in_dim3A_113 : f32 to vector<16xf32>
      %swap3A_115 = arith.index_cast %add3A_72 : i32 to index
      %swap3A_116 = arith.constant 96 : index
      %swap3A_117 = tpu.vector_load %arg10[%swap3A_115, %swap3A_116] {strides = array<i32>} : memref<128x128xf32, #tpu.memory_space<vmem>>, vector<1x16xf32>,
      %swap3A_118 = vector.shape_cast %swap3A_117 : vector<1x16xf32> to vector<16xf32>
      %swap3A_119 = vector.shape_cast %broadcast_in_dim3A_114 : vector<16xf32> to vector<1x16xf32>
      tpu.vector_store %arg10[%swap3A_115, %swap3A_116], %swap3A_119 {strides = array<i32>} : memref<128x128xf32, #tpu.memory_space<vmem>>, vector<1x16xf32>,
      %broadcast_in_dim3A_120 = arith.constant 0.000000e+00 : f32
      %broadcast_in_dim3A_121 = vector.broadcast %broadcast_in_dim3A_120 : f32 to vector<16xf32>
      %swap3A_122 = arith.index_cast %add3A_72 : i32 to index
      %swap3A_123 = arith.constant 112 : index
      %swap3A_124 = tpu.vector_load %arg10[%swap3A_122, %swap3A_123] {strides = array<i32>} : memref<128x128xf32, #tpu.memory_space<vmem>>, vector<1x16xf32>,
      %swap3A_125 = vector.shape_cast %swap3A_124 : vector<1x16xf32> to vector<16xf32>
      %swap3A_126 = vector.shape_cast %broadcast_in_dim3A_121 : vector<16xf32> to vector<1x16xf32>
      tpu.vector_store %arg10[%swap3A_122, %swap3A_123], %swap3A_126 {strides = array<i32>} : memref<128x128xf32, #tpu.memory_space<vmem>>, vector<1x16xf32>,
    }
    %scan3A_21 = arith.constant 64 : i32
    %add3A_22 = arith.constant 0 : i32
    %add3A_23 = arith.addi %mul3A_2, %add3A_22 : i32
    "tpu.region"() ({
      %run_scoped3A = tpu.sem_alloc : memref<!tpu.dma_semaphore, #tpu.memory_space<semaphore_mem>>
      %dma_start3A_68 = arith.constant 0 : i32
      %dma_start3A_69 = arith.constant 0 : i32
      %dma_start3A_70 = tpu.memref_slice %arg10[%dma_start3A_68, %dma_start3A_69] : memref<128x128xf32, #tpu.memory_space<vmem>> -> memref<64x128xf32, #tpu.memory_space<vmem>>
      %dma_start3A_71 = arith.constant 0 : i32
      %dma_start3A_72 = tpu.memref_slice %arg11[%add3A_23, %dma_start3A_71] : memref<5120x128xf32, #tpu.memory_space<vmem_shared>> -> memref<64x128xf32, #tpu.memory_space<vmem_shared>>
      %dma_start3A_73 = arith.constant 0 : i32
      %dma_start3A_74 = tpu.memref_slice %arg11[%add3A_23, %dma_start3A_73] : memref<5120x128xf32, #tpu.memory_space<vmem_shared>> -> memref<64x128xf32, #tpu.memory_space<vmem_shared>>
      %dma_start3A_75 = arith.constant 0 : i32
      %dma_start3A_76 = arith.constant 0 : i32
      %dma_start3A_77 = tpu.memref_slice %arg10[%dma_start3A_75, %dma_start3A_76] : memref<128x128xf32, #tpu.memory_space<vmem>> -> memref<64x128xf32, #tpu.memory_space<vmem>>
      tpu.enqueue_dma source(%dma_start3A_77 : memref<64x128xf32, #tpu.memory_space<vmem>>) target(%dma_start3A_74 : memref<64x128xf32, #tpu.memory_space<vmem_shared>>) target_semaphore(%run_scoped3A : memref<!tpu.dma_semaphore, #tpu.memory_space<semaphore_mem>>)
      %dma_wait3A_78 = arith.constant 0 : i32
      %dma_wait3A_79 = arith.constant 0 : i32
      %dma_wait3A_80 = tpu.memref_slice %arg10[%dma_wait3A_78, %dma_wait3A_79] : memref<128x128xf32, #tpu.memory_space<vmem>> -> memref<64x128xf32, #tpu.memory_space<vmem>>
      %dma_wait3A_81 = arith.constant 0 : i32
      %dma_wait3A_82 = tpu.memref_slice %arg11[%add3A_23, %dma_wait3A_81] : memref<5120x128xf32, #tpu.memory_space<vmem_shared>> -> memref<64x128xf32, #tpu.memory_space<vmem_shared>>
      %dma_wait3A_83 = arith.constant 0 : i32
      %dma_wait3A_84 = tpu.memref_slice %arg11[%add3A_23, %dma_wait3A_83] : memref<5120x128xf32, #tpu.memory_space<vmem_shared>> -> memref<64x128xf32, #tpu.memory_space<vmem_shared>>
      %dma_wait3A_85 = arith.constant 0 : i32
      %dma_wait3A_86 = arith.constant 0 : i32
      %dma_wait3A_87 = tpu.memref_slice %arg10[%dma_wait3A_85, %dma_wait3A_86] : memref<128x128xf32, #tpu.memory_space<vmem>> -> memref<64x128xf32, #tpu.memory_space<vmem>>
      tpu.wait_dma2 semaphore(%run_scoped3A : memref<!tpu.dma_semaphore, #tpu.memory_space<semaphore_mem>>) src(%dma_wait3A_87 : memref<64x128xf32, #tpu.memory_space<vmem>>) dst(%dma_wait3A_84 : memref<64x128xf32, #tpu.memory_space<vmem_shared>>)
      tpu.yield
    }) : () -> ()
    %add3A_24 = arith.constant 64 : i32
    %add3A_25 = arith.addi %mul3A_2, %add3A_24 : i32
    "tpu.region"() ({
      %run_scoped3A = tpu.sem_alloc : memref<!tpu.dma_semaphore, #tpu.memory_space<semaphore_mem>>
      %dma_start3A_68 = arith.constant 0 : i32
      %dma_start3A_69 = arith.constant 0 : i32
      %dma_start3A_70 = tpu.memref_slice %arg10[%dma_start3A_68, %dma_start3A_69] : memref<128x128xf32, #tpu.memory_space<vmem>> -> memref<64x128xf32, #tpu.memory_space<vmem>>
      %dma_start3A_71 = arith.constant 0 : i32
      %dma_start3A_72 = tpu.memref_slice %arg11[%add3A_25, %dma_start3A_71] : memref<5120x128xf32, #tpu.memory_space<vmem_shared>> -> memref<64x128xf32, #tpu.memory_space<vmem_shared>>
      %dma_start3A_73 = arith.constant 0 : i32
      %dma_start3A_74 = tpu.memref_slice %arg11[%add3A_25, %dma_start3A_73] : memref<5120x128xf32, #tpu.memory_space<vmem_shared>> -> memref<64x128xf32, #tpu.memory_space<vmem_shared>>
      %dma_start3A_75 = arith.constant 0 : i32
      %dma_start3A_76 = arith.constant 0 : i32
      %dma_start3A_77 = tpu.memref_slice %arg10[%dma_start3A_75, %dma_start3A_76] : memref<128x128xf32, #tpu.memory_space<vmem>> -> memref<64x128xf32, #tpu.memory_space<vmem>>
      tpu.enqueue_dma source(%dma_start3A_77 : memref<64x128xf32, #tpu.memory_space<vmem>>) target(%dma_start3A_74 : memref<64x128xf32, #tpu.memory_space<vmem_shared>>) target_semaphore(%run_scoped3A : memref<!tpu.dma_semaphore, #tpu.memory_space<semaphore_mem>>)
      %dma_wait3A_78 = arith.constant 0 : i32
      %dma_wait3A_79 = arith.constant 0 : i32
      %dma_wait3A_80 = tpu.memref_slice %arg10[%dma_wait3A_78, %dma_wait3A_79] : memref<128x128xf32, #tpu.memory_space<vmem>> -> memref<64x128xf32, #tpu.memory_space<vmem>>
      %dma_wait3A_81 = arith.constant 0 : i32
      %dma_wait3A_82 = tpu.memref_slice %arg11[%add3A_25, %dma_wait3A_81] : memref<5120x128xf32, #tpu.memory_space<vmem_shared>> -> memref<64x128xf32, #tpu.memory_space<vmem_shared>>
      %dma_wait3A_83 = arith.constant 0 : i32
      %dma_wait3A_84 = tpu.memref_slice %arg11[%add3A_25, %dma_wait3A_83] : memref<5120x128xf32, #tpu.memory_space<vmem_shared>> -> memref<64x128xf32, #tpu.memory_space<vmem_shared>>
      %dma_wait3A_85 = arith.constant 0 : i32
      %dma_wait3A_86 = arith.constant 0 : i32
      %dma_wait3A_87 = tpu.memref_slice %arg10[%dma_wait3A_85, %dma_wait3A_86] : memref<128x128xf32, #tpu.memory_space<vmem>> -> memref<64x128xf32, #tpu.memory_space<vmem>>
      tpu.wait_dma2 semaphore(%run_scoped3A : memref<!tpu.dma_semaphore, #tpu.memory_space<semaphore_mem>>) src(%dma_wait3A_87 : memref<64x128xf32, #tpu.memory_space<vmem>>) dst(%dma_wait3A_84 : memref<64x128xf32, #tpu.memory_space<vmem_shared>>)
      tpu.yield
    }) : () -> ()
    %add3A_26 = arith.constant 128 : i32
    %add3A_27 = arith.addi %mul3A_2, %add3A_26 : i32
    "tpu.region"() ({
      %run_scoped3A = tpu.sem_alloc : memref<!tpu.dma_semaphore, #tpu.memory_space<semaphore_mem>>
      %dma_start3A_68 = arith.constant 0 : i32
      %dma_start3A_69 = arith.constant 0 : i32
      %dma_start3A_70 = tpu.memref_slice %arg10[%dma_start3A_68, %dma_start3A_69] : memref<128x128xf32, #tpu.memory_space<vmem>> -> memref<64x128xf32, #tpu.memory_space<vmem>>
      %dma_start3A_71 = arith.constant 0 : i32
      %dma_start3A_72 = tpu.memref_slice %arg11[%add3A_27, %dma_start3A_71] : memref<5120x128xf32, #tpu.memory_space<vmem_shared>> -> memref<64x128xf32, #tpu.memory_space<vmem_shared>>
      %dma_start3A_73 = arith.constant 0 : i32
      %dma_start3A_74 = tpu.memref_slice %arg11[%add3A_27, %dma_start3A_73] : memref<5120x128xf32, #tpu.memory_space<vmem_shared>> -> memref<64x128xf32, #tpu.memory_space<vmem_shared>>
      %dma_start3A_75 = arith.constant 0 : i32
      %dma_start3A_76 = arith.constant 0 : i32
      %dma_start3A_77 = tpu.memref_slice %arg10[%dma_start3A_75, %dma_start3A_76] : memref<128x128xf32, #tpu.memory_space<vmem>> -> memref<64x128xf32, #tpu.memory_space<vmem>>
      tpu.enqueue_dma source(%dma_start3A_77 : memref<64x128xf32, #tpu.memory_space<vmem>>) target(%dma_start3A_74 : memref<64x128xf32, #tpu.memory_space<vmem_shared>>) target_semaphore(%run_scoped3A : memref<!tpu.dma_semaphore, #tpu.memory_space<semaphore_mem>>)
      %dma_wait3A_78 = arith.constant 0 : i32
      %dma_wait3A_79 = arith.constant 0 : i32
      %dma_wait3A_80 = tpu.memref_slice %arg10[%dma_wait3A_78, %dma_wait3A_79] : memref<128x128xf32, #tpu.memory_space<vmem>> -> memref<64x128xf32, #tpu.memory_space<vmem>>
      %dma_wait3A_81 = arith.constant 0 : i32
      %dma_wait3A_82 = tpu.memref_slice %arg11[%add3A_27, %dma_wait3A_81] : memref<5120x128xf32, #tpu.memory_space<vmem_shared>> -> memref<64x128xf32, #tpu.memory_space<vmem_shared>>
      %dma_wait3A_83 = arith.constant 0 : i32
      %dma_wait3A_84 = tpu.memref_slice %arg11[%add3A_27, %dma_wait3A_83] : memref<5120x128xf32, #tpu.memory_space<vmem_shared>> -> memref<64x128xf32, #tpu.memory_space<vmem_shared>>
      %dma_wait3A_85 = arith.constant 0 : i32
      %dma_wait3A_86 = arith.constant 0 : i32
      %dma_wait3A_87 = tpu.memref_slice %arg10[%dma_wait3A_85, %dma_wait3A_86] : memref<128x128xf32, #tpu.memory_space<vmem>> -> memref<64x128xf32, #tpu.memory_space<vmem>>
      tpu.wait_dma2 semaphore(%run_scoped3A : memref<!tpu.dma_semaphore, #tpu.memory_space<semaphore_mem>>) src(%dma_wait3A_87 : memref<64x128xf32, #tpu.memory_space<vmem>>) dst(%dma_wait3A_84 : memref<64x128xf32, #tpu.memory_space<vmem_shared>>)
      tpu.yield
    }) : () -> ()
    %add3A_28 = arith.constant 192 : i32
    %add3A_29 = arith.addi %mul3A_2, %add3A_28 : i32
    "tpu.region"() ({
      %run_scoped3A = tpu.sem_alloc : memref<!tpu.dma_semaphore, #tpu.memory_space<semaphore_mem>>
      %dma_start3A_68 = arith.constant 0 : i32
      %dma_start3A_69 = arith.constant 0 : i32
      %dma_start3A_70 = tpu.memref_slice %arg10[%dma_start3A_68, %dma_start3A_69] : memref<128x128xf32, #tpu.memory_space<vmem>> -> memref<64x128xf32, #tpu.memory_space<vmem>>
      %dma_start3A_71 = arith.constant 0 : i32
      %dma_start3A_72 = tpu.memref_slice %arg11[%add3A_29, %dma_start3A_71] : memref<5120x128xf32, #tpu.memory_space<vmem_shared>> -> memref<64x128xf32, #tpu.memory_space<vmem_shared>>
      %dma_start3A_73 = arith.constant 0 : i32
      %dma_start3A_74 = tpu.memref_slice %arg11[%add3A_29, %dma_start3A_73] : memref<5120x128xf32, #tpu.memory_space<vmem_shared>> -> memref<64x128xf32, #tpu.memory_space<vmem_shared>>
      %dma_start3A_75 = arith.constant 0 : i32
      %dma_start3A_76 = arith.constant 0 : i32
      %dma_start3A_77 = tpu.memref_slice %arg10[%dma_start3A_75, %dma_start3A_76] : memref<128x128xf32, #tpu.memory_space<vmem>> -> memref<64x128xf32, #tpu.memory_space<vmem>>
      tpu.enqueue_dma source(%dma_start3A_77 : memref<64x128xf32, #tpu.memory_space<vmem>>) target(%dma_start3A_74 : memref<64x128xf32, #tpu.memory_space<vmem_shared>>) target_semaphore(%run_scoped3A : memref<!tpu.dma_semaphore, #tpu.memory_space<semaphore_mem>>)
      %dma_wait3A_78 = arith.constant 0 : i32
      %dma_wait3A_79 = arith.constant 0 : i32
      %dma_wait3A_80 = tpu.memref_slice %arg10[%dma_wait3A_78, %dma_wait3A_79] : memref<128x128xf32, #tpu.memory_space<vmem>> -> memref<64x128xf32, #tpu.memory_space<vmem>>
      %dma_wait3A_81 = arith.constant 0 : i32
      %dma_wait3A_82 = tpu.memref_slice %arg11[%add3A_29, %dma_wait3A_81] : memref<5120x128xf32, #tpu.memory_space<vmem_shared>> -> memref<64x128xf32, #tpu.memory_space<vmem_shared>>
      %dma_wait3A_83 = arith.constant 0 : i32
      %dma_wait3A_84 = tpu.memref_slice %arg11[%add3A_29, %dma_wait3A_83] : memref<5120x128xf32, #tpu.memory_space<vmem_shared>> -> memref<64x128xf32, #tpu.memory_space<vmem_shared>>
      %dma_wait3A_85 = arith.constant 0 : i32
      %dma_wait3A_86 = arith.constant 0 : i32
      %dma_wait3A_87 = tpu.memref_slice %arg10[%dma_wait3A_85, %dma_wait3A_86] : memref<128x128xf32, #tpu.memory_space<vmem>> -> memref<64x128xf32, #tpu.memory_space<vmem>>
      tpu.wait_dma2 semaphore(%run_scoped3A : memref<!tpu.dma_semaphore, #tpu.memory_space<semaphore_mem>>) src(%dma_wait3A_87 : memref<64x128xf32, #tpu.memory_space<vmem>>) dst(%dma_wait3A_84 : memref<64x128xf32, #tpu.memory_space<vmem_shared>>)
      tpu.yield
    }) : () -> ()
    %add3A_30 = arith.constant 256 : i32
    %add3A_31 = arith.addi %mul3A_2, %add3A_30 : i32
    "tpu.region"() ({
      %run_scoped3A = tpu.sem_alloc : memref<!tpu.dma_semaphore, #tpu.memory_space<semaphore_mem>>
      %dma_start3A_68 = arith.constant 0 : i32
      %dma_start3A_69 = arith.constant 0 : i32
      %dma_start3A_70 = tpu.memref_slice %arg10[%dma_start3A_68, %dma_start3A_69] : memref<128x128xf32, #tpu.memory_space<vmem>> -> memref<64x128xf32, #tpu.memory_space<vmem>>
      %dma_start3A_71 = arith.constant 0 : i32
      %dma_start3A_72 = tpu.memref_slice %arg11[%add3A_31, %dma_start3A_71] : memref<5120x128xf32, #tpu.memory_space<vmem_shared>> -> memref<64x128xf32, #tpu.memory_space<vmem_shared>>
      %dma_start3A_73 = arith.constant 0 : i32
      %dma_start3A_74 = tpu.memref_slice %arg11[%add3A_31, %dma_start3A_73] : memref<5120x128xf32, #tpu.memory_space<vmem_shared>> -> memref<64x128xf32, #tpu.memory_space<vmem_shared>>
      %dma_start3A_75 = arith.constant 0 : i32
      %dma_start3A_76 = arith.constant 0 : i32
      %dma_start3A_77 = tpu.memref_slice %arg10[%dma_start3A_75, %dma_start3A_76] : memref<128x128xf32, #tpu.memory_space<vmem>> -> memref<64x128xf32, #tpu.memory_space<vmem>>
      tpu.enqueue_dma source(%dma_start3A_77 : memref<64x128xf32, #tpu.memory_space<vmem>>) target(%dma_start3A_74 : memref<64x128xf32, #tpu.memory_space<vmem_shared>>) target_semaphore(%run_scoped3A : memref<!tpu.dma_semaphore, #tpu.memory_space<semaphore_mem>>)
      %dma_wait3A_78 = arith.constant 0 : i32
      %dma_wait3A_79 = arith.constant 0 : i32
      %dma_wait3A_80 = tpu.memref_slice %arg10[%dma_wait3A_78, %dma_wait3A_79] : memref<128x128xf32, #tpu.memory_space<vmem>> -> memref<64x128xf32, #tpu.memory_space<vmem>>
      %dma_wait3A_81 = arith.constant 0 : i32
      %dma_wait3A_82 = tpu.memref_slice %arg11[%add3A_31, %dma_wait3A_81] : memref<5120x128xf32, #tpu.memory_space<vmem_shared>> -> memref<64x128xf32, #tpu.memory_space<vmem_shared>>
      %dma_wait3A_83 = arith.constant 0 : i32
      %dma_wait3A_84 = tpu.memref_slice %arg11[%add3A_31, %dma_wait3A_83] : memref<5120x128xf32, #tpu.memory_space<vmem_shared>> -> memref<64x128xf32, #tpu.memory_space<vmem_shared>>
      %dma_wait3A_85 = arith.constant 0 : i32
      %dma_wait3A_86 = arith.constant 0 : i32
      %dma_wait3A_87 = tpu.memref_slice %arg10[%dma_wait3A_85, %dma_wait3A_86] : memref<128x128xf32, #tpu.memory_space<vmem>> -> memref<64x128xf32, #tpu.memory_space<vmem>>
      tpu.wait_dma2 semaphore(%run_scoped3A : memref<!tpu.dma_semaphore, #tpu.memory_space<semaphore_mem>>) src(%dma_wait3A_87 : memref<64x128xf32, #tpu.memory_space<vmem>>) dst(%dma_wait3A_84 : memref<64x128xf32, #tpu.memory_space<vmem_shared>>)
      tpu.yield
    }) : () -> ()
    %barrier3A = arith.constant 0 : index
    tpu.barrier barrier_id(%barrier3A)
    %scan3A_32 = arith.constant 0 : i32
    %scan3A_33 = arith.constant 53 : i32
    %scan3A_34 = arith.addi %scan3A_32, %scan3A_33 : i32
    %scan3A_35 = arith.constant 1 : i32
    scf.for %scan3A_68 = %scan3A_32 to %scan3A_34 step %scan3A_35  : i32 {
      %mul3A_69 = arith.constant 1 : i32
      %mul3A_70 = arith.muli %scan3A_68, %mul3A_69 : i32
      %add3A_71 = arith.constant 0 : i32
      %add3A_72 = arith.addi %add3A_71, %mul3A_70 : i32
      %mul3A_73 = arith.constant 3 : i32
      %mul3A_74 = arith.muli %add3A_72, %mul3A_73 : i32
      %add3A_75 = arith.constant 0 : i32
      %add3A_76 = arith.addi %mul3A_74, %add3A_75 : i32
      %dma_wait3A_77 = arith.constant 0 : i32
      %dma_wait3A_78 = tpu.memref_slice %arg6[%add3A_76, %dma_wait3A_77] : memref<159x128xi32, #tpu.memory_space<vmem>> -> memref<1x128xi32, #tpu.memory_space<vmem>>
      %dma_wait3A_79 = tpu.memref_squeeze %dma_wait3A_78 : memref<1x128xi32, #tpu.memory_space<vmem>> -> memref<128xi32, #tpu.memory_space<vmem>>
      %dma_wait3A_80 = arith.constant 0 : i32
      %dma_wait3A_81 = arith.constant 0 : i32
      %dma_wait3A_82 = tpu.memref_slice %arg2[%dma_wait3A_80, %dma_wait3A_81] : memref<10240x128xf32, #tpu.memory_space<hbm>> -> memref<10240x128xf32, #tpu.memory_space<hbm>>
      tpu.wait_indirect_dma semaphore(%arg12 : memref<!tpu.dma_semaphore, #tpu.memory_space<semaphore_mem>>) src(%dma_wait3A_82 : memref<10240x128xf32, #tpu.memory_space<hbm>>) dst(%arg8 : memref<128x128xf32, #tpu.memory_space<vmem>>)
      %dma_start3A_83 = arith.constant 0 : i32
      %dma_start3A_84 = tpu.memref_slice %arg7[%add3A_76, %dma_start3A_83] : memref<159x128xi32, #tpu.memory_space<vmem>> -> memref<1x128xi32, #tpu.memory_space<vmem>>
      %dma_start3A_85 = tpu.memref_squeeze %dma_start3A_84 : memref<1x128xi32, #tpu.memory_space<vmem>> -> memref<128xi32, #tpu.memory_space<vmem>>
      %dma_start3A_86 = arith.constant 0 : i32
      %dma_start3A_87 = arith.constant 0 : i32
      %dma_start3A_88 = tpu.memref_slice %arg11[%dma_start3A_86, %dma_start3A_87] : memref<5120x128xf32, #tpu.memory_space<vmem_shared>> -> memref<5120x128xf32, #tpu.memory_space<vmem_shared>>
      %dma_start3A_89 = arith.constant -1 : i32
      tpu.enqueue_indirect_dma source(%arg8 : memref<128x128xf32, #tpu.memory_space<vmem>>) target(%dma_start3A_88 : memref<5120x128xf32, #tpu.memory_space<vmem_shared>>) offsets(%dma_start3A_85 : memref<128xi32, #tpu.memory_space<vmem>>) offset_filter(%dma_start3A_89) semaphore(%arg15 : memref<!tpu.dma_semaphore, #tpu.memory_space<semaphore_mem>>) {add = true}
      %add3A_90 = arith.constant 2 : i32
      %add3A_91 = arith.addi %add3A_76, %add3A_90 : i32
      %lt3A = arith.constant 159 : i32
      %lt3A_92 = arith.cmpi slt, %add3A_91, %lt3A : i32
      %convert_element_type3A = arith.extui %lt3A_92 : i1 to i32
      %cond3A = arith.constant 0 : i32
      %cond3A_93 = arith.cmpi ne, %convert_element_type3A, %cond3A : i32
      scf.if %cond3A_93 {
        %sub3A = arith.constant 3 : i32
        %sub3A_142 = arith.subi %add3A_91, %sub3A : i32
        %ge3A = arith.constant 0 : i32
        %ge3A_143 = arith.cmpi sge, %sub3A_142, %ge3A : i32
        %convert_element_type3A_144 = arith.extui %ge3A_143 : i1 to i32
        %cond3A_145 = arith.constant 0 : i32
        %cond3A_146 = arith.cmpi ne, %convert_element_type3A_144, %cond3A_145 : i32
        scf.if %cond3A_146 {
          %dma_wait3A_154 = arith.constant 0 : i32
          %dma_wait3A_155 = tpu.memref_slice %arg7[%sub3A_142, %dma_wait3A_154] : memref<159x128xi32, #tpu.memory_space<vmem>> -> memref<1x128xi32, #tpu.memory_space<vmem>>
          %dma_wait3A_156 = tpu.memref_squeeze %dma_wait3A_155 : memref<1x128xi32, #tpu.memory_space<vmem>> -> memref<128xi32, #tpu.memory_space<vmem>>
          %dma_wait3A_157 = arith.constant 0 : i32
          %dma_wait3A_158 = arith.constant 0 : i32
          %dma_wait3A_159 = tpu.memref_slice %arg11[%dma_wait3A_157, %dma_wait3A_158] : memref<5120x128xf32, #tpu.memory_space<vmem_shared>> -> memref<5120x128xf32, #tpu.memory_space<vmem_shared>>
          tpu.wait_indirect_dma semaphore(%arg17 : memref<!tpu.dma_semaphore, #tpu.memory_space<semaphore_mem>>) src(%arg10 : memref<128x128xf32, #tpu.memory_space<vmem>>) dst(%dma_wait3A_159 : memref<5120x128xf32, #tpu.memory_space<vmem_shared>>)
        } else {
        }
        %dma_start3A_147 = arith.constant 0 : i32
        %dma_start3A_148 = tpu.memref_slice %arg6[%add3A_91, %dma_start3A_147] : memref<159x128xi32, #tpu.memory_space<vmem>> -> memref<1x128xi32, #tpu.memory_space<vmem>>
        %dma_start3A_149 = tpu.memref_squeeze %dma_start3A_148 : memref<1x128xi32, #tpu.memory_space<vmem>> -> memref<128xi32, #tpu.memory_space<vmem>>
        %dma_start3A_150 = arith.constant 0 : i32
        %dma_start3A_151 = arith.constant 0 : i32
        %dma_start3A_152 = tpu.memref_slice %arg2[%dma_start3A_150, %dma_start3A_151] : memref<10240x128xf32, #tpu.memory_space<hbm>> -> memref<10240x128xf32, #tpu.memory_space<hbm>>
        %dma_start3A_153 = arith.constant -1 : i32
        tpu.enqueue_indirect_dma source(%dma_start3A_152 : memref<10240x128xf32, #tpu.memory_space<hbm>>) target(%arg10 : memref<128x128xf32, #tpu.memory_space<vmem>>) offsets(%dma_start3A_149 : memref<128xi32, #tpu.memory_space<vmem>>) offset_filter(%dma_start3A_153) semaphore(%arg14 : memref<!tpu.dma_semaphore, #tpu.memory_space<semaphore_mem>>)
      } else {
      }
      %mul3A_94 = arith.constant 3 : i32
      %mul3A_95 = arith.muli %add3A_72, %mul3A_94 : i32
      %add3A_96 = arith.constant 1 : i32
      %add3A_97 = arith.addi %mul3A_95, %add3A_96 : i32
      %dma_wait3A_98 = arith.constant 0 : i32
      %dma_wait3A_99 = tpu.memref_slice %arg6[%add3A_97, %dma_wait3A_98] : memref<159x128xi32, #tpu.memory_space<vmem>> -> memref<1x128xi32, #tpu.memory_space<vmem>>
      %dma_wait3A_100 = tpu.memref_squeeze %dma_wait3A_99 : memref<1x128xi32, #tpu.memory_space<vmem>> -> memref<128xi32, #tpu.memory_space<vmem>>
      %dma_wait3A_101 = arith.constant 0 : i32
      %dma_wait3A_102 = arith.constant 0 : i32
      %dma_wait3A_103 = tpu.memref_slice %arg2[%dma_wait3A_101, %dma_wait3A_102] : memref<10240x128xf32, #tpu.memory_space<hbm>> -> memref<10240x128xf32, #tpu.memory_space<hbm>>
      tpu.wait_indirect_dma semaphore(%arg13 : memref<!tpu.dma_semaphore, #tpu.memory_space<semaphore_mem>>) src(%dma_wait3A_103 : memref<10240x128xf32, #tpu.memory_space<hbm>>) dst(%arg9 : memref<128x128xf32, #tpu.memory_space<vmem>>)
      %dma_start3A_104 = arith.constant 0 : i32
      %dma_start3A_105 = tpu.memref_slice %arg7[%add3A_97, %dma_start3A_104] : memref<159x128xi32, #tpu.memory_space<vmem>> -> memref<1x128xi32, #tpu.memory_space<vmem>>
      %dma_start3A_106 = tpu.memref_squeeze %dma_start3A_105 : memref<1x128xi32, #tpu.memory_space<vmem>> -> memref<128xi32, #tpu.memory_space<vmem>>
      %dma_start3A_107 = arith.constant 0 : i32
      %dma_start3A_108 = arith.constant 0 : i32
      %dma_start3A_109 = tpu.memref_slice %arg11[%dma_start3A_107, %dma_start3A_108] : memref<5120x128xf32, #tpu.memory_space<vmem_shared>> -> memref<5120x128xf32, #tpu.memory_space<vmem_shared>>
      %dma_start3A_110 = arith.constant -1 : i32
      tpu.enqueue_indirect_dma source(%arg9 : memref<128x128xf32, #tpu.memory_space<vmem>>) target(%dma_start3A_109 : memref<5120x128xf32, #tpu.memory_space<vmem_shared>>) offsets(%dma_start3A_106 : memref<128xi32, #tpu.memory_space<vmem>>) offset_filter(%dma_start3A_110) semaphore(%arg16 : memref<!tpu.dma_semaphore, #tpu.memory_space<semaphore_mem>>) {add = true}
      %add3A_111 = arith.constant 2 : i32
      %add3A_112 = arith.addi %add3A_97, %add3A_111 : i32
      %lt3A_113 = arith.constant 159 : i32
      %lt3A_114 = arith.cmpi slt, %add3A_112, %lt3A_113 : i32
      %convert_element_type3A_115 = arith.extui %lt3A_114 : i1 to i32
      %cond3A_116 = arith.constant 0 : i32
      %cond3A_117 = arith.cmpi ne, %convert_element_type3A_115, %cond3A_116 : i32
      scf.if %cond3A_117 {
        %sub3A = arith.constant 3 : i32
        %sub3A_142 = arith.subi %add3A_112, %sub3A : i32
        %ge3A = arith.constant 0 : i32
        %ge3A_143 = arith.cmpi sge, %sub3A_142, %ge3A : i32
        %convert_element_type3A_144 = arith.extui %ge3A_143 : i1 to i32
        %cond3A_145 = arith.constant 0 : i32
        %cond3A_146 = arith.cmpi ne, %convert_element_type3A_144, %cond3A_145 : i32
        scf.if %cond3A_146 {
          %dma_wait3A_154 = arith.constant 0 : i32
          %dma_wait3A_155 = tpu.memref_slice %arg7[%sub3A_142, %dma_wait3A_154] : memref<159x128xi32, #tpu.memory_space<vmem>> -> memref<1x128xi32, #tpu.memory_space<vmem>>
          %dma_wait3A_156 = tpu.memref_squeeze %dma_wait3A_155 : memref<1x128xi32, #tpu.memory_space<vmem>> -> memref<128xi32, #tpu.memory_space<vmem>>
          %dma_wait3A_157 = arith.constant 0 : i32
          %dma_wait3A_158 = arith.constant 0 : i32
          %dma_wait3A_159 = tpu.memref_slice %arg11[%dma_wait3A_157, %dma_wait3A_158] : memref<5120x128xf32, #tpu.memory_space<vmem_shared>> -> memref<5120x128xf32, #tpu.memory_space<vmem_shared>>
          tpu.wait_indirect_dma semaphore(%arg15 : memref<!tpu.dma_semaphore, #tpu.memory_space<semaphore_mem>>) src(%arg8 : memref<128x128xf32, #tpu.memory_space<vmem>>) dst(%dma_wait3A_159 : memref<5120x128xf32, #tpu.memory_space<vmem_shared>>)
        } else {
        }
        %dma_start3A_147 = arith.constant 0 : i32
        %dma_start3A_148 = tpu.memref_slice %arg6[%add3A_112, %dma_start3A_147] : memref<159x128xi32, #tpu.memory_space<vmem>> -> memref<1x128xi32, #tpu.memory_space<vmem>>
        %dma_start3A_149 = tpu.memref_squeeze %dma_start3A_148 : memref<1x128xi32, #tpu.memory_space<vmem>> -> memref<128xi32, #tpu.memory_space<vmem>>
        %dma_start3A_150 = arith.constant 0 : i32
        %dma_start3A_151 = arith.constant 0 : i32
        %dma_start3A_152 = tpu.memref_slice %arg2[%dma_start3A_150, %dma_start3A_151] : memref<10240x128xf32, #tpu.memory_space<hbm>> -> memref<10240x128xf32, #tpu.memory_space<hbm>>
        %dma_start3A_153 = arith.constant -1 : i32
        tpu.enqueue_indirect_dma source(%dma_start3A_152 : memref<10240x128xf32, #tpu.memory_space<hbm>>) target(%arg8 : memref<128x128xf32, #tpu.memory_space<vmem>>) offsets(%dma_start3A_149 : memref<128xi32, #tpu.memory_space<vmem>>) offset_filter(%dma_start3A_153) semaphore(%arg12 : memref<!tpu.dma_semaphore, #tpu.memory_space<semaphore_mem>>)
      } else {
      }
      %mul3A_118 = arith.constant 3 : i32
      %mul3A_119 = arith.muli %add3A_72, %mul3A_118 : i32
      %add3A_120 = arith.constant 2 : i32
      %add3A_121 = arith.addi %mul3A_119, %add3A_120 : i32
      %dma_wait3A_122 = arith.constant 0 : i32
      %dma_wait3A_123 = tpu.memref_slice %arg6[%add3A_121, %dma_wait3A_122] : memref<159x128xi32, #tpu.memory_space<vmem>> -> memref<1x128xi32, #tpu.memory_space<vmem>>
      %dma_wait3A_124 = tpu.memref_squeeze %dma_wait3A_123 : memref<1x128xi32, #tpu.memory_space<vmem>> -> memref<128xi32, #tpu.memory_space<vmem>>
      %dma_wait3A_125 = arith.constant 0 : i32
      %dma_wait3A_126 = arith.constant 0 : i32
      %dma_wait3A_127 = tpu.memref_slice %arg2[%dma_wait3A_125, %dma_wait3A_126] : memref<10240x128xf32, #tpu.memory_space<hbm>> -> memref<10240x128xf32, #tpu.memory_space<hbm>>
      tpu.wait_indirect_dma semaphore(%arg14 : memref<!tpu.dma_semaphore, #tpu.memory_space<semaphore_mem>>) src(%dma_wait3A_127 : memref<10240x128xf32, #tpu.memory_space<hbm>>) dst(%arg10 : memref<128x128xf32, #tpu.memory_space<vmem>>)
      %dma_start3A_128 = arith.constant 0 : i32
      %dma_start3A_129 = tpu.memref_slice %arg7[%add3A_121, %dma_start3A_128] : memref<159x128xi32, #tpu.memory_space<vmem>> -> memref<1x128xi32, #tpu.memory_space<vmem>>
      %dma_start3A_130 = tpu.memref_squeeze %dma_start3A_129 : memref<1x128xi32, #tpu.memory_space<vmem>> -> memref<128xi32, #tpu.memory_space<vmem>>
      %dma_start3A_131 = arith.constant 0 : i32
      %dma_start3A_132 = arith.constant 0 : i32
      %dma_start3A_133 = tpu.memref_slice %arg11[%dma_start3A_131, %dma_start3A_132] : memref<5120x128xf32, #tpu.memory_space<vmem_shared>> -> memref<5120x128xf32, #tpu.memory_space<vmem_shared>>
      %dma_start3A_134 = arith.constant -1 : i32
      tpu.enqueue_indirect_dma source(%arg10 : memref<128x128xf32, #tpu.memory_space<vmem>>) target(%dma_start3A_133 : memref<5120x128xf32, #tpu.memory_space<vmem_shared>>) offsets(%dma_start3A_130 : memref<128xi32, #tpu.memory_space<vmem>>) offset_filter(%dma_start3A_134) semaphore(%arg17 : memref<!tpu.dma_semaphore, #tpu.memory_space<semaphore_mem>>) {add = true}
      %add3A_135 = arith.constant 2 : i32
      %add3A_136 = arith.addi %add3A_121, %add3A_135 : i32
      %lt3A_137 = arith.constant 159 : i32
      %lt3A_138 = arith.cmpi slt, %add3A_136, %lt3A_137 : i32
      %convert_element_type3A_139 = arith.extui %lt3A_138 : i1 to i32
      %cond3A_140 = arith.constant 0 : i32
      %cond3A_141 = arith.cmpi ne, %convert_element_type3A_139, %cond3A_140 : i32
      scf.if %cond3A_141 {
        %sub3A = arith.constant 3 : i32
        %sub3A_142 = arith.subi %add3A_136, %sub3A : i32
        %ge3A = arith.constant 0 : i32
        %ge3A_143 = arith.cmpi sge, %sub3A_142, %ge3A : i32
        %convert_element_type3A_144 = arith.extui %ge3A_143 : i1 to i32
        %cond3A_145 = arith.constant 0 : i32
        %cond3A_146 = arith.cmpi ne, %convert_element_type3A_144, %cond3A_145 : i32
        scf.if %cond3A_146 {
          %dma_wait3A_154 = arith.constant 0 : i32
          %dma_wait3A_155 = tpu.memref_slice %arg7[%sub3A_142, %dma_wait3A_154] : memref<159x128xi32, #tpu.memory_space<vmem>> -> memref<1x128xi32, #tpu.memory_space<vmem>>
          %dma_wait3A_156 = tpu.memref_squeeze %dma_wait3A_155 : memref<1x128xi32, #tpu.memory_space<vmem>> -> memref<128xi32, #tpu.memory_space<vmem>>
          %dma_wait3A_157 = arith.constant 0 : i32
          %dma_wait3A_158 = arith.constant 0 : i32
          %dma_wait3A_159 = tpu.memref_slice %arg11[%dma_wait3A_157, %dma_wait3A_158] : memref<5120x128xf32, #tpu.memory_space<vmem_shared>> -> memref<5120x128xf32, #tpu.memory_space<vmem_shared>>
          tpu.wait_indirect_dma semaphore(%arg16 : memref<!tpu.dma_semaphore, #tpu.memory_space<semaphore_mem>>) src(%arg9 : memref<128x128xf32, #tpu.memory_space<vmem>>) dst(%dma_wait3A_159 : memref<5120x128xf32, #tpu.memory_space<vmem_shared>>)
        } else {
        }
        %dma_start3A_147 = arith.constant 0 : i32
        %dma_start3A_148 = tpu.memref_slice %arg6[%add3A_136, %dma_start3A_147] : memref<159x128xi32, #tpu.memory_space<vmem>> -> memref<1x128xi32, #tpu.memory_space<vmem>>
        %dma_start3A_149 = tpu.memref_squeeze %dma_start3A_148 : memref<1x128xi32, #tpu.memory_space<vmem>> -> memref<128xi32, #tpu.memory_space<vmem>>
        %dma_start3A_150 = arith.constant 0 : i32
        %dma_start3A_151 = arith.constant 0 : i32
        %dma_start3A_152 = tpu.memref_slice %arg2[%dma_start3A_150, %dma_start3A_151] : memref<10240x128xf32, #tpu.memory_space<hbm>> -> memref<10240x128xf32, #tpu.memory_space<hbm>>
        %dma_start3A_153 = arith.constant -1 : i32
        tpu.enqueue_indirect_dma source(%dma_start3A_152 : memref<10240x128xf32, #tpu.memory_space<hbm>>) target(%arg9 : memref<128x128xf32, #tpu.memory_space<vmem>>) offsets(%dma_start3A_149 : memref<128xi32, #tpu.memory_space<vmem>>) offset_filter(%dma_start3A_153) semaphore(%arg13 : memref<!tpu.dma_semaphore, #tpu.memory_space<semaphore_mem>>)
      } else {
      }
    }
    %scan3A_36 = arith.constant 53 : i32
    %dma_wait3A = arith.constant 156 : i32
    %dma_wait3A_37 = arith.constant 0 : i32
    %dma_wait3A_38 = tpu.memref_slice %arg7[%dma_wait3A, %dma_wait3A_37] : memref<159x128xi32, #tpu.memory_space<vmem>> -> memref<1x128xi32, #tpu.memory_space<vmem>>
    %dma_wait3A_39 = tpu.memref_squeeze %dma_wait3A_38 : memref<1x128xi32, #tpu.memory_space<vmem>> -> memref<128xi32, #tpu.memory_space<vmem>>
    %dma_wait3A_40 = arith.constant 0 : i32
    %dma_wait3A_41 = arith.constant 0 : i32
    %dma_wait3A_42 = tpu.memref_slice %arg11[%dma_wait3A_40, %dma_wait3A_41] : memref<5120x128xf32, #tpu.memory_space<vmem_shared>> -> memref<5120x128xf32, #tpu.memory_space<vmem_shared>>
    tpu.wait_indirect_dma semaphore(%arg15 : memref<!tpu.dma_semaphore, #tpu.memory_space<semaphore_mem>>) src(%arg8 : memref<128x128xf32, #tpu.memory_space<vmem>>) dst(%dma_wait3A_42 : memref<5120x128xf32, #tpu.memory_space<vmem_shared>>)
    %dma_wait3A_43 = arith.constant 157 : i32
    %dma_wait3A_44 = arith.constant 0 : i32
    %dma_wait3A_45 = tpu.memref_slice %arg7[%dma_wait3A_43, %dma_wait3A_44] : memref<159x128xi32, #tpu.memory_space<vmem>> -> memref<1x128xi32, #tpu.memory_space<vmem>>
    %dma_wait3A_46 = tpu.memref_squeeze %dma_wait3A_45 : memref<1x128xi32, #tpu.memory_space<vmem>> -> memref<128xi32, #tpu.memory_space<vmem>>
    %dma_wait3A_47 = arith.constant 0 : i32
    %dma_wait3A_48 = arith.constant 0 : i32
    %dma_wait3A_49 = tpu.memref_slice %arg11[%dma_wait3A_47, %dma_wait3A_48] : memref<5120x128xf32, #tpu.memory_space<vmem_shared>> -> memref<5120x128xf32, #tpu.memory_space<vmem_shared>>
    tpu.wait_indirect_dma semaphore(%arg16 : memref<!tpu.dma_semaphore, #tpu.memory_space<semaphore_mem>>) src(%arg9 : memref<128x128xf32, #tpu.memory_space<vmem>>) dst(%dma_wait3A_49 : memref<5120x128xf32, #tpu.memory_space<vmem_shared>>)
    %dma_wait3A_50 = arith.constant 158 : i32
    %dma_wait3A_51 = arith.constant 0 : i32
    %dma_wait3A_52 = tpu.memref_slice %arg7[%dma_wait3A_50, %dma_wait3A_51] : memref<159x128xi32, #tpu.memory_space<vmem>> -> memref<1x128xi32, #tpu.memory_space<vmem>>
    %dma_wait3A_53 = tpu.memref_squeeze %dma_wait3A_52 : memref<1x128xi32, #tpu.memory_space<vmem>> -> memref<128xi32, #tpu.memory_space<vmem>>
    %dma_wait3A_54 = arith.constant 0 : i32
    %dma_wait3A_55 = arith.constant 0 : i32
    %dma_wait3A_56 = tpu.memref_slice %arg11[%dma_wait3A_54, %dma_wait3A_55] : memref<5120x128xf32, #tpu.memory_space<vmem_shared>> -> memref<5120x128xf32, #tpu.memory_space<vmem_shared>>
    tpu.wait_indirect_dma semaphore(%arg17 : memref<!tpu.dma_semaphore, #tpu.memory_space<semaphore_mem>>) src(%arg10 : memref<128x128xf32, #tpu.memory_space<vmem>>) dst(%dma_wait3A_56 : memref<5120x128xf32, #tpu.memory_space<vmem_shared>>)
    %barrier3A_57 = arith.constant 0 : index
    tpu.barrier barrier_id(%barrier3A_57)
    %add3A_58 = arith.constant 0 : i32
    %add3A_59 = arith.addi %mul3A_2, %add3A_58 : i32
    "tpu.region"() ({
      %run_scoped3A = tpu.sem_alloc : memref<!tpu.dma_semaphore, #tpu.memory_space<semaphore_mem>>
      %dma_start3A_68 = arith.constant 0 : i32
      %dma_start3A_69 = arith.constant 0 : i32
      %dma_start3A_70 = tpu.memref_slice %arg8[%dma_start3A_68, %dma_start3A_69] : memref<128x128xf32, #tpu.memory_space<vmem>> -> memref<64x128xf32, #tpu.memory_space<vmem>>
      %dma_start3A_71 = arith.constant 0 : i32
      %dma_start3A_72 = tpu.memref_slice %arg11[%add3A_59, %dma_start3A_71] : memref<5120x128xf32, #tpu.memory_space<vmem_shared>> -> memref<64x128xf32, #tpu.memory_space<vmem_shared>>
      %dma_start3A_73 = arith.constant 0 : i32
      %dma_start3A_74 = arith.constant 0 : i32
      %dma_start3A_75 = tpu.memref_slice %arg8[%dma_start3A_73, %dma_start3A_74] : memref<128x128xf32, #tpu.memory_space<vmem>> -> memref<64x128xf32, #tpu.memory_space<vmem>>
      %dma_start3A_76 = arith.constant 0 : i32
      %dma_start3A_77 = tpu.memref_slice %arg11[%add3A_59, %dma_start3A_76] : memref<5120x128xf32, #tpu.memory_space<vmem_shared>> -> memref<64x128xf32, #tpu.memory_space<vmem_shared>>
      tpu.enqueue_dma source(%dma_start3A_77 : memref<64x128xf32, #tpu.memory_space<vmem_shared>>) target(%dma_start3A_75 : memref<64x128xf32, #tpu.memory_space<vmem>>) target_semaphore(%run_scoped3A : memref<!tpu.dma_semaphore, #tpu.memory_space<semaphore_mem>>)
      %dma_wait3A_78 = arith.constant 0 : i32
      %dma_wait3A_79 = arith.constant 0 : i32
      %dma_wait3A_80 = tpu.memref_slice %arg8[%dma_wait3A_78, %dma_wait3A_79] : memref<128x128xf32, #tpu.memory_space<vmem>> -> memref<64x128xf32, #tpu.memory_space<vmem>>
      %dma_wait3A_81 = arith.constant 0 : i32
      %dma_wait3A_82 = tpu.memref_slice %arg11[%add3A_59, %dma_wait3A_81] : memref<5120x128xf32, #tpu.memory_space<vmem_shared>> -> memref<64x128xf32, #tpu.memory_space<vmem_shared>>
      %dma_wait3A_83 = arith.constant 0 : i32
      %dma_wait3A_84 = arith.constant 0 : i32
      %dma_wait3A_85 = tpu.memref_slice %arg8[%dma_wait3A_83, %dma_wait3A_84] : memref<128x128xf32, #tpu.memory_space<vmem>> -> memref<64x128xf32, #tpu.memory_space<vmem>>
      %dma_wait3A_86 = arith.constant 0 : i32
      %dma_wait3A_87 = tpu.memref_slice %arg11[%add3A_59, %dma_wait3A_86] : memref<5120x128xf32, #tpu.memory_space<vmem_shared>> -> memref<64x128xf32, #tpu.memory_space<vmem_shared>>
      tpu.wait_dma2 semaphore(%run_scoped3A : memref<!tpu.dma_semaphore, #tpu.memory_space<semaphore_mem>>) src(%dma_wait3A_87 : memref<64x128xf32, #tpu.memory_space<vmem_shared>>) dst(%dma_wait3A_85 : memref<64x128xf32, #tpu.memory_space<vmem>>)
      tpu.yield
    }) : () -> ()
    "tpu.region"() ({
      %run_scoped3A = tpu.sem_alloc : memref<!tpu.dma_semaphore, #tpu.memory_space<semaphore_mem>>
      %dma_start3A_68 = arith.constant 0 : i32
      %dma_start3A_69 = arith.constant 0 : i32
      %dma_start3A_70 = tpu.memref_slice %arg8[%dma_start3A_68, %dma_start3A_69] : memref<128x128xf32, #tpu.memory_space<vmem>> -> memref<64x128xf32, #tpu.memory_space<vmem>>
      %dma_start3A_71 = arith.constant 0 : i32
      %dma_start3A_72 = arith.constant 0 : i32
      %dma_start3A_73 = tpu.memref_slice %arg5[%arg0, %dma_start3A_71, %dma_start3A_72] : memref<2x5120x128xf32, #tpu.memory_space<hbm>> -> memref<1x5120x128xf32, #tpu.memory_space<hbm>>
      %dma_start3A_74 = tpu.memref_squeeze %dma_start3A_73 : memref<1x5120x128xf32, #tpu.memory_space<hbm>> -> memref<5120x128xf32, #tpu.memory_space<hbm>>
      %dma_start3A_75 = arith.constant 0 : i32
      %dma_start3A_76 = tpu.memref_slice %dma_start3A_74[%add3A_59, %dma_start3A_75] : memref<5120x128xf32, #tpu.memory_space<hbm>> -> memref<64x128xf32, #tpu.memory_space<hbm>>
      %dma_start3A_77 = arith.constant 0 : i32
      %dma_start3A_78 = arith.constant 0 : i32
      %dma_start3A_79 = tpu.memref_slice %arg5[%arg0, %dma_start3A_77, %dma_start3A_78] : memref<2x5120x128xf32, #tpu.memory_space<hbm>> -> memref<1x5120x128xf32, #tpu.memory_space<hbm>>
      %dma_start3A_80 = tpu.memref_squeeze %dma_start3A_79 : memref<1x5120x128xf32, #tpu.memory_space<hbm>> -> memref<5120x128xf32, #tpu.memory_space<hbm>>
      %dma_start3A_81 = arith.constant 0 : i32
      %dma_start3A_82 = tpu.memref_slice %dma_start3A_80[%add3A_59, %dma_start3A_81] : memref<5120x128xf32, #tpu.memory_space<hbm>> -> memref<64x128xf32, #tpu.memory_space<hbm>>
      %dma_start3A_83 = arith.constant 0 : i32
      %dma_start3A_84 = arith.constant 0 : i32
      %dma_start3A_85 = tpu.memref_slice %arg8[%dma_start3A_83, %dma_start3A_84] : memref<128x128xf32, #tpu.memory_space<vmem>> -> memref<64x128xf32, #tpu.memory_space<vmem>>
      tpu.enqueue_dma source(%dma_start3A_85 : memref<64x128xf32, #tpu.memory_space<vmem>>) target(%dma_start3A_82 : memref<64x128xf32, #tpu.memory_space<hbm>>) target_semaphore(%run_scoped3A : memref<!tpu.dma_semaphore, #tpu.memory_space<semaphore_mem>>)
      %dma_wait3A_86 = arith.constant 0 : i32
      %dma_wait3A_87 = arith.constant 0 : i32
      %dma_wait3A_88 = tpu.memref_slice %arg8[%dma_wait3A_86, %dma_wait3A_87] : memref<128x128xf32, #tpu.memory_space<vmem>> -> memref<64x128xf32, #tpu.memory_space<vmem>>
      %dma_wait3A_89 = arith.constant 0 : i32
      %dma_wait3A_90 = arith.constant 0 : i32
      %dma_wait3A_91 = tpu.memref_slice %arg5[%arg0, %dma_wait3A_89, %dma_wait3A_90] : memref<2x5120x128xf32, #tpu.memory_space<hbm>> -> memref<1x5120x128xf32, #tpu.memory_space<hbm>>
      %dma_wait3A_92 = tpu.memref_squeeze %dma_wait3A_91 : memref<1x5120x128xf32, #tpu.memory_space<hbm>> -> memref<5120x128xf32, #tpu.memory_space<hbm>>
      %dma_wait3A_93 = arith.constant 0 : i32
      %dma_wait3A_94 = tpu.memref_slice %dma_wait3A_92[%add3A_59, %dma_wait3A_93] : memref<5120x128xf32, #tpu.memory_space<hbm>> -> memref<64x128xf32, #tpu.memory_space<hbm>>
      %dma_wait3A_95 = arith.constant 0 : i32
      %dma_wait3A_96 = arith.constant 0 : i32
      %dma_wait3A_97 = tpu.memref_slice %arg5[%arg0, %dma_wait3A_95, %dma_wait3A_96] : memref<2x5120x128xf32, #tpu.memory_space<hbm>> -> memref<1x5120x128xf32, #tpu.memory_space<hbm>>
      %dma_wait3A_98 = tpu.memref_squeeze %dma_wait3A_97 : memref<1x5120x128xf32, #tpu.memory_space<hbm>> -> memref<5120x128xf32, #tpu.memory_space<hbm>>
      %dma_wait3A_99 = arith.constant 0 : i32
      %dma_wait3A_100 = tpu.memref_slice %dma_wait3A_98[%add3A_59, %dma_wait3A_99] : memref<5120x128xf32, #tpu.memory_space<hbm>> -> memref<64x128xf32, #tpu.memory_space<hbm>>
      %dma_wait3A_101 = arith.constant 0 : i32
      %dma_wait3A_102 = arith.constant 0 : i32
      %dma_wait3A_103 = tpu.memref_slice %arg8[%dma_wait3A_101, %dma_wait3A_102] : memref<128x128xf32, #tpu.memory_space<vmem>> -> memref<64x128xf32, #tpu.memory_space<vmem>>
      tpu.wait_dma2 semaphore(%run_scoped3A : memref<!tpu.dma_semaphore, #tpu.memory_space<semaphore_mem>>) src(%dma_wait3A_103 : memref<64x128xf32, #tpu.memory_space<vmem>>) dst(%dma_wait3A_100 : memref<64x128xf32, #tpu.memory_space<hbm>>)
      tpu.yield
    }) : () -> ()
    %add3A_60 = arith.constant 64 : i32
    %add3A_61 = arith.addi %mul3A_2, %add3A_60 : i32
    "tpu.region"() ({
      %run_scoped3A = tpu.sem_alloc : memref<!tpu.dma_semaphore, #tpu.memory_space<semaphore_mem>>
      %dma_start3A_68 = arith.constant 0 : i32
      %dma_start3A_69 = arith.constant 0 : i32
      %dma_start3A_70 = tpu.memref_slice %arg8[%dma_start3A_68, %dma_start3A_69] : memref<128x128xf32, #tpu.memory_space<vmem>> -> memref<64x128xf32, #tpu.memory_space<vmem>>
      %dma_start3A_71 = arith.constant 0 : i32
      %dma_start3A_72 = tpu.memref_slice %arg11[%add3A_61, %dma_start3A_71] : memref<5120x128xf32, #tpu.memory_space<vmem_shared>> -> memref<64x128xf32, #tpu.memory_space<vmem_shared>>
      %dma_start3A_73 = arith.constant 0 : i32
      %dma_start3A_74 = arith.constant 0 : i32
      %dma_start3A_75 = tpu.memref_slice %arg8[%dma_start3A_73, %dma_start3A_74] : memref<128x128xf32, #tpu.memory_space<vmem>> -> memref<64x128xf32, #tpu.memory_space<vmem>>
      %dma_start3A_76 = arith.constant 0 : i32
      %dma_start3A_77 = tpu.memref_slice %arg11[%add3A_61, %dma_start3A_76] : memref<5120x128xf32, #tpu.memory_space<vmem_shared>> -> memref<64x128xf32, #tpu.memory_space<vmem_shared>>
      tpu.enqueue_dma source(%dma_start3A_77 : memref<64x128xf32, #tpu.memory_space<vmem_shared>>) target(%dma_start3A_75 : memref<64x128xf32, #tpu.memory_space<vmem>>) target_semaphore(%run_scoped3A : memref<!tpu.dma_semaphore, #tpu.memory_space<semaphore_mem>>)
      %dma_wait3A_78 = arith.constant 0 : i32
      %dma_wait3A_79 = arith.constant 0 : i32
      %dma_wait3A_80 = tpu.memref_slice %arg8[%dma_wait3A_78, %dma_wait3A_79] : memref<128x128xf32, #tpu.memory_space<vmem>> -> memref<64x128xf32, #tpu.memory_space<vmem>>
      %dma_wait3A_81 = arith.constant 0 : i32
      %dma_wait3A_82 = tpu.memref_slice %arg11[%add3A_61, %dma_wait3A_81] : memref<5120x128xf32, #tpu.memory_space<vmem_shared>> -> memref<64x128xf32, #tpu.memory_space<vmem_shared>>
      %dma_wait3A_83 = arith.constant 0 : i32
      %dma_wait3A_84 = arith.constant 0 : i32
      %dma_wait3A_85 = tpu.memref_slice %arg8[%dma_wait3A_83, %dma_wait3A_84] : memref<128x128xf32, #tpu.memory_space<vmem>> -> memref<64x128xf32, #tpu.memory_space<vmem>>
      %dma_wait3A_86 = arith.constant 0 : i32
      %dma_wait3A_87 = tpu.memref_slice %arg11[%add3A_61, %dma_wait3A_86] : memref<5120x128xf32, #tpu.memory_space<vmem_shared>> -> memref<64x128xf32, #tpu.memory_space<vmem_shared>>
      tpu.wait_dma2 semaphore(%run_scoped3A : memref<!tpu.dma_semaphore, #tpu.memory_space<semaphore_mem>>) src(%dma_wait3A_87 : memref<64x128xf32, #tpu.memory_space<vmem_shared>>) dst(%dma_wait3A_85 : memref<64x128xf32, #tpu.memory_space<vmem>>)
      tpu.yield
    }) : () -> ()
    "tpu.region"() ({
      %run_scoped3A = tpu.sem_alloc : memref<!tpu.dma_semaphore, #tpu.memory_space<semaphore_mem>>
      %dma_start3A_68 = arith.constant 0 : i32
      %dma_start3A_69 = arith.constant 0 : i32
      %dma_start3A_70 = tpu.memref_slice %arg8[%dma_start3A_68, %dma_start3A_69] : memref<128x128xf32, #tpu.memory_space<vmem>> -> memref<64x128xf32, #tpu.memory_space<vmem>>
      %dma_start3A_71 = arith.constant 0 : i32
      %dma_start3A_72 = arith.constant 0 : i32
      %dma_start3A_73 = tpu.memref_slice %arg5[%arg0, %dma_start3A_71, %dma_start3A_72] : memref<2x5120x128xf32, #tpu.memory_space<hbm>> -> memref<1x5120x128xf32, #tpu.memory_space<hbm>>
      %dma_start3A_74 = tpu.memref_squeeze %dma_start3A_73 : memref<1x5120x128xf32, #tpu.memory_space<hbm>> -> memref<5120x128xf32, #tpu.memory_space<hbm>>
      %dma_start3A_75 = arith.constant 0 : i32
      %dma_start3A_76 = tpu.memref_slice %dma_start3A_74[%add3A_61, %dma_start3A_75] : memref<5120x128xf32, #tpu.memory_space<hbm>> -> memref<64x128xf32, #tpu.memory_space<hbm>>
      %dma_start3A_77 = arith.constant 0 : i32
      %dma_start3A_78 = arith.constant 0 : i32
      %dma_start3A_79 = tpu.memref_slice %arg5[%arg0, %dma_start3A_77, %dma_start3A_78] : memref<2x5120x128xf32, #tpu.memory_space<hbm>> -> memref<1x5120x128xf32, #tpu.memory_space<hbm>>
      %dma_start3A_80 = tpu.memref_squeeze %dma_start3A_79 : memref<1x5120x128xf32, #tpu.memory_space<hbm>> -> memref<5120x128xf32, #tpu.memory_space<hbm>>
      %dma_start3A_81 = arith.constant 0 : i32
      %dma_start3A_82 = tpu.memref_slice %dma_start3A_80[%add3A_61, %dma_start3A_81] : memref<5120x128xf32, #tpu.memory_space<hbm>> -> memref<64x128xf32, #tpu.memory_space<hbm>>
      %dma_start3A_83 = arith.constant 0 : i32
      %dma_start3A_84 = arith.constant 0 : i32
      %dma_start3A_85 = tpu.memref_slice %arg8[%dma_start3A_83, %dma_start3A_84] : memref<128x128xf32, #tpu.memory_space<vmem>> -> memref<64x128xf32, #tpu.memory_space<vmem>>
      tpu.enqueue_dma source(%dma_start3A_85 : memref<64x128xf32, #tpu.memory_space<vmem>>) target(%dma_start3A_82 : memref<64x128xf32, #tpu.memory_space<hbm>>) target_semaphore(%run_scoped3A : memref<!tpu.dma_semaphore, #tpu.memory_space<semaphore_mem>>)
      %dma_wait3A_86 = arith.constant 0 : i32
      %dma_wait3A_87 = arith.constant 0 : i32
      %dma_wait3A_88 = tpu.memref_slice %arg8[%dma_wait3A_86, %dma_wait3A_87] : memref<128x128xf32, #tpu.memory_space<vmem>> -> memref<64x128xf32, #tpu.memory_space<vmem>>
      %dma_wait3A_89 = arith.constant 0 : i32
      %dma_wait3A_90 = arith.constant 0 : i32
      %dma_wait3A_91 = tpu.memref_slice %arg5[%arg0, %dma_wait3A_89, %dma_wait3A_90] : memref<2x5120x128xf32, #tpu.memory_space<hbm>> -> memref<1x5120x128xf32, #tpu.memory_space<hbm>>
      %dma_wait3A_92 = tpu.memref_squeeze %dma_wait3A_91 : memref<1x5120x128xf32, #tpu.memory_space<hbm>> -> memref<5120x128xf32, #tpu.memory_space<hbm>>
      %dma_wait3A_93 = arith.constant 0 : i32
      %dma_wait3A_94 = tpu.memref_slice %dma_wait3A_92[%add3A_61, %dma_wait3A_93] : memref<5120x128xf32, #tpu.memory_space<hbm>> -> memref<64x128xf32, #tpu.memory_space<hbm>>
      %dma_wait3A_95 = arith.constant 0 : i32
      %dma_wait3A_96 = arith.constant 0 : i32
      %dma_wait3A_97 = tpu.memref_slice %arg5[%arg0, %dma_wait3A_95, %dma_wait3A_96] : memref<2x5120x128xf32, #tpu.memory_space<hbm>> -> memref<1x5120x128xf32, #tpu.memory_space<hbm>>
      %dma_wait3A_98 = tpu.memref_squeeze %dma_wait3A_97 : memref<1x5120x128xf32, #tpu.memory_space<hbm>> -> memref<5120x128xf32, #tpu.memory_space<hbm>>
      %dma_wait3A_99 = arith.constant 0 : i32
      %dma_wait3A_100 = tpu.memref_slice %dma_wait3A_98[%add3A_61, %dma_wait3A_99] : memref<5120x128xf32, #tpu.memory_space<hbm>> -> memref<64x128xf32, #tpu.memory_space<hbm>>
      %dma_wait3A_101 = arith.constant 0 : i32
      %dma_wait3A_102 = arith.constant 0 : i32
      %dma_wait3A_103 = tpu.memref_slice %arg8[%dma_wait3A_101, %dma_wait3A_102] : memref<128x128xf32, #tpu.memory_space<vmem>> -> memref<64x128xf32, #tpu.memory_space<vmem>>
      tpu.wait_dma2 semaphore(%run_scoped3A : memref<!tpu.dma_semaphore, #tpu.memory_space<semaphore_mem>>) src(%dma_wait3A_103 : memref<64x128xf32, #tpu.memory_space<vmem>>) dst(%dma_wait3A_100 : memref<64x128xf32, #tpu.memory_space<hbm>>)
      tpu.yield
    }) : () -> ()
    %add3A_62 = arith.constant 128 : i32
    %add3A_63 = arith.addi %mul3A_2, %add3A_62 : i32
    "tpu.region"() ({
      %run_scoped3A = tpu.sem_alloc : memref<!tpu.dma_semaphore, #tpu.memory_space<semaphore_mem>>
      %dma_start3A_68 = arith.constant 0 : i32
      %dma_start3A_69 = arith.constant 0 : i32
      %dma_start3A_70 = tpu.memref_slice %arg8[%dma_start3A_68, %dma_start3A_69] : memref<128x128xf32, #tpu.memory_space<vmem>> -> memref<64x128xf32, #tpu.memory_space<vmem>>
      %dma_start3A_71 = arith.constant 0 : i32
      %dma_start3A_72 = tpu.memref_slice %arg11[%add3A_63, %dma_start3A_71] : memref<5120x128xf32, #tpu.memory_space<vmem_shared>> -> memref<64x128xf32, #tpu.memory_space<vmem_shared>>
      %dma_start3A_73 = arith.constant 0 : i32
      %dma_start3A_74 = arith.constant 0 : i32
      %dma_start3A_75 = tpu.memref_slice %arg8[%dma_start3A_73, %dma_start3A_74] : memref<128x128xf32, #tpu.memory_space<vmem>> -> memref<64x128xf32, #tpu.memory_space<vmem>>
      %dma_start3A_76 = arith.constant 0 : i32
      %dma_start3A_77 = tpu.memref_slice %arg11[%add3A_63, %dma_start3A_76] : memref<5120x128xf32, #tpu.memory_space<vmem_shared>> -> memref<64x128xf32, #tpu.memory_space<vmem_shared>>
      tpu.enqueue_dma source(%dma_start3A_77 : memref<64x128xf32, #tpu.memory_space<vmem_shared>>) target(%dma_start3A_75 : memref<64x128xf32, #tpu.memory_space<vmem>>) target_semaphore(%run_scoped3A : memref<!tpu.dma_semaphore, #tpu.memory_space<semaphore_mem>>)
      %dma_wait3A_78 = arith.constant 0 : i32
      %dma_wait3A_79 = arith.constant 0 : i32
      %dma_wait3A_80 = tpu.memref_slice %arg8[%dma_wait3A_78, %dma_wait3A_79] : memref<128x128xf32, #tpu.memory_space<vmem>> -> memref<64x128xf32, #tpu.memory_space<vmem>>
      %dma_wait3A_81 = arith.constant 0 : i32
      %dma_wait3A_82 = tpu.memref_slice %arg11[%add3A_63, %dma_wait3A_81] : memref<5120x128xf32, #tpu.memory_space<vmem_shared>> -> memref<64x128xf32, #tpu.memory_space<vmem_shared>>
      %dma_wait3A_83 = arith.constant 0 : i32
      %dma_wait3A_84 = arith.constant 0 : i32
      %dma_wait3A_85 = tpu.memref_slice %arg8[%dma_wait3A_83, %dma_wait3A_84] : memref<128x128xf32, #tpu.memory_space<vmem>> -> memref<64x128xf32, #tpu.memory_space<vmem>>
      %dma_wait3A_86 = arith.constant 0 : i32
      %dma_wait3A_87 = tpu.memref_slice %arg11[%add3A_63, %dma_wait3A_86] : memref<5120x128xf32, #tpu.memory_space<vmem_shared>> -> memref<64x128xf32, #tpu.memory_space<vmem_shared>>
      tpu.wait_dma2 semaphore(%run_scoped3A : memref<!tpu.dma_semaphore, #tpu.memory_space<semaphore_mem>>) src(%dma_wait3A_87 : memref<64x128xf32, #tpu.memory_space<vmem_shared>>) dst(%dma_wait3A_85 : memref<64x128xf32, #tpu.memory_space<vmem>>)
      tpu.yield
    }) : () -> ()
    "tpu.region"() ({
      %run_scoped3A = tpu.sem_alloc : memref<!tpu.dma_semaphore, #tpu.memory_space<semaphore_mem>>
      %dma_start3A_68 = arith.constant 0 : i32
      %dma_start3A_69 = arith.constant 0 : i32
      %dma_start3A_70 = tpu.memref_slice %arg8[%dma_start3A_68, %dma_start3A_69] : memref<128x128xf32, #tpu.memory_space<vmem>> -> memref<64x128xf32, #tpu.memory_space<vmem>>
      %dma_start3A_71 = arith.constant 0 : i32
      %dma_start3A_72 = arith.constant 0 : i32
      %dma_start3A_73 = tpu.memref_slice %arg5[%arg0, %dma_start3A_71, %dma_start3A_72] : memref<2x5120x128xf32, #tpu.memory_space<hbm>> -> memref<1x5120x128xf32, #tpu.memory_space<hbm>>
      %dma_start3A_74 = tpu.memref_squeeze %dma_start3A_73 : memref<1x5120x128xf32, #tpu.memory_space<hbm>> -> memref<5120x128xf32, #tpu.memory_space<hbm>>
      %dma_start3A_75 = arith.constant 0 : i32
      %dma_start3A_76 = tpu.memref_slice %dma_start3A_74[%add3A_63, %dma_start3A_75] : memref<5120x128xf32, #tpu.memory_space<hbm>> -> memref<64x128xf32, #tpu.memory_space<hbm>>
      %dma_start3A_77 = arith.constant 0 : i32
      %dma_start3A_78 = arith.constant 0 : i32
      %dma_start3A_79 = tpu.memref_slice %arg5[%arg0, %dma_start3A_77, %dma_start3A_78] : memref<2x5120x128xf32, #tpu.memory_space<hbm>> -> memref<1x5120x128xf32, #tpu.memory_space<hbm>>
      %dma_start3A_80 = tpu.memref_squeeze %dma_start3A_79 : memref<1x5120x128xf32, #tpu.memory_space<hbm>> -> memref<5120x128xf32, #tpu.memory_space<hbm>>
      %dma_start3A_81 = arith.constant 0 : i32
      %dma_start3A_82 = tpu.memref_slice %dma_start3A_80[%add3A_63, %dma_start3A_81] : memref<5120x128xf32, #tpu.memory_space<hbm>> -> memref<64x128xf32, #tpu.memory_space<hbm>>
      %dma_start3A_83 = arith.constant 0 : i32
      %dma_start3A_84 = arith.constant 0 : i32
      %dma_start3A_85 = tpu.memref_slice %arg8[%dma_start3A_83, %dma_start3A_84] : memref<128x128xf32, #tpu.memory_space<vmem>> -> memref<64x128xf32, #tpu.memory_space<vmem>>
      tpu.enqueue_dma source(%dma_start3A_85 : memref<64x128xf32, #tpu.memory_space<vmem>>) target(%dma_start3A_82 : memref<64x128xf32, #tpu.memory_space<hbm>>) target_semaphore(%run_scoped3A : memref<!tpu.dma_semaphore, #tpu.memory_space<semaphore_mem>>)
      %dma_wait3A_86 = arith.constant 0 : i32
      %dma_wait3A_87 = arith.constant 0 : i32
      %dma_wait3A_88 = tpu.memref_slice %arg8[%dma_wait3A_86, %dma_wait3A_87] : memref<128x128xf32, #tpu.memory_space<vmem>> -> memref<64x128xf32, #tpu.memory_space<vmem>>
      %dma_wait3A_89 = arith.constant 0 : i32
      %dma_wait3A_90 = arith.constant 0 : i32
      %dma_wait3A_91 = tpu.memref_slice %arg5[%arg0, %dma_wait3A_89, %dma_wait3A_90] : memref<2x5120x128xf32, #tpu.memory_space<hbm>> -> memref<1x5120x128xf32, #tpu.memory_space<hbm>>
      %dma_wait3A_92 = tpu.memref_squeeze %dma_wait3A_91 : memref<1x5120x128xf32, #tpu.memory_space<hbm>> -> memref<5120x128xf32, #tpu.memory_space<hbm>>
      %dma_wait3A_93 = arith.constant 0 : i32
      %dma_wait3A_94 = tpu.memref_slice %dma_wait3A_92[%add3A_63, %dma_wait3A_93] : memref<5120x128xf32, #tpu.memory_space<hbm>> -> memref<64x128xf32, #tpu.memory_space<hbm>>
      %dma_wait3A_95 = arith.constant 0 : i32
      %dma_wait3A_96 = arith.constant 0 : i32
      %dma_wait3A_97 = tpu.memref_slice %arg5[%arg0, %dma_wait3A_95, %dma_wait3A_96] : memref<2x5120x128xf32, #tpu.memory_space<hbm>> -> memref<1x5120x128xf32, #tpu.memory_space<hbm>>
      %dma_wait3A_98 = tpu.memref_squeeze %dma_wait3A_97 : memref<1x5120x128xf32, #tpu.memory_space<hbm>> -> memref<5120x128xf32, #tpu.memory_space<hbm>>
      %dma_wait3A_99 = arith.constant 0 : i32
      %dma_wait3A_100 = tpu.memref_slice %dma_wait3A_98[%add3A_63, %dma_wait3A_99] : memref<5120x128xf32, #tpu.memory_space<hbm>> -> memref<64x128xf32, #tpu.memory_space<hbm>>
      %dma_wait3A_101 = arith.constant 0 : i32
      %dma_wait3A_102 = arith.constant 0 : i32
      %dma_wait3A_103 = tpu.memref_slice %arg8[%dma_wait3A_101, %dma_wait3A_102] : memref<128x128xf32, #tpu.memory_space<vmem>> -> memref<64x128xf32, #tpu.memory_space<vmem>>
      tpu.wait_dma2 semaphore(%run_scoped3A : memref<!tpu.dma_semaphore, #tpu.memory_space<semaphore_mem>>) src(%dma_wait3A_103 : memref<64x128xf32, #tpu.memory_space<vmem>>) dst(%dma_wait3A_100 : memref<64x128xf32, #tpu.memory_space<hbm>>)
      tpu.yield
    }) : () -> ()
    %add3A_64 = arith.constant 192 : i32
    %add3A_65 = arith.addi %mul3A_2, %add3A_64 : i32
    "tpu.region"() ({
      %run_scoped3A = tpu.sem_alloc : memref<!tpu.dma_semaphore, #tpu.memory_space<semaphore_mem>>
      %dma_start3A_68 = arith.constant 0 : i32
      %dma_start3A_69 = arith.constant 0 : i32
      %dma_start3A_70 = tpu.memref_slice %arg8[%dma_start3A_68, %dma_start3A_69] : memref<128x128xf32, #tpu.memory_space<vmem>> -> memref<64x128xf32, #tpu.memory_space<vmem>>
      %dma_start3A_71 = arith.constant 0 : i32
      %dma_start3A_72 = tpu.memref_slice %arg11[%add3A_65, %dma_start3A_71] : memref<5120x128xf32, #tpu.memory_space<vmem_shared>> -> memref<64x128xf32, #tpu.memory_space<vmem_shared>>
      %dma_start3A_73 = arith.constant 0 : i32
      %dma_start3A_74 = arith.constant 0 : i32
      %dma_start3A_75 = tpu.memref_slice %arg8[%dma_start3A_73, %dma_start3A_74] : memref<128x128xf32, #tpu.memory_space<vmem>> -> memref<64x128xf32, #tpu.memory_space<vmem>>
      %dma_start3A_76 = arith.constant 0 : i32
      %dma_start3A_77 = tpu.memref_slice %arg11[%add3A_65, %dma_start3A_76] : memref<5120x128xf32, #tpu.memory_space<vmem_shared>> -> memref<64x128xf32, #tpu.memory_space<vmem_shared>>
      tpu.enqueue_dma source(%dma_start3A_77 : memref<64x128xf32, #tpu.memory_space<vmem_shared>>) target(%dma_start3A_75 : memref<64x128xf32, #tpu.memory_space<vmem>>) target_semaphore(%run_scoped3A : memref<!tpu.dma_semaphore, #tpu.memory_space<semaphore_mem>>)
      %dma_wait3A_78 = arith.constant 0 : i32
      %dma_wait3A_79 = arith.constant 0 : i32
      %dma_wait3A_80 = tpu.memref_slice %arg8[%dma_wait3A_78, %dma_wait3A_79] : memref<128x128xf32, #tpu.memory_space<vmem>> -> memref<64x128xf32, #tpu.memory_space<vmem>>
      %dma_wait3A_81 = arith.constant 0 : i32
      %dma_wait3A_82 = tpu.memref_slice %arg11[%add3A_65, %dma_wait3A_81] : memref<5120x128xf32, #tpu.memory_space<vmem_shared>> -> memref<64x128xf32, #tpu.memory_space<vmem_shared>>
      %dma_wait3A_83 = arith.constant 0 : i32
      %dma_wait3A_84 = arith.constant 0 : i32
      %dma_wait3A_85 = tpu.memref_slice %arg8[%dma_wait3A_83, %dma_wait3A_84] : memref<128x128xf32, #tpu.memory_space<vmem>> -> memref<64x128xf32, #tpu.memory_space<vmem>>
      %dma_wait3A_86 = arith.constant 0 : i32
      %dma_wait3A_87 = tpu.memref_slice %arg11[%add3A_65, %dma_wait3A_86] : memref<5120x128xf32, #tpu.memory_space<vmem_shared>> -> memref<64x128xf32, #tpu.memory_space<vmem_shared>>
      tpu.wait_dma2 semaphore(%run_scoped3A : memref<!tpu.dma_semaphore, #tpu.memory_space<semaphore_mem>>) src(%dma_wait3A_87 : memref<64x128xf32, #tpu.memory_space<vmem_shared>>) dst(%dma_wait3A_85 : memref<64x128xf32, #tpu.memory_space<vmem>>)
      tpu.yield
    }) : () -> ()
    "tpu.region"() ({
      %run_scoped3A = tpu.sem_alloc : memref<!tpu.dma_semaphore, #tpu.memory_space<semaphore_mem>>
      %dma_start3A_68 = arith.constant 0 : i32
      %dma_start3A_69 = arith.constant 0 : i32
      %dma_start3A_70 = tpu.memref_slice %arg8[%dma_start3A_68, %dma_start3A_69] : memref<128x128xf32, #tpu.memory_space<vmem>> -> memref<64x128xf32, #tpu.memory_space<vmem>>
      %dma_start3A_71 = arith.constant 0 : i32
      %dma_start3A_72 = arith.constant 0 : i32
      %dma_start3A_73 = tpu.memref_slice %arg5[%arg0, %dma_start3A_71, %dma_start3A_72] : memref<2x5120x128xf32, #tpu.memory_space<hbm>> -> memref<1x5120x128xf32, #tpu.memory_space<hbm>>
      %dma_start3A_74 = tpu.memref_squeeze %dma_start3A_73 : memref<1x5120x128xf32, #tpu.memory_space<hbm>> -> memref<5120x128xf32, #tpu.memory_space<hbm>>
      %dma_start3A_75 = arith.constant 0 : i32
      %dma_start3A_76 = tpu.memref_slice %dma_start3A_74[%add3A_65, %dma_start3A_75] : memref<5120x128xf32, #tpu.memory_space<hbm>> -> memref<64x128xf32, #tpu.memory_space<hbm>>
      %dma_start3A_77 = arith.constant 0 : i32
      %dma_start3A_78 = arith.constant 0 : i32
      %dma_start3A_79 = tpu.memref_slice %arg5[%arg0, %dma_start3A_77, %dma_start3A_78] : memref<2x5120x128xf32, #tpu.memory_space<hbm>> -> memref<1x5120x128xf32, #tpu.memory_space<hbm>>
      %dma_start3A_80 = tpu.memref_squeeze %dma_start3A_79 : memref<1x5120x128xf32, #tpu.memory_space<hbm>> -> memref<5120x128xf32, #tpu.memory_space<hbm>>
      %dma_start3A_81 = arith.constant 0 : i32
      %dma_start3A_82 = tpu.memref_slice %dma_start3A_80[%add3A_65, %dma_start3A_81] : memref<5120x128xf32, #tpu.memory_space<hbm>> -> memref<64x128xf32, #tpu.memory_space<hbm>>
      %dma_start3A_83 = arith.constant 0 : i32
      %dma_start3A_84 = arith.constant 0 : i32
      %dma_start3A_85 = tpu.memref_slice %arg8[%dma_start3A_83, %dma_start3A_84] : memref<128x128xf32, #tpu.memory_space<vmem>> -> memref<64x128xf32, #tpu.memory_space<vmem>>
      tpu.enqueue_dma source(%dma_start3A_85 : memref<64x128xf32, #tpu.memory_space<vmem>>) target(%dma_start3A_82 : memref<64x128xf32, #tpu.memory_space<hbm>>) target_semaphore(%run_scoped3A : memref<!tpu.dma_semaphore, #tpu.memory_space<semaphore_mem>>)
      %dma_wait3A_86 = arith.constant 0 : i32
      %dma_wait3A_87 = arith.constant 0 : i32
      %dma_wait3A_88 = tpu.memref_slice %arg8[%dma_wait3A_86, %dma_wait3A_87] : memref<128x128xf32, #tpu.memory_space<vmem>> -> memref<64x128xf32, #tpu.memory_space<vmem>>
      %dma_wait3A_89 = arith.constant 0 : i32
      %dma_wait3A_90 = arith.constant 0 : i32
      %dma_wait3A_91 = tpu.memref_slice %arg5[%arg0, %dma_wait3A_89, %dma_wait3A_90] : memref<2x5120x128xf32, #tpu.memory_space<hbm>> -> memref<1x5120x128xf32, #tpu.memory_space<hbm>>
      %dma_wait3A_92 = tpu.memref_squeeze %dma_wait3A_91 : memref<1x5120x128xf32, #tpu.memory_space<hbm>> -> memref<5120x128xf32, #tpu.memory_space<hbm>>
      %dma_wait3A_93 = arith.constant 0 : i32
      %dma_wait3A_94 = tpu.memref_slice %dma_wait3A_92[%add3A_65, %dma_wait3A_93] : memref<5120x128xf32, #tpu.memory_space<hbm>> -> memref<64x128xf32, #tpu.memory_space<hbm>>
      %dma_wait3A_95 = arith.constant 0 : i32
      %dma_wait3A_96 = arith.constant 0 : i32
      %dma_wait3A_97 = tpu.memref_slice %arg5[%arg0, %dma_wait3A_95, %dma_wait3A_96] : memref<2x5120x128xf32, #tpu.memory_space<hbm>> -> memref<1x5120x128xf32, #tpu.memory_space<hbm>>
      %dma_wait3A_98 = tpu.memref_squeeze %dma_wait3A_97 : memref<1x5120x128xf32, #tpu.memory_space<hbm>> -> memref<5120x128xf32, #tpu.memory_space<hbm>>
      %dma_wait3A_99 = arith.constant 0 : i32
      %dma_wait3A_100 = tpu.memref_slice %dma_wait3A_98[%add3A_65, %dma_wait3A_99] : memref<5120x128xf32, #tpu.memory_space<hbm>> -> memref<64x128xf32, #tpu.memory_space<hbm>>
      %dma_wait3A_101 = arith.constant 0 : i32
      %dma_wait3A_102 = arith.constant 0 : i32
      %dma_wait3A_103 = tpu.memref_slice %arg8[%dma_wait3A_101, %dma_wait3A_102] : memref<128x128xf32, #tpu.memory_space<vmem>> -> memref<64x128xf32, #tpu.memory_space<vmem>>
      tpu.wait_dma2 semaphore(%run_scoped3A : memref<!tpu.dma_semaphore, #tpu.memory_space<semaphore_mem>>) src(%dma_wait3A_103 : memref<64x128xf32, #tpu.memory_space<vmem>>) dst(%dma_wait3A_100 : memref<64x128xf32, #tpu.memory_space<hbm>>)
      tpu.yield
    }) : () -> ()
    %add3A_66 = arith.constant 256 : i32
    %add3A_67 = arith.addi %mul3A_2, %add3A_66 : i32
    "tpu.region"() ({
      %run_scoped3A = tpu.sem_alloc : memref<!tpu.dma_semaphore, #tpu.memory_space<semaphore_mem>>
      %dma_start3A_68 = arith.constant 0 : i32
      %dma_start3A_69 = arith.constant 0 : i32
      %dma_start3A_70 = tpu.memref_slice %arg8[%dma_start3A_68, %dma_start3A_69] : memref<128x128xf32, #tpu.memory_space<vmem>> -> memref<64x128xf32, #tpu.memory_space<vmem>>
      %dma_start3A_71 = arith.constant 0 : i32
      %dma_start3A_72 = tpu.memref_slice %arg11[%add3A_67, %dma_start3A_71] : memref<5120x128xf32, #tpu.memory_space<vmem_shared>> -> memref<64x128xf32, #tpu.memory_space<vmem_shared>>
      %dma_start3A_73 = arith.constant 0 : i32
      %dma_start3A_74 = arith.constant 0 : i32
      %dma_start3A_75 = tpu.memref_slice %arg8[%dma_start3A_73, %dma_start3A_74] : memref<128x128xf32, #tpu.memory_space<vmem>> -> memref<64x128xf32, #tpu.memory_space<vmem>>
      %dma_start3A_76 = arith.constant 0 : i32
      %dma_start3A_77 = tpu.memref_slice %arg11[%add3A_67, %dma_start3A_76] : memref<5120x128xf32, #tpu.memory_space<vmem_shared>> -> memref<64x128xf32, #tpu.memory_space<vmem_shared>>
      tpu.enqueue_dma source(%dma_start3A_77 : memref<64x128xf32, #tpu.memory_space<vmem_shared>>) target(%dma_start3A_75 : memref<64x128xf32, #tpu.memory_space<vmem>>) target_semaphore(%run_scoped3A : memref<!tpu.dma_semaphore, #tpu.memory_space<semaphore_mem>>)
      %dma_wait3A_78 = arith.constant 0 : i32
      %dma_wait3A_79 = arith.constant 0 : i32
      %dma_wait3A_80 = tpu.memref_slice %arg8[%dma_wait3A_78, %dma_wait3A_79] : memref<128x128xf32, #tpu.memory_space<vmem>> -> memref<64x128xf32, #tpu.memory_space<vmem>>
      %dma_wait3A_81 = arith.constant 0 : i32
      %dma_wait3A_82 = tpu.memref_slice %arg11[%add3A_67, %dma_wait3A_81] : memref<5120x128xf32, #tpu.memory_space<vmem_shared>> -> memref<64x128xf32, #tpu.memory_space<vmem_shared>>
      %dma_wait3A_83 = arith.constant 0 : i32
      %dma_wait3A_84 = arith.constant 0 : i32
      %dma_wait3A_85 = tpu.memref_slice %arg8[%dma_wait3A_83, %dma_wait3A_84] : memref<128x128xf32, #tpu.memory_space<vmem>> -> memref<64x128xf32, #tpu.memory_space<vmem>>
      %dma_wait3A_86 = arith.constant 0 : i32
      %dma_wait3A_87 = tpu.memref_slice %arg11[%add3A_67, %dma_wait3A_86] : memref<5120x128xf32, #tpu.memory_space<vmem_shared>> -> memref<64x128xf32, #tpu.memory_space<vmem_shared>>
      tpu.wait_dma2 semaphore(%run_scoped3A : memref<!tpu.dma_semaphore, #tpu.memory_space<semaphore_mem>>) src(%dma_wait3A_87 : memref<64x128xf32, #tpu.memory_space<vmem_shared>>) dst(%dma_wait3A_85 : memref<64x128xf32, #tpu.memory_space<vmem>>)
      tpu.yield
    }) : () -> ()
    "tpu.region"() ({
      %run_scoped3A = tpu.sem_alloc : memref<!tpu.dma_semaphore, #tpu.memory_space<semaphore_mem>>
      %dma_start3A_68 = arith.constant 0 : i32
      %dma_start3A_69 = arith.constant 0 : i32
      %dma_start3A_70 = tpu.memref_slice %arg8[%dma_start3A_68, %dma_start3A_69] : memref<128x128xf32, #tpu.memory_space<vmem>> -> memref<64x128xf32, #tpu.memory_space<vmem>>
      %dma_start3A_71 = arith.constant 0 : i32
      %dma_start3A_72 = arith.constant 0 : i32
      %dma_start3A_73 = tpu.memref_slice %arg5[%arg0, %dma_start3A_71, %dma_start3A_72] : memref<2x5120x128xf32, #tpu.memory_space<hbm>> -> memref<1x5120x128xf32, #tpu.memory_space<hbm>>
      %dma_start3A_74 = tpu.memref_squeeze %dma_start3A_73 : memref<1x5120x128xf32, #tpu.memory_space<hbm>> -> memref<5120x128xf32, #tpu.memory_space<hbm>>
      %dma_start3A_75 = arith.constant 0 : i32
      %dma_start3A_76 = tpu.memref_slice %dma_start3A_74[%add3A_67, %dma_start3A_75] : memref<5120x128xf32, #tpu.memory_space<hbm>> -> memref<64x128xf32, #tpu.memory_space<hbm>>
      %dma_start3A_77 = arith.constant 0 : i32
      %dma_start3A_78 = arith.constant 0 : i32
      %dma_start3A_79 = tpu.memref_slice %arg5[%arg0, %dma_start3A_77, %dma_start3A_78] : memref<2x5120x128xf32, #tpu.memory_space<hbm>> -> memref<1x5120x128xf32, #tpu.memory_space<hbm>>
      %dma_start3A_80 = tpu.memref_squeeze %dma_start3A_79 : memref<1x5120x128xf32, #tpu.memory_space<hbm>> -> memref<5120x128xf32, #tpu.memory_space<hbm>>
      %dma_start3A_81 = arith.constant 0 : i32
      %dma_start3A_82 = tpu.memref_slice %dma_start3A_80[%add3A_67, %dma_start3A_81] : memref<5120x128xf32, #tpu.memory_space<hbm>> -> memref<64x128xf32, #tpu.memory_space<hbm>>
      %dma_start3A_83 = arith.constant 0 : i32
      %dma_start3A_84 = arith.constant 0 : i32
      %dma_start3A_85 = tpu.memref_slice %arg8[%dma_start3A_83, %dma_start3A_84] : memref<128x128xf32, #tpu.memory_space<vmem>> -> memref<64x128xf32, #tpu.memory_space<vmem>>
      tpu.enqueue_dma source(%dma_start3A_85 : memref<64x128xf32, #tpu.memory_space<vmem>>) target(%dma_start3A_82 : memref<64x128xf32, #tpu.memory_space<hbm>>) target_semaphore(%run_scoped3A : memref<!tpu.dma_semaphore, #tpu.memory_space<semaphore_mem>>)
      %dma_wait3A_86 = arith.constant 0 : i32
      %dma_wait3A_87 = arith.constant 0 : i32
      %dma_wait3A_88 = tpu.memref_slice %arg8[%dma_wait3A_86, %dma_wait3A_87] : memref<128x128xf32, #tpu.memory_space<vmem>> -> memref<64x128xf32, #tpu.memory_space<vmem>>
      %dma_wait3A_89 = arith.constant 0 : i32
      %dma_wait3A_90 = arith.constant 0 : i32
      %dma_wait3A_91 = tpu.memref_slice %arg5[%arg0, %dma_wait3A_89, %dma_wait3A_90] : memref<2x5120x128xf32, #tpu.memory_space<hbm>> -> memref<1x5120x128xf32, #tpu.memory_space<hbm>>
      %dma_wait3A_92 = tpu.memref_squeeze %dma_wait3A_91 : memref<1x5120x128xf32, #tpu.memory_space<hbm>> -> memref<5120x128xf32, #tpu.memory_space<hbm>>
      %dma_wait3A_93 = arith.constant 0 : i32
      %dma_wait3A_94 = tpu.memref_slice %dma_wait3A_92[%add3A_67, %dma_wait3A_93] : memref<5120x128xf32, #tpu.memory_space<hbm>> -> memref<64x128xf32, #tpu.memory_space<hbm>>
      %dma_wait3A_95 = arith.constant 0 : i32
      %dma_wait3A_96 = arith.constant 0 : i32
      %dma_wait3A_97 = tpu.memref_slice %arg5[%arg0, %dma_wait3A_95, %dma_wait3A_96] : memref<2x5120x128xf32, #tpu.memory_space<hbm>> -> memref<1x5120x128xf32, #tpu.memory_space<hbm>>
      %dma_wait3A_98 = tpu.memref_squeeze %dma_wait3A_97 : memref<1x5120x128xf32, #tpu.memory_space<hbm>> -> memref<5120x128xf32, #tpu.memory_space<hbm>>
      %dma_wait3A_99 = arith.constant 0 : i32
      %dma_wait3A_100 = tpu.memref_slice %dma_wait3A_98[%add3A_67, %dma_wait3A_99] : memref<5120x128xf32, #tpu.memory_space<hbm>> -> memref<64x128xf32, #tpu.memory_space<hbm>>
      %dma_wait3A_101 = arith.constant 0 : i32
      %dma_wait3A_102 = arith.constant 0 : i32
      %dma_wait3A_103 = tpu.memref_slice %arg8[%dma_wait3A_101, %dma_wait3A_102] : memref<128x128xf32, #tpu.memory_space<vmem>> -> memref<64x128xf32, #tpu.memory_space<vmem>>
      tpu.wait_dma2 semaphore(%run_scoped3A : memref<!tpu.dma_semaphore, #tpu.memory_space<semaphore_mem>>) src(%dma_wait3A_103 : memref<64x128xf32, #tpu.memory_space<vmem>>) dst(%dma_wait3A_100 : memref<64x128xf32, #tpu.memory_space<hbm>>)
      tpu.yield
    }) : () -> ()
    return
  }
}

#map = affine_map<(d0, d1) -> (0, 0)>
#map1 = affine_map<(d0, d1) -> (0, 0, 0)>
module attributes {stable_mosaic.version = 14 : i64} {
  func.func @_sc_scatter_body(%arg0: i32, %arg1: i32, %arg2: memref<10240x128xf32, #tpu.memory_space<hbm>>, %arg3: memref<32x159x128xi32, #tpu.memory_space<hbm>>, %arg4: memref<32x159x128xi32, #tpu.memory_space<hbm>>, %arg5: memref<2x5120x128xf32, #tpu.memory_space<hbm>>, %arg6: memref<159x128xi32, #tpu.memory_space<vmem>>, %arg7: memref<159x128xi32, #tpu.memory_space<vmem>>, %arg8: memref<128x128xf32, #tpu.memory_space<vmem>>, %arg9: memref<128x128xf32, #tpu.memory_space<vmem>>, %arg10: memref<128x128xf32, #tpu.memory_space<vmem>>, %arg11: memref<5120x128xf32, #tpu.memory_space<vmem_shared>>, %arg12: memref<!tpu.dma_semaphore, #tpu.memory_space<semaphore_mem>>, %arg13: memref<!tpu.dma_semaphore, #tpu.memory_space<semaphore_mem>>, %arg14: memref<!tpu.dma_semaphore, #tpu.memory_space<semaphore_mem>>, %arg15: memref<!tpu.dma_semaphore, #tpu.memory_space<semaphore_mem>>, %arg16: memref<!tpu.dma_semaphore, #tpu.memory_space<semaphore_mem>>, %arg17: memref<!tpu.dma_semaphore, #tpu.memory_space<semaphore_mem>>) attributes {dimension_semantics = [#tpu.dimension_semantics<core_parallel>, #tpu.dimension_semantics<subcore_parallel>], iteration_bounds = array<i64: 2, 16>, scalar_prefetch = 0 : i64, scratch_operands = 12 : i64, tpu.core_type = #tpu.core_type<sc_vector_subcore>, window_params = [{transform_indices = #map}, {transform_indices = #map1}, {transform_indices = #map1}, {transform_indices = #map1}]} {
    %mul3A = arith.constant 16 : i32
    %mul3A_0 = arith.muli %arg0, %mul3A : i32
    %add3A = arith.addi %mul3A_0, %arg1 : i32
    %mul3A_1 = arith.constant 320 : i32
    %mul3A_2 = arith.muli %arg1, %mul3A_1 : i32
    "tpu.region"() ({
      %run_scoped3A = tpu.sem_alloc : memref<!tpu.dma_semaphore, #tpu.memory_space<semaphore_mem>>
      %dma_start3A_68 = arith.constant 0 : i32
      %dma_start3A_69 = arith.constant 0 : i32
      %dma_start3A_70 = tpu.memref_slice %arg3[%add3A, %dma_start3A_68, %dma_start3A_69] : memref<32x159x128xi32, #tpu.memory_space<hbm>> -> memref<1x159x128xi32, #tpu.memory_space<hbm>>
      %dma_start3A_71 = tpu.memref_squeeze %dma_start3A_70 : memref<1x159x128xi32, #tpu.memory_space<hbm>> -> memref<159x128xi32, #tpu.memory_space<hbm>>
      %dma_start3A_72 = arith.constant 0 : i32
      %dma_start3A_73 = arith.constant 0 : i32
      %dma_start3A_74 = tpu.memref_slice %arg3[%add3A, %dma_start3A_72, %dma_start3A_73] : memref<32x159x128xi32, #tpu.memory_space<hbm>> -> memref<1x159x128xi32, #tpu.memory_space<hbm>>
      %dma_start3A_75 = tpu.memref_squeeze %dma_start3A_74 : memref<1x159x128xi32, #tpu.memory_space<hbm>> -> memref<159x128xi32, #tpu.memory_space<hbm>>
      tpu.enqueue_dma source(%dma_start3A_75 : memref<159x128xi32, #tpu.memory_space<hbm>>) target(%arg6 : memref<159x128xi32, #tpu.memory_space<vmem>>) target_semaphore(%run_scoped3A : memref<!tpu.dma_semaphore, #tpu.memory_space<semaphore_mem>>)
      %dma_wait3A_76 = arith.constant 0 : i32
      %dma_wait3A_77 = arith.constant 0 : i32
      %dma_wait3A_78 = tpu.memref_slice %arg3[%add3A, %dma_wait3A_76, %dma_wait3A_77] : memref<32x159x128xi32, #tpu.memory_space<hbm>> -> memref<1x159x128xi32, #tpu.memory_space<hbm>>
      %dma_wait3A_79 = tpu.memref_squeeze %dma_wait3A_78 : memref<1x159x128xi32, #tpu.memory_space<hbm>> -> memref<159x128xi32, #tpu.memory_space<hbm>>
      %dma_wait3A_80 = arith.constant 0 : i32
      %dma_wait3A_81 = arith.constant 0 : i32
      %dma_wait3A_82 = tpu.memref_slice %arg3[%add3A, %dma_wait3A_80, %dma_wait3A_81] : memref<32x159x128xi32, #tpu.memory_space<hbm>> -> memref<1x159x128xi32, #tpu.memory_space<hbm>>
      %dma_wait3A_83 = tpu.memref_squeeze %dma_wait3A_82 : memref<1x159x128xi32, #tpu.memory_space<hbm>> -> memref<159x128xi32, #tpu.memory_space<hbm>>
      tpu.wait_dma2 semaphore(%run_scoped3A : memref<!tpu.dma_semaphore, #tpu.memory_space<semaphore_mem>>) src(%dma_wait3A_83 : memref<159x128xi32, #tpu.memory_space<hbm>>) dst(%arg6 : memref<159x128xi32, #tpu.memory_space<vmem>>)
      tpu.yield
    }) : () -> ()
    "tpu.region"() ({
      %run_scoped3A = tpu.sem_alloc : memref<!tpu.dma_semaphore, #tpu.memory_space<semaphore_mem>>
      %dma_start3A_68 = arith.constant 0 : i32
      %dma_start3A_69 = arith.constant 0 : i32
      %dma_start3A_70 = tpu.memref_slice %arg4[%add3A, %dma_start3A_68, %dma_start3A_69] : memref<32x159x128xi32, #tpu.memory_space<hbm>> -> memref<1x159x128xi32, #tpu.memory_space<hbm>>
      %dma_start3A_71 = tpu.memref_squeeze %dma_start3A_70 : memref<1x159x128xi32, #tpu.memory_space<hbm>> -> memref<159x128xi32, #tpu.memory_space<hbm>>
      %dma_start3A_72 = arith.constant 0 : i32
      %dma_start3A_73 = arith.constant 0 : i32
      %dma_start3A_74 = tpu.memref_slice %arg4[%add3A, %dma_start3A_72, %dma_start3A_73] : memref<32x159x128xi32, #tpu.memory_space<hbm>> -> memref<1x159x128xi32, #tpu.memory_space<hbm>>
      %dma_start3A_75 = tpu.memref_squeeze %dma_start3A_74 : memref<1x159x128xi32, #tpu.memory_space<hbm>> -> memref<159x128xi32, #tpu.memory_space<hbm>>
      tpu.enqueue_dma source(%dma_start3A_75 : memref<159x128xi32, #tpu.memory_space<hbm>>) target(%arg7 : memref<159x128xi32, #tpu.memory_space<vmem>>) target_semaphore(%run_scoped3A : memref<!tpu.dma_semaphore, #tpu.memory_space<semaphore_mem>>)
      %dma_wait3A_76 = arith.constant 0 : i32
      %dma_wait3A_77 = arith.constant 0 : i32
      %dma_wait3A_78 = tpu.memref_slice %arg4[%add3A, %dma_wait3A_76, %dma_wait3A_77] : memref<32x159x128xi32, #tpu.memory_space<hbm>> -> memref<1x159x128xi32, #tpu.memory_space<hbm>>
      %dma_wait3A_79 = tpu.memref_squeeze %dma_wait3A_78 : memref<1x159x128xi32, #tpu.memory_space<hbm>> -> memref<159x128xi32, #tpu.memory_space<hbm>>
      %dma_wait3A_80 = arith.constant 0 : i32
      %dma_wait3A_81 = arith.constant 0 : i32
      %dma_wait3A_82 = tpu.memref_slice %arg4[%add3A, %dma_wait3A_80, %dma_wait3A_81] : memref<32x159x128xi32, #tpu.memory_space<hbm>> -> memref<1x159x128xi32, #tpu.memory_space<hbm>>
      %dma_wait3A_83 = tpu.memref_squeeze %dma_wait3A_82 : memref<1x159x128xi32, #tpu.memory_space<hbm>> -> memref<159x128xi32, #tpu.memory_space<hbm>>
      tpu.wait_dma2 semaphore(%run_scoped3A : memref<!tpu.dma_semaphore, #tpu.memory_space<semaphore_mem>>) src(%dma_wait3A_83 : memref<159x128xi32, #tpu.memory_space<hbm>>) dst(%arg7 : memref<159x128xi32, #tpu.memory_space<vmem>>)
      tpu.yield
    }) : () -> ()
    %dma_start3A = arith.constant 0 : i32
    %dma_start3A_3 = arith.constant 0 : i32
    %dma_start3A_4 = tpu.memref_slice %arg6[%dma_start3A, %dma_start3A_3] : memref<159x128xi32, #tpu.memory_space<vmem>> -> memref<1x128xi32, #tpu.memory_space<vmem>>
    %dma_start3A_5 = tpu.memref_squeeze %dma_start3A_4 : memref<1x128xi32, #tpu.memory_space<vmem>> -> memref<128xi32, #tpu.memory_space<vmem>>
    %dma_start3A_6 = arith.constant 0 : i32
    %dma_start3A_7 = arith.constant 0 : i32
    %dma_start3A_8 = tpu.memref_slice %arg2[%dma_start3A_6, %dma_start3A_7] : memref<10240x128xf32, #tpu.memory_space<hbm>> -> memref<10240x128xf32, #tpu.memory_space<hbm>>
    %dma_start3A_9 = arith.constant -1 : i32
    tpu.enqueue_indirect_dma source(%dma_start3A_8 : memref<10240x128xf32, #tpu.memory_space<hbm>>) target(%arg8 : memref<128x128xf32, #tpu.memory_space<vmem>>) offsets(%dma_start3A_5 : memref<128xi32, #tpu.memory_space<vmem>>) offset_filter(%dma_start3A_9) semaphore(%arg12 : memref<!tpu.dma_semaphore, #tpu.memory_space<semaphore_mem>>)
    %dma_start3A_10 = arith.constant 1 : i32
    %dma_start3A_11 = arith.constant 0 : i32
    %dma_start3A_12 = tpu.memref_slice %arg6[%dma_start3A_10, %dma_start3A_11] : memref<159x128xi32, #tpu.memory_space<vmem>> -> memref<1x128xi32, #tpu.memory_space<vmem>>
    %dma_start3A_13 = tpu.memref_squeeze %dma_start3A_12 : memref<1x128xi32, #tpu.memory_space<vmem>> -> memref<128xi32, #tpu.memory_space<vmem>>
    %dma_start3A_14 = arith.constant 0 : i32
    %dma_start3A_15 = arith.constant 0 : i32
    %dma_start3A_16 = tpu.memref_slice %arg2[%dma_start3A_14, %dma_start3A_15] : memref<10240x128xf32, #tpu.memory_space<hbm>> -> memref<10240x128xf32, #tpu.memory_space<hbm>>
    %dma_start3A_17 = arith.constant -1 : i32
    tpu.enqueue_indirect_dma source(%dma_start3A_16 : memref<10240x128xf32, #tpu.memory_space<hbm>>) target(%arg9 : memref<128x128xf32, #tpu.memory_space<vmem>>) offsets(%dma_start3A_13 : memref<128xi32, #tpu.memory_space<vmem>>) offset_filter(%dma_start3A_17) semaphore(%arg13 : memref<!tpu.dma_semaphore, #tpu.memory_space<semaphore_mem>>)
    %scan3A = arith.constant 0 : i32
    %scan3A_18 = arith.constant 64 : i32
    %scan3A_19 = arith.addi %scan3A, %scan3A_18 : i32
    %scan3A_20 = arith.constant 1 : i32
    scf.for %scan3A_68 = %scan3A to %scan3A_19 step %scan3A_20  : i32 {
      %mul3A_69 = arith.constant 1 : i32
      %mul3A_70 = arith.muli %scan3A_68, %mul3A_69 : i32
      %add3A_71 = arith.constant 0 : i32
      %add3A_72 = arith.addi %add3A_71, %mul3A_70 : i32
      %broadcast_in_dim3A = arith.constant 0.000000e+00 : f32
      %broadcast_in_dim3A_73 = vector.broadcast %broadcast_in_dim3A : f32 to vector<16xf32>
      %swap3A = arith.index_cast %add3A_72 : i32 to index
      %swap3A_74 = arith.constant 0 : index
      %swap3A_75 = tpu.vector_load %arg10[%swap3A, %swap3A_74] {strides = array<i32>} : memref<128x128xf32, #tpu.memory_space<vmem>>, vector<1x16xf32>,
      %swap3A_76 = vector.shape_cast %swap3A_75 : vector<1x16xf32> to vector<16xf32>
      %swap3A_77 = vector.shape_cast %broadcast_in_dim3A_73 : vector<16xf32> to vector<1x16xf32>
      tpu.vector_store %arg10[%swap3A, %swap3A_74], %swap3A_77 {strides = array<i32>} : memref<128x128xf32, #tpu.memory_space<vmem>>, vector<1x16xf32>,
      %broadcast_in_dim3A_78 = arith.constant 0.000000e+00 : f32
      %broadcast_in_dim3A_79 = vector.broadcast %broadcast_in_dim3A_78 : f32 to vector<16xf32>
      %swap3A_80 = arith.index_cast %add3A_72 : i32 to index
      %swap3A_81 = arith.constant 16 : index
      %swap3A_82 = tpu.vector_load %arg10[%swap3A_80, %swap3A_81] {strides = array<i32>} : memref<128x128xf32, #tpu.memory_space<vmem>>, vector<1x16xf32>,
      %swap3A_83 = vector.shape_cast %swap3A_82 : vector<1x16xf32> to vector<16xf32>
      %swap3A_84 = vector.shape_cast %broadcast_in_dim3A_79 : vector<16xf32> to vector<1x16xf32>
      tpu.vector_store %arg10[%swap3A_80, %swap3A_81], %swap3A_84 {strides = array<i32>} : memref<128x128xf32, #tpu.memory_space<vmem>>, vector<1x16xf32>,
      %broadcast_in_dim3A_85 = arith.constant 0.000000e+00 : f32
      %broadcast_in_dim3A_86 = vector.broadcast %broadcast_in_dim3A_85 : f32 to vector<16xf32>
      %swap3A_87 = arith.index_cast %add3A_72 : i32 to index
      %swap3A_88 = arith.constant 32 : index
      %swap3A_89 = tpu.vector_load %arg10[%swap3A_87, %swap3A_88] {strides = array<i32>} : memref<128x128xf32, #tpu.memory_space<vmem>>, vector<1x16xf32>,
      %swap3A_90 = vector.shape_cast %swap3A_89 : vector<1x16xf32> to vector<16xf32>
      %swap3A_91 = vector.shape_cast %broadcast_in_dim3A_86 : vector<16xf32> to vector<1x16xf32>
      tpu.vector_store %arg10[%swap3A_87, %swap3A_88], %swap3A_91 {strides = array<i32>} : memref<128x128xf32, #tpu.memory_space<vmem>>, vector<1x16xf32>,
      %broadcast_in_dim3A_92 = arith.constant 0.000000e+00 : f32
      %broadcast_in_dim3A_93 = vector.broadcast %broadcast_in_dim3A_92 : f32 to vector<16xf32>
      %swap3A_94 = arith.index_cast %add3A_72 : i32 to index
      %swap3A_95 = arith.constant 48 : index
      %swap3A_96 = tpu.vector_load %arg10[%swap3A_94, %swap3A_95] {strides = array<i32>} : memref<128x128xf32, #tpu.memory_space<vmem>>, vector<1x16xf32>,
      %swap3A_97 = vector.shape_cast %swap3A_96 : vector<1x16xf32> to vector<16xf32>
      %swap3A_98 = vector.shape_cast %broadcast_in_dim3A_93 : vector<16xf32> to vector<1x16xf32>
      tpu.vector_store %arg10[%swap3A_94, %swap3A_95], %swap3A_98 {strides = array<i32>} : memref<128x128xf32, #tpu.memory_space<vmem>>, vector<1x16xf32>,
      %broadcast_in_dim3A_99 = arith.constant 0.000000e+00 : f32
      %broadcast_in_dim3A_100 = vector.broadcast %broadcast_in_dim3A_99 : f32 to vector<16xf32>
      %swap3A_101 = arith.index_cast %add3A_72 : i32 to index
      %swap3A_102 = arith.constant 64 : index
      %swap3A_103 = tpu.vector_load %arg10[%swap3A_101, %swap3A_102] {strides = array<i32>} : memref<128x128xf32, #tpu.memory_space<vmem>>, vector<1x16xf32>,
      %swap3A_104 = vector.shape_cast %swap3A_103 : vector<1x16xf32> to vector<16xf32>
      %swap3A_105 = vector.shape_cast %broadcast_in_dim3A_100 : vector<16xf32> to vector<1x16xf32>
      tpu.vector_store %arg10[%swap3A_101, %swap3A_102], %swap3A_105 {strides = array<i32>} : memref<128x128xf32, #tpu.memory_space<vmem>>, vector<1x16xf32>,
      %broadcast_in_dim3A_106 = arith.constant 0.000000e+00 : f32
      %broadcast_in_dim3A_107 = vector.broadcast %broadcast_in_dim3A_106 : f32 to vector<16xf32>
      %swap3A_108 = arith.index_cast %add3A_72 : i32 to index
      %swap3A_109 = arith.constant 80 : index
      %swap3A_110 = tpu.vector_load %arg10[%swap3A_108, %swap3A_109] {strides = array<i32>} : memref<128x128xf32, #tpu.memory_space<vmem>>, vector<1x16xf32>,
      %swap3A_111 = vector.shape_cast %swap3A_110 : vector<1x16xf32> to vector<16xf32>
      %swap3A_112 = vector.shape_cast %broadcast_in_dim3A_107 : vector<16xf32> to vector<1x16xf32>
      tpu.vector_store %arg10[%swap3A_108, %swap3A_109], %swap3A_112 {strides = array<i32>} : memref<128x128xf32, #tpu.memory_space<vmem>>, vector<1x16xf32>,
      %broadcast_in_dim3A_113 = arith.constant 0.000000e+00 : f32
      %broadcast_in_dim3A_114 = vector.broadcast %broadcast_in_dim3A_113 : f32 to vector<16xf32>
      %swap3A_115 = arith.index_cast %add3A_72 : i32 to index
      %swap3A_116 = arith.constant 96 : index
      %swap3A_117 = tpu.vector_load %arg10[%swap3A_115, %swap3A_116] {strides = array<i32>} : memref<128x128xf32, #tpu.memory_space<vmem>>, vector<1x16xf32>,
      %swap3A_118 = vector.shape_cast %swap3A_117 : vector<1x16xf32> to vector<16xf32>
      %swap3A_119 = vector.shape_cast %broadcast_in_dim3A_114 : vector<16xf32> to vector<1x16xf32>
      tpu.vector_store %arg10[%swap3A_115, %swap3A_116], %swap3A_119 {strides = array<i32>} : memref<128x128xf32, #tpu.memory_space<vmem>>, vector<1x16xf32>,
      %broadcast_in_dim3A_120 = arith.constant 0.000000e+00 : f32
      %broadcast_in_dim3A_121 = vector.broadcast %broadcast_in_dim3A_120 : f32 to vector<16xf32>
      %swap3A_122 = arith.index_cast %add3A_72 : i32 to index
      %swap3A_123 = arith.constant 112 : index
      %swap3A_124 = tpu.vector_load %arg10[%swap3A_122, %swap3A_123] {strides = array<i32>} : memref<128x128xf32, #tpu.memory_space<vmem>>, vector<1x16xf32>,
      %swap3A_125 = vector.shape_cast %swap3A_124 : vector<1x16xf32> to vector<16xf32>
      %swap3A_126 = vector.shape_cast %broadcast_in_dim3A_121 : vector<16xf32> to vector<1x16xf32>
      tpu.vector_store %arg10[%swap3A_122, %swap3A_123], %swap3A_126 {strides = array<i32>} : memref<128x128xf32, #tpu.memory_space<vmem>>, vector<1x16xf32>,
    }
    %scan3A_21 = arith.constant 64 : i32
    %add3A_22 = arith.constant 0 : i32
    %add3A_23 = arith.addi %mul3A_2, %add3A_22 : i32
    "tpu.region"() ({
      %run_scoped3A = tpu.sem_alloc : memref<!tpu.dma_semaphore, #tpu.memory_space<semaphore_mem>>
      %dma_start3A_68 = arith.constant 0 : i32
      %dma_start3A_69 = arith.constant 0 : i32
      %dma_start3A_70 = tpu.memref_slice %arg10[%dma_start3A_68, %dma_start3A_69] : memref<128x128xf32, #tpu.memory_space<vmem>> -> memref<64x128xf32, #tpu.memory_space<vmem>>
      %dma_start3A_71 = arith.constant 0 : i32
      %dma_start3A_72 = tpu.memref_slice %arg11[%add3A_23, %dma_start3A_71] : memref<5120x128xf32, #tpu.memory_space<vmem_shared>> -> memref<64x128xf32, #tpu.memory_space<vmem_shared>>
      %dma_start3A_73 = arith.constant 0 : i32
      %dma_start3A_74 = tpu.memref_slice %arg11[%add3A_23, %dma_start3A_73] : memref<5120x128xf32, #tpu.memory_space<vmem_shared>> -> memref<64x128xf32, #tpu.memory_space<vmem_shared>>
      %dma_start3A_75 = arith.constant 0 : i32
      %dma_start3A_76 = arith.constant 0 : i32
      %dma_start3A_77 = tpu.memref_slice %arg10[%dma_start3A_75, %dma_start3A_76] : memref<128x128xf32, #tpu.memory_space<vmem>> -> memref<64x128xf32, #tpu.memory_space<vmem>>
      tpu.enqueue_dma source(%dma_start3A_77 : memref<64x128xf32, #tpu.memory_space<vmem>>) target(%dma_start3A_74 : memref<64x128xf32, #tpu.memory_space<vmem_shared>>) target_semaphore(%run_scoped3A : memref<!tpu.dma_semaphore, #tpu.memory_space<semaphore_mem>>)
      %dma_wait3A_78 = arith.constant 0 : i32
      %dma_wait3A_79 = arith.constant 0 : i32
      %dma_wait3A_80 = tpu.memref_slice %arg10[%dma_wait3A_78, %dma_wait3A_79] : memref<128x128xf32, #tpu.memory_space<vmem>> -> memref<64x128xf32, #tpu.memory_space<vmem>>
      %dma_wait3A_81 = arith.constant 0 : i32
      %dma_wait3A_82 = tpu.memref_slice %arg11[%add3A_23, %dma_wait3A_81] : memref<5120x128xf32, #tpu.memory_space<vmem_shared>> -> memref<64x128xf32, #tpu.memory_space<vmem_shared>>
      %dma_wait3A_83 = arith.constant 0 : i32
      %dma_wait3A_84 = tpu.memref_slice %arg11[%add3A_23, %dma_wait3A_83] : memref<5120x128xf32, #tpu.memory_space<vmem_shared>> -> memref<64x128xf32, #tpu.memory_space<vmem_shared>>
      %dma_wait3A_85 = arith.constant 0 : i32
      %dma_wait3A_86 = arith.constant 0 : i32
      %dma_wait3A_87 = tpu.memref_slice %arg10[%dma_wait3A_85, %dma_wait3A_86] : memref<128x128xf32, #tpu.memory_space<vmem>> -> memref<64x128xf32, #tpu.memory_space<vmem>>
      tpu.wait_dma2 semaphore(%run_scoped3A : memref<!tpu.dma_semaphore, #tpu.memory_space<semaphore_mem>>) src(%dma_wait3A_87 : memref<64x128xf32, #tpu.memory_space<vmem>>) dst(%dma_wait3A_84 : memref<64x128xf32, #tpu.memory_space<vmem_shared>>)
      tpu.yield
    }) : () -> ()
    %add3A_24 = arith.constant 64 : i32
    %add3A_25 = arith.addi %mul3A_2, %add3A_24 : i32
    "tpu.region"() ({
      %run_scoped3A = tpu.sem_alloc : memref<!tpu.dma_semaphore, #tpu.memory_space<semaphore_mem>>
      %dma_start3A_68 = arith.constant 0 : i32
      %dma_start3A_69 = arith.constant 0 : i32
      %dma_start3A_70 = tpu.memref_slice %arg10[%dma_start3A_68, %dma_start3A_69] : memref<128x128xf32, #tpu.memory_space<vmem>> -> memref<64x128xf32, #tpu.memory_space<vmem>>
      %dma_start3A_71 = arith.constant 0 : i32
      %dma_start3A_72 = tpu.memref_slice %arg11[%add3A_25, %dma_start3A_71] : memref<5120x128xf32, #tpu.memory_space<vmem_shared>> -> memref<64x128xf32, #tpu.memory_space<vmem_shared>>
      %dma_start3A_73 = arith.constant 0 : i32
      %dma_start3A_74 = tpu.memref_slice %arg11[%add3A_25, %dma_start3A_73] : memref<5120x128xf32, #tpu.memory_space<vmem_shared>> -> memref<64x128xf32, #tpu.memory_space<vmem_shared>>
      %dma_start3A_75 = arith.constant 0 : i32
      %dma_start3A_76 = arith.constant 0 : i32
      %dma_start3A_77 = tpu.memref_slice %arg10[%dma_start3A_75, %dma_start3A_76] : memref<128x128xf32, #tpu.memory_space<vmem>> -> memref<64x128xf32, #tpu.memory_space<vmem>>
      tpu.enqueue_dma source(%dma_start3A_77 : memref<64x128xf32, #tpu.memory_space<vmem>>) target(%dma_start3A_74 : memref<64x128xf32, #tpu.memory_space<vmem_shared>>) target_semaphore(%run_scoped3A : memref<!tpu.dma_semaphore, #tpu.memory_space<semaphore_mem>>)
      %dma_wait3A_78 = arith.constant 0 : i32
      %dma_wait3A_79 = arith.constant 0 : i32
      %dma_wait3A_80 = tpu.memref_slice %arg10[%dma_wait3A_78, %dma_wait3A_79] : memref<128x128xf32, #tpu.memory_space<vmem>> -> memref<64x128xf32, #tpu.memory_space<vmem>>
      %dma_wait3A_81 = arith.constant 0 : i32
      %dma_wait3A_82 = tpu.memref_slice %arg11[%add3A_25, %dma_wait3A_81] : memref<5120x128xf32, #tpu.memory_space<vmem_shared>> -> memref<64x128xf32, #tpu.memory_space<vmem_shared>>
      %dma_wait3A_83 = arith.constant 0 : i32
      %dma_wait3A_84 = tpu.memref_slice %arg11[%add3A_25, %dma_wait3A_83] : memref<5120x128xf32, #tpu.memory_space<vmem_shared>> -> memref<64x128xf32, #tpu.memory_space<vmem_shared>>
      %dma_wait3A_85 = arith.constant 0 : i32
      %dma_wait3A_86 = arith.constant 0 : i32
      %dma_wait3A_87 = tpu.memref_slice %arg10[%dma_wait3A_85, %dma_wait3A_86] : memref<128x128xf32, #tpu.memory_space<vmem>> -> memref<64x128xf32, #tpu.memory_space<vmem>>
      tpu.wait_dma2 semaphore(%run_scoped3A : memref<!tpu.dma_semaphore, #tpu.memory_space<semaphore_mem>>) src(%dma_wait3A_87 : memref<64x128xf32, #tpu.memory_space<vmem>>) dst(%dma_wait3A_84 : memref<64x128xf32, #tpu.memory_space<vmem_shared>>)
      tpu.yield
    }) : () -> ()
    %add3A_26 = arith.constant 128 : i32
    %add3A_27 = arith.addi %mul3A_2, %add3A_26 : i32
    "tpu.region"() ({
      %run_scoped3A = tpu.sem_alloc : memref<!tpu.dma_semaphore, #tpu.memory_space<semaphore_mem>>
      %dma_start3A_68 = arith.constant 0 : i32
      %dma_start3A_69 = arith.constant 0 : i32
      %dma_start3A_70 = tpu.memref_slice %arg10[%dma_start3A_68, %dma_start3A_69] : memref<128x128xf32, #tpu.memory_space<vmem>> -> memref<64x128xf32, #tpu.memory_space<vmem>>
      %dma_start3A_71 = arith.constant 0 : i32
      %dma_start3A_72 = tpu.memref_slice %arg11[%add3A_27, %dma_start3A_71] : memref<5120x128xf32, #tpu.memory_space<vmem_shared>> -> memref<64x128xf32, #tpu.memory_space<vmem_shared>>
      %dma_start3A_73 = arith.constant 0 : i32
      %dma_start3A_74 = tpu.memref_slice %arg11[%add3A_27, %dma_start3A_73] : memref<5120x128xf32, #tpu.memory_space<vmem_shared>> -> memref<64x128xf32, #tpu.memory_space<vmem_shared>>
      %dma_start3A_75 = arith.constant 0 : i32
      %dma_start3A_76 = arith.constant 0 : i32
      %dma_start3A_77 = tpu.memref_slice %arg10[%dma_start3A_75, %dma_start3A_76] : memref<128x128xf32, #tpu.memory_space<vmem>> -> memref<64x128xf32, #tpu.memory_space<vmem>>
      tpu.enqueue_dma source(%dma_start3A_77 : memref<64x128xf32, #tpu.memory_space<vmem>>) target(%dma_start3A_74 : memref<64x128xf32, #tpu.memory_space<vmem_shared>>) target_semaphore(%run_scoped3A : memref<!tpu.dma_semaphore, #tpu.memory_space<semaphore_mem>>)
      %dma_wait3A_78 = arith.constant 0 : i32
      %dma_wait3A_79 = arith.constant 0 : i32
      %dma_wait3A_80 = tpu.memref_slice %arg10[%dma_wait3A_78, %dma_wait3A_79] : memref<128x128xf32, #tpu.memory_space<vmem>> -> memref<64x128xf32, #tpu.memory_space<vmem>>
      %dma_wait3A_81 = arith.constant 0 : i32
      %dma_wait3A_82 = tpu.memref_slice %arg11[%add3A_27, %dma_wait3A_81] : memref<5120x128xf32, #tpu.memory_space<vmem_shared>> -> memref<64x128xf32, #tpu.memory_space<vmem_shared>>
      %dma_wait3A_83 = arith.constant 0 : i32
      %dma_wait3A_84 = tpu.memref_slice %arg11[%add3A_27, %dma_wait3A_83] : memref<5120x128xf32, #tpu.memory_space<vmem_shared>> -> memref<64x128xf32, #tpu.memory_space<vmem_shared>>
      %dma_wait3A_85 = arith.constant 0 : i32
      %dma_wait3A_86 = arith.constant 0 : i32
      %dma_wait3A_87 = tpu.memref_slice %arg10[%dma_wait3A_85, %dma_wait3A_86] : memref<128x128xf32, #tpu.memory_space<vmem>> -> memref<64x128xf32, #tpu.memory_space<vmem>>
      tpu.wait_dma2 semaphore(%run_scoped3A : memref<!tpu.dma_semaphore, #tpu.memory_space<semaphore_mem>>) src(%dma_wait3A_87 : memref<64x128xf32, #tpu.memory_space<vmem>>) dst(%dma_wait3A_84 : memref<64x128xf32, #tpu.memory_space<vmem_shared>>)
      tpu.yield
    }) : () -> ()
    %add3A_28 = arith.constant 192 : i32
    %add3A_29 = arith.addi %mul3A_2, %add3A_28 : i32
    "tpu.region"() ({
      %run_scoped3A = tpu.sem_alloc : memref<!tpu.dma_semaphore, #tpu.memory_space<semaphore_mem>>
      %dma_start3A_68 = arith.constant 0 : i32
      %dma_start3A_69 = arith.constant 0 : i32
      %dma_start3A_70 = tpu.memref_slice %arg10[%dma_start3A_68, %dma_start3A_69] : memref<128x128xf32, #tpu.memory_space<vmem>> -> memref<64x128xf32, #tpu.memory_space<vmem>>
      %dma_start3A_71 = arith.constant 0 : i32
      %dma_start3A_72 = tpu.memref_slice %arg11[%add3A_29, %dma_start3A_71] : memref<5120x128xf32, #tpu.memory_space<vmem_shared>> -> memref<64x128xf32, #tpu.memory_space<vmem_shared>>
      %dma_start3A_73 = arith.constant 0 : i32
      %dma_start3A_74 = tpu.memref_slice %arg11[%add3A_29, %dma_start3A_73] : memref<5120x128xf32, #tpu.memory_space<vmem_shared>> -> memref<64x128xf32, #tpu.memory_space<vmem_shared>>
      %dma_start3A_75 = arith.constant 0 : i32
      %dma_start3A_76 = arith.constant 0 : i32
      %dma_start3A_77 = tpu.memref_slice %arg10[%dma_start3A_75, %dma_start3A_76] : memref<128x128xf32, #tpu.memory_space<vmem>> -> memref<64x128xf32, #tpu.memory_space<vmem>>
      tpu.enqueue_dma source(%dma_start3A_77 : memref<64x128xf32, #tpu.memory_space<vmem>>) target(%dma_start3A_74 : memref<64x128xf32, #tpu.memory_space<vmem_shared>>) target_semaphore(%run_scoped3A : memref<!tpu.dma_semaphore, #tpu.memory_space<semaphore_mem>>)
      %dma_wait3A_78 = arith.constant 0 : i32
      %dma_wait3A_79 = arith.constant 0 : i32
      %dma_wait3A_80 = tpu.memref_slice %arg10[%dma_wait3A_78, %dma_wait3A_79] : memref<128x128xf32, #tpu.memory_space<vmem>> -> memref<64x128xf32, #tpu.memory_space<vmem>>
      %dma_wait3A_81 = arith.constant 0 : i32
      %dma_wait3A_82 = tpu.memref_slice %arg11[%add3A_29, %dma_wait3A_81] : memref<5120x128xf32, #tpu.memory_space<vmem_shared>> -> memref<64x128xf32, #tpu.memory_space<vmem_shared>>
      %dma_wait3A_83 = arith.constant 0 : i32
      %dma_wait3A_84 = tpu.memref_slice %arg11[%add3A_29, %dma_wait3A_83] : memref<5120x128xf32, #tpu.memory_space<vmem_shared>> -> memref<64x128xf32, #tpu.memory_space<vmem_shared>>
      %dma_wait3A_85 = arith.constant 0 : i32
      %dma_wait3A_86 = arith.constant 0 : i32
      %dma_wait3A_87 = tpu.memref_slice %arg10[%dma_wait3A_85, %dma_wait3A_86] : memref<128x128xf32, #tpu.memory_space<vmem>> -> memref<64x128xf32, #tpu.memory_space<vmem>>
      tpu.wait_dma2 semaphore(%run_scoped3A : memref<!tpu.dma_semaphore, #tpu.memory_space<semaphore_mem>>) src(%dma_wait3A_87 : memref<64x128xf32, #tpu.memory_space<vmem>>) dst(%dma_wait3A_84 : memref<64x128xf32, #tpu.memory_space<vmem_shared>>)
      tpu.yield
    }) : () -> ()
    %add3A_30 = arith.constant 256 : i32
    %add3A_31 = arith.addi %mul3A_2, %add3A_30 : i32
    "tpu.region"() ({
      %run_scoped3A = tpu.sem_alloc : memref<!tpu.dma_semaphore, #tpu.memory_space<semaphore_mem>>
      %dma_start3A_68 = arith.constant 0 : i32
      %dma_start3A_69 = arith.constant 0 : i32
      %dma_start3A_70 = tpu.memref_slice %arg10[%dma_start3A_68, %dma_start3A_69] : memref<128x128xf32, #tpu.memory_space<vmem>> -> memref<64x128xf32, #tpu.memory_space<vmem>>
      %dma_start3A_71 = arith.constant 0 : i32
      %dma_start3A_72 = tpu.memref_slice %arg11[%add3A_31, %dma_start3A_71] : memref<5120x128xf32, #tpu.memory_space<vmem_shared>> -> memref<64x128xf32, #tpu.memory_space<vmem_shared>>
      %dma_start3A_73 = arith.constant 0 : i32
      %dma_start3A_74 = tpu.memref_slice %arg11[%add3A_31, %dma_start3A_73] : memref<5120x128xf32, #tpu.memory_space<vmem_shared>> -> memref<64x128xf32, #tpu.memory_space<vmem_shared>>
      %dma_start3A_75 = arith.constant 0 : i32
      %dma_start3A_76 = arith.constant 0 : i32
      %dma_start3A_77 = tpu.memref_slice %arg10[%dma_start3A_75, %dma_start3A_76] : memref<128x128xf32, #tpu.memory_space<vmem>> -> memref<64x128xf32, #tpu.memory_space<vmem>>
      tpu.enqueue_dma source(%dma_start3A_77 : memref<64x128xf32, #tpu.memory_space<vmem>>) target(%dma_start3A_74 : memref<64x128xf32, #tpu.memory_space<vmem_shared>>) target_semaphore(%run_scoped3A : memref<!tpu.dma_semaphore, #tpu.memory_space<semaphore_mem>>)
      %dma_wait3A_78 = arith.constant 0 : i32
      %dma_wait3A_79 = arith.constant 0 : i32
      %dma_wait3A_80 = tpu.memref_slice %arg10[%dma_wait3A_78, %dma_wait3A_79] : memref<128x128xf32, #tpu.memory_space<vmem>> -> memref<64x128xf32, #tpu.memory_space<vmem>>
      %dma_wait3A_81 = arith.constant 0 : i32
      %dma_wait3A_82 = tpu.memref_slice %arg11[%add3A_31, %dma_wait3A_81] : memref<5120x128xf32, #tpu.memory_space<vmem_shared>> -> memref<64x128xf32, #tpu.memory_space<vmem_shared>>
      %dma_wait3A_83 = arith.constant 0 : i32
      %dma_wait3A_84 = tpu.memref_slice %arg11[%add3A_31, %dma_wait3A_83] : memref<5120x128xf32, #tpu.memory_space<vmem_shared>> -> memref<64x128xf32, #tpu.memory_space<vmem_shared>>
      %dma_wait3A_85 = arith.constant 0 : i32
      %dma_wait3A_86 = arith.constant 0 : i32
      %dma_wait3A_87 = tpu.memref_slice %arg10[%dma_wait3A_85, %dma_wait3A_86] : memref<128x128xf32, #tpu.memory_space<vmem>> -> memref<64x128xf32, #tpu.memory_space<vmem>>
      tpu.wait_dma2 semaphore(%run_scoped3A : memref<!tpu.dma_semaphore, #tpu.memory_space<semaphore_mem>>) src(%dma_wait3A_87 : memref<64x128xf32, #tpu.memory_space<vmem>>) dst(%dma_wait3A_84 : memref<64x128xf32, #tpu.memory_space<vmem_shared>>)
      tpu.yield
    }) : () -> ()
    %barrier3A = arith.constant 0 : index
    tpu.barrier barrier_id(%barrier3A)
    %scan3A_32 = arith.constant 0 : i32
    %scan3A_33 = arith.constant 53 : i32
    %scan3A_34 = arith.addi %scan3A_32, %scan3A_33 : i32
    %scan3A_35 = arith.constant 1 : i32
    scf.for %scan3A_68 = %scan3A_32 to %scan3A_34 step %scan3A_35  : i32 {
      %mul3A_69 = arith.constant 1 : i32
      %mul3A_70 = arith.muli %scan3A_68, %mul3A_69 : i32
      %add3A_71 = arith.constant 0 : i32
      %add3A_72 = arith.addi %add3A_71, %mul3A_70 : i32
      %mul3A_73 = arith.constant 3 : i32
      %mul3A_74 = arith.muli %add3A_72, %mul3A_73 : i32
      %add3A_75 = arith.constant 0 : i32
      %add3A_76 = arith.addi %mul3A_74, %add3A_75 : i32
      %dma_wait3A_77 = arith.constant 0 : i32
      %dma_wait3A_78 = tpu.memref_slice %arg6[%add3A_76, %dma_wait3A_77] : memref<159x128xi32, #tpu.memory_space<vmem>> -> memref<1x128xi32, #tpu.memory_space<vmem>>
      %dma_wait3A_79 = tpu.memref_squeeze %dma_wait3A_78 : memref<1x128xi32, #tpu.memory_space<vmem>> -> memref<128xi32, #tpu.memory_space<vmem>>
      %dma_wait3A_80 = arith.constant 0 : i32
      %dma_wait3A_81 = arith.constant 0 : i32
      %dma_wait3A_82 = tpu.memref_slice %arg2[%dma_wait3A_80, %dma_wait3A_81] : memref<10240x128xf32, #tpu.memory_space<hbm>> -> memref<10240x128xf32, #tpu.memory_space<hbm>>
      tpu.wait_indirect_dma semaphore(%arg12 : memref<!tpu.dma_semaphore, #tpu.memory_space<semaphore_mem>>) src(%dma_wait3A_82 : memref<10240x128xf32, #tpu.memory_space<hbm>>) dst(%arg8 : memref<128x128xf32, #tpu.memory_space<vmem>>)
      %dma_start3A_83 = arith.constant 0 : i32
      %dma_start3A_84 = tpu.memref_slice %arg7[%add3A_76, %dma_start3A_83] : memref<159x128xi32, #tpu.memory_space<vmem>> -> memref<1x128xi32, #tpu.memory_space<vmem>>
      %dma_start3A_85 = tpu.memref_squeeze %dma_start3A_84 : memref<1x128xi32, #tpu.memory_space<vmem>> -> memref<128xi32, #tpu.memory_space<vmem>>
      %dma_start3A_86 = arith.constant 0 : i32
      %dma_start3A_87 = arith.constant 0 : i32
      %dma_start3A_88 = tpu.memref_slice %arg11[%dma_start3A_86, %dma_start3A_87] : memref<5120x128xf32, #tpu.memory_space<vmem_shared>> -> memref<5120x128xf32, #tpu.memory_space<vmem_shared>>
      %dma_start3A_89 = arith.constant -1 : i32
      tpu.enqueue_indirect_dma source(%arg8 : memref<128x128xf32, #tpu.memory_space<vmem>>) target(%dma_start3A_88 : memref<5120x128xf32, #tpu.memory_space<vmem_shared>>) offsets(%dma_start3A_85 : memref<128xi32, #tpu.memory_space<vmem>>) offset_filter(%dma_start3A_89) semaphore(%arg15 : memref<!tpu.dma_semaphore, #tpu.memory_space<semaphore_mem>>) {add = true}
      %add3A_90 = arith.constant 2 : i32
      %add3A_91 = arith.addi %add3A_76, %add3A_90 : i32
      %lt3A = arith.constant 159 : i32
      %lt3A_92 = arith.cmpi slt, %add3A_91, %lt3A : i32
      %convert_element_type3A = arith.extui %lt3A_92 : i1 to i32
      %cond3A = arith.constant 0 : i32
      %cond3A_93 = arith.cmpi ne, %convert_element_type3A, %cond3A : i32
      scf.if %cond3A_93 {
        %sub3A = arith.constant 3 : i32
        %sub3A_142 = arith.subi %add3A_91, %sub3A : i32
        %ge3A = arith.constant 0 : i32
        %ge3A_143 = arith.cmpi sge, %sub3A_142, %ge3A : i32
        %convert_element_type3A_144 = arith.extui %ge3A_143 : i1 to i32
        %cond3A_145 = arith.constant 0 : i32
        %cond3A_146 = arith.cmpi ne, %convert_element_type3A_144, %cond3A_145 : i32
        scf.if %cond3A_146 {
          %dma_wait3A_154 = arith.constant 0 : i32
          %dma_wait3A_155 = tpu.memref_slice %arg7[%sub3A_142, %dma_wait3A_154] : memref<159x128xi32, #tpu.memory_space<vmem>> -> memref<1x128xi32, #tpu.memory_space<vmem>>
          %dma_wait3A_156 = tpu.memref_squeeze %dma_wait3A_155 : memref<1x128xi32, #tpu.memory_space<vmem>> -> memref<128xi32, #tpu.memory_space<vmem>>
          %dma_wait3A_157 = arith.constant 0 : i32
          %dma_wait3A_158 = arith.constant 0 : i32
          %dma_wait3A_159 = tpu.memref_slice %arg11[%dma_wait3A_157, %dma_wait3A_158] : memref<5120x128xf32, #tpu.memory_space<vmem_shared>> -> memref<5120x128xf32, #tpu.memory_space<vmem_shared>>
          tpu.wait_indirect_dma semaphore(%arg17 : memref<!tpu.dma_semaphore, #tpu.memory_space<semaphore_mem>>) src(%arg10 : memref<128x128xf32, #tpu.memory_space<vmem>>) dst(%dma_wait3A_159 : memref<5120x128xf32, #tpu.memory_space<vmem_shared>>)
        } else {
        }
        %dma_start3A_147 = arith.constant 0 : i32
        %dma_start3A_148 = tpu.memref_slice %arg6[%add3A_91, %dma_start3A_147] : memref<159x128xi32, #tpu.memory_space<vmem>> -> memref<1x128xi32, #tpu.memory_space<vmem>>
        %dma_start3A_149 = tpu.memref_squeeze %dma_start3A_148 : memref<1x128xi32, #tpu.memory_space<vmem>> -> memref<128xi32, #tpu.memory_space<vmem>>
        %dma_start3A_150 = arith.constant 0 : i32
        %dma_start3A_151 = arith.constant 0 : i32
        %dma_start3A_152 = tpu.memref_slice %arg2[%dma_start3A_150, %dma_start3A_151] : memref<10240x128xf32, #tpu.memory_space<hbm>> -> memref<10240x128xf32, #tpu.memory_space<hbm>>
        %dma_start3A_153 = arith.constant -1 : i32
        tpu.enqueue_indirect_dma source(%dma_start3A_152 : memref<10240x128xf32, #tpu.memory_space<hbm>>) target(%arg10 : memref<128x128xf32, #tpu.memory_space<vmem>>) offsets(%dma_start3A_149 : memref<128xi32, #tpu.memory_space<vmem>>) offset_filter(%dma_start3A_153) semaphore(%arg14 : memref<!tpu.dma_semaphore, #tpu.memory_space<semaphore_mem>>)
      } else {
      }
      %mul3A_94 = arith.constant 3 : i32
      %mul3A_95 = arith.muli %add3A_72, %mul3A_94 : i32
      %add3A_96 = arith.constant 1 : i32
      %add3A_97 = arith.addi %mul3A_95, %add3A_96 : i32
      %dma_wait3A_98 = arith.constant 0 : i32
      %dma_wait3A_99 = tpu.memref_slice %arg6[%add3A_97, %dma_wait3A_98] : memref<159x128xi32, #tpu.memory_space<vmem>> -> memref<1x128xi32, #tpu.memory_space<vmem>>
      %dma_wait3A_100 = tpu.memref_squeeze %dma_wait3A_99 : memref<1x128xi32, #tpu.memory_space<vmem>> -> memref<128xi32, #tpu.memory_space<vmem>>
      %dma_wait3A_101 = arith.constant 0 : i32
      %dma_wait3A_102 = arith.constant 0 : i32
      %dma_wait3A_103 = tpu.memref_slice %arg2[%dma_wait3A_101, %dma_wait3A_102] : memref<10240x128xf32, #tpu.memory_space<hbm>> -> memref<10240x128xf32, #tpu.memory_space<hbm>>
      tpu.wait_indirect_dma semaphore(%arg13 : memref<!tpu.dma_semaphore, #tpu.memory_space<semaphore_mem>>) src(%dma_wait3A_103 : memref<10240x128xf32, #tpu.memory_space<hbm>>) dst(%arg9 : memref<128x128xf32, #tpu.memory_space<vmem>>)
      %dma_start3A_104 = arith.constant 0 : i32
      %dma_start3A_105 = tpu.memref_slice %arg7[%add3A_97, %dma_start3A_104] : memref<159x128xi32, #tpu.memory_space<vmem>> -> memref<1x128xi32, #tpu.memory_space<vmem>>
      %dma_start3A_106 = tpu.memref_squeeze %dma_start3A_105 : memref<1x128xi32, #tpu.memory_space<vmem>> -> memref<128xi32, #tpu.memory_space<vmem>>
      %dma_start3A_107 = arith.constant 0 : i32
      %dma_start3A_108 = arith.constant 0 : i32
      %dma_start3A_109 = tpu.memref_slice %arg11[%dma_start3A_107, %dma_start3A_108] : memref<5120x128xf32, #tpu.memory_space<vmem_shared>> -> memref<5120x128xf32, #tpu.memory_space<vmem_shared>>
      %dma_start3A_110 = arith.constant -1 : i32
      tpu.enqueue_indirect_dma source(%arg9 : memref<128x128xf32, #tpu.memory_space<vmem>>) target(%dma_start3A_109 : memref<5120x128xf32, #tpu.memory_space<vmem_shared>>) offsets(%dma_start3A_106 : memref<128xi32, #tpu.memory_space<vmem>>) offset_filter(%dma_start3A_110) semaphore(%arg16 : memref<!tpu.dma_semaphore, #tpu.memory_space<semaphore_mem>>) {add = true}
      %add3A_111 = arith.constant 2 : i32
      %add3A_112 = arith.addi %add3A_97, %add3A_111 : i32
      %lt3A_113 = arith.constant 159 : i32
      %lt3A_114 = arith.cmpi slt, %add3A_112, %lt3A_113 : i32
      %convert_element_type3A_115 = arith.extui %lt3A_114 : i1 to i32
      %cond3A_116 = arith.constant 0 : i32
      %cond3A_117 = arith.cmpi ne, %convert_element_type3A_115, %cond3A_116 : i32
      scf.if %cond3A_117 {
        %sub3A = arith.constant 3 : i32
        %sub3A_142 = arith.subi %add3A_112, %sub3A : i32
        %ge3A = arith.constant 0 : i32
        %ge3A_143 = arith.cmpi sge, %sub3A_142, %ge3A : i32
        %convert_element_type3A_144 = arith.extui %ge3A_143 : i1 to i32
        %cond3A_145 = arith.constant 0 : i32
        %cond3A_146 = arith.cmpi ne, %convert_element_type3A_144, %cond3A_145 : i32
        scf.if %cond3A_146 {
          %dma_wait3A_154 = arith.constant 0 : i32
          %dma_wait3A_155 = tpu.memref_slice %arg7[%sub3A_142, %dma_wait3A_154] : memref<159x128xi32, #tpu.memory_space<vmem>> -> memref<1x128xi32, #tpu.memory_space<vmem>>
          %dma_wait3A_156 = tpu.memref_squeeze %dma_wait3A_155 : memref<1x128xi32, #tpu.memory_space<vmem>> -> memref<128xi32, #tpu.memory_space<vmem>>
          %dma_wait3A_157 = arith.constant 0 : i32
          %dma_wait3A_158 = arith.constant 0 : i32
          %dma_wait3A_159 = tpu.memref_slice %arg11[%dma_wait3A_157, %dma_wait3A_158] : memref<5120x128xf32, #tpu.memory_space<vmem_shared>> -> memref<5120x128xf32, #tpu.memory_space<vmem_shared>>
          tpu.wait_indirect_dma semaphore(%arg15 : memref<!tpu.dma_semaphore, #tpu.memory_space<semaphore_mem>>) src(%arg8 : memref<128x128xf32, #tpu.memory_space<vmem>>) dst(%dma_wait3A_159 : memref<5120x128xf32, #tpu.memory_space<vmem_shared>>)
        } else {
        }
        %dma_start3A_147 = arith.constant 0 : i32
        %dma_start3A_148 = tpu.memref_slice %arg6[%add3A_112, %dma_start3A_147] : memref<159x128xi32, #tpu.memory_space<vmem>> -> memref<1x128xi32, #tpu.memory_space<vmem>>
        %dma_start3A_149 = tpu.memref_squeeze %dma_start3A_148 : memref<1x128xi32, #tpu.memory_space<vmem>> -> memref<128xi32, #tpu.memory_space<vmem>>
        %dma_start3A_150 = arith.constant 0 : i32
        %dma_start3A_151 = arith.constant 0 : i32
        %dma_start3A_152 = tpu.memref_slice %arg2[%dma_start3A_150, %dma_start3A_151] : memref<10240x128xf32, #tpu.memory_space<hbm>> -> memref<10240x128xf32, #tpu.memory_space<hbm>>
        %dma_start3A_153 = arith.constant -1 : i32
        tpu.enqueue_indirect_dma source(%dma_start3A_152 : memref<10240x128xf32, #tpu.memory_space<hbm>>) target(%arg8 : memref<128x128xf32, #tpu.memory_space<vmem>>) offsets(%dma_start3A_149 : memref<128xi32, #tpu.memory_space<vmem>>) offset_filter(%dma_start3A_153) semaphore(%arg12 : memref<!tpu.dma_semaphore, #tpu.memory_space<semaphore_mem>>)
      } else {
      }
      %mul3A_118 = arith.constant 3 : i32
      %mul3A_119 = arith.muli %add3A_72, %mul3A_118 : i32
      %add3A_120 = arith.constant 2 : i32
      %add3A_121 = arith.addi %mul3A_119, %add3A_120 : i32
      %dma_wait3A_122 = arith.constant 0 : i32
      %dma_wait3A_123 = tpu.memref_slice %arg6[%add3A_121, %dma_wait3A_122] : memref<159x128xi32, #tpu.memory_space<vmem>> -> memref<1x128xi32, #tpu.memory_space<vmem>>
      %dma_wait3A_124 = tpu.memref_squeeze %dma_wait3A_123 : memref<1x128xi32, #tpu.memory_space<vmem>> -> memref<128xi32, #tpu.memory_space<vmem>>
      %dma_wait3A_125 = arith.constant 0 : i32
      %dma_wait3A_126 = arith.constant 0 : i32
      %dma_wait3A_127 = tpu.memref_slice %arg2[%dma_wait3A_125, %dma_wait3A_126] : memref<10240x128xf32, #tpu.memory_space<hbm>> -> memref<10240x128xf32, #tpu.memory_space<hbm>>
      tpu.wait_indirect_dma semaphore(%arg14 : memref<!tpu.dma_semaphore, #tpu.memory_space<semaphore_mem>>) src(%dma_wait3A_127 : memref<10240x128xf32, #tpu.memory_space<hbm>>) dst(%arg10 : memref<128x128xf32, #tpu.memory_space<vmem>>)
      %dma_start3A_128 = arith.constant 0 : i32
      %dma_start3A_129 = tpu.memref_slice %arg7[%add3A_121, %dma_start3A_128] : memref<159x128xi32, #tpu.memory_space<vmem>> -> memref<1x128xi32, #tpu.memory_space<vmem>>
      %dma_start3A_130 = tpu.memref_squeeze %dma_start3A_129 : memref<1x128xi32, #tpu.memory_space<vmem>> -> memref<128xi32, #tpu.memory_space<vmem>>
      %dma_start3A_131 = arith.constant 0 : i32
      %dma_start3A_132 = arith.constant 0 : i32
      %dma_start3A_133 = tpu.memref_slice %arg11[%dma_start3A_131, %dma_start3A_132] : memref<5120x128xf32, #tpu.memory_space<vmem_shared>> -> memref<5120x128xf32, #tpu.memory_space<vmem_shared>>
      %dma_start3A_134 = arith.constant -1 : i32
      tpu.enqueue_indirect_dma source(%arg10 : memref<128x128xf32, #tpu.memory_space<vmem>>) target(%dma_start3A_133 : memref<5120x128xf32, #tpu.memory_space<vmem_shared>>) offsets(%dma_start3A_130 : memref<128xi32, #tpu.memory_space<vmem>>) offset_filter(%dma_start3A_134) semaphore(%arg17 : memref<!tpu.dma_semaphore, #tpu.memory_space<semaphore_mem>>) {add = true}
      %add3A_135 = arith.constant 2 : i32
      %add3A_136 = arith.addi %add3A_121, %add3A_135 : i32
      %lt3A_137 = arith.constant 159 : i32
      %lt3A_138 = arith.cmpi slt, %add3A_136, %lt3A_137 : i32
      %convert_element_type3A_139 = arith.extui %lt3A_138 : i1 to i32
      %cond3A_140 = arith.constant 0 : i32
      %cond3A_141 = arith.cmpi ne, %convert_element_type3A_139, %cond3A_140 : i32
      scf.if %cond3A_141 {
        %sub3A = arith.constant 3 : i32
        %sub3A_142 = arith.subi %add3A_136, %sub3A : i32
        %ge3A = arith.constant 0 : i32
        %ge3A_143 = arith.cmpi sge, %sub3A_142, %ge3A : i32
        %convert_element_type3A_144 = arith.extui %ge3A_143 : i1 to i32
        %cond3A_145 = arith.constant 0 : i32
        %cond3A_146 = arith.cmpi ne, %convert_element_type3A_144, %cond3A_145 : i32
        scf.if %cond3A_146 {
          %dma_wait3A_154 = arith.constant 0 : i32
          %dma_wait3A_155 = tpu.memref_slice %arg7[%sub3A_142, %dma_wait3A_154] : memref<159x128xi32, #tpu.memory_space<vmem>> -> memref<1x128xi32, #tpu.memory_space<vmem>>
          %dma_wait3A_156 = tpu.memref_squeeze %dma_wait3A_155 : memref<1x128xi32, #tpu.memory_space<vmem>> -> memref<128xi32, #tpu.memory_space<vmem>>
          %dma_wait3A_157 = arith.constant 0 : i32
          %dma_wait3A_158 = arith.constant 0 : i32
          %dma_wait3A_159 = tpu.memref_slice %arg11[%dma_wait3A_157, %dma_wait3A_158] : memref<5120x128xf32, #tpu.memory_space<vmem_shared>> -> memref<5120x128xf32, #tpu.memory_space<vmem_shared>>
          tpu.wait_indirect_dma semaphore(%arg16 : memref<!tpu.dma_semaphore, #tpu.memory_space<semaphore_mem>>) src(%arg9 : memref<128x128xf32, #tpu.memory_space<vmem>>) dst(%dma_wait3A_159 : memref<5120x128xf32, #tpu.memory_space<vmem_shared>>)
        } else {
        }
        %dma_start3A_147 = arith.constant 0 : i32
        %dma_start3A_148 = tpu.memref_slice %arg6[%add3A_136, %dma_start3A_147] : memref<159x128xi32, #tpu.memory_space<vmem>> -> memref<1x128xi32, #tpu.memory_space<vmem>>
        %dma_start3A_149 = tpu.memref_squeeze %dma_start3A_148 : memref<1x128xi32, #tpu.memory_space<vmem>> -> memref<128xi32, #tpu.memory_space<vmem>>
        %dma_start3A_150 = arith.constant 0 : i32
        %dma_start3A_151 = arith.constant 0 : i32
        %dma_start3A_152 = tpu.memref_slice %arg2[%dma_start3A_150, %dma_start3A_151] : memref<10240x128xf32, #tpu.memory_space<hbm>> -> memref<10240x128xf32, #tpu.memory_space<hbm>>
        %dma_start3A_153 = arith.constant -1 : i32
        tpu.enqueue_indirect_dma source(%dma_start3A_152 : memref<10240x128xf32, #tpu.memory_space<hbm>>) target(%arg9 : memref<128x128xf32, #tpu.memory_space<vmem>>) offsets(%dma_start3A_149 : memref<128xi32, #tpu.memory_space<vmem>>) offset_filter(%dma_start3A_153) semaphore(%arg13 : memref<!tpu.dma_semaphore, #tpu.memory_space<semaphore_mem>>)
      } else {
      }
    }
    %scan3A_36 = arith.constant 53 : i32
    %dma_wait3A = arith.constant 156 : i32
    %dma_wait3A_37 = arith.constant 0 : i32
    %dma_wait3A_38 = tpu.memref_slice %arg7[%dma_wait3A, %dma_wait3A_37] : memref<159x128xi32, #tpu.memory_space<vmem>> -> memref<1x128xi32, #tpu.memory_space<vmem>>
    %dma_wait3A_39 = tpu.memref_squeeze %dma_wait3A_38 : memref<1x128xi32, #tpu.memory_space<vmem>> -> memref<128xi32, #tpu.memory_space<vmem>>
    %dma_wait3A_40 = arith.constant 0 : i32
    %dma_wait3A_41 = arith.constant 0 : i32
    %dma_wait3A_42 = tpu.memref_slice %arg11[%dma_wait3A_40, %dma_wait3A_41] : memref<5120x128xf32, #tpu.memory_space<vmem_shared>> -> memref<5120x128xf32, #tpu.memory_space<vmem_shared>>
    tpu.wait_indirect_dma semaphore(%arg15 : memref<!tpu.dma_semaphore, #tpu.memory_space<semaphore_mem>>) src(%arg8 : memref<128x128xf32, #tpu.memory_space<vmem>>) dst(%dma_wait3A_42 : memref<5120x128xf32, #tpu.memory_space<vmem_shared>>)
    %dma_wait3A_43 = arith.constant 157 : i32
    %dma_wait3A_44 = arith.constant 0 : i32
    %dma_wait3A_45 = tpu.memref_slice %arg7[%dma_wait3A_43, %dma_wait3A_44] : memref<159x128xi32, #tpu.memory_space<vmem>> -> memref<1x128xi32, #tpu.memory_space<vmem>>
    %dma_wait3A_46 = tpu.memref_squeeze %dma_wait3A_45 : memref<1x128xi32, #tpu.memory_space<vmem>> -> memref<128xi32, #tpu.memory_space<vmem>>
    %dma_wait3A_47 = arith.constant 0 : i32
    %dma_wait3A_48 = arith.constant 0 : i32
    %dma_wait3A_49 = tpu.memref_slice %arg11[%dma_wait3A_47, %dma_wait3A_48] : memref<5120x128xf32, #tpu.memory_space<vmem_shared>> -> memref<5120x128xf32, #tpu.memory_space<vmem_shared>>
    tpu.wait_indirect_dma semaphore(%arg16 : memref<!tpu.dma_semaphore, #tpu.memory_space<semaphore_mem>>) src(%arg9 : memref<128x128xf32, #tpu.memory_space<vmem>>) dst(%dma_wait3A_49 : memref<5120x128xf32, #tpu.memory_space<vmem_shared>>)
    %dma_wait3A_50 = arith.constant 158 : i32
    %dma_wait3A_51 = arith.constant 0 : i32
    %dma_wait3A_52 = tpu.memref_slice %arg7[%dma_wait3A_50, %dma_wait3A_51] : memref<159x128xi32, #tpu.memory_space<vmem>> -> memref<1x128xi32, #tpu.memory_space<vmem>>
    %dma_wait3A_53 = tpu.memref_squeeze %dma_wait3A_52 : memref<1x128xi32, #tpu.memory_space<vmem>> -> memref<128xi32, #tpu.memory_space<vmem>>
    %dma_wait3A_54 = arith.constant 0 : i32
    %dma_wait3A_55 = arith.constant 0 : i32
    %dma_wait3A_56 = tpu.memref_slice %arg11[%dma_wait3A_54, %dma_wait3A_55] : memref<5120x128xf32, #tpu.memory_space<vmem_shared>> -> memref<5120x128xf32, #tpu.memory_space<vmem_shared>>
    tpu.wait_indirect_dma semaphore(%arg17 : memref<!tpu.dma_semaphore, #tpu.memory_space<semaphore_mem>>) src(%arg10 : memref<128x128xf32, #tpu.memory_space<vmem>>) dst(%dma_wait3A_56 : memref<5120x128xf32, #tpu.memory_space<vmem_shared>>)
    %barrier3A_57 = arith.constant 0 : index
    tpu.barrier barrier_id(%barrier3A_57)
    %add3A_58 = arith.constant 0 : i32
    %add3A_59 = arith.addi %mul3A_2, %add3A_58 : i32
    "tpu.region"() ({
      %run_scoped3A = tpu.sem_alloc : memref<!tpu.dma_semaphore, #tpu.memory_space<semaphore_mem>>
      %dma_start3A_68 = arith.constant 0 : i32
      %dma_start3A_69 = arith.constant 0 : i32
      %dma_start3A_70 = tpu.memref_slice %arg8[%dma_start3A_68, %dma_start3A_69] : memref<128x128xf32, #tpu.memory_space<vmem>> -> memref<64x128xf32, #tpu.memory_space<vmem>>
      %dma_start3A_71 = arith.constant 0 : i32
      %dma_start3A_72 = tpu.memref_slice %arg11[%add3A_59, %dma_start3A_71] : memref<5120x128xf32, #tpu.memory_space<vmem_shared>> -> memref<64x128xf32, #tpu.memory_space<vmem_shared>>
      %dma_start3A_73 = arith.constant 0 : i32
      %dma_start3A_74 = arith.constant 0 : i32
      %dma_start3A_75 = tpu.memref_slice %arg8[%dma_start3A_73, %dma_start3A_74] : memref<128x128xf32, #tpu.memory_space<vmem>> -> memref<64x128xf32, #tpu.memory_space<vmem>>
      %dma_start3A_76 = arith.constant 0 : i32
      %dma_start3A_77 = tpu.memref_slice %arg11[%add3A_59, %dma_start3A_76] : memref<5120x128xf32, #tpu.memory_space<vmem_shared>> -> memref<64x128xf32, #tpu.memory_space<vmem_shared>>
      tpu.enqueue_dma source(%dma_start3A_77 : memref<64x128xf32, #tpu.memory_space<vmem_shared>>) target(%dma_start3A_75 : memref<64x128xf32, #tpu.memory_space<vmem>>) target_semaphore(%run_scoped3A : memref<!tpu.dma_semaphore, #tpu.memory_space<semaphore_mem>>)
      %dma_wait3A_78 = arith.constant 0 : i32
      %dma_wait3A_79 = arith.constant 0 : i32
      %dma_wait3A_80 = tpu.memref_slice %arg8[%dma_wait3A_78, %dma_wait3A_79] : memref<128x128xf32, #tpu.memory_space<vmem>> -> memref<64x128xf32, #tpu.memory_space<vmem>>
      %dma_wait3A_81 = arith.constant 0 : i32
      %dma_wait3A_82 = tpu.memref_slice %arg11[%add3A_59, %dma_wait3A_81] : memref<5120x128xf32, #tpu.memory_space<vmem_shared>> -> memref<64x128xf32, #tpu.memory_space<vmem_shared>>
      %dma_wait3A_83 = arith.constant 0 : i32
      %dma_wait3A_84 = arith.constant 0 : i32
      %dma_wait3A_85 = tpu.memref_slice %arg8[%dma_wait3A_83, %dma_wait3A_84] : memref<128x128xf32, #tpu.memory_space<vmem>> -> memref<64x128xf32, #tpu.memory_space<vmem>>
      %dma_wait3A_86 = arith.constant 0 : i32
      %dma_wait3A_87 = tpu.memref_slice %arg11[%add3A_59, %dma_wait3A_86] : memref<5120x128xf32, #tpu.memory_space<vmem_shared>> -> memref<64x128xf32, #tpu.memory_space<vmem_shared>>
      tpu.wait_dma2 semaphore(%run_scoped3A : memref<!tpu.dma_semaphore, #tpu.memory_space<semaphore_mem>>) src(%dma_wait3A_87 : memref<64x128xf32, #tpu.memory_space<vmem_shared>>) dst(%dma_wait3A_85 : memref<64x128xf32, #tpu.memory_space<vmem>>)
      tpu.yield
    }) : () -> ()
    "tpu.region"() ({
      %run_scoped3A = tpu.sem_alloc : memref<!tpu.dma_semaphore, #tpu.memory_space<semaphore_mem>>
      %dma_start3A_68 = arith.constant 0 : i32
      %dma_start3A_69 = arith.constant 0 : i32
      %dma_start3A_70 = tpu.memref_slice %arg8[%dma_start3A_68, %dma_start3A_69] : memref<128x128xf32, #tpu.memory_space<vmem>> -> memref<64x128xf32, #tpu.memory_space<vmem>>
      %dma_start3A_71 = arith.constant 0 : i32
      %dma_start3A_72 = arith.constant 0 : i32
      %dma_start3A_73 = tpu.memref_slice %arg5[%arg0, %dma_start3A_71, %dma_start3A_72] : memref<2x5120x128xf32, #tpu.memory_space<hbm>> -> memref<1x5120x128xf32, #tpu.memory_space<hbm>>
      %dma_start3A_74 = tpu.memref_squeeze %dma_start3A_73 : memref<1x5120x128xf32, #tpu.memory_space<hbm>> -> memref<5120x128xf32, #tpu.memory_space<hbm>>
      %dma_start3A_75 = arith.constant 0 : i32
      %dma_start3A_76 = tpu.memref_slice %dma_start3A_74[%add3A_59, %dma_start3A_75] : memref<5120x128xf32, #tpu.memory_space<hbm>> -> memref<64x128xf32, #tpu.memory_space<hbm>>
      %dma_start3A_77 = arith.constant 0 : i32
      %dma_start3A_78 = arith.constant 0 : i32
      %dma_start3A_79 = tpu.memref_slice %arg5[%arg0, %dma_start3A_77, %dma_start3A_78] : memref<2x5120x128xf32, #tpu.memory_space<hbm>> -> memref<1x5120x128xf32, #tpu.memory_space<hbm>>
      %dma_start3A_80 = tpu.memref_squeeze %dma_start3A_79 : memref<1x5120x128xf32, #tpu.memory_space<hbm>> -> memref<5120x128xf32, #tpu.memory_space<hbm>>
      %dma_start3A_81 = arith.constant 0 : i32
      %dma_start3A_82 = tpu.memref_slice %dma_start3A_80[%add3A_59, %dma_start3A_81] : memref<5120x128xf32, #tpu.memory_space<hbm>> -> memref<64x128xf32, #tpu.memory_space<hbm>>
      %dma_start3A_83 = arith.constant 0 : i32
      %dma_start3A_84 = arith.constant 0 : i32
      %dma_start3A_85 = tpu.memref_slice %arg8[%dma_start3A_83, %dma_start3A_84] : memref<128x128xf32, #tpu.memory_space<vmem>> -> memref<64x128xf32, #tpu.memory_space<vmem>>
      tpu.enqueue_dma source(%dma_start3A_85 : memref<64x128xf32, #tpu.memory_space<vmem>>) target(%dma_start3A_82 : memref<64x128xf32, #tpu.memory_space<hbm>>) target_semaphore(%run_scoped3A : memref<!tpu.dma_semaphore, #tpu.memory_space<semaphore_mem>>)
      %dma_wait3A_86 = arith.constant 0 : i32
      %dma_wait3A_87 = arith.constant 0 : i32
      %dma_wait3A_88 = tpu.memref_slice %arg8[%dma_wait3A_86, %dma_wait3A_87] : memref<128x128xf32, #tpu.memory_space<vmem>> -> memref<64x128xf32, #tpu.memory_space<vmem>>
      %dma_wait3A_89 = arith.constant 0 : i32
      %dma_wait3A_90 = arith.constant 0 : i32
      %dma_wait3A_91 = tpu.memref_slice %arg5[%arg0, %dma_wait3A_89, %dma_wait3A_90] : memref<2x5120x128xf32, #tpu.memory_space<hbm>> -> memref<1x5120x128xf32, #tpu.memory_space<hbm>>
      %dma_wait3A_92 = tpu.memref_squeeze %dma_wait3A_91 : memref<1x5120x128xf32, #tpu.memory_space<hbm>> -> memref<5120x128xf32, #tpu.memory_space<hbm>>
      %dma_wait3A_93 = arith.constant 0 : i32
      %dma_wait3A_94 = tpu.memref_slice %dma_wait3A_92[%add3A_59, %dma_wait3A_93] : memref<5120x128xf32, #tpu.memory_space<hbm>> -> memref<64x128xf32, #tpu.memory_space<hbm>>
      %dma_wait3A_95 = arith.constant 0 : i32
      %dma_wait3A_96 = arith.constant 0 : i32
      %dma_wait3A_97 = tpu.memref_slice %arg5[%arg0, %dma_wait3A_95, %dma_wait3A_96] : memref<2x5120x128xf32, #tpu.memory_space<hbm>> -> memref<1x5120x128xf32, #tpu.memory_space<hbm>>
      %dma_wait3A_98 = tpu.memref_squeeze %dma_wait3A_97 : memref<1x5120x128xf32, #tpu.memory_space<hbm>> -> memref<5120x128xf32, #tpu.memory_space<hbm>>
      %dma_wait3A_99 = arith.constant 0 : i32
      %dma_wait3A_100 = tpu.memref_slice %dma_wait3A_98[%add3A_59, %dma_wait3A_99] : memref<5120x128xf32, #tpu.memory_space<hbm>> -> memref<64x128xf32, #tpu.memory_space<hbm>>
      %dma_wait3A_101 = arith.constant 0 : i32
      %dma_wait3A_102 = arith.constant 0 : i32
      %dma_wait3A_103 = tpu.memref_slice %arg8[%dma_wait3A_101, %dma_wait3A_102] : memref<128x128xf32, #tpu.memory_space<vmem>> -> memref<64x128xf32, #tpu.memory_space<vmem>>
      tpu.wait_dma2 semaphore(%run_scoped3A : memref<!tpu.dma_semaphore, #tpu.memory_space<semaphore_mem>>) src(%dma_wait3A_103 : memref<64x128xf32, #tpu.memory_space<vmem>>) dst(%dma_wait3A_100 : memref<64x128xf32, #tpu.memory_space<hbm>>)
      tpu.yield
    }) : () -> ()
    %add3A_60 = arith.constant 64 : i32
    %add3A_61 = arith.addi %mul3A_2, %add3A_60 : i32
    "tpu.region"() ({
      %run_scoped3A = tpu.sem_alloc : memref<!tpu.dma_semaphore, #tpu.memory_space<semaphore_mem>>
      %dma_start3A_68 = arith.constant 0 : i32
      %dma_start3A_69 = arith.constant 0 : i32
      %dma_start3A_70 = tpu.memref_slice %arg8[%dma_start3A_68, %dma_start3A_69] : memref<128x128xf32, #tpu.memory_space<vmem>> -> memref<64x128xf32, #tpu.memory_space<vmem>>
      %dma_start3A_71 = arith.constant 0 : i32
      %dma_start3A_72 = tpu.memref_slice %arg11[%add3A_61, %dma_start3A_71] : memref<5120x128xf32, #tpu.memory_space<vmem_shared>> -> memref<64x128xf32, #tpu.memory_space<vmem_shared>>
      %dma_start3A_73 = arith.constant 0 : i32
      %dma_start3A_74 = arith.constant 0 : i32
      %dma_start3A_75 = tpu.memref_slice %arg8[%dma_start3A_73, %dma_start3A_74] : memref<128x128xf32, #tpu.memory_space<vmem>> -> memref<64x128xf32, #tpu.memory_space<vmem>>
      %dma_start3A_76 = arith.constant 0 : i32
      %dma_start3A_77 = tpu.memref_slice %arg11[%add3A_61, %dma_start3A_76] : memref<5120x128xf32, #tpu.memory_space<vmem_shared>> -> memref<64x128xf32, #tpu.memory_space<vmem_shared>>
      tpu.enqueue_dma source(%dma_start3A_77 : memref<64x128xf32, #tpu.memory_space<vmem_shared>>) target(%dma_start3A_75 : memref<64x128xf32, #tpu.memory_space<vmem>>) target_semaphore(%run_scoped3A : memref<!tpu.dma_semaphore, #tpu.memory_space<semaphore_mem>>)
      %dma_wait3A_78 = arith.constant 0 : i32
      %dma_wait3A_79 = arith.constant 0 : i32
      %dma_wait3A_80 = tpu.memref_slice %arg8[%dma_wait3A_78, %dma_wait3A_79] : memref<128x128xf32, #tpu.memory_space<vmem>> -> memref<64x128xf32, #tpu.memory_space<vmem>>
      %dma_wait3A_81 = arith.constant 0 : i32
      %dma_wait3A_82 = tpu.memref_slice %arg11[%add3A_61, %dma_wait3A_81] : memref<5120x128xf32, #tpu.memory_space<vmem_shared>> -> memref<64x128xf32, #tpu.memory_space<vmem_shared>>
      %dma_wait3A_83 = arith.constant 0 : i32
      %dma_wait3A_84 = arith.constant 0 : i32
      %dma_wait3A_85 = tpu.memref_slice %arg8[%dma_wait3A_83, %dma_wait3A_84] : memref<128x128xf32, #tpu.memory_space<vmem>> -> memref<64x128xf32, #tpu.memory_space<vmem>>
      %dma_wait3A_86 = arith.constant 0 : i32
      %dma_wait3A_87 = tpu.memref_slice %arg11[%add3A_61, %dma_wait3A_86] : memref<5120x128xf32, #tpu.memory_space<vmem_shared>> -> memref<64x128xf32, #tpu.memory_space<vmem_shared>>
      tpu.wait_dma2 semaphore(%run_scoped3A : memref<!tpu.dma_semaphore, #tpu.memory_space<semaphore_mem>>) src(%dma_wait3A_87 : memref<64x128xf32, #tpu.memory_space<vmem_shared>>) dst(%dma_wait3A_85 : memref<64x128xf32, #tpu.memory_space<vmem>>)
      tpu.yield
    }) : () -> ()
    "tpu.region"() ({
      %run_scoped3A = tpu.sem_alloc : memref<!tpu.dma_semaphore, #tpu.memory_space<semaphore_mem>>
      %dma_start3A_68 = arith.constant 0 : i32
      %dma_start3A_69 = arith.constant 0 : i32
      %dma_start3A_70 = tpu.memref_slice %arg8[%dma_start3A_68, %dma_start3A_69] : memref<128x128xf32, #tpu.memory_space<vmem>> -> memref<64x128xf32, #tpu.memory_space<vmem>>
      %dma_start3A_71 = arith.constant 0 : i32
      %dma_start3A_72 = arith.constant 0 : i32
      %dma_start3A_73 = tpu.memref_slice %arg5[%arg0, %dma_start3A_71, %dma_start3A_72] : memref<2x5120x128xf32, #tpu.memory_space<hbm>> -> memref<1x5120x128xf32, #tpu.memory_space<hbm>>
      %dma_start3A_74 = tpu.memref_squeeze %dma_start3A_73 : memref<1x5120x128xf32, #tpu.memory_space<hbm>> -> memref<5120x128xf32, #tpu.memory_space<hbm>>
      %dma_start3A_75 = arith.constant 0 : i32
      %dma_start3A_76 = tpu.memref_slice %dma_start3A_74[%add3A_61, %dma_start3A_75] : memref<5120x128xf32, #tpu.memory_space<hbm>> -> memref<64x128xf32, #tpu.memory_space<hbm>>
      %dma_start3A_77 = arith.constant 0 : i32
      %dma_start3A_78 = arith.constant 0 : i32
      %dma_start3A_79 = tpu.memref_slice %arg5[%arg0, %dma_start3A_77, %dma_start3A_78] : memref<2x5120x128xf32, #tpu.memory_space<hbm>> -> memref<1x5120x128xf32, #tpu.memory_space<hbm>>
      %dma_start3A_80 = tpu.memref_squeeze %dma_start3A_79 : memref<1x5120x128xf32, #tpu.memory_space<hbm>> -> memref<5120x128xf32, #tpu.memory_space<hbm>>
      %dma_start3A_81 = arith.constant 0 : i32
      %dma_start3A_82 = tpu.memref_slice %dma_start3A_80[%add3A_61, %dma_start3A_81] : memref<5120x128xf32, #tpu.memory_space<hbm>> -> memref<64x128xf32, #tpu.memory_space<hbm>>
      %dma_start3A_83 = arith.constant 0 : i32
      %dma_start3A_84 = arith.constant 0 : i32
      %dma_start3A_85 = tpu.memref_slice %arg8[%dma_start3A_83, %dma_start3A_84] : memref<128x128xf32, #tpu.memory_space<vmem>> -> memref<64x128xf32, #tpu.memory_space<vmem>>
      tpu.enqueue_dma source(%dma_start3A_85 : memref<64x128xf32, #tpu.memory_space<vmem>>) target(%dma_start3A_82 : memref<64x128xf32, #tpu.memory_space<hbm>>) target_semaphore(%run_scoped3A : memref<!tpu.dma_semaphore, #tpu.memory_space<semaphore_mem>>)
      %dma_wait3A_86 = arith.constant 0 : i32
      %dma_wait3A_87 = arith.constant 0 : i32
      %dma_wait3A_88 = tpu.memref_slice %arg8[%dma_wait3A_86, %dma_wait3A_87] : memref<128x128xf32, #tpu.memory_space<vmem>> -> memref<64x128xf32, #tpu.memory_space<vmem>>
      %dma_wait3A_89 = arith.constant 0 : i32
      %dma_wait3A_90 = arith.constant 0 : i32
      %dma_wait3A_91 = tpu.memref_slice %arg5[%arg0, %dma_wait3A_89, %dma_wait3A_90] : memref<2x5120x128xf32, #tpu.memory_space<hbm>> -> memref<1x5120x128xf32, #tpu.memory_space<hbm>>
      %dma_wait3A_92 = tpu.memref_squeeze %dma_wait3A_91 : memref<1x5120x128xf32, #tpu.memory_space<hbm>> -> memref<5120x128xf32, #tpu.memory_space<hbm>>
      %dma_wait3A_93 = arith.constant 0 : i32
      %dma_wait3A_94 = tpu.memref_slice %dma_wait3A_92[%add3A_61, %dma_wait3A_93] : memref<5120x128xf32, #tpu.memory_space<hbm>> -> memref<64x128xf32, #tpu.memory_space<hbm>>
      %dma_wait3A_95 = arith.constant 0 : i32
      %dma_wait3A_96 = arith.constant 0 : i32
      %dma_wait3A_97 = tpu.memref_slice %arg5[%arg0, %dma_wait3A_95, %dma_wait3A_96] : memref<2x5120x128xf32, #tpu.memory_space<hbm>> -> memref<1x5120x128xf32, #tpu.memory_space<hbm>>
      %dma_wait3A_98 = tpu.memref_squeeze %dma_wait3A_97 : memref<1x5120x128xf32, #tpu.memory_space<hbm>> -> memref<5120x128xf32, #tpu.memory_space<hbm>>
      %dma_wait3A_99 = arith.constant 0 : i32
      %dma_wait3A_100 = tpu.memref_slice %dma_wait3A_98[%add3A_61, %dma_wait3A_99] : memref<5120x128xf32, #tpu.memory_space<hbm>> -> memref<64x128xf32, #tpu.memory_space<hbm>>
      %dma_wait3A_101 = arith.constant 0 : i32
      %dma_wait3A_102 = arith.constant 0 : i32
      %dma_wait3A_103 = tpu.memref_slice %arg8[%dma_wait3A_101, %dma_wait3A_102] : memref<128x128xf32, #tpu.memory_space<vmem>> -> memref<64x128xf32, #tpu.memory_space<vmem>>
      tpu.wait_dma2 semaphore(%run_scoped3A : memref<!tpu.dma_semaphore, #tpu.memory_space<semaphore_mem>>) src(%dma_wait3A_103 : memref<64x128xf32, #tpu.memory_space<vmem>>) dst(%dma_wait3A_100 : memref<64x128xf32, #tpu.memory_space<hbm>>)
      tpu.yield
    }) : () -> ()
    %add3A_62 = arith.constant 128 : i32
    %add3A_63 = arith.addi %mul3A_2, %add3A_62 : i32
    "tpu.region"() ({
      %run_scoped3A = tpu.sem_alloc : memref<!tpu.dma_semaphore, #tpu.memory_space<semaphore_mem>>
      %dma_start3A_68 = arith.constant 0 : i32
      %dma_start3A_69 = arith.constant 0 : i32
      %dma_start3A_70 = tpu.memref_slice %arg8[%dma_start3A_68, %dma_start3A_69] : memref<128x128xf32, #tpu.memory_space<vmem>> -> memref<64x128xf32, #tpu.memory_space<vmem>>
      %dma_start3A_71 = arith.constant 0 : i32
      %dma_start3A_72 = tpu.memref_slice %arg11[%add3A_63, %dma_start3A_71] : memref<5120x128xf32, #tpu.memory_space<vmem_shared>> -> memref<64x128xf32, #tpu.memory_space<vmem_shared>>
      %dma_start3A_73 = arith.constant 0 : i32
      %dma_start3A_74 = arith.constant 0 : i32
      %dma_start3A_75 = tpu.memref_slice %arg8[%dma_start3A_73, %dma_start3A_74] : memref<128x128xf32, #tpu.memory_space<vmem>> -> memref<64x128xf32, #tpu.memory_space<vmem>>
      %dma_start3A_76 = arith.constant 0 : i32
      %dma_start3A_77 = tpu.memref_slice %arg11[%add3A_63, %dma_start3A_76] : memref<5120x128xf32, #tpu.memory_space<vmem_shared>> -> memref<64x128xf32, #tpu.memory_space<vmem_shared>>
      tpu.enqueue_dma source(%dma_start3A_77 : memref<64x128xf32, #tpu.memory_space<vmem_shared>>) target(%dma_start3A_75 : memref<64x128xf32, #tpu.memory_space<vmem>>) target_semaphore(%run_scoped3A : memref<!tpu.dma_semaphore, #tpu.memory_space<semaphore_mem>>)
      %dma_wait3A_78 = arith.constant 0 : i32
      %dma_wait3A_79 = arith.constant 0 : i32
      %dma_wait3A_80 = tpu.memref_slice %arg8[%dma_wait3A_78, %dma_wait3A_79] : memref<128x128xf32, #tpu.memory_space<vmem>> -> memref<64x128xf32, #tpu.memory_space<vmem>>
      %dma_wait3A_81 = arith.constant 0 : i32
      %dma_wait3A_82 = tpu.memref_slice %arg11[%add3A_63, %dma_wait3A_81] : memref<5120x128xf32, #tpu.memory_space<vmem_shared>> -> memref<64x128xf32, #tpu.memory_space<vmem_shared>>
      %dma_wait3A_83 = arith.constant 0 : i32
      %dma_wait3A_84 = arith.constant 0 : i32
      %dma_wait3A_85 = tpu.memref_slice %arg8[%dma_wait3A_83, %dma_wait3A_84] : memref<128x128xf32, #tpu.memory_space<vmem>> -> memref<64x128xf32, #tpu.memory_space<vmem>>
      %dma_wait3A_86 = arith.constant 0 : i32
      %dma_wait3A_87 = tpu.memref_slice %arg11[%add3A_63, %dma_wait3A_86] : memref<5120x128xf32, #tpu.memory_space<vmem_shared>> -> memref<64x128xf32, #tpu.memory_space<vmem_shared>>
      tpu.wait_dma2 semaphore(%run_scoped3A : memref<!tpu.dma_semaphore, #tpu.memory_space<semaphore_mem>>) src(%dma_wait3A_87 : memref<64x128xf32, #tpu.memory_space<vmem_shared>>) dst(%dma_wait3A_85 : memref<64x128xf32, #tpu.memory_space<vmem>>)
      tpu.yield
    }) : () -> ()
    "tpu.region"() ({
      %run_scoped3A = tpu.sem_alloc : memref<!tpu.dma_semaphore, #tpu.memory_space<semaphore_mem>>
      %dma_start3A_68 = arith.constant 0 : i32
      %dma_start3A_69 = arith.constant 0 : i32
      %dma_start3A_70 = tpu.memref_slice %arg8[%dma_start3A_68, %dma_start3A_69] : memref<128x128xf32, #tpu.memory_space<vmem>> -> memref<64x128xf32, #tpu.memory_space<vmem>>
      %dma_start3A_71 = arith.constant 0 : i32
      %dma_start3A_72 = arith.constant 0 : i32
      %dma_start3A_73 = tpu.memref_slice %arg5[%arg0, %dma_start3A_71, %dma_start3A_72] : memref<2x5120x128xf32, #tpu.memory_space<hbm>> -> memref<1x5120x128xf32, #tpu.memory_space<hbm>>
      %dma_start3A_74 = tpu.memref_squeeze %dma_start3A_73 : memref<1x5120x128xf32, #tpu.memory_space<hbm>> -> memref<5120x128xf32, #tpu.memory_space<hbm>>
      %dma_start3A_75 = arith.constant 0 : i32
      %dma_start3A_76 = tpu.memref_slice %dma_start3A_74[%add3A_63, %dma_start3A_75] : memref<5120x128xf32, #tpu.memory_space<hbm>> -> memref<64x128xf32, #tpu.memory_space<hbm>>
      %dma_start3A_77 = arith.constant 0 : i32
      %dma_start3A_78 = arith.constant 0 : i32
      %dma_start3A_79 = tpu.memref_slice %arg5[%arg0, %dma_start3A_77, %dma_start3A_78] : memref<2x5120x128xf32, #tpu.memory_space<hbm>> -> memref<1x5120x128xf32, #tpu.memory_space<hbm>>
      %dma_start3A_80 = tpu.memref_squeeze %dma_start3A_79 : memref<1x5120x128xf32, #tpu.memory_space<hbm>> -> memref<5120x128xf32, #tpu.memory_space<hbm>>
      %dma_start3A_81 = arith.constant 0 : i32
      %dma_start3A_82 = tpu.memref_slice %dma_start3A_80[%add3A_63, %dma_start3A_81] : memref<5120x128xf32, #tpu.memory_space<hbm>> -> memref<64x128xf32, #tpu.memory_space<hbm>>
      %dma_start3A_83 = arith.constant 0 : i32
      %dma_start3A_84 = arith.constant 0 : i32
      %dma_start3A_85 = tpu.memref_slice %arg8[%dma_start3A_83, %dma_start3A_84] : memref<128x128xf32, #tpu.memory_space<vmem>> -> memref<64x128xf32, #tpu.memory_space<vmem>>
      tpu.enqueue_dma source(%dma_start3A_85 : memref<64x128xf32, #tpu.memory_space<vmem>>) target(%dma_start3A_82 : memref<64x128xf32, #tpu.memory_space<hbm>>) target_semaphore(%run_scoped3A : memref<!tpu.dma_semaphore, #tpu.memory_space<semaphore_mem>>)
      %dma_wait3A_86 = arith.constant 0 : i32
      %dma_wait3A_87 = arith.constant 0 : i32
      %dma_wait3A_88 = tpu.memref_slice %arg8[%dma_wait3A_86, %dma_wait3A_87] : memref<128x128xf32, #tpu.memory_space<vmem>> -> memref<64x128xf32, #tpu.memory_space<vmem>>
      %dma_wait3A_89 = arith.constant 0 : i32
      %dma_wait3A_90 = arith.constant 0 : i32
      %dma_wait3A_91 = tpu.memref_slice %arg5[%arg0, %dma_wait3A_89, %dma_wait3A_90] : memref<2x5120x128xf32, #tpu.memory_space<hbm>> -> memref<1x5120x128xf32, #tpu.memory_space<hbm>>
      %dma_wait3A_92 = tpu.memref_squeeze %dma_wait3A_91 : memref<1x5120x128xf32, #tpu.memory_space<hbm>> -> memref<5120x128xf32, #tpu.memory_space<hbm>>
      %dma_wait3A_93 = arith.constant 0 : i32
      %dma_wait3A_94 = tpu.memref_slice %dma_wait3A_92[%add3A_63, %dma_wait3A_93] : memref<5120x128xf32, #tpu.memory_space<hbm>> -> memref<64x128xf32, #tpu.memory_space<hbm>>
      %dma_wait3A_95 = arith.constant 0 : i32
      %dma_wait3A_96 = arith.constant 0 : i32
      %dma_wait3A_97 = tpu.memref_slice %arg5[%arg0, %dma_wait3A_95, %dma_wait3A_96] : memref<2x5120x128xf32, #tpu.memory_space<hbm>> -> memref<1x5120x128xf32, #tpu.memory_space<hbm>>
      %dma_wait3A_98 = tpu.memref_squeeze %dma_wait3A_97 : memref<1x5120x128xf32, #tpu.memory_space<hbm>> -> memref<5120x128xf32, #tpu.memory_space<hbm>>
      %dma_wait3A_99 = arith.constant 0 : i32
      %dma_wait3A_100 = tpu.memref_slice %dma_wait3A_98[%add3A_63, %dma_wait3A_99] : memref<5120x128xf32, #tpu.memory_space<hbm>> -> memref<64x128xf32, #tpu.memory_space<hbm>>
      %dma_wait3A_101 = arith.constant 0 : i32
      %dma_wait3A_102 = arith.constant 0 : i32
      %dma_wait3A_103 = tpu.memref_slice %arg8[%dma_wait3A_101, %dma_wait3A_102] : memref<128x128xf32, #tpu.memory_space<vmem>> -> memref<64x128xf32, #tpu.memory_space<vmem>>
      tpu.wait_dma2 semaphore(%run_scoped3A : memref<!tpu.dma_semaphore, #tpu.memory_space<semaphore_mem>>) src(%dma_wait3A_103 : memref<64x128xf32, #tpu.memory_space<vmem>>) dst(%dma_wait3A_100 : memref<64x128xf32, #tpu.memory_space<hbm>>)
      tpu.yield
    }) : () -> ()
    %add3A_64 = arith.constant 192 : i32
    %add3A_65 = arith.addi %mul3A_2, %add3A_64 : i32
    "tpu.region"() ({
      %run_scoped3A = tpu.sem_alloc : memref<!tpu.dma_semaphore, #tpu.memory_space<semaphore_mem>>
      %dma_start3A_68 = arith.constant 0 : i32
      %dma_start3A_69 = arith.constant 0 : i32
      %dma_start3A_70 = tpu.memref_slice %arg8[%dma_start3A_68, %dma_start3A_69] : memref<128x128xf32, #tpu.memory_space<vmem>> -> memref<64x128xf32, #tpu.memory_space<vmem>>
      %dma_start3A_71 = arith.constant 0 : i32
      %dma_start3A_72 = tpu.memref_slice %arg11[%add3A_65, %dma_start3A_71] : memref<5120x128xf32, #tpu.memory_space<vmem_shared>> -> memref<64x128xf32, #tpu.memory_space<vmem_shared>>
      %dma_start3A_73 = arith.constant 0 : i32
      %dma_start3A_74 = arith.constant 0 : i32
      %dma_start3A_75 = tpu.memref_slice %arg8[%dma_start3A_73, %dma_start3A_74] : memref<128x128xf32, #tpu.memory_space<vmem>> -> memref<64x128xf32, #tpu.memory_space<vmem>>
      %dma_start3A_76 = arith.constant 0 : i32
      %dma_start3A_77 = tpu.memref_slice %arg11[%add3A_65, %dma_start3A_76] : memref<5120x128xf32, #tpu.memory_space<vmem_shared>> -> memref<64x128xf32, #tpu.memory_space<vmem_shared>>
      tpu.enqueue_dma source(%dma_start3A_77 : memref<64x128xf32, #tpu.memory_space<vmem_shared>>) target(%dma_start3A_75 : memref<64x128xf32, #tpu.memory_space<vmem>>) target_semaphore(%run_scoped3A : memref<!tpu.dma_semaphore, #tpu.memory_space<semaphore_mem>>)
      %dma_wait3A_78 = arith.constant 0 : i32
      %dma_wait3A_79 = arith.constant 0 : i32
      %dma_wait3A_80 = tpu.memref_slice %arg8[%dma_wait3A_78, %dma_wait3A_79] : memref<128x128xf32, #tpu.memory_space<vmem>> -> memref<64x128xf32, #tpu.memory_space<vmem>>
      %dma_wait3A_81 = arith.constant 0 : i32
      %dma_wait3A_82 = tpu.memref_slice %arg11[%add3A_65, %dma_wait3A_81] : memref<5120x128xf32, #tpu.memory_space<vmem_shared>> -> memref<64x128xf32, #tpu.memory_space<vmem_shared>>
      %dma_wait3A_83 = arith.constant 0 : i32
      %dma_wait3A_84 = arith.constant 0 : i32
      %dma_wait3A_85 = tpu.memref_slice %arg8[%dma_wait3A_83, %dma_wait3A_84] : memref<128x128xf32, #tpu.memory_space<vmem>> -> memref<64x128xf32, #tpu.memory_space<vmem>>
      %dma_wait3A_86 = arith.constant 0 : i32
      %dma_wait3A_87 = tpu.memref_slice %arg11[%add3A_65, %dma_wait3A_86] : memref<5120x128xf32, #tpu.memory_space<vmem_shared>> -> memref<64x128xf32, #tpu.memory_space<vmem_shared>>
      tpu.wait_dma2 semaphore(%run_scoped3A : memref<!tpu.dma_semaphore, #tpu.memory_space<semaphore_mem>>) src(%dma_wait3A_87 : memref<64x128xf32, #tpu.memory_space<vmem_shared>>) dst(%dma_wait3A_85 : memref<64x128xf32, #tpu.memory_space<vmem>>)
      tpu.yield
    }) : () -> ()
    "tpu.region"() ({
      %run_scoped3A = tpu.sem_alloc : memref<!tpu.dma_semaphore, #tpu.memory_space<semaphore_mem>>
      %dma_start3A_68 = arith.constant 0 : i32
      %dma_start3A_69 = arith.constant 0 : i32
      %dma_start3A_70 = tpu.memref_slice %arg8[%dma_start3A_68, %dma_start3A_69] : memref<128x128xf32, #tpu.memory_space<vmem>> -> memref<64x128xf32, #tpu.memory_space<vmem>>
      %dma_start3A_71 = arith.constant 0 : i32
      %dma_start3A_72 = arith.constant 0 : i32
      %dma_start3A_73 = tpu.memref_slice %arg5[%arg0, %dma_start3A_71, %dma_start3A_72] : memref<2x5120x128xf32, #tpu.memory_space<hbm>> -> memref<1x5120x128xf32, #tpu.memory_space<hbm>>
      %dma_start3A_74 = tpu.memref_squeeze %dma_start3A_73 : memref<1x5120x128xf32, #tpu.memory_space<hbm>> -> memref<5120x128xf32, #tpu.memory_space<hbm>>
      %dma_start3A_75 = arith.constant 0 : i32
      %dma_start3A_76 = tpu.memref_slice %dma_start3A_74[%add3A_65, %dma_start3A_75] : memref<5120x128xf32, #tpu.memory_space<hbm>> -> memref<64x128xf32, #tpu.memory_space<hbm>>
      %dma_start3A_77 = arith.constant 0 : i32
      %dma_start3A_78 = arith.constant 0 : i32
      %dma_start3A_79 = tpu.memref_slice %arg5[%arg0, %dma_start3A_77, %dma_start3A_78] : memref<2x5120x128xf32, #tpu.memory_space<hbm>> -> memref<1x5120x128xf32, #tpu.memory_space<hbm>>
      %dma_start3A_80 = tpu.memref_squeeze %dma_start3A_79 : memref<1x5120x128xf32, #tpu.memory_space<hbm>> -> memref<5120x128xf32, #tpu.memory_space<hbm>>
      %dma_start3A_81 = arith.constant 0 : i32
      %dma_start3A_82 = tpu.memref_slice %dma_start3A_80[%add3A_65, %dma_start3A_81] : memref<5120x128xf32, #tpu.memory_space<hbm>> -> memref<64x128xf32, #tpu.memory_space<hbm>>
      %dma_start3A_83 = arith.constant 0 : i32
      %dma_start3A_84 = arith.constant 0 : i32
      %dma_start3A_85 = tpu.memref_slice %arg8[%dma_start3A_83, %dma_start3A_84] : memref<128x128xf32, #tpu.memory_space<vmem>> -> memref<64x128xf32, #tpu.memory_space<vmem>>
      tpu.enqueue_dma source(%dma_start3A_85 : memref<64x128xf32, #tpu.memory_space<vmem>>) target(%dma_start3A_82 : memref<64x128xf32, #tpu.memory_space<hbm>>) target_semaphore(%run_scoped3A : memref<!tpu.dma_semaphore, #tpu.memory_space<semaphore_mem>>)
      %dma_wait3A_86 = arith.constant 0 : i32
      %dma_wait3A_87 = arith.constant 0 : i32
      %dma_wait3A_88 = tpu.memref_slice %arg8[%dma_wait3A_86, %dma_wait3A_87] : memref<128x128xf32, #tpu.memory_space<vmem>> -> memref<64x128xf32, #tpu.memory_space<vmem>>
      %dma_wait3A_89 = arith.constant 0 : i32
      %dma_wait3A_90 = arith.constant 0 : i32
      %dma_wait3A_91 = tpu.memref_slice %arg5[%arg0, %dma_wait3A_89, %dma_wait3A_90] : memref<2x5120x128xf32, #tpu.memory_space<hbm>> -> memref<1x5120x128xf32, #tpu.memory_space<hbm>>
      %dma_wait3A_92 = tpu.memref_squeeze %dma_wait3A_91 : memref<1x5120x128xf32, #tpu.memory_space<hbm>> -> memref<5120x128xf32, #tpu.memory_space<hbm>>
      %dma_wait3A_93 = arith.constant 0 : i32
      %dma_wait3A_94 = tpu.memref_slice %dma_wait3A_92[%add3A_65, %dma_wait3A_93] : memref<5120x128xf32, #tpu.memory_space<hbm>> -> memref<64x128xf32, #tpu.memory_space<hbm>>
      %dma_wait3A_95 = arith.constant 0 : i32
      %dma_wait3A_96 = arith.constant 0 : i32
      %dma_wait3A_97 = tpu.memref_slice %arg5[%arg0, %dma_wait3A_95, %dma_wait3A_96] : memref<2x5120x128xf32, #tpu.memory_space<hbm>> -> memref<1x5120x128xf32, #tpu.memory_space<hbm>>
      %dma_wait3A_98 = tpu.memref_squeeze %dma_wait3A_97 : memref<1x5120x128xf32, #tpu.memory_space<hbm>> -> memref<5120x128xf32, #tpu.memory_space<hbm>>
      %dma_wait3A_99 = arith.constant 0 : i32
      %dma_wait3A_100 = tpu.memref_slice %dma_wait3A_98[%add3A_65, %dma_wait3A_99] : memref<5120x128xf32, #tpu.memory_space<hbm>> -> memref<64x128xf32, #tpu.memory_space<hbm>>
      %dma_wait3A_101 = arith.constant 0 : i32
      %dma_wait3A_102 = arith.constant 0 : i32
      %dma_wait3A_103 = tpu.memref_slice %arg8[%dma_wait3A_101, %dma_wait3A_102] : memref<128x128xf32, #tpu.memory_space<vmem>> -> memref<64x128xf32, #tpu.memory_space<vmem>>
      tpu.wait_dma2 semaphore(%run_scoped3A : memref<!tpu.dma_semaphore, #tpu.memory_space<semaphore_mem>>) src(%dma_wait3A_103 : memref<64x128xf32, #tpu.memory_space<vmem>>) dst(%dma_wait3A_100 : memref<64x128xf32, #tpu.memory_space<hbm>>)
      tpu.yield
    }) : () -> ()
    %add3A_66 = arith.constant 256 : i32
    %add3A_67 = arith.addi %mul3A_2, %add3A_66 : i32
    "tpu.region"() ({
      %run_scoped3A = tpu.sem_alloc : memref<!tpu.dma_semaphore, #tpu.memory_space<semaphore_mem>>
      %dma_start3A_68 = arith.constant 0 : i32
      %dma_start3A_69 = arith.constant 0 : i32
      %dma_start3A_70 = tpu.memref_slice %arg8[%dma_start3A_68, %dma_start3A_69] : memref<128x128xf32, #tpu.memory_space<vmem>> -> memref<64x128xf32, #tpu.memory_space<vmem>>
      %dma_start3A_71 = arith.constant 0 : i32
      %dma_start3A_72 = tpu.memref_slice %arg11[%add3A_67, %dma_start3A_71] : memref<5120x128xf32, #tpu.memory_space<vmem_shared>> -> memref<64x128xf32, #tpu.memory_space<vmem_shared>>
      %dma_start3A_73 = arith.constant 0 : i32
      %dma_start3A_74 = arith.constant 0 : i32
      %dma_start3A_75 = tpu.memref_slice %arg8[%dma_start3A_73, %dma_start3A_74] : memref<128x128xf32, #tpu.memory_space<vmem>> -> memref<64x128xf32, #tpu.memory_space<vmem>>
      %dma_start3A_76 = arith.constant 0 : i32
      %dma_start3A_77 = tpu.memref_slice %arg11[%add3A_67, %dma_start3A_76] : memref<5120x128xf32, #tpu.memory_space<vmem_shared>> -> memref<64x128xf32, #tpu.memory_space<vmem_shared>>
      tpu.enqueue_dma source(%dma_start3A_77 : memref<64x128xf32, #tpu.memory_space<vmem_shared>>) target(%dma_start3A_75 : memref<64x128xf32, #tpu.memory_space<vmem>>) target_semaphore(%run_scoped3A : memref<!tpu.dma_semaphore, #tpu.memory_space<semaphore_mem>>)
      %dma_wait3A_78 = arith.constant 0 : i32
      %dma_wait3A_79 = arith.constant 0 : i32
      %dma_wait3A_80 = tpu.memref_slice %arg8[%dma_wait3A_78, %dma_wait3A_79] : memref<128x128xf32, #tpu.memory_space<vmem>> -> memref<64x128xf32, #tpu.memory_space<vmem>>
      %dma_wait3A_81 = arith.constant 0 : i32
      %dma_wait3A_82 = tpu.memref_slice %arg11[%add3A_67, %dma_wait3A_81] : memref<5120x128xf32, #tpu.memory_space<vmem_shared>> -> memref<64x128xf32, #tpu.memory_space<vmem_shared>>
      %dma_wait3A_83 = arith.constant 0 : i32
      %dma_wait3A_84 = arith.constant 0 : i32
      %dma_wait3A_85 = tpu.memref_slice %arg8[%dma_wait3A_83, %dma_wait3A_84] : memref<128x128xf32, #tpu.memory_space<vmem>> -> memref<64x128xf32, #tpu.memory_space<vmem>>
      %dma_wait3A_86 = arith.constant 0 : i32
      %dma_wait3A_87 = tpu.memref_slice %arg11[%add3A_67, %dma_wait3A_86] : memref<5120x128xf32, #tpu.memory_space<vmem_shared>> -> memref<64x128xf32, #tpu.memory_space<vmem_shared>>
      tpu.wait_dma2 semaphore(%run_scoped3A : memref<!tpu.dma_semaphore, #tpu.memory_space<semaphore_mem>>) src(%dma_wait3A_87 : memref<64x128xf32, #tpu.memory_space<vmem_shared>>) dst(%dma_wait3A_85 : memref<64x128xf32, #tpu.memory_space<vmem>>)
      tpu.yield
    }) : () -> ()
    "tpu.region"() ({
      %run_scoped3A = tpu.sem_alloc : memref<!tpu.dma_semaphore, #tpu.memory_space<semaphore_mem>>
      %dma_start3A_68 = arith.constant 0 : i32
      %dma_start3A_69 = arith.constant 0 : i32
      %dma_start3A_70 = tpu.memref_slice %arg8[%dma_start3A_68, %dma_start3A_69] : memref<128x128xf32, #tpu.memory_space<vmem>> -> memref<64x128xf32, #tpu.memory_space<vmem>>
      %dma_start3A_71 = arith.constant 0 : i32
      %dma_start3A_72 = arith.constant 0 : i32
      %dma_start3A_73 = tpu.memref_slice %arg5[%arg0, %dma_start3A_71, %dma_start3A_72] : memref<2x5120x128xf32, #tpu.memory_space<hbm>> -> memref<1x5120x128xf32, #tpu.memory_space<hbm>>
      %dma_start3A_74 = tpu.memref_squeeze %dma_start3A_73 : memref<1x5120x128xf32, #tpu.memory_space<hbm>> -> memref<5120x128xf32, #tpu.memory_space<hbm>>
      %dma_start3A_75 = arith.constant 0 : i32
      %dma_start3A_76 = tpu.memref_slice %dma_start3A_74[%add3A_67, %dma_start3A_75] : memref<5120x128xf32, #tpu.memory_space<hbm>> -> memref<64x128xf32, #tpu.memory_space<hbm>>
      %dma_start3A_77 = arith.constant 0 : i32
      %dma_start3A_78 = arith.constant 0 : i32
      %dma_start3A_79 = tpu.memref_slice %arg5[%arg0, %dma_start3A_77, %dma_start3A_78] : memref<2x5120x128xf32, #tpu.memory_space<hbm>> -> memref<1x5120x128xf32, #tpu.memory_space<hbm>>
      %dma_start3A_80 = tpu.memref_squeeze %dma_start3A_79 : memref<1x5120x128xf32, #tpu.memory_space<hbm>> -> memref<5120x128xf32, #tpu.memory_space<hbm>>
      %dma_start3A_81 = arith.constant 0 : i32
      %dma_start3A_82 = tpu.memref_slice %dma_start3A_80[%add3A_67, %dma_start3A_81] : memref<5120x128xf32, #tpu.memory_space<hbm>> -> memref<64x128xf32, #tpu.memory_space<hbm>>
      %dma_start3A_83 = arith.constant 0 : i32
      %dma_start3A_84 = arith.constant 0 : i32
      %dma_start3A_85 = tpu.memref_slice %arg8[%dma_start3A_83, %dma_start3A_84] : memref<128x128xf32, #tpu.memory_space<vmem>> -> memref<64x128xf32, #tpu.memory_space<vmem>>
      tpu.enqueue_dma source(%dma_start3A_85 : memref<64x128xf32, #tpu.memory_space<vmem>>) target(%dma_start3A_82 : memref<64x128xf32, #tpu.memory_space<hbm>>) target_semaphore(%run_scoped3A : memref<!tpu.dma_semaphore, #tpu.memory_space<semaphore_mem>>)
      %dma_wait3A_86 = arith.constant 0 : i32
      %dma_wait3A_87 = arith.constant 0 : i32
      %dma_wait3A_88 = tpu.memref_slice %arg8[%dma_wait3A_86, %dma_wait3A_87] : memref<128x128xf32, #tpu.memory_space<vmem>> -> memref<64x128xf32, #tpu.memory_space<vmem>>
      %dma_wait3A_89 = arith.constant 0 : i32
      %dma_wait3A_90 = arith.constant 0 : i32
      %dma_wait3A_91 = tpu.memref_slice %arg5[%arg0, %dma_wait3A_89, %dma_wait3A_90] : memref<2x5120x128xf32, #tpu.memory_space<hbm>> -> memref<1x5120x128xf32, #tpu.memory_space<hbm>>
      %dma_wait3A_92 = tpu.memref_squeeze %dma_wait3A_91 : memref<1x5120x128xf32, #tpu.memory_space<hbm>> -> memref<5120x128xf32, #tpu.memory_space<hbm>>
      %dma_wait3A_93 = arith.constant 0 : i32
      %dma_wait3A_94 = tpu.memref_slice %dma_wait3A_92[%add3A_67, %dma_wait3A_93] : memref<5120x128xf32, #tpu.memory_space<hbm>> -> memref<64x128xf32, #tpu.memory_space<hbm>>
      %dma_wait3A_95 = arith.constant 0 : i32
      %dma_wait3A_96 = arith.constant 0 : i32
      %dma_wait3A_97 = tpu.memref_slice %arg5[%arg0, %dma_wait3A_95, %dma_wait3A_96] : memref<2x5120x128xf32, #tpu.memory_space<hbm>> -> memref<1x5120x128xf32, #tpu.memory_space<hbm>>
      %dma_wait3A_98 = tpu.memref_squeeze %dma_wait3A_97 : memref<1x5120x128xf32, #tpu.memory_space<hbm>> -> memref<5120x128xf32, #tpu.memory_space<hbm>>
      %dma_wait3A_99 = arith.constant 0 : i32
      %dma_wait3A_100 = tpu.memref_slice %dma_wait3A_98[%add3A_67, %dma_wait3A_99] : memref<5120x128xf32, #tpu.memory_space<hbm>> -> memref<64x128xf32, #tpu.memory_space<hbm>>
      %dma_wait3A_101 = arith.constant 0 : i32
      %dma_wait3A_102 = arith.constant 0 : i32
      %dma_wait3A_103 = tpu.memref_slice %arg8[%dma_wait3A_101, %dma_wait3A_102] : memref<128x128xf32, #tpu.memory_space<vmem>> -> memref<64x128xf32, #tpu.memory_space<vmem>>
      tpu.wait_dma2 semaphore(%run_scoped3A : memref<!tpu.dma_semaphore, #tpu.memory_space<semaphore_mem>>) src(%dma_wait3A_103 : memref<64x128xf32, #tpu.memory_space<vmem>>) dst(%dma_wait3A_100 : memref<64x128xf32, #tpu.memory_space<hbm>>)
      tpu.yield
    }) : () -> ()
    return
  }
}

module attributes {stable_mosaic.version = 14 : i64} {
  func.func @_mm_scale_body(%arg0: i32, %arg1: memref<1024x128xf32, #tpu.memory_space<vmem>>, %arg2: memref<128x128xf32, #tpu.memory_space<vmem>>, %arg3: memref<1024x128xf32, #tpu.memory_space<vmem>>, %arg4: memref<1024x128xf32, #tpu.memory_space<vmem>>) attributes {dimension_semantics = [#tpu.dimension_semantics<arbitrary>], iteration_bounds = array<i64: 10>, scalar_prefetch = 0 : i64, scratch_operands = 0 : i64, tpu.core_type = #tpu.core_type<tc>, window_params = [{transform_indices = @transform_0, window_bounds = array<i64: 1024, 128>}, {pipeline_mode = #tpu.pipeline_mode<synchronous>, transform_indices = @transform_1, window_bounds = array<i64: 128, 128>}, {transform_indices = @transform_2, window_bounds = array<i64: 1024, 128>}, {transform_indices = @transform_3, window_bounds = array<i64: 1024, 128>}]} {
    %get3A = arith.constant 0 : index
    %get3A_0 = arith.constant 0 : index
    %get3A_1 = vector.load %arg3[%get3A, %get3A_0] : memref<1024x128xf32, #tpu.memory_space<vmem>>, vector<1024x1xf32>
    %add3A = arith.constant 1.000000e+00 : f32
    %add3A_2 = vector.broadcast %add3A : f32 to vector<1024x1xf32>
    %add3A_3 = arith.addf %get3A_1, %add3A_2 : vector<1024x1xf32>
    %rsqrt3A = math.rsqrt %add3A_3 : vector<1024x1xf32>
    %get3A_4 = arith.constant 0 : index
    %get3A_5 = arith.constant 0 : index
    %get3A_6 = vector.load %arg1[%get3A_4, %get3A_5] : memref<1024x128xf32, #tpu.memory_space<vmem>>, vector<1024x128xf32>
    %get3A_7 = arith.constant 0 : index
    %get3A_8 = arith.constant 0 : index
    %get3A_9 = vector.load %arg2[%get3A_7, %get3A_8] : memref<128x128xf32, #tpu.memory_space<vmem>>, vector<128x128xf32>
    %dot_general3A = arith.constant dense<0.000000e+00> : vector<1024x128xf32>
    %dot_general3A_10 = tpu.matmul %get3A_6, %get3A_9, %dot_general3A {dimension_numbers = #tpu.dot_dimension_numbers<[1], [0], [0], [1], [0, 0, 1, 1], [], []>, transpose_lhs_hint = false} : vector<1024x128xf32>, vector<128x128xf32>, vector<1024x128xf32> -> vector<1024x128xf32>
    %mul3A = vector.broadcast %rsqrt3A : vector<1024x1xf32> to vector<1024x128xf32>
    %mul3A_11 = arith.mulf %dot_general3A_10, %mul3A : vector<1024x128xf32>
    %swap3A = arith.constant 0 : index
    %swap3A_12 = arith.constant 0 : index
    %swap3A_13 = vector.load %arg4[%swap3A, %swap3A_12] : memref<1024x128xf32, #tpu.memory_space<vmem>>, vector<1024x128xf32>
    tpu.vector_store %arg4[%swap3A, %swap3A_12], %mul3A_11 {strides = array<i32>} : memref<1024x128xf32, #tpu.memory_space<vmem>>, vector<1024x128xf32>,
    return
  }
  func.func @transform_0(%arg0: i32) -> (i32, i32) {
    %c0_i32 = arith.constant 0 : i32
    %c0_i32_0 = arith.constant 0 : i32
    return %arg0, %c0_i32 : i32, i32
  }
  func.func @transform_1(%arg0: i32) -> (i32, i32) {
    %c0_i32 = arith.constant 0 : i32
    %c0_i32_0 = arith.constant 0 : i32
    %c0_i32_1 = arith.constant 0 : i32
    return %c0_i32, %c0_i32_0 : i32, i32
  }
  func.func @transform_2(%arg0: i32) -> (i32, i32) {
    %c0_i32 = arith.constant 0 : i32
    %c0_i32_0 = arith.constant 0 : i32
    return %arg0, %c0_i32 : i32, i32
  }
  func.func @transform_3(%arg0: i32) -> (i32, i32) {
    %c0_i32 = arith.constant 0 : i32
    %c0_i32_0 = arith.constant 0 : i32
    return %arg0, %c0_i32 : i32, i32
  }
}

module attributes {stable_mosaic.version = 14 : i64} {
  func.func @_mid_body(%arg0: i32, %arg1: memref<1024x128xf32, #tpu.memory_space<vmem>>, %arg2: memref<1024x128xf32, #tpu.memory_space<vmem>>, %arg3: memref<1024x128xf32, #tpu.memory_space<vmem>>, %arg4: memref<128x128xf32, #tpu.memory_space<vmem>>, %arg5: memref<1x128xf32, #tpu.memory_space<vmem>>, %arg6: memref<1024x128xf32, #tpu.memory_space<vmem>>) attributes {dimension_semantics = [#tpu.dimension_semantics<arbitrary>], iteration_bounds = array<i64: 10>, scalar_prefetch = 0 : i64, scratch_operands = 0 : i64, tpu.core_type = #tpu.core_type<tc>, window_params = [{transform_indices = @transform_0, window_bounds = array<i64: 1024, 128>}, {transform_indices = @transform_1, window_bounds = array<i64: 1024, 128>}, {transform_indices = @transform_2, window_bounds = array<i64: 1024, 128>}, {pipeline_mode = #tpu.pipeline_mode<synchronous>, transform_indices = @transform_3, window_bounds = array<i64: 128, 128>}, {pipeline_mode = #tpu.pipeline_mode<synchronous>, transform_indices = @transform_4, window_bounds = array<i64: 1, 128>}, {transform_indices = @transform_5, window_bounds = array<i64: 1024, 128>}]} {
    %get3A = arith.constant 0 : index
    %get3A_0 = arith.constant 0 : index
    %get3A_1 = vector.load %arg3[%get3A, %get3A_0] : memref<1024x128xf32, #tpu.memory_space<vmem>>, vector<1024x1xf32>
    %add3A = arith.constant 1.000000e+00 : f32
    %add3A_2 = vector.broadcast %add3A : f32 to vector<1024x1xf32>
    %add3A_3 = arith.addf %get3A_1, %add3A_2 : vector<1024x1xf32>
    %rsqrt3A = math.rsqrt %add3A_3 : vector<1024x1xf32>
    %get3A_4 = arith.constant 0 : index
    %get3A_5 = arith.constant 0 : index
    %get3A_6 = vector.load %arg1[%get3A_4, %get3A_5] : memref<1024x128xf32, #tpu.memory_space<vmem>>, vector<1024x128xf32>
    %get3A_7 = arith.constant 0 : index
    %get3A_8 = arith.constant 0 : index
    %get3A_9 = vector.load %arg2[%get3A_7, %get3A_8] : memref<1024x128xf32, #tpu.memory_space<vmem>>, vector<1024x128xf32>
    %add3A_10 = arith.addf %get3A_6, %get3A_9 : vector<1024x128xf32>
    %mul3A = vector.broadcast %rsqrt3A : vector<1024x1xf32> to vector<1024x128xf32>
    %mul3A_11 = arith.mulf %mul3A, %add3A_10 : vector<1024x128xf32>
    %get3A_12 = arith.constant 0 : index
    %get3A_13 = arith.constant 0 : index
    %get3A_14 = vector.load %arg5[%get3A_12, %get3A_13] : memref<1x128xf32, #tpu.memory_space<vmem>>, vector<1x128xf32>
    %add3A_15 = vector.broadcast %get3A_14 : vector<1x128xf32> to vector<1024x128xf32>
    %add3A_16 = arith.addf %mul3A_11, %add3A_15 : vector<1024x128xf32>
    %max3A = arith.constant 0.000000e+00 : f32
    %max3A_17 = vector.broadcast %max3A : f32 to vector<1024x128xf32>
    %max3A_18 = arith.maximumf %add3A_16, %max3A_17 : vector<1024x128xf32>
    %get3A_19 = arith.constant 0 : index
    %get3A_20 = arith.constant 0 : index
    %get3A_21 = vector.load %arg4[%get3A_19, %get3A_20] : memref<128x128xf32, #tpu.memory_space<vmem>>, vector<128x128xf32>
    %dot_general3A = arith.constant dense<0.000000e+00> : vector<1024x128xf32>
    %dot_general3A_22 = tpu.matmul %max3A_18, %get3A_21, %dot_general3A {dimension_numbers = #tpu.dot_dimension_numbers<[1], [0], [0], [1], [0, 0, 1, 1], [], []>, transpose_lhs_hint = false} : vector<1024x128xf32>, vector<128x128xf32>, vector<1024x128xf32> -> vector<1024x128xf32>
    %mul3A_23 = vector.broadcast %rsqrt3A : vector<1024x1xf32> to vector<1024x128xf32>
    %mul3A_24 = arith.mulf %dot_general3A_22, %mul3A_23 : vector<1024x128xf32>
    %swap3A = arith.constant 0 : index
    %swap3A_25 = arith.constant 0 : index
    %swap3A_26 = vector.load %arg6[%swap3A, %swap3A_25] : memref<1024x128xf32, #tpu.memory_space<vmem>>, vector<1024x128xf32>
    tpu.vector_store %arg6[%swap3A, %swap3A_25], %mul3A_24 {strides = array<i32>} : memref<1024x128xf32, #tpu.memory_space<vmem>>, vector<1024x128xf32>,
    return
  }
  func.func @transform_0(%arg0: i32) -> (i32, i32) {
    %c0_i32 = arith.constant 0 : i32
    %c0_i32_0 = arith.constant 0 : i32
    return %arg0, %c0_i32 : i32, i32
  }
  func.func @transform_1(%arg0: i32) -> (i32, i32) {
    %c0_i32 = arith.constant 0 : i32
    %c0_i32_0 = arith.constant 0 : i32
    return %arg0, %c0_i32 : i32, i32
  }
  func.func @transform_2(%arg0: i32) -> (i32, i32) {
    %c0_i32 = arith.constant 0 : i32
    %c0_i32_0 = arith.constant 0 : i32
    return %arg0, %c0_i32 : i32, i32
  }
  func.func @transform_3(%arg0: i32) -> (i32, i32) {
    %c0_i32 = arith.constant 0 : i32
    %c0_i32_0 = arith.constant 0 : i32
    %c0_i32_1 = arith.constant 0 : i32
    return %c0_i32, %c0_i32_0 : i32, i32
  }
  func.func @transform_4(%arg0: i32) -> (i32, i32) {
    %c0_i32 = arith.constant 0 : i32
    %c0_i32_0 = arith.constant 0 : i32
    %c0_i32_1 = arith.constant 0 : i32
    return %c0_i32, %c0_i32_0 : i32, i32
  }
  func.func @transform_5(%arg0: i32) -> (i32, i32) {
    %c0_i32 = arith.constant 0 : i32
    %c0_i32_0 = arith.constant 0 : i32
    return %arg0, %c0_i32 : i32, i32
  }
}

module attributes {stable_mosaic.version = 14 : i64} {
  func.func @_final_body(%arg0: i32, %arg1: memref<1024x128xf32, #tpu.memory_space<vmem>>, %arg2: memref<1024x128xf32, #tpu.memory_space<vmem>>, %arg3: memref<1024x128xf32, #tpu.memory_space<vmem>>, %arg4: memref<1x128xf32, #tpu.memory_space<vmem>>, %arg5: memref<1024x128xf32, #tpu.memory_space<vmem>>) attributes {dimension_semantics = [#tpu.dimension_semantics<arbitrary>], iteration_bounds = array<i64: 10>, scalar_prefetch = 0 : i64, scratch_operands = 0 : i64, tpu.core_type = #tpu.core_type<tc>, window_params = [{transform_indices = @transform_0, window_bounds = array<i64: 1024, 128>}, {transform_indices = @transform_1, window_bounds = array<i64: 1024, 128>}, {transform_indices = @transform_2, window_bounds = array<i64: 1024, 128>}, {pipeline_mode = #tpu.pipeline_mode<synchronous>, transform_indices = @transform_3, window_bounds = array<i64: 1, 128>}, {transform_indices = @transform_4, window_bounds = array<i64: 1024, 128>}]} {
    %get3A = arith.constant 0 : index
    %get3A_0 = arith.constant 0 : index
    %get3A_1 = vector.load %arg3[%get3A, %get3A_0] : memref<1024x128xf32, #tpu.memory_space<vmem>>, vector<1024x1xf32>
    %add3A = arith.constant 1.000000e+00 : f32
    %add3A_2 = vector.broadcast %add3A : f32 to vector<1024x1xf32>
    %add3A_3 = arith.addf %get3A_1, %add3A_2 : vector<1024x1xf32>
    %rsqrt3A = math.rsqrt %add3A_3 : vector<1024x1xf32>
    %get3A_4 = arith.constant 0 : index
    %get3A_5 = arith.constant 0 : index
    %get3A_6 = vector.load %arg1[%get3A_4, %get3A_5] : memref<1024x128xf32, #tpu.memory_space<vmem>>, vector<1024x128xf32>
    %get3A_7 = arith.constant 0 : index
    %get3A_8 = arith.constant 0 : index
    %get3A_9 = vector.load %arg2[%get3A_7, %get3A_8] : memref<1024x128xf32, #tpu.memory_space<vmem>>, vector<1024x128xf32>
    %add3A_10 = arith.addf %get3A_6, %get3A_9 : vector<1024x128xf32>
    %mul3A = vector.broadcast %rsqrt3A : vector<1024x1xf32> to vector<1024x128xf32>
    %mul3A_11 = arith.mulf %mul3A, %add3A_10 : vector<1024x128xf32>
    %get3A_12 = arith.constant 0 : index
    %get3A_13 = arith.constant 0 : index
    %get3A_14 = vector.load %arg4[%get3A_12, %get3A_13] : memref<1x128xf32, #tpu.memory_space<vmem>>, vector<1x128xf32>
    %add3A_15 = vector.broadcast %get3A_14 : vector<1x128xf32> to vector<1024x128xf32>
    %add3A_16 = arith.addf %mul3A_11, %add3A_15 : vector<1024x128xf32>
    %reduce_max3A = arith.constant dense<0xFF800000> : vector<1024xf32>
    %reduce_max3A_17 = vector.multi_reduction <maximumf>, %add3A_16, %reduce_max3A [1] : vector<1024x128xf32> to vector<1024xf32>
    %broadcast_in_dim3A = vector.shape_cast %reduce_max3A_17 : vector<1024xf32> to vector<1024x1xf32>
    %sub3A = vector.broadcast %broadcast_in_dim3A : vector<1024x1xf32> to vector<1024x128xf32>
    %sub3A_18 = arith.subf %add3A_16, %sub3A : vector<1024x128xf32>
    %exp3A = math.exp %sub3A_18 : vector<1024x128xf32>
    %sub3A_19 = vector.broadcast %broadcast_in_dim3A : vector<1024x1xf32> to vector<1024x128xf32>
    %sub3A_20 = arith.subf %add3A_16, %sub3A_19 : vector<1024x128xf32>
    %reduce_sum3A = arith.constant dense<0.000000e+00> : vector<1024xf32>
    %reduce_sum3A_21 = vector.multi_reduction <add>, %exp3A, %reduce_sum3A [1] : vector<1024x128xf32> to vector<1024xf32>
    %broadcast_in_dim3A_22 = vector.shape_cast %reduce_sum3A_21 : vector<1024xf32> to vector<1024x1xf32>
    %log3A = math.log %broadcast_in_dim3A_22 : vector<1024x1xf32>
    %sub3A_23 = vector.broadcast %log3A : vector<1024x1xf32> to vector<1024x128xf32>
    %sub3A_24 = arith.subf %sub3A_20, %sub3A_23 : vector<1024x128xf32>
    %swap3A = arith.constant 0 : index
    %swap3A_25 = arith.constant 0 : index
    %swap3A_26 = vector.load %arg5[%swap3A, %swap3A_25] : memref<1024x128xf32, #tpu.memory_space<vmem>>, vector<1024x128xf32>
    tpu.vector_store %arg5[%swap3A, %swap3A_25], %sub3A_24 {strides = array<i32>} : memref<1024x128xf32, #tpu.memory_space<vmem>>, vector<1024x128xf32>,
    return
  }
  func.func @transform_0(%arg0: i32) -> (i32, i32) {
    %c0_i32 = arith.constant 0 : i32
    %c0_i32_0 = arith.constant 0 : i32
    return %arg0, %c0_i32 : i32, i32
  }
  func.func @transform_1(%arg0: i32) -> (i32, i32) {
    %c0_i32 = arith.constant 0 : i32
    %c0_i32_0 = arith.constant 0 : i32
    return %arg0, %c0_i32 : i32, i32
  }
  func.func @transform_2(%arg0: i32) -> (i32, i32) {
    %c0_i32 = arith.constant 0 : i32
    %c0_i32_0 = arith.constant 0 : i32
    return %arg0, %c0_i32 : i32, i32
  }
  func.func @transform_3(%arg0: i32) -> (i32, i32) {
    %c0_i32 = arith.constant 0 : i32
    %c0_i32_0 = arith.constant 0 : i32
    %c0_i32_1 = arith.constant 0 : i32
    return %c0_i32, %c0_i32_0 : i32, i32
  }
  func.func @transform_4(%arg0: i32) -> (i32, i32) {
    %c0_i32 = arith.constant 0 : i32
    %c0_i32_0 = arith.constant 0 : i32
    return %arg0, %c0_i32 : i32, i32
  }
}

</mosaic_0001>

<sc_bundles>
// kernel: kernel.11.cloned.1.call-start
scs
__scs_entry_jumppad:
0x0: {  	(pc) =	sbr.rel $0x88, $3  }
0x1: {  	(tag) =	ssettag $0x0;
	lr =	simm.s32 $0x1  }
0x2: {  	[smem:$0x3F9B] =	sst lr;
	_ =	strace $0xD0000000  }
0x3: {  	_ = 	snop  }
0x4: {  	_ = 	snop  }
0x5: {  	_ = 	snop  }
0x6: {  	_ = 	snop  }
0x7: {  	_ = 	snop  }
__scs_overlays_trampoline_lowered:
0x8: {  	[smem:$0x3FAA] =	sst s0  }
0x9: {  	[smem:$0x3FAB] =	sst s1  }
0xa: {  	[smem:$0x3FAC] =	sst s2  }
0xb: {  	[smem:$0x3FAD] =	sst s3  }
0xc: {  	[smem:$0x3FAE] =	sst s4  }
0xd: {  	[smem:$0x3FAF] =	sst s5  }
0xe: {  	[smem:$0x3FB0] =	sst s6  }
0xf: {  	[smem:$0x3FB1] =	sst s7  }
0x10: {  	[smem:$0x3FB2] =	sst s8  }
0x11: {  	[smem:$0x3FB3] =	sst s9;
	s0 =	simm.s32 @!p0 $0x0  }
0x12: {  	s1 =	sld [smem:$0x3F99];
	s0 =	simm.s32 @p0 $0x1  }
0x13: {  	[smem:$0x3FB4] =	sst s0;
	s0 =	simm.s32 @!p1 $0x0  }
0x14: {  	s2 =	sld [smem:$0x3F98];
	s0 =	simm.s32 @p1 $0x1  }
0x15: {  	[smem:$0x3FB5] =	sst s0;
	s0 =	simm.s32 @!p2 $0x0  }
0x16: {  	s3 =	sld [smem:$0x3FDB];
	s0 =	simm.s32 @p2 $0x1  }
0x17: {  	s4 =	simm.s32 $0x1BF5;
	[smem:$0x3FB7] =	sst s0  }
0x18: {  	s0 =	sld [smem:$0x3F9A];
	_ =	swait.ge [sflag:s4], $0x0  }
0x19: {  	s7 =	sld [smem:$0x3F9B]  }
0x1a: {  	s8 =	sadd.s32 $0xFFFFE003, lr  }
0x1b: {  	s9 =	sadd.s32 $0xFFFFFEF7, lr;
	s5 =	simm.s32 $0xFFFFFFFF;
	p2 =	slt.u32 s8, $0xFFFFF086  }
0x1c: {  	p1 =	slt.u32 s9, $0xF7A;
	s5 =	simm.s32 @!p2 $0x0  }
0x1d: {  	s5 =	simm.s32 @p1 $0x1;
	p0 =	seq.s32 s7, s2  }
0x1e: {  	s7 =	smul.u32 @!p0 $0xF7A, s2;
	p2 =	seq.s32 @!p0 s5, $0x0  }
0x1f: {  	s9 =	smul.u32 $0xF7A, s1;
	s8 =	simm.s32 @!p0 $0x1BF5;
	p2 =	por !p2, p0  }
0x20: {  	[sflag:s8] =	ssyncset.s32 @!p0 $0xFFFFF086;
	s6 =	sadd.s32 @!p0 s3, s7;
	s7 =	simm.s32 @!p0 $0x108  }
0x21: {  	s3 =	sadd.s32 s3, s9;
	s6 =	sadd.s32 @!p0 $0x88, s6;
	s7 =	simm.s32 @p2 $0x1082  }
0x22: {  	[simem:s7], [sflag:s8] =	dma.local @!p0 [hbm:s6], $0xF7A  }
0x23: {  	s9 =	sor.u32 $0xD0000000, s2;
	s6 =	simm.s32 $0x108;
	_ =	swait.ge @!p0 [sflag:s8], $0x0  }
0x24: {  	s3 =	sadd.s32 $0x88, s3;
	s6 =	simm.s32 @!p1 $0x1082;
	[sflag:s4] =	ssyncset.s32 $0xFFFFF086  }
0x25: {  	[simem:s6], [sflag:s4] =	dma.local [hbm:s3], $0xF7A  }
0x26: {  	[smem:$0x3F9B] =	sst s1;
	(tag) =	ssettag s2;
	_ =	strace s9  }
0x27: {  	s1 =	sld [smem:$0x3FAB]  }
0x28: {  	s2 =	sld [smem:$0x3FAC]  }
0x29: {  	s4 =	sld [smem:$0x3FAE]  }
0x2a: {  	p0 =	seq.s32 s5, $0x0;
	s5 =	sld [smem:$0x3FAF]  }
0x2b: {  	s6 =	sld [smem:$0x3FB0]  }
0x2c: {  	s7 =	sld [smem:$0x3FB1]  }
0x2d: {  	s3 =	simm.s32 $0x108;
	s8 =	sld [smem:$0x3FB2]  }
0x2e: {  	s3 =	simm.s32 @!p0 $0x1082;
	s9 =	sld [smem:$0x3FB3]  }
0x2f: {  	lr =	sadd.s32 s0, s3;
	s0 =	sld [smem:$0x3FAA]  }
0x30: {  	s3 =	sld [smem:$0x3FAD]  }
0x31: {  	[smem:$0x3FB6] =	sst s10  }
0x32: {  	s10 =	sld [smem:$0x3FB4];
	_ =	sdelay $0x3  }
0x33: {  	p0 =	seq.s32 s10, $0x1;
	s10 =	sld [smem:$0x3FB6];
	_ =	sdelay $0x3  }
0x34: {  	[smem:$0x3FB6] =	sst s10  }
0x35: {  	s10 =	sld [smem:$0x3FB5];
	_ =	sdelay $0x3  }
0x36: {  	p1 =	seq.s32 s10, $0x1;
	s10 =	sld [smem:$0x3FB6];
	_ =	sdelay $0x3  }
0x37: {  	[smem:$0x3FB6] =	sst s10  }
0x38: {  	s10 =	sld [smem:$0x3FB7]  }
0x39: {  	_ = 	snop;
	(pc) =	sbr.ind lr, $3  }
0x3a: {  	_ = 	snop  }
0x3b: {  	_ = 	snop  }
0x3c: {  	p2 =	seq.s32 s10, $0x1;
	s10 =	sld [smem:$0x3FB6]  }
0x3d: {  	_ =	shalt  }
0x3e: {  	_ =	shalt  }
0x3f: {  	_ =	shalt  }
0x40: {  	_ =	shalt  }
0x41: {  	_ =	shalt  }
0x42: {  	_ =	shalt  }
0x43: {  	_ =	shalt  }
0x44: {  	_ =	shalt  }
0x45: {  	_ =	shalt  }
0x46: {  	_ =	shalt  }
0x47: {  	_ =	shalt  }
0x48: {  	_ =	shalt  }
0x49: {  	_ =	shalt  }
0x4a: {  	_ =	shalt  }
0x4b: {  	_ =	shalt  }
0x4c: {  	_ =	shalt  }
0x4d: {  	_ =	shalt  }
0x4e: {  	_ =	shalt  }
0x4f: {  	_ =	shalt  }
0x50: {  	_ =	shalt  }
0x51: {  	_ =	shalt  }
0x52: {  	_ =	shalt  }
0x53: {  	_ =	shalt  }
0x54: {  	_ =	shalt  }
0x55: {  	_ =	shalt  }
0x56: {  	_ =	shalt  }
0x57: {  	_ =	shalt  }
0x58: {  	_ =	shalt  }
0x59: {  	_ =	shalt  }
0x5a: {  	_ =	shalt  }
0x5b: {  	_ =	shalt  }
0x5c: {  	_ =	shalt  }
0x5d: {  	_ =	shalt  }
0x5e: {  	_ =	shalt  }
0x5f: {  	_ =	shalt  }
0x60: {  	_ =	shalt  }
0x61: {  	_ =	shalt  }
0x62: {  	_ =	shalt  }
0x63: {  	_ =	shalt  }
0x64: {  	_ =	shalt  }
0x65: {  	_ =	shalt  }
0x66: {  	_ =	shalt  }
0x67: {  	_ =	shalt  }
0x68: {  	_ =	shalt  }
0x69: {  	_ =	shalt  }
0x6a: {  	_ =	shalt  }
0x6b: {  	_ =	shalt  }
0x6c: {  	_ =	shalt  }
0x6d: {  	_ =	shalt  }
0x6e: {  	_ =	shalt  }
0x6f: {  	_ =	shalt  }
0x70: {  	_ =	shalt  }
0x71: {  	_ =	shalt  }
0x72: {  	_ =	shalt  }
0x73: {  	_ =	shalt  }
0x74: {  	_ =	shalt  }
0x75: {  	_ =	shalt  }
0x76: {  	_ =	shalt  }
0x77: {  	_ =	shalt  }
0x78: {  	_ =	shalt  }
0x79: {  	_ =	shalt  }
0x7a: {  	_ =	shalt  }
0x7b: {  	_ =	shalt  }
0x7c: {  	_ =	shalt  }
0x7d: {  	_ =	shalt  }
0x7e: {  	_ =	shalt  }
0x7f: {  	_ =	shalt  }
0x80: {  	_ =	shalt  }
0x81: {  	_ =	shalt  }
0x82: {  	_ =	shalt  }
0x83: {  	_ =	shalt  }
0x84: {  	_ =	shalt  }
0x85: {  	_ =	shalt  }
0x86: {  	_ =	shalt  }
0x87: {  	_ =	shalt  }
.Lfunc_end0:
.L_simem_size_0:
called_computation.1_lowered:
.L_overlay_start_0:
0x88: {  	s2 =	sld [smem:$0x3FD9]  }
0x89: {  	s3 =	sld [smem:$0x3FFE];
	_ =	sdelay $0x1  }
0x8a: {  	s1 =	srdreg.scid  }
0x8b: {  	s0 =	sand.u32 $0x1, s1  }
0x8c: {  	s17 =	sshll.u32 s0, $0xA;
	s2 =	sadd.s32 s3, s2  }
0x8d: {  	s2 =	sadd.s32 s2, s17  }
0x8e: {  	[smem:$0x3FC2] =	sst s2  }
0x8f: {  	_ = 	snop  }
0x90: {  	s2 =	sld [smem:$0x3FD0];
	(tm) =	ssettm $0x1  }
0x91: {  	s18 =	sld [smem:$0x3FFB];
	_ =	sdelay $0x3  }
0x92: {  	_ =	strace s18  }
0x93: {  	s3 =	sld [smem:$0x3FFC];
	_ =	sdelay $0x3  }
0x94: {  	_ =	strace s3  }
0x95: {  	s3 =	sld [smem:$0x3FFD];
	_ =	sdelay $0x3  }
0x96: {  	_ =	strace s3  }
0x97: {  	_ =	strace $0x8FFFFFFF  }
0x98: {  	s19 =	sld [smem:$0x3FDB];
	_ =	sdelay $0x1  }
0x99: {  	s4 =	simm.s32 $_scs_section_size  }
0x9a: {  	s5 =	simm.s32 $_size__tile_overlayer_lowered;
	s6 =	simm.s32 $_tile_overlayer_lowered  }
0x9b: {  	s22 =	simm.s32 $0x1BFF;
	s21 =	sshll.u32 s6, $0x1;
	s3 =	sadd.s32 s4, s19  }
0x9c: {  	s7 =	simm.s32 $0x0;
	s20 =	sshll.u32 s5, $0x1;
	s5 =	sadd.s32 s21, s3  }
0x9d: {  	[timem:s7], [sflag:s22] =	dma.local [hbm:s5], s20  }
0x9e: {  	_ =	swait.ge [sflag:s22], s20  }
0x9f: {  	s4 =	ssub.s32 $0x0, s20;
	[sflag:s22] =	ssyncset.done $0x0  }
0xa0: {  	[sflag:s22] =	ssyncadd.s32 s4;
	_ =	sdelay $0x1  }
0xa1: {  	s23 =	simm.s32 $0x1B8B  }
0xa2: {  	_ =	swait.ge [sflag:s23], $0x1  }
0xa3: {  	[sflag:s23] =	ssyncset.done $0x0  }
0xa4: {  	s25 =	simm.s32 $0x1B8E;
	s24 =	sld [smem:$0x3FFE];
	[sflag:s23] =	ssyncadd.s32 $0xFFFFFFFF  }
0xa5: {  	s26 =	simm.s32 $execute0_lowered;
	[smem:$0x3FD2] =	sst s25  }
0xa6: {  	s5 =	sshll.u32 s26, $0x1;
	_ =	strace $0x80000049;
	[dreg:$0x1] =	wrdreg $0xFFFFFFFF  }
0xa7: {  	s28 =	simm.s32 $_size_execute0_lowered;
	s3 =	sadd.s32 s3, s5;
	[dreg:$0x0] =	wrdreg $0x0  }
0xa8: {  	s5 =	sshll.u32 s28, $0x1;
	[dreg:$0x2] =	wrdreg s3  }
0xa9: {  	[dreg:$0x3] =	wrdreg s5  }
0xaa: {  	[dreg:$0x4] =	wrdreg $0xC0  }
0xab: {  	_ =	task [dreg:s7], $0x5FFFF  }
0xac: {  	[dreg:$0x1] =	wrdreg $0xFFFFFFFF  }
0xad: {  	[dreg:$0x0] =	wrdreg $0x60  }
0xae: {  	[dreg:$0x2] =	wrdreg s24  }
0xaf: {  	[dreg:$0x3] =	wrdreg s2  }
0xb0: {  	[dreg:$0x4] =	wrdreg $0x160000  }
0xb1: {  	[dreg:$0x5] =	wrdreg $0x9  }
0xb2: {  	_ =	task.clear_ibuf [dreg:s7], $0x6FFFF;
	_ =	strace $0x90000049  }
0xb3: {  	s29 =	simm.s32 $0x9;
	_ =	strace $0x8000004B  }
0xb4: {  	_ =	swait.ge [sflag:s29], $0x1  }
0xb5: {  	[sflag:s29] =	ssyncadd.s32 $0xFFFFFFFF  }
0xb6: {  	_ =	strace $0x9000004B  }
0xb7: {  	_ =	sfence  }
0xb8: {  	s30 =	sld [smem:$0x0];
	_ =	sdelay $0x2  }
0xb9: {  	s31 =	sshll.u32 s1, $0xD;
	s1 =	sshrl.u32 s1, $0x2  }
0xba: {  	s3 =	sand.u32 $0x4000, s31;
	s1 =	sadd.s32 s1, s30  }
0xbb: {  	s0 =	sor.u32 s3, s0;
	s1 =	sshll.u32 s1, $0x11  }
0xbc: {  	s0 =	sor.u32 s1, s0  }
0xbd: {  	s0 =	sadd.s32 $0x8F2B, s0  }
0xbe: {  	[sflag:s0] =	ssyncadd.remote.s32 $0x1  }
0xbf: {  	_ =	sfence.sel $0xFFFF  }
0xc0: {  	[dreg:$0x0] =	wrdreg $0xFFFFFFFF;
	(pc) =	sbr.abs _section_cstart, $3  }
0xc1: {  	[dreg:$0x1] =	wrdreg $0xFFFFFFFF  }
0xc2: {  	_ =	task.clear_ibuf [dreg:s7], $0x2FFFF;
	_ =	strace $0x9FFFFFFF  }
0xc3: {  	(tm) =	ssettm $0x7FFFFFFF  }
tec
execute0_lowered:
.L_overlay_start_1:
0x0: {  	(tag) =	ssettag $0x1  }
0x1: {  	s0 =	rddreg [dreg:$0x0]  }
0x2: {  	s1 =	srdreg.scid;
	s5 =	rddreg [dreg:$0x1]  }
0x3: {  	s2 =	rddreg [dreg:$0x2];
	s15 =	stileid.u32  }
0x4: {  	s3 =	simm.s32 $0x0;
	s16 =	simm.s32 $0xA000;
	s17 =	simm.s32 $0xE000  }
0x5: {  	s18 =	simm.s32 $0x12000;
	s19 =	simm.s32 $0x1;
	s29 =	simm.s32 $0x4  }
0x6: {  	s31 =	simm.s32 $0x3;
	s28 =	simm.s32 $0x6;
	s30 =	simm.s32 $0x0  }
0x7: {  	s1 =	sand.u32 $0x1, s1;
	[smem:$0x7FF] =	sst s3;
	s9 =	smul.u32 $0x140, s15  }
0x8: {  	s11 =	smul.u32 $0x28000, s15;
	s4 =	sshll.u32 s1, $0x4;
	_ =	strace $0x8000004A  }
0x9: {  	s7 =	smul.u32 $0x14000, s1;
	s1 =	ssub.s32 $0x2, s1;
	s4 =	sor.u32 s15, s4  }
0xa: {  	s10 =	sshrl.u32 s1, $0x1;
	s12 =	sadd.s32 $0x40, s9;
	s21 =	sshrl.u32 s11, $0x2  }
0xb: {  	s23 =	sadd.s32 $0x80, s9;
	s13 =	sadd.s32 $0xC0, s9;
	s14 =	sadd.s32 $0x100, s9  }
0xc: {  	s6 =	smul.u32 $0xA00, s4;
	s4 =	sadd.s32 $0x2A00, s0;
	s1 =	ssub.s32 s1, s10  }
0xd: {  	s22 =	sshll.u32 s12, $0x7;
	s24 =	sshll.u32 s23, $0x7;
	s25 =	sshll.u32 s13, $0x7  }
0xe: {  	s26 =	sshll.u32 s14, $0x7;
	s9 =	sadd.s32 s24, s2;
	s10 =	sadd.s32 s25, s2  }
0xf: {  	s11 =	sadd.s32 s26, s2;
	s24 =	sshll.u32 s14, $0x4;
	s14 =	simm.s32 $0x5000  }
0x10: {  	s26 =	simm.s32 $0x2;
	s8 =	sadd.s32 s6, s0;
	s0 =	sadd.s32 s7, s0  }
0x11: {  	s5 =	sadd.s32 s5, s6;
	s7 =	sadd.s32 s21, s2;
	s21 =	sshll.u32 s12, $0x4  }
0x12: {  	s12 =	smax.u32 s1, $0x1;
	s1 =	simm.s32 $0x5;
	s20 =	sadd.s32 $0x2AA00, s8  }
.Ltmp0:
0x13: {  	[dreg:$0x5] =	wrdreg s5;
	s8 =	sadd.s32 s22, s2;
	(pc) =	sbr.rel .LBB2_1-.Ltmp0, $4  }
0x14: {  	s0 =	sadd.s32 $0x3EA00, s0;
	s5 =	sshll.u32 s23, $0x4;
	s23 =	sshll.u32 s13, $0x4  }
0x15: {  	s13 =	simm.s32 $0x7;
	[dreg:$0x4] =	wrdreg s20;
	s20 =	smul.u32 $0x1400, s15  }
0x16: {  	s15 =	simm.s32 $0x80;
	s21 =	sadd.s32 s21, s0;
	s22 =	sadd.s32 s5, s0  }
0x17: {  	v0 =	vimm.f32 $0.0e+00;
	s23 =	sadd.s32 s23, s0;
	s24 =	sadd.s32 s24, s0;
	s20 =	sadd.s32 s20, s0  }
.LBB2_6:
0x18: {  	_ =	swait.ge [sflag:s31], $0x4000  }
0x19: {  	[sflag:s31] =	ssyncset.done $0x0  }
0x1a: {  	[sflag:s31] =	ssyncadd.s32 $0xFFFFC000;
	(ifvalue) =	ssetifvalue $0xFFFFFFFF  }
0x1b: {  	[spmem:s2] =	stream.indirect.scatter.add.f32 [tilespmem:s18], [sflag:$0x6], $0x80, s5, s15, $0x40b8;
	v63 =	vld [tilespmem:$0x0]  }
0x1c: {  	_ =	swait.ge [sflag:s29], $0x4000  }
0x1d: {  	[sflag:s29] =	ssyncset.done $0x0  }
0x1e: {  	[sflag:s29] =	ssyncadd.s32 $0xFFFFC000  }
0x1f: {  	_ =	swait.ge [sflag:s1], $0x4000  }
0x20: {  	[sflag:s1] =	ssyncset.done $0x0  }
0x21: {  	[sflag:s1] =	ssyncadd.s32 $0xFFFFC000  }
0x22: {  	_ =	swait.ge [sflag:s28], $0x4000  }
0x23: {  	[sflag:s28] =	ssyncset.done $0x0  }
0x24: {  	[sflag:s28] =	ssyncadd.s32 $0xFFFFC000  }
0x25: {  	[bflag:$0x0] =	sbarrier.arrive $0xFFFF  }
0x26: {  	[tilespmem:s16], [sflag:$0x7] =	stream.linear.gather [spmem:s7], $0x2000, $0x38;
	v63 =	vld [tilespmem:$0x0]  }
0x27: {  	_ =	swait.ge [sflag:s13], $0x2000  }
0x28: {  	[sflag:s13] =	ssyncset.done $0x0  }
0x29: {  	[sflag:s13] =	ssyncadd.s32 $0xFFFFE000  }
0x2a: {  	[hbm4b:s20+s3] =	stream.linear.scatter [tilespmem:s16], [sflag:$0x7], $0x2000, $0x38;
	v63 =	vld [tilespmem:$0x0]  }
0x2b: {  	_ =	swait.ge [sflag:s13], $0x2000  }
0x2c: {  	[sflag:s13] =	ssyncset.done $0x0  }
0x2d: {  	[sflag:s13] =	ssyncadd.s32 $0xFFFFE000  }
0x2e: {  	[tilespmem:s16], [sflag:$0x7] =	stream.linear.gather [spmem:s8], $0x2000, $0x38;
	v63 =	vld [tilespmem:$0x0]  }
0x2f: {  	_ =	swait.ge [sflag:s13], $0x2000  }
0x30: {  	[sflag:s13] =	ssyncset.done $0x0  }
0x31: {  	[sflag:s13] =	ssyncadd.s32 $0xFFFFE000  }
0x32: {  	[hbm4b:s21+s3] =	stream.linear.scatter [tilespmem:s16], [sflag:$0x7], $0x2000, $0x38;
	v63 =	vld [tilespmem:$0x0]  }
0x33: {  	_ =	swait.ge [sflag:s13], $0x2000  }
0x34: {  	[sflag:s13] =	ssyncset.done $0x0  }
0x35: {  	[sflag:s13] =	ssyncadd.s32 $0xFFFFE000  }
0x36: {  	[tilespmem:s16], [sflag:$0x7] =	stream.linear.gather [spmem:s9], $0x2000, $0x38;
	v63 =	vld [tilespmem:$0x0]  }
0x37: {  	_ =	swait.ge [sflag:s13], $0x2000  }
0x38: {  	[sflag:s13] =	ssyncset.done $0x0  }
0x39: {  	[sflag:s13] =	ssyncadd.s32 $0xFFFFE000  }
0x3a: {  	[hbm4b:s22+s3] =	stream.linear.scatter [tilespmem:s16], [sflag:$0x7], $0x2000, $0x38;
	v63 =	vld [tilespmem:$0x0]  }
0x3b: {  	_ =	swait.ge [sflag:s13], $0x2000  }
0x3c: {  	[sflag:s13] =	ssyncset.done $0x0  }
0x3d: {  	[sflag:s13] =	ssyncadd.s32 $0xFFFFE000  }
0x3e: {  	[tilespmem:s16], [sflag:$0x7] =	stream.linear.gather [spmem:s10], $0x2000, $0x38;
	v63 =	vld [tilespmem:$0x0]  }
0x3f: {  	_ =	swait.ge [sflag:s13], $0x2000  }
0x40: {  	[sflag:s13] =	ssyncset.done $0x0  }
0x41: {  	[sflag:s13] =	ssyncadd.s32 $0xFFFFE000  }
0x42: {  	[hbm4b:s23+s3] =	stream.linear.scatter [tilespmem:s16], [sflag:$0x7], $0x2000, $0x38;
	v63 =	vld [tilespmem:$0x0]  }
0x43: {  	_ =	swait.ge [sflag:s13], $0x2000  }
0x44: {  	[sflag:s13] =	ssyncset.done $0x0  }
0x45: {  	[sflag:s13] =	ssyncadd.s32 $0xFFFFE000  }
0x46: {  	[tilespmem:s16], [sflag:$0x7] =	stream.linear.gather [spmem:s11], $0x2000, $0x38;
	v63 =	vld [tilespmem:$0x0]  }
0x47: {  	s30 =	sadd.s32 $0x1, s30;
	_ =	swait.ge [sflag:s13], $0x2000  }
0x48: {  	p0 =	sne.s32 s30, s12;
	[sflag:s13] =	ssyncset.done $0x0  }
.Ltmp1:
0x49: {  	[sflag:s13] =	ssyncadd.s32 $0xFFFFE000;
	(pc) =	sbr.rel @!p0 .LBB2_7-.Ltmp1, $4  }
0x4a: {  	[hbm4b:s24+s3] =	stream.linear.scatter [tilespmem:s16], [sflag:$0x7], $0x2000, $0x38;
	v63 =	vld [tilespmem:$0x0]  }
0x4b: {  	_ =	swait.ge [sflag:s13], $0x2000  }
0x4c: {  	[sflag:s13] =	ssyncset.done $0x0  }
0x4d: {  	[sflag:s13] =	ssyncadd.s32 $0xFFFFE000  }
.LBB2_1:
0x4e: {  	s0 =	rddreg [dreg:$0x4]  }
0x4f: {  	[tilespmem:s3], [sflag:$0x7] =	stream.linear.gather [hbm4b:s0+s3], $0x4F80, $0x38;
	v63 =	vld [tilespmem:$0x0]  }
0x50: {  	_ =	swait.ge [sflag:s13], $0x4F80  }
0x51: {  	[sflag:s13] =	ssyncset.done $0x0  }
0x52: {  	s25 =	rddreg [dreg:$0x5];
	[sflag:s13] =	ssyncadd.s32 $0xFFFFB080  }
0x53: {  	[tilespmem:s14], [sflag:$0x7] =	stream.linear.gather [hbm4b:s25+s3], $0x4F80, $0x38;
	v63 =	vld [tilespmem:$0x0]  }
0x54: {  	_ =	swait.ge [sflag:s13], $0x4F80  }
0x55: {  	[sflag:s13] =	ssyncset.done $0x0  }
0x56: {  	[sflag:s13] =	ssyncadd.s32 $0xFFFFB080;
	(ifvalue) =	ssetifvalue $0xFFFFFFFF  }
0x57: {  	(ifvalue) =	ssetifvalue $0xFFFFFFFF  }
0x58: {  	[tilespmem:s16], [sflag:$0x1] =	stream.indirect.gather [hbm4b:s4+s15], $0x80, s3, s15, $0x40b8;
	v63 =	vld [tilespmem:$0x0]  }
0x59: {  	(ifvalue) =	ssetifvalue $0xFFFFFFFF  }
0x5a: {  	s0 =	simm.s32 $0x0;
	s25 =	simm.s32 $0x200;
	(ifvalue) =	ssetifvalue $0xFFFFFFFF  }
0x5b: {  	[tilespmem:s17], [sflag:$0x2] =	stream.indirect.gather [hbm4b:s4+s15], $0x80, s15, s15, $0x40b8;
	v63 =	vld [tilespmem:$0x0]  }
.LBB2_2:
0x5c: {  	p0 =	sne.s32 s25, $0x7E00;
	[tilespmem:s0+$0x12070] =	vst v0  }
0x5d: {  	[tilespmem:s0+$0x12000] =	vst v0  }
0x5e: {  	[tilespmem:s0+$0x12010] =	vst v0  }
.Ltmp2:
0x5f: {  	[tilespmem:s0+$0x12020] =	vst v0;
	(pc) =	sbr.rel @p0 .LBB2_2-.Ltmp2, $4  }
0x60: {  	[tilespmem:s0+$0x12030] =	vst v0  }
0x61: {  	[tilespmem:s0+$0x12040] =	vst v0  }
0x62: {  	[tilespmem:s0+$0x12050] =	vst v0  }
0x63: {  	[tilespmem:s0+$0x12060] =	vst v0;
	s0 =	sshra.s32 s25, $0x2;
	s25 =	sadd.s32 $0x200, s25  }
0x64: {  	[tilespmem:s0+$0x12070] =	vst v0  }
0x65: {  	[tilespmem:s0+$0x12000] =	vst v0  }
0x66: {  	[tilespmem:s0+$0x12010] =	vst v0  }
0x67: {  	[tilespmem:s0+$0x12020] =	vst v0  }
0x68: {  	[tilespmem:s0+$0x12030] =	vst v0  }
0x69: {  	[tilespmem:s0+$0x12040] =	vst v0  }
0x6a: {  	[tilespmem:s0+$0x12050] =	vst v0  }
0x6b: {  	[tilespmem:s0+$0x12060] =	vst v0  }
0x6c: {  	[spmem:s7] =	stream.linear.scatter [tilespmem:s18], [sflag:$0x7], $0x2000, $0x38;
	v63 =	vld [tilespmem:$0x0]  }
0x6d: {  	_ =	swait.ge [sflag:s13], $0x2000  }
0x6e: {  	[sflag:s13] =	ssyncset.done $0x0  }
0x6f: {  	[sflag:s13] =	ssyncadd.s32 $0xFFFFE000  }
0x70: {  	[spmem:s8] =	stream.linear.scatter [tilespmem:s18], [sflag:$0x7], $0x2000, $0x38;
	v63 =	vld [tilespmem:$0x0]  }
0x71: {  	_ =	swait.ge [sflag:s13], $0x2000  }
0x72: {  	[sflag:s13] =	ssyncset.done $0x0  }
0x73: {  	[sflag:s13] =	ssyncadd.s32 $0xFFFFE000  }
0x74: {  	[spmem:s9] =	stream.linear.scatter [tilespmem:s18], [sflag:$0x7], $0x2000, $0x38;
	v63 =	vld [tilespmem:$0x0]  }
0x75: {  	_ =	swait.ge [sflag:s13], $0x2000  }
0x76: {  	[sflag:s13] =	ssyncset.done $0x0  }
0x77: {  	[sflag:s13] =	ssyncadd.s32 $0xFFFFE000  }
0x78: {  	[spmem:s10] =	stream.linear.scatter [tilespmem:s18], [sflag:$0x7], $0x2000, $0x38;
	v63 =	vld [tilespmem:$0x0]  }
0x79: {  	_ =	swait.ge [sflag:s13], $0x2000  }
0x7a: {  	[sflag:s13] =	ssyncset.done $0x0  }
0x7b: {  	[sflag:s13] =	ssyncadd.s32 $0xFFFFE000  }
0x7c: {  	[spmem:s11] =	stream.linear.scatter [tilespmem:s18], [sflag:$0x7], $0x2000, $0x38;
	v63 =	vld [tilespmem:$0x0]  }
0x7d: {  	_ =	swait.ge [sflag:s13], $0x2000  }
0x7e: {  	[sflag:s13] =	ssyncset.done $0x0  }
0x7f: {  	[sflag:s13] =	ssyncadd.s32 $0xFFFFE000  }
0x80: {  	[bflag:$0x0] =	sbarrier.arrive $0xFFFF  }
0x81: {  	_ =	swait.ge [sflag:s19], $0x4000  }
0x82: {  	[sflag:s19] =	ssyncset.done $0x0  }
0x83: {  	[sflag:s19] =	ssyncadd.s32 $0xFFFFC000;
	(ifvalue) =	ssetifvalue $0xFFFFFFFF  }
0x84: {  	[spmem:s2] =	stream.indirect.scatter.add.f32 [tilespmem:s16], [sflag:$0x4], $0x80, s14, s15, $0x40b8;
	v63 =	vld [tilespmem:$0x0]  }
0x85: {  	(ifvalue) =	ssetifvalue $0xFFFFFFFF  }
0x86: {  	s6 =	simm.s32 $0x100;
	(ifvalue) =	ssetifvalue $0xFFFFFFFF  }
0x87: {  	[tilespmem:s18], [sflag:$0x3] =	stream.indirect.gather [hbm4b:s4+s15], $0x80, s6, s15, $0x40b8;
	v63 =	vld [tilespmem:$0x0]  }
0x88: {  	_ =	swait.ge [sflag:s26], $0x4000  }
0x89: {  	[sflag:s26] =	ssyncset.done $0x0  }
0x8a: {  	s25 =	simm.s32 $0x5080;
	[sflag:s26] =	ssyncadd.s32 $0xFFFFC000;
	(ifvalue) =	ssetifvalue $0xFFFFFFFF  }
0x8b: {  	[spmem:s2] =	stream.indirect.scatter.add.f32 [tilespmem:s17], [sflag:$0x5], $0x80, s25, s15, $0x40b8;
	v63 =	vld [tilespmem:$0x0]  }
0x8c: {  	_ =	swait.ge [sflag:s29], $0x4000  }
0x8d: {  	[sflag:s29] =	ssyncset.done $0x0  }
0x8e: {  	[sflag:s29] =	ssyncadd.s32 $0xFFFFC000;
	(ifvalue) =	ssetifvalue $0xFFFFFFFF  }
0x8f: {  	s5 =	simm.s32 $0x180;
	(ifvalue) =	ssetifvalue $0xFFFFFFFF  }
0x90: {  	[tilespmem:s16], [sflag:$0x1] =	stream.indirect.gather [hbm4b:s4+s15], $0x80, s5, s15, $0x40b8;
	v63 =	vld [tilespmem:$0x0]  }
0x91: {  	_ =	swait.ge [sflag:s31], $0x4000  }
0x92: {  	[sflag:s31] =	ssyncset.done $0x0  }
0x93: {  	s6 =	simm.s32 $0x5100;
	[sflag:s31] =	ssyncadd.s32 $0xFFFFC000;
	(ifvalue) =	ssetifvalue $0xFFFFFFFF  }
0x94: {  	[spmem:s2] =	stream.indirect.scatter.add.f32 [tilespmem:s18], [sflag:$0x6], $0x80, s6, s15, $0x40b8;
	v63 =	vld [tilespmem:$0x0]  }
0x95: {  	_ =	swait.ge [sflag:s1], $0x4000  }
0x96: {  	[sflag:s1] =	ssyncset.done $0x0  }
0x97: {  	[sflag:s1] =	ssyncadd.s32 $0xFFFFC000;
	(ifvalue) =	ssetifvalue $0xFFFFFFFF  }
0x98: {  	s0 =	simm.s32 $0x0;
	s25 =	simm.s32 $0x200;
	(ifvalue) =	ssetifvalue $0xFFFFFFFF  }
0x99: {  	[tilespmem:s17], [sflag:$0x2] =	stream.indirect.gather [hbm4b:s4+s15], $0x80, s25, s15, $0x40b8;
	v63 =	vld [tilespmem:$0x0]  }
.LBB2_4:
0x9a: {  	_ =	swait.ge [sflag:s19], $0x4000  }
0x9b: {  	s25 =	sshra.s32 s0, $0x2;
	[sflag:s19] =	ssyncset.done $0x0  }
0x9c: {  	s5 =	sadd.s32 $0x5180, s25;
	[sflag:s19] =	ssyncadd.s32 $0xFFFFC000;
	(ifvalue) =	ssetifvalue $0xFFFFFFFF  }
0x9d: {  	[spmem:s2] =	stream.indirect.scatter.add.f32 [tilespmem:s16], [sflag:$0x4], $0x80, s5, s15, $0x40b8;
	v63 =	vld [tilespmem:$0x0]  }
0x9e: {  	_ =	swait.ge [sflag:s28], $0x4000  }
0x9f: {  	[sflag:s28] =	ssyncset.done $0x0  }
0xa0: {  	[sflag:s28] =	ssyncadd.s32 $0xFFFFC000;
	(ifvalue) =	ssetifvalue $0xFFFFFFFF  }
0xa1: {  	p0 =	seq.s32 s0, $0x13200;
	s6 =	sadd.s32 $0x280, s25;
	(ifvalue) =	ssetifvalue $0xFFFFFFFF  }
0xa2: {  	[tilespmem:s18], [sflag:$0x3] =	stream.indirect.gather [hbm4b:s4+s15], $0x80, s6, s15, $0x40b8;
	v63 =	vld [tilespmem:$0x0]  }
.Ltmp3:
0xa3: {  	_ = 	snop;
	(pc) =	sbr.rel @p0 .LBB2_6-.Ltmp3, $4  }
0xa4: {  	_ =	swait.ge [sflag:s26], $0x4000  }
0xa5: {  	s5 =	sadd.s32 $0x5280, s25;
	[sflag:s26] =	ssyncset.done $0x0  }
0xa6: {  	s6 =	sadd.s32 $0x5200, s25;
	[sflag:s26] =	ssyncadd.s32 $0xFFFFC000;
	(ifvalue) =	ssetifvalue $0xFFFFFFFF  }
0xa7: {  	[spmem:s2] =	stream.indirect.scatter.add.f32 [tilespmem:s17], [sflag:$0x5], $0x80, s6, s15, $0x40b8;
	v63 =	vld [tilespmem:$0x0]  }
0xa8: {  	_ =	swait.ge [sflag:s29], $0x4000  }
0xa9: {  	[sflag:s29] =	ssyncset.done $0x0  }
0xaa: {  	[sflag:s29] =	ssyncadd.s32 $0xFFFFC000;
	(ifvalue) =	ssetifvalue $0xFFFFFFFF  }
0xab: {  	s6 =	sadd.s32 $0x300, s25;
	(ifvalue) =	ssetifvalue $0xFFFFFFFF  }
0xac: {  	[tilespmem:s16], [sflag:$0x1] =	stream.indirect.gather [hbm4b:s4+s15], $0x80, s6, s15, $0x40b8;
	v63 =	vld [tilespmem:$0x0]  }
0xad: {  	_ =	swait.ge [sflag:s31], $0x4000  }
0xae: {  	[sflag:s31] =	ssyncset.done $0x0  }
0xaf: {  	[sflag:s31] =	ssyncadd.s32 $0xFFFFC000;
	(ifvalue) =	ssetifvalue $0xFFFFFFFF  }
0xb0: {  	[spmem:s2] =	stream.indirect.scatter.add.f32 [tilespmem:s18], [sflag:$0x6], $0x80, s5, s15, $0x40b8;
	v63 =	vld [tilespmem:$0x0]  }
.Ltmp4:
0xb1: {  	_ =	swait.ge [sflag:s1], $0x4000;
	(pc) =	sbr.rel .LBB2_4-.Ltmp4, $4  }
0xb2: {  	[sflag:s1] =	ssyncset.done $0x0  }
0xb3: {  	[sflag:s1] =	ssyncadd.s32 $0xFFFFC000;
	(ifvalue) =	ssetifvalue $0xFFFFFFFF  }
0xb4: {  	s25 =	sadd.s32 $0x380, s25;
	s0 =	sadd.s32 $0x600, s0;
	(ifvalue) =	ssetifvalue $0xFFFFFFFF  }
0xb5: {  	[tilespmem:s17], [sflag:$0x2] =	stream.indirect.gather [hbm4b:s4+s15], $0x80, s25, s15, $0x40b8;
	v63 =	vld [tilespmem:$0x0]  }
.LBB2_7:
0xb6: {  	_ =	sfence.sel $0x180000  }
0xb7: {  	[bflag:$0x0] =	sbarrier.arrive $0xFFFF  }
0xb8: {  	_ =	strace $0x9000004A  }
0xb9: {  	s0 =	stileid.u32;
	[bflag:$0x2] =	sbarrier.arrive $0xFFFF  }
0xba: {  	p0 =	sne.s32 s0, $0x0;
	s0 =	rddreg [dreg:$0x3]  }
0xbb: {  	s0 =	sadd.s32 @!p0 $0x100000, s0  }
0xbc: {  	[sflag:s0] =	ssyncadd.tile.s32 @!p0 $0x1;
	_ =	shalt  }
.Lfunc_end2:
_tile_overlayer_lowered:
.L_overlay_start_2:
0xbd: {  	(tag) =	ssettag $0x2  }
0xbe: {  	s0 =	rddreg [dreg:$0x0];
	s2 =	stileid.u32  }
0xbf: {  	s1 =	rddreg [dreg:$0x1];
	p0 =	sne.s32 s2, $0x0  }
0xc0: {  	s3 =	rddreg [dreg:$0x2];
	[bflag:$0x3] =	sbarrier.arrive $0xFFFF;
	s2 =	simm.s32 @!p0 $0x1C07  }
0xc1: {  	[timem:s3], [sflag:s2] =	dma.local @!p0 [hbm:s0], s1  }
0xc2: {  	s0 =	simm.s32 @!p0 $0x7  }
0xc3: {  	_ =	swait.ge @!p0 [sflag:s0], s1  }
0xc4: {  	s1 =	ssub.s32 @!p0 $0x0, s1;
	[sflag:s0] =	ssyncset.done @!p0 $0x0  }
0xc5: {  	[sflag:s0] =	ssyncadd.s32 @!p0 s1  }
0xc6: {  	[bflag:$0x3] =	sbarrier.arrive $0xFFFF  }
0xc7: {  	_ =	shalt  }

// kernel: kernel.14.cloned.1.call-start
scs
__scs_entry_jumppad:
0x0: {  	(pc) =	sbr.rel $0x88, $3  }
0x1: {  	(tag) =	ssettag $0x0;
	lr =	simm.s32 $0x1  }
0x2: {  	[smem:$0x3F9B] =	sst lr;
	_ =	strace $0xD0000000  }
0x3: {  	_ = 	snop  }
0x4: {  	_ = 	snop  }
0x5: {  	_ = 	snop  }
0x6: {  	_ = 	snop  }
0x7: {  	_ = 	snop  }
__scs_overlays_trampoline_lowered:
0x8: {  	[smem:$0x3FAA] =	sst s0  }
0x9: {  	[smem:$0x3FAB] =	sst s1  }
0xa: {  	[smem:$0x3FAC] =	sst s2  }
0xb: {  	[smem:$0x3FAD] =	sst s3  }
0xc: {  	[smem:$0x3FAE] =	sst s4  }
0xd: {  	[smem:$0x3FAF] =	sst s5  }
0xe: {  	[smem:$0x3FB0] =	sst s6  }
0xf: {  	[smem:$0x3FB1] =	sst s7  }
0x10: {  	[smem:$0x3FB2] =	sst s8  }
0x11: {  	[smem:$0x3FB3] =	sst s9;
	s0 =	simm.s32 @!p0 $0x0  }
0x12: {  	s1 =	sld [smem:$0x3F99];
	s0 =	simm.s32 @p0 $0x1  }
0x13: {  	[smem:$0x3FB4] =	sst s0;
	s0 =	simm.s32 @!p1 $0x0  }
0x14: {  	s2 =	sld [smem:$0x3F98];
	s0 =	simm.s32 @p1 $0x1  }
0x15: {  	[smem:$0x3FB5] =	sst s0;
	s0 =	simm.s32 @!p2 $0x0  }
0x16: {  	s3 =	sld [smem:$0x3FDB];
	s0 =	simm.s32 @p2 $0x1  }
0x17: {  	s4 =	simm.s32 $0x1BF5;
	[smem:$0x3FB7] =	sst s0  }
0x18: {  	s0 =	sld [smem:$0x3F9A];
	_ =	swait.ge [sflag:s4], $0x0  }
0x19: {  	s7 =	sld [smem:$0x3F9B]  }
0x1a: {  	s8 =	sadd.s32 $0xFFFFE003, lr  }
0x1b: {  	s9 =	sadd.s32 $0xFFFFFEF7, lr;
	s5 =	simm.s32 $0xFFFFFFFF;
	p2 =	slt.u32 s8, $0xFFFFF086  }
0x1c: {  	p1 =	slt.u32 s9, $0xF7A;
	s5 =	simm.s32 @!p2 $0x0  }
0x1d: {  	s5 =	simm.s32 @p1 $0x1;
	p0 =	seq.s32 s7, s2  }
0x1e: {  	s7 =	smul.u32 @!p0 $0xF7A, s2;
	p2 =	seq.s32 @!p0 s5, $0x0  }
0x1f: {  	s9 =	smul.u32 $0xF7A, s1;
	s8 =	simm.s32 @!p0 $0x1BF5;
	p2 =	por !p2, p0  }
0x20: {  	[sflag:s8] =	ssyncset.s32 @!p0 $0xFFFFF086;
	s6 =	sadd.s32 @!p0 s3, s7;
	s7 =	simm.s32 @!p0 $0x108  }
0x21: {  	s3 =	sadd.s32 s3, s9;
	s6 =	sadd.s32 @!p0 $0x88, s6;
	s7 =	simm.s32 @p2 $0x1082  }
0x22: {  	[simem:s7], [sflag:s8] =	dma.local @!p0 [hbm:s6], $0xF7A  }
0x23: {  	s9 =	sor.u32 $0xD0000000, s2;
	s6 =	simm.s32 $0x108;
	_ =	swait.ge @!p0 [sflag:s8], $0x0  }
0x24: {  	s3 =	sadd.s32 $0x88, s3;
	s6 =	simm.s32 @!p1 $0x1082;
	[sflag:s4] =	ssyncset.s32 $0xFFFFF086  }
0x25: {  	[simem:s6], [sflag:s4] =	dma.local [hbm:s3], $0xF7A  }
0x26: {  	[smem:$0x3F9B] =	sst s1;
	(tag) =	ssettag s2;
	_ =	strace s9  }
0x27: {  	s1 =	sld [smem:$0x3FAB]  }
0x28: {  	s2 =	sld [smem:$0x3FAC]  }
0x29: {  	s4 =	sld [smem:$0x3FAE]  }
0x2a: {  	p0 =	seq.s32 s5, $0x0;
	s5 =	sld [smem:$0x3FAF]  }
0x2b: {  	s6 =	sld [smem:$0x3FB0]  }
0x2c: {  	s7 =	sld [smem:$0x3FB1]  }
0x2d: {  	s3 =	simm.s32 $0x108;
	s8 =	sld [smem:$0x3FB2]  }
0x2e: {  	s3 =	simm.s32 @!p0 $0x1082;
	s9 =	sld [smem:$0x3FB3]  }
0x2f: {  	lr =	sadd.s32 s0, s3;
	s0 =	sld [smem:$0x3FAA]  }
0x30: {  	s3 =	sld [smem:$0x3FAD]  }
0x31: {  	[smem:$0x3FB6] =	sst s10  }
0x32: {  	s10 =	sld [smem:$0x3FB4];
	_ =	sdelay $0x3  }
0x33: {  	p0 =	seq.s32 s10, $0x1;
	s10 =	sld [smem:$0x3FB6];
	_ =	sdelay $0x3  }
0x34: {  	[smem:$0x3FB6] =	sst s10  }
0x35: {  	s10 =	sld [smem:$0x3FB5];
	_ =	sdelay $0x3  }
0x36: {  	p1 =	seq.s32 s10, $0x1;
	s10 =	sld [smem:$0x3FB6];
	_ =	sdelay $0x3  }
0x37: {  	[smem:$0x3FB6] =	sst s10  }
0x38: {  	s10 =	sld [smem:$0x3FB7]  }
0x39: {  	_ = 	snop;
	(pc) =	sbr.ind lr, $3  }
0x3a: {  	_ = 	snop  }
0x3b: {  	_ = 	snop  }
0x3c: {  	p2 =	seq.s32 s10, $0x1;
	s10 =	sld [smem:$0x3FB6]  }
0x3d: {  	_ =	shalt  }
0x3e: {  	_ =	shalt  }
0x3f: {  	_ =	shalt  }
0x40: {  	_ =	shalt  }
0x41: {  	_ =	shalt  }
0x42: {  	_ =	shalt  }
0x43: {  	_ =	shalt  }
0x44: {  	_ =	shalt  }
0x45: {  	_ =	shalt  }
0x46: {  	_ =	shalt  }
0x47: {  	_ =	shalt  }
0x48: {  	_ =	shalt  }
0x49: {  	_ =	shalt  }
0x4a: {  	_ =	shalt  }
0x4b: {  	_ =	shalt  }
0x4c: {  	_ =	shalt  }
0x4d: {  	_ =	shalt  }
0x4e: {  	_ =	shalt  }
0x4f: {  	_ =	shalt  }
0x50: {  	_ =	shalt  }
0x51: {  	_ =	shalt  }
0x52: {  	_ =	shalt  }
0x53: {  	_ =	shalt  }
0x54: {  	_ =	shalt  }
0x55: {  	_ =	shalt  }
0x56: {  	_ =	shalt  }
0x57: {  	_ =	shalt  }
0x58: {  	_ =	shalt  }
0x59: {  	_ =	shalt  }
0x5a: {  	_ =	shalt  }
0x5b: {  	_ =	shalt  }
0x5c: {  	_ =	shalt  }
0x5d: {  	_ =	shalt  }
0x5e: {  	_ =	shalt  }
0x5f: {  	_ =	shalt  }
0x60: {  	_ =	shalt  }
0x61: {  	_ =	shalt  }
0x62: {  	_ =	shalt  }
0x63: {  	_ =	shalt  }
0x64: {  	_ =	shalt  }
0x65: {  	_ =	shalt  }
0x66: {  	_ =	shalt  }
0x67: {  	_ =	shalt  }
0x68: {  	_ =	shalt  }
0x69: {  	_ =	shalt  }
0x6a: {  	_ =	shalt  }
0x6b: {  	_ =	shalt  }
0x6c: {  	_ =	shalt  }
0x6d: {  	_ =	shalt  }
0x6e: {  	_ =	shalt  }
0x6f: {  	_ =	shalt  }
0x70: {  	_ =	shalt  }
0x71: {  	_ =	shalt  }
0x72: {  	_ =	shalt  }
0x73: {  	_ =	shalt  }
0x74: {  	_ =	shalt  }
0x75: {  	_ =	shalt  }
0x76: {  	_ =	shalt  }
0x77: {  	_ =	shalt  }
0x78: {  	_ =	shalt  }
0x79: {  	_ =	shalt  }
0x7a: {  	_ =	shalt  }
0x7b: {  	_ =	shalt  }
0x7c: {  	_ =	shalt  }
0x7d: {  	_ =	shalt  }
0x7e: {  	_ =	shalt  }
0x7f: {  	_ =	shalt  }
0x80: {  	_ =	shalt  }
0x81: {  	_ =	shalt  }
0x82: {  	_ =	shalt  }
0x83: {  	_ =	shalt  }
0x84: {  	_ =	shalt  }
0x85: {  	_ =	shalt  }
0x86: {  	_ =	shalt  }
0x87: {  	_ =	shalt  }
.Lfunc_end0:
.L_simem_size_0:
called_computation.2_lowered:
.L_overlay_start_0:
0x88: {  	s2 =	sld [smem:$0x3FD9]  }
0x89: {  	s3 =	sld [smem:$0x3FFE];
	_ =	sdelay $0x1  }
0x8a: {  	s1 =	srdreg.scid  }
0x8b: {  	s0 =	sand.u32 $0x1, s1  }
0x8c: {  	s17 =	sshll.u32 s0, $0xA;
	s2 =	sadd.s32 s3, s2  }
0x8d: {  	s2 =	sadd.s32 s2, s17  }
0x8e: {  	[smem:$0x3FC2] =	sst s2  }
0x8f: {  	_ = 	snop  }
0x90: {  	s2 =	sld [smem:$0x3FD0];
	(tm) =	ssettm $0x1  }
0x91: {  	s18 =	sld [smem:$0x3FFB];
	_ =	sdelay $0x3  }
0x92: {  	_ =	strace s18  }
0x93: {  	s3 =	sld [smem:$0x3FFC];
	_ =	sdelay $0x3  }
0x94: {  	_ =	strace s3  }
0x95: {  	s3 =	sld [smem:$0x3FFD];
	_ =	sdelay $0x3  }
0x96: {  	_ =	strace s3  }
0x97: {  	_ =	strace $0x8FFFFFFF  }
0x98: {  	s19 =	sld [smem:$0x3FDB];
	_ =	sdelay $0x1  }
0x99: {  	s4 =	simm.s32 $_scs_section_size  }
0x9a: {  	s5 =	simm.s32 $_size__tile_overlayer_lowered;
	s6 =	simm.s32 $_tile_overlayer_lowered  }
0x9b: {  	s22 =	simm.s32 $0x1BFF;
	s21 =	sshll.u32 s6, $0x1;
	s3 =	sadd.s32 s4, s19  }
0x9c: {  	s7 =	simm.s32 $0x0;
	s20 =	sshll.u32 s5, $0x1;
	s5 =	sadd.s32 s21, s3  }
0x9d: {  	[timem:s7], [sflag:s22] =	dma.local [hbm:s5], s20  }
0x9e: {  	_ =	swait.ge [sflag:s22], s20  }
0x9f: {  	s4 =	ssub.s32 $0x0, s20;
	[sflag:s22] =	ssyncset.done $0x0  }
0xa0: {  	[sflag:s22] =	ssyncadd.s32 s4;
	_ =	sdelay $0x1  }
0xa1: {  	s23 =	simm.s32 $0x1B8B  }
0xa2: {  	_ =	swait.ge [sflag:s23], $0x1  }
0xa3: {  	[sflag:s23] =	ssyncset.done $0x0  }
0xa4: {  	s25 =	simm.s32 $0x1B8E;
	s24 =	sld [smem:$0x3FFE];
	[sflag:s23] =	ssyncadd.s32 $0xFFFFFFFF  }
0xa5: {  	s26 =	simm.s32 $execute0_lowered;
	[smem:$0x3FD2] =	sst s25  }
0xa6: {  	s5 =	sshll.u32 s26, $0x1;
	_ =	strace $0x8000004C;
	[dreg:$0x1] =	wrdreg $0xFFFFFFFF  }
0xa7: {  	s28 =	simm.s32 $_size_execute0_lowered;
	s3 =	sadd.s32 s3, s5;
	[dreg:$0x0] =	wrdreg $0x0  }
0xa8: {  	s5 =	sshll.u32 s28, $0x1;
	[dreg:$0x2] =	wrdreg s3  }
0xa9: {  	[dreg:$0x3] =	wrdreg s5  }
0xaa: {  	[dreg:$0x4] =	wrdreg $0xC0  }
0xab: {  	_ =	task [dreg:s7], $0x5FFFF  }
0xac: {  	[dreg:$0x1] =	wrdreg $0xFFFFFFFF  }
0xad: {  	[dreg:$0x0] =	wrdreg $0x60  }
0xae: {  	[dreg:$0x2] =	wrdreg s24  }
0xaf: {  	[dreg:$0x3] =	wrdreg s2  }
0xb0: {  	[dreg:$0x4] =	wrdreg $0x160000  }
0xb1: {  	[dreg:$0x5] =	wrdreg $0x9  }
0xb2: {  	_ =	task.clear_ibuf [dreg:s7], $0x6FFFF;
	_ =	strace $0x9000004C  }
0xb3: {  	s29 =	simm.s32 $0x9;
	_ =	strace $0x8000004E  }
0xb4: {  	_ =	swait.ge [sflag:s29], $0x1  }
0xb5: {  	[sflag:s29] =	ssyncadd.s32 $0xFFFFFFFF  }
0xb6: {  	_ =	strace $0x9000004E  }
0xb7: {  	_ =	sfence  }
0xb8: {  	s30 =	sld [smem:$0x0];
	_ =	sdelay $0x2  }
0xb9: {  	s31 =	sshll.u32 s1, $0xD;
	s1 =	sshrl.u32 s1, $0x2  }
0xba: {  	s3 =	sand.u32 $0x4000, s31;
	s1 =	sadd.s32 s1, s30  }
0xbb: {  	s0 =	sor.u32 s3, s0;
	s1 =	sshll.u32 s1, $0x11  }
0xbc: {  	s0 =	sor.u32 s1, s0  }
0xbd: {  	s0 =	sadd.s32 $0x8F2B, s0  }
0xbe: {  	[sflag:s0] =	ssyncadd.remote.s32 $0x1  }
0xbf: {  	_ =	sfence.sel $0xFFFF  }
0xc0: {  	[dreg:$0x0] =	wrdreg $0xFFFFFFFF;
	(pc) =	sbr.abs _section_cstart, $3  }
0xc1: {  	[dreg:$0x1] =	wrdreg $0xFFFFFFFF  }
0xc2: {  	_ =	task.clear_ibuf [dreg:s7], $0x2FFFF;
	_ =	strace $0x9FFFFFFF  }
0xc3: {  	(tm) =	ssettm $0x7FFFFFFF  }
tec
execute0_lowered:
.L_overlay_start_1:
0x0: {  	(tag) =	ssettag $0x1  }
0x1: {  	s0 =	rddreg [dreg:$0x0]  }
0x2: {  	s1 =	srdreg.scid;
	s5 =	rddreg [dreg:$0x1]  }
0x3: {  	s2 =	rddreg [dreg:$0x2];
	s15 =	stileid.u32  }
0x4: {  	s3 =	simm.s32 $0x0;
	s16 =	simm.s32 $0xA000;
	s17 =	simm.s32 $0xE000  }
0x5: {  	s18 =	simm.s32 $0x12000;
	s19 =	simm.s32 $0x1;
	s29 =	simm.s32 $0x4  }
0x6: {  	s31 =	simm.s32 $0x3;
	s28 =	simm.s32 $0x6;
	s30 =	simm.s32 $0x0  }
0x7: {  	s1 =	sand.u32 $0x1, s1;
	[smem:$0x7FF] =	sst s3;
	s9 =	smul.u32 $0x140, s15  }
0x8: {  	s11 =	smul.u32 $0x28000, s15;
	s4 =	sshll.u32 s1, $0x4;
	_ =	strace $0x8000004D  }
0x9: {  	s7 =	smul.u32 $0x14000, s1;
	s1 =	ssub.s32 $0x2, s1;
	s4 =	sor.u32 s15, s4  }
0xa: {  	s10 =	sshrl.u32 s1, $0x1;
	s12 =	sadd.s32 $0x40, s9;
	s21 =	sshrl.u32 s11, $0x2  }
0xb: {  	s23 =	sadd.s32 $0x80, s9;
	s13 =	sadd.s32 $0xC0, s9;
	s14 =	sadd.s32 $0x100, s9  }
0xc: {  	s6 =	smul.u32 $0xA00, s4;
	s4 =	sadd.s32 $0x2A00, s0;
	s1 =	ssub.s32 s1, s10  }
0xd: {  	s22 =	sshll.u32 s12, $0x7;
	s24 =	sshll.u32 s23, $0x7;
	s25 =	sshll.u32 s13, $0x7  }
0xe: {  	s26 =	sshll.u32 s14, $0x7;
	s9 =	sadd.s32 s24, s2;
	s10 =	sadd.s32 s25, s2  }
0xf: {  	s11 =	sadd.s32 s26, s2;
	s24 =	sshll.u32 s14, $0x4;
	s14 =	simm.s32 $0x5000  }
0x10: {  	s26 =	simm.s32 $0x2;
	s8 =	sadd.s32 s6, s0;
	s0 =	sadd.s32 s7, s0  }
0x11: {  	s5 =	sadd.s32 s5, s6;
	s7 =	sadd.s32 s21, s2;
	s21 =	sshll.u32 s12, $0x4  }
0x12: {  	s12 =	smax.u32 s1, $0x1;
	s1 =	simm.s32 $0x5;
	s20 =	sadd.s32 $0x2AA00, s8  }
.Ltmp0:
0x13: {  	[dreg:$0x5] =	wrdreg s5;
	s8 =	sadd.s32 s22, s2;
	(pc) =	sbr.rel .LBB2_1-.Ltmp0, $4  }
0x14: {  	s0 =	sadd.s32 $0x3EA00, s0;
	s5 =	sshll.u32 s23, $0x4;
	s23 =	sshll.u32 s13, $0x4  }
0x15: {  	s13 =	simm.s32 $0x7;
	[dreg:$0x4] =	wrdreg s20;
	s20 =	smul.u32 $0x1400, s15  }
0x16: {  	s15 =	simm.s32 $0x80;
	s21 =	sadd.s32 s21, s0;
	s22 =	sadd.s32 s5, s0  }
0x17: {  	v0 =	vimm.f32 $0.0e+00;
	s23 =	sadd.s32 s23, s0;
	s24 =	sadd.s32 s24, s0;
	s20 =	sadd.s32 s20, s0  }
.LBB2_6:
0x18: {  	_ =	swait.ge [sflag:s31], $0x4000  }
0x19: {  	[sflag:s31] =	ssyncset.done $0x0  }
0x1a: {  	[sflag:s31] =	ssyncadd.s32 $0xFFFFC000;
	(ifvalue) =	ssetifvalue $0xFFFFFFFF  }
0x1b: {  	[spmem:s2] =	stream.indirect.scatter.add.f32 [tilespmem:s18], [sflag:$0x6], $0x80, s5, s15, $0x40b8;
	v63 =	vld [tilespmem:$0x0]  }
0x1c: {  	_ =	swait.ge [sflag:s29], $0x4000  }
0x1d: {  	[sflag:s29] =	ssyncset.done $0x0  }
0x1e: {  	[sflag:s29] =	ssyncadd.s32 $0xFFFFC000  }
0x1f: {  	_ =	swait.ge [sflag:s1], $0x4000  }
0x20: {  	[sflag:s1] =	ssyncset.done $0x0  }
0x21: {  	[sflag:s1] =	ssyncadd.s32 $0xFFFFC000  }
0x22: {  	_ =	swait.ge [sflag:s28], $0x4000  }
0x23: {  	[sflag:s28] =	ssyncset.done $0x0  }
0x24: {  	[sflag:s28] =	ssyncadd.s32 $0xFFFFC000  }
0x25: {  	[bflag:$0x0] =	sbarrier.arrive $0xFFFF  }
0x26: {  	[tilespmem:s16], [sflag:$0x7] =	stream.linear.gather [spmem:s7], $0x2000, $0x38;
	v63 =	vld [tilespmem:$0x0]  }
0x27: {  	_ =	swait.ge [sflag:s13], $0x2000  }
0x28: {  	[sflag:s13] =	ssyncset.done $0x0  }
0x29: {  	[sflag:s13] =	ssyncadd.s32 $0xFFFFE000  }
0x2a: {  	[hbm4b:s20+s3] =	stream.linear.scatter [tilespmem:s16], [sflag:$0x7], $0x2000, $0x38;
	v63 =	vld [tilespmem:$0x0]  }
0x2b: {  	_ =	swait.ge [sflag:s13], $0x2000  }
0x2c: {  	[sflag:s13] =	ssyncset.done $0x0  }
0x2d: {  	[sflag:s13] =	ssyncadd.s32 $0xFFFFE000  }
0x2e: {  	[tilespmem:s16], [sflag:$0x7] =	stream.linear.gather [spmem:s8], $0x2000, $0x38;
	v63 =	vld [tilespmem:$0x0]  }
0x2f: {  	_ =	swait.ge [sflag:s13], $0x2000  }
0x30: {  	[sflag:s13] =	ssyncset.done $0x0  }
0x31: {  	[sflag:s13] =	ssyncadd.s32 $0xFFFFE000  }
0x32: {  	[hbm4b:s21+s3] =	stream.linear.scatter [tilespmem:s16], [sflag:$0x7], $0x2000, $0x38;
	v63 =	vld [tilespmem:$0x0]  }
0x33: {  	_ =	swait.ge [sflag:s13], $0x2000  }
0x34: {  	[sflag:s13] =	ssyncset.done $0x0  }
0x35: {  	[sflag:s13] =	ssyncadd.s32 $0xFFFFE000  }
0x36: {  	[tilespmem:s16], [sflag:$0x7] =	stream.linear.gather [spmem:s9], $0x2000, $0x38;
	v63 =	vld [tilespmem:$0x0]  }
0x37: {  	_ =	swait.ge [sflag:s13], $0x2000  }
0x38: {  	[sflag:s13] =	ssyncset.done $0x0  }
0x39: {  	[sflag:s13] =	ssyncadd.s32 $0xFFFFE000  }
0x3a: {  	[hbm4b:s22+s3] =	stream.linear.scatter [tilespmem:s16], [sflag:$0x7], $0x2000, $0x38;
	v63 =	vld [tilespmem:$0x0]  }
0x3b: {  	_ =	swait.ge [sflag:s13], $0x2000  }
0x3c: {  	[sflag:s13] =	ssyncset.done $0x0  }
0x3d: {  	[sflag:s13] =	ssyncadd.s32 $0xFFFFE000  }
0x3e: {  	[tilespmem:s16], [sflag:$0x7] =	stream.linear.gather [spmem:s10], $0x2000, $0x38;
	v63 =	vld [tilespmem:$0x0]  }
0x3f: {  	_ =	swait.ge [sflag:s13], $0x2000  }
0x40: {  	[sflag:s13] =	ssyncset.done $0x0  }
0x41: {  	[sflag:s13] =	ssyncadd.s32 $0xFFFFE000  }
0x42: {  	[hbm4b:s23+s3] =	stream.linear.scatter [tilespmem:s16], [sflag:$0x7], $0x2000, $0x38;
	v63 =	vld [tilespmem:$0x0]  }
0x43: {  	_ =	swait.ge [sflag:s13], $0x2000  }
0x44: {  	[sflag:s13] =	ssyncset.done $0x0  }
0x45: {  	[sflag:s13] =	ssyncadd.s32 $0xFFFFE000  }
0x46: {  	[tilespmem:s16], [sflag:$0x7] =	stream.linear.gather [spmem:s11], $0x2000, $0x38;
	v63 =	vld [tilespmem:$0x0]  }
0x47: {  	s30 =	sadd.s32 $0x1, s30;
	_ =	swait.ge [sflag:s13], $0x2000  }
0x48: {  	p0 =	sne.s32 s30, s12;
	[sflag:s13] =	ssyncset.done $0x0  }
.Ltmp1:
0x49: {  	[sflag:s13] =	ssyncadd.s32 $0xFFFFE000;
	(pc) =	sbr.rel @!p0 .LBB2_7-.Ltmp1, $4  }
0x4a: {  	[hbm4b:s24+s3] =	stream.linear.scatter [tilespmem:s16], [sflag:$0x7], $0x2000, $0x38;
	v63 =	vld [tilespmem:$0x0]  }
0x4b: {  	_ =	swait.ge [sflag:s13], $0x2000  }
0x4c: {  	[sflag:s13] =	ssyncset.done $0x0  }
0x4d: {  	[sflag:s13] =	ssyncadd.s32 $0xFFFFE000  }
.LBB2_1:
0x4e: {  	s0 =	rddreg [dreg:$0x4]  }
0x4f: {  	[tilespmem:s3], [sflag:$0x7] =	stream.linear.gather [hbm4b:s0+s3], $0x4F80, $0x38;
	v63 =	vld [tilespmem:$0x0]  }
0x50: {  	_ =	swait.ge [sflag:s13], $0x4F80  }
0x51: {  	[sflag:s13] =	ssyncset.done $0x0  }
0x52: {  	s25 =	rddreg [dreg:$0x5];
	[sflag:s13] =	ssyncadd.s32 $0xFFFFB080  }
0x53: {  	[tilespmem:s14], [sflag:$0x7] =	stream.linear.gather [hbm4b:s25+s3], $0x4F80, $0x38;
	v63 =	vld [tilespmem:$0x0]  }
0x54: {  	_ =	swait.ge [sflag:s13], $0x4F80  }
0x55: {  	[sflag:s13] =	ssyncset.done $0x0  }
0x56: {  	[sflag:s13] =	ssyncadd.s32 $0xFFFFB080;
	(ifvalue) =	ssetifvalue $0xFFFFFFFF  }
0x57: {  	(ifvalue) =	ssetifvalue $0xFFFFFFFF  }
0x58: {  	[tilespmem:s16], [sflag:$0x1] =	stream.indirect.gather [hbm4b:s4+s15], $0x80, s3, s15, $0x40b8;
	v63 =	vld [tilespmem:$0x0]  }
0x59: {  	(ifvalue) =	ssetifvalue $0xFFFFFFFF  }
0x5a: {  	s0 =	simm.s32 $0x0;
	s25 =	simm.s32 $0x200;
	(ifvalue) =	ssetifvalue $0xFFFFFFFF  }
0x5b: {  	[tilespmem:s17], [sflag:$0x2] =	stream.indirect.gather [hbm4b:s4+s15], $0x80, s15, s15, $0x40b8;
	v63 =	vld [tilespmem:$0x0]  }
.LBB2_2:
0x5c: {  	p0 =	sne.s32 s25, $0x7E00;
	[tilespmem:s0+$0x12070] =	vst v0  }
0x5d: {  	[tilespmem:s0+$0x12000] =	vst v0  }
0x5e: {  	[tilespmem:s0+$0x12010] =	vst v0  }
.Ltmp2:
0x5f: {  	[tilespmem:s0+$0x12020] =	vst v0;
	(pc) =	sbr.rel @p0 .LBB2_2-.Ltmp2, $4  }
0x60: {  	[tilespmem:s0+$0x12030] =	vst v0  }
0x61: {  	[tilespmem:s0+$0x12040] =	vst v0  }
0x62: {  	[tilespmem:s0+$0x12050] =	vst v0  }
0x63: {  	[tilespmem:s0+$0x12060] =	vst v0;
	s0 =	sshra.s32 s25, $0x2;
	s25 =	sadd.s32 $0x200, s25  }
0x64: {  	[tilespmem:s0+$0x12070] =	vst v0  }
0x65: {  	[tilespmem:s0+$0x12000] =	vst v0  }
0x66: {  	[tilespmem:s0+$0x12010] =	vst v0  }
0x67: {  	[tilespmem:s0+$0x12020] =	vst v0  }
0x68: {  	[tilespmem:s0+$0x12030] =	vst v0  }
0x69: {  	[tilespmem:s0+$0x12040] =	vst v0  }
0x6a: {  	[tilespmem:s0+$0x12050] =	vst v0  }
0x6b: {  	[tilespmem:s0+$0x12060] =	vst v0  }
0x6c: {  	[spmem:s7] =	stream.linear.scatter [tilespmem:s18], [sflag:$0x7], $0x2000, $0x38;
	v63 =	vld [tilespmem:$0x0]  }
0x6d: {  	_ =	swait.ge [sflag:s13], $0x2000  }
0x6e: {  	[sflag:s13] =	ssyncset.done $0x0  }
0x6f: {  	[sflag:s13] =	ssyncadd.s32 $0xFFFFE000  }
0x70: {  	[spmem:s8] =	stream.linear.scatter [tilespmem:s18], [sflag:$0x7], $0x2000, $0x38;
	v63 =	vld [tilespmem:$0x0]  }
0x71: {  	_ =	swait.ge [sflag:s13], $0x2000  }
0x72: {  	[sflag:s13] =	ssyncset.done $0x0  }
0x73: {  	[sflag:s13] =	ssyncadd.s32 $0xFFFFE000  }
0x74: {  	[spmem:s9] =	stream.linear.scatter [tilespmem:s18], [sflag:$0x7], $0x2000, $0x38;
	v63 =	vld [tilespmem:$0x0]  }
0x75: {  	_ =	swait.ge [sflag:s13], $0x2000  }
0x76: {  	[sflag:s13] =	ssyncset.done $0x0  }
0x77: {  	[sflag:s13] =	ssyncadd.s32 $0xFFFFE000  }
0x78: {  	[spmem:s10] =	stream.linear.scatter [tilespmem:s18], [sflag:$0x7], $0x2000, $0x38;
	v63 =	vld [tilespmem:$0x0]  }
0x79: {  	_ =	swait.ge [sflag:s13], $0x2000  }
0x7a: {  	[sflag:s13] =	ssyncset.done $0x0  }
0x7b: {  	[sflag:s13] =	ssyncadd.s32 $0xFFFFE000  }
0x7c: {  	[spmem:s11] =	stream.linear.scatter [tilespmem:s18], [sflag:$0x7], $0x2000, $0x38;
	v63 =	vld [tilespmem:$0x0]  }
0x7d: {  	_ =	swait.ge [sflag:s13], $0x2000  }
0x7e: {  	[sflag:s13] =	ssyncset.done $0x0  }
0x7f: {  	[sflag:s13] =	ssyncadd.s32 $0xFFFFE000  }
0x80: {  	[bflag:$0x0] =	sbarrier.arrive $0xFFFF  }
0x81: {  	_ =	swait.ge [sflag:s19], $0x4000  }
0x82: {  	[sflag:s19] =	ssyncset.done $0x0  }
0x83: {  	[sflag:s19] =	ssyncadd.s32 $0xFFFFC000;
	(ifvalue) =	ssetifvalue $0xFFFFFFFF  }
0x84: {  	[spmem:s2] =	stream.indirect.scatter.add.f32 [tilespmem:s16], [sflag:$0x4], $0x80, s14, s15, $0x40b8;
	v63 =	vld [tilespmem:$0x0]  }
0x85: {  	(ifvalue) =	ssetifvalue $0xFFFFFFFF  }
0x86: {  	s6 =	simm.s32 $0x100;
	(ifvalue) =	ssetifvalue $0xFFFFFFFF  }
0x87: {  	[tilespmem:s18], [sflag:$0x3] =	stream.indirect.gather [hbm4b:s4+s15], $0x80, s6, s15, $0x40b8;
	v63 =	vld [tilespmem:$0x0]  }
0x88: {  	_ =	swait.ge [sflag:s26], $0x4000  }
0x89: {  	[sflag:s26] =	ssyncset.done $0x0  }
0x8a: {  	s25 =	simm.s32 $0x5080;
	[sflag:s26] =	ssyncadd.s32 $0xFFFFC000;
	(ifvalue) =	ssetifvalue $0xFFFFFFFF  }
0x8b: {  	[spmem:s2] =	stream.indirect.scatter.add.f32 [tilespmem:s17], [sflag:$0x5], $0x80, s25, s15, $0x40b8;
	v63 =	vld [tilespmem:$0x0]  }
0x8c: {  	_ =	swait.ge [sflag:s29], $0x4000  }
0x8d: {  	[sflag:s29] =	ssyncset.done $0x0  }
0x8e: {  	[sflag:s29] =	ssyncadd.s32 $0xFFFFC000;
	(ifvalue) =	ssetifvalue $0xFFFFFFFF  }
0x8f: {  	s5 =	simm.s32 $0x180;
	(ifvalue) =	ssetifvalue $0xFFFFFFFF  }
0x90: {  	[tilespmem:s16], [sflag:$0x1] =	stream.indirect.gather [hbm4b:s4+s15], $0x80, s5, s15, $0x40b8;
	v63 =	vld [tilespmem:$0x0]  }
0x91: {  	_ =	swait.ge [sflag:s31], $0x4000  }
0x92: {  	[sflag:s31] =	ssyncset.done $0x0  }
0x93: {  	s6 =	simm.s32 $0x5100;
	[sflag:s31] =	ssyncadd.s32 $0xFFFFC000;
	(ifvalue) =	ssetifvalue $0xFFFFFFFF  }
0x94: {  	[spmem:s2] =	stream.indirect.scatter.add.f32 [tilespmem:s18], [sflag:$0x6], $0x80, s6, s15, $0x40b8;
	v63 =	vld [tilespmem:$0x0]  }
0x95: {  	_ =	swait.ge [sflag:s1], $0x4000  }
0x96: {  	[sflag:s1] =	ssyncset.done $0x0  }
0x97: {  	[sflag:s1] =	ssyncadd.s32 $0xFFFFC000;
	(ifvalue) =	ssetifvalue $0xFFFFFFFF  }
0x98: {  	s0 =	simm.s32 $0x0;
	s25 =	simm.s32 $0x200;
	(ifvalue) =	ssetifvalue $0xFFFFFFFF  }
0x99: {  	[tilespmem:s17], [sflag:$0x2] =	stream.indirect.gather [hbm4b:s4+s15], $0x80, s25, s15, $0x40b8;
	v63 =	vld [tilespmem:$0x0]  }
.LBB2_4:
0x9a: {  	_ =	swait.ge [sflag:s19], $0x4000  }
0x9b: {  	s25 =	sshra.s32 s0, $0x2;
	[sflag:s19] =	ssyncset.done $0x0  }
0x9c: {  	s5 =	sadd.s32 $0x5180, s25;
	[sflag:s19] =	ssyncadd.s32 $0xFFFFC000;
	(ifvalue) =	ssetifvalue $0xFFFFFFFF  }
0x9d: {  	[spmem:s2] =	stream.indirect.scatter.add.f32 [tilespmem:s16], [sflag:$0x4], $0x80, s5, s15, $0x40b8;
	v63 =	vld [tilespmem:$0x0]  }
0x9e: {  	_ =	swait.ge [sflag:s28], $0x4000  }
0x9f: {  	[sflag:s28] =	ssyncset.done $0x0  }
0xa0: {  	[sflag:s28] =	ssyncadd.s32 $0xFFFFC000;
	(ifvalue) =	ssetifvalue $0xFFFFFFFF  }
0xa1: {  	p0 =	seq.s32 s0, $0x13200;
	s6 =	sadd.s32 $0x280, s25;
	(ifvalue) =	ssetifvalue $0xFFFFFFFF  }
0xa2: {  	[tilespmem:s18], [sflag:$0x3] =	stream.indirect.gather [hbm4b:s4+s15], $0x80, s6, s15, $0x40b8;
	v63 =	vld [tilespmem:$0x0]  }
.Ltmp3:
0xa3: {  	_ = 	snop;
	(pc) =	sbr.rel @p0 .LBB2_6-.Ltmp3, $4  }
0xa4: {  	_ =	swait.ge [sflag:s26], $0x4000  }
0xa5: {  	s5 =	sadd.s32 $0x5280, s25;
	[sflag:s26] =	ssyncset.done $0x0  }
0xa6: {  	s6 =	sadd.s32 $0x5200, s25;
	[sflag:s26] =	ssyncadd.s32 $0xFFFFC000;
	(ifvalue) =	ssetifvalue $0xFFFFFFFF  }
0xa7: {  	[spmem:s2] =	stream.indirect.scatter.add.f32 [tilespmem:s17], [sflag:$0x5], $0x80, s6, s15, $0x40b8;
	v63 =	vld [tilespmem:$0x0]  }
0xa8: {  	_ =	swait.ge [sflag:s29], $0x4000  }
0xa9: {  	[sflag:s29] =	ssyncset.done $0x0  }
0xaa: {  	[sflag:s29] =	ssyncadd.s32 $0xFFFFC000;
	(ifvalue) =	ssetifvalue $0xFFFFFFFF  }
0xab: {  	s6 =	sadd.s32 $0x300, s25;
	(ifvalue) =	ssetifvalue $0xFFFFFFFF  }
0xac: {  	[tilespmem:s16], [sflag:$0x1] =	stream.indirect.gather [hbm4b:s4+s15], $0x80, s6, s15, $0x40b8;
	v63 =	vld [tilespmem:$0x0]  }
0xad: {  	_ =	swait.ge [sflag:s31], $0x4000  }
0xae: {  	[sflag:s31] =	ssyncset.done $0x0  }
0xaf: {  	[sflag:s31] =	ssyncadd.s32 $0xFFFFC000;
	(ifvalue) =	ssetifvalue $0xFFFFFFFF  }
0xb0: {  	[spmem:s2] =	stream.indirect.scatter.add.f32 [tilespmem:s18], [sflag:$0x6], $0x80, s5, s15, $0x40b8;
	v63 =	vld [tilespmem:$0x0]  }
.Ltmp4:
0xb1: {  	_ =	swait.ge [sflag:s1], $0x4000;
	(pc) =	sbr.rel .LBB2_4-.Ltmp4, $4  }
0xb2: {  	[sflag:s1] =	ssyncset.done $0x0  }
0xb3: {  	[sflag:s1] =	ssyncadd.s32 $0xFFFFC000;
	(ifvalue) =	ssetifvalue $0xFFFFFFFF  }
0xb4: {  	s25 =	sadd.s32 $0x380, s25;
	s0 =	sadd.s32 $0x600, s0;
	(ifvalue) =	ssetifvalue $0xFFFFFFFF  }
0xb5: {  	[tilespmem:s17], [sflag:$0x2] =	stream.indirect.gather [hbm4b:s4+s15], $0x80, s25, s15, $0x40b8;
	v63 =	vld [tilespmem:$0x0]  }
.LBB2_7:
0xb6: {  	_ =	sfence.sel $0x180000  }
0xb7: {  	[bflag:$0x0] =	sbarrier.arrive $0xFFFF  }
0xb8: {  	_ =	strace $0x9000004D  }
0xb9: {  	s0 =	stileid.u32;
	[bflag:$0x2] =	sbarrier.arrive $0xFFFF  }
0xba: {  	p0 =	sne.s32 s0, $0x0;
	s0 =	rddreg [dreg:$0x3]  }
0xbb: {  	s0 =	sadd.s32 @!p0 $0x100000, s0  }
0xbc: {  	[sflag:s0] =	ssyncadd.tile.s32 @!p0 $0x1;
	_ =	shalt  }
.Lfunc_end2:
_tile_overlayer_lowered:
.L_overlay_start_2:
0xbd: {  	(tag) =	ssettag $0x2  }
0xbe: {  	s0 =	rddreg [dreg:$0x0];
	s2 =	stileid.u32  }
0xbf: {  	s1 =	rddreg [dreg:$0x1];
	p0 =	sne.s32 s2, $0x0  }
0xc0: {  	s3 =	rddreg [dreg:$0x2];
	[bflag:$0x3] =	sbarrier.arrive $0xFFFF;
	s2 =	simm.s32 @!p0 $0x1C07  }
0xc1: {  	[timem:s3], [sflag:s2] =	dma.local @!p0 [hbm:s0], s1  }
0xc2: {  	s0 =	simm.s32 @!p0 $0x7  }
0xc3: {  	_ =	swait.ge @!p0 [sflag:s0], s1  }
0xc4: {  	s1 =	ssub.s32 @!p0 $0x0, s1;
	[sflag:s0] =	ssyncset.done @!p0 $0x0  }
0xc5: {  	[sflag:s0] =	ssyncadd.s32 @!p0 s1  }
0xc6: {  	[bflag:$0x3] =	sbarrier.arrive $0xFFFF  }
0xc7: {  	_ =	shalt  }

// kernel: kernel.8.cloned.1.call-start
scs
__scs_entry_jumppad:
0x0: {  	(pc) =	sbr.rel $0x88, $3  }
0x1: {  	(tag) =	ssettag $0x0;
	lr =	simm.s32 $0x1  }
0x2: {  	[smem:$0x3F9B] =	sst lr;
	_ =	strace $0xD0000000  }
0x3: {  	_ = 	snop  }
0x4: {  	_ = 	snop  }
0x5: {  	_ = 	snop  }
0x6: {  	_ = 	snop  }
0x7: {  	_ = 	snop  }
__scs_overlays_trampoline_lowered:
0x8: {  	[smem:$0x3FAA] =	sst s0  }
0x9: {  	[smem:$0x3FAB] =	sst s1  }
0xa: {  	[smem:$0x3FAC] =	sst s2  }
0xb: {  	[smem:$0x3FAD] =	sst s3  }
0xc: {  	[smem:$0x3FAE] =	sst s4  }
0xd: {  	[smem:$0x3FAF] =	sst s5  }
0xe: {  	[smem:$0x3FB0] =	sst s6  }
0xf: {  	[smem:$0x3FB1] =	sst s7  }
0x10: {  	[smem:$0x3FB2] =	sst s8  }
0x11: {  	[smem:$0x3FB3] =	sst s9;
	s0 =	simm.s32 @!p0 $0x0  }
0x12: {  	s1 =	sld [smem:$0x3F99];
	s0 =	simm.s32 @p0 $0x1  }
0x13: {  	[smem:$0x3FB4] =	sst s0;
	s0 =	simm.s32 @!p1 $0x0  }
0x14: {  	s2 =	sld [smem:$0x3F98];
	s0 =	simm.s32 @p1 $0x1  }
0x15: {  	[smem:$0x3FB5] =	sst s0;
	s0 =	simm.s32 @!p2 $0x0  }
0x16: {  	s3 =	sld [smem:$0x3FDB];
	s0 =	simm.s32 @p2 $0x1  }
0x17: {  	s4 =	simm.s32 $0x1BF5;
	[smem:$0x3FB7] =	sst s0  }
0x18: {  	s0 =	sld [smem:$0x3F9A];
	_ =	swait.ge [sflag:s4], $0x0  }
0x19: {  	s7 =	sld [smem:$0x3F9B]  }
0x1a: {  	s8 =	sadd.s32 $0xFFFFE003, lr  }
0x1b: {  	s9 =	sadd.s32 $0xFFFFFEF7, lr;
	s5 =	simm.s32 $0xFFFFFFFF;
	p2 =	slt.u32 s8, $0xFFFFF086  }
0x1c: {  	p1 =	slt.u32 s9, $0xF7A;
	s5 =	simm.s32 @!p2 $0x0  }
0x1d: {  	s5 =	simm.s32 @p1 $0x1;
	p0 =	seq.s32 s7, s2  }
0x1e: {  	s7 =	smul.u32 @!p0 $0xF7A, s2;
	p2 =	seq.s32 @!p0 s5, $0x0  }
0x1f: {  	s9 =	smul.u32 $0xF7A, s1;
	s8 =	simm.s32 @!p0 $0x1BF5;
	p2 =	por !p2, p0  }
0x20: {  	[sflag:s8] =	ssyncset.s32 @!p0 $0xFFFFF086;
	s6 =	sadd.s32 @!p0 s3, s7;
	s7 =	simm.s32 @!p0 $0x108  }
0x21: {  	s3 =	sadd.s32 s3, s9;
	s6 =	sadd.s32 @!p0 $0x88, s6;
	s7 =	simm.s32 @p2 $0x1082  }
0x22: {  	[simem:s7], [sflag:s8] =	dma.local @!p0 [hbm:s6], $0xF7A  }
0x23: {  	s9 =	sor.u32 $0xD0000000, s2;
	s6 =	simm.s32 $0x108;
	_ =	swait.ge @!p0 [sflag:s8], $0x0  }
0x24: {  	s3 =	sadd.s32 $0x88, s3;
	s6 =	simm.s32 @!p1 $0x1082;
	[sflag:s4] =	ssyncset.s32 $0xFFFFF086  }
0x25: {  	[simem:s6], [sflag:s4] =	dma.local [hbm:s3], $0xF7A  }
0x26: {  	[smem:$0x3F9B] =	sst s1;
	(tag) =	ssettag s2;
	_ =	strace s9  }
0x27: {  	s1 =	sld [smem:$0x3FAB]  }
0x28: {  	s2 =	sld [smem:$0x3FAC]  }
0x29: {  	s4 =	sld [smem:$0x3FAE]  }
0x2a: {  	p0 =	seq.s32 s5, $0x0;
	s5 =	sld [smem:$0x3FAF]  }
0x2b: {  	s6 =	sld [smem:$0x3FB0]  }
0x2c: {  	s7 =	sld [smem:$0x3FB1]  }
0x2d: {  	s3 =	simm.s32 $0x108;
	s8 =	sld [smem:$0x3FB2]  }
0x2e: {  	s3 =	simm.s32 @!p0 $0x1082;
	s9 =	sld [smem:$0x3FB3]  }
0x2f: {  	lr =	sadd.s32 s0, s3;
	s0 =	sld [smem:$0x3FAA]  }
0x30: {  	s3 =	sld [smem:$0x3FAD]  }
0x31: {  	[smem:$0x3FB6] =	sst s10  }
0x32: {  	s10 =	sld [smem:$0x3FB4];
	_ =	sdelay $0x3  }
0x33: {  	p0 =	seq.s32 s10, $0x1;
	s10 =	sld [smem:$0x3FB6];
	_ =	sdelay $0x3  }
0x34: {  	[smem:$0x3FB6] =	sst s10  }
0x35: {  	s10 =	sld [smem:$0x3FB5];
	_ =	sdelay $0x3  }
0x36: {  	p1 =	seq.s32 s10, $0x1;
	s10 =	sld [smem:$0x3FB6];
	_ =	sdelay $0x3  }
0x37: {  	[smem:$0x3FB6] =	sst s10  }
0x38: {  	s10 =	sld [smem:$0x3FB7]  }
0x39: {  	_ = 	snop;
	(pc) =	sbr.ind lr, $3  }
0x3a: {  	_ = 	snop  }
0x3b: {  	_ = 	snop  }
0x3c: {  	p2 =	seq.s32 s10, $0x1;
	s10 =	sld [smem:$0x3FB6]  }
0x3d: {  	_ =	shalt  }
0x3e: {  	_ =	shalt  }
0x3f: {  	_ =	shalt  }
0x40: {  	_ =	shalt  }
0x41: {  	_ =	shalt  }
0x42: {  	_ =	shalt  }
0x43: {  	_ =	shalt  }
0x44: {  	_ =	shalt  }
0x45: {  	_ =	shalt  }
0x46: {  	_ =	shalt  }
0x47: {  	_ =	shalt  }
0x48: {  	_ =	shalt  }
0x49: {  	_ =	shalt  }
0x4a: {  	_ =	shalt  }
0x4b: {  	_ =	shalt  }
0x4c: {  	_ =	shalt  }
0x4d: {  	_ =	shalt  }
0x4e: {  	_ =	shalt  }
0x4f: {  	_ =	shalt  }
0x50: {  	_ =	shalt  }
0x51: {  	_ =	shalt  }
0x52: {  	_ =	shalt  }
0x53: {  	_ =	shalt  }
0x54: {  	_ =	shalt  }
0x55: {  	_ =	shalt  }
0x56: {  	_ =	shalt  }
0x57: {  	_ =	shalt  }
0x58: {  	_ =	shalt  }
0x59: {  	_ =	shalt  }
0x5a: {  	_ =	shalt  }
0x5b: {  	_ =	shalt  }
0x5c: {  	_ =	shalt  }
0x5d: {  	_ =	shalt  }
0x5e: {  	_ =	shalt  }
0x5f: {  	_ =	shalt  }
0x60: {  	_ =	shalt  }
0x61: {  	_ =	shalt  }
0x62: {  	_ =	shalt  }
0x63: {  	_ =	shalt  }
0x64: {  	_ =	shalt  }
0x65: {  	_ =	shalt  }
0x66: {  	_ =	shalt  }
0x67: {  	_ =	shalt  }
0x68: {  	_ =	shalt  }
0x69: {  	_ =	shalt  }
0x6a: {  	_ =	shalt  }
0x6b: {  	_ =	shalt  }
0x6c: {  	_ =	shalt  }
0x6d: {  	_ =	shalt  }
0x6e: {  	_ =	shalt  }
0x6f: {  	_ =	shalt  }
0x70: {  	_ =	shalt  }
0x71: {  	_ =	shalt  }
0x72: {  	_ =	shalt  }
0x73: {  	_ =	shalt  }
0x74: {  	_ =	shalt  }
0x75: {  	_ =	shalt  }
0x76: {  	_ =	shalt  }
0x77: {  	_ =	shalt  }
0x78: {  	_ =	shalt  }
0x79: {  	_ =	shalt  }
0x7a: {  	_ =	shalt  }
0x7b: {  	_ =	shalt  }
0x7c: {  	_ =	shalt  }
0x7d: {  	_ =	shalt  }
0x7e: {  	_ =	shalt  }
0x7f: {  	_ =	shalt  }
0x80: {  	_ =	shalt  }
0x81: {  	_ =	shalt  }
0x82: {  	_ =	shalt  }
0x83: {  	_ =	shalt  }
0x84: {  	_ =	shalt  }
0x85: {  	_ =	shalt  }
0x86: {  	_ =	shalt  }
0x87: {  	_ =	shalt  }
.Lfunc_end0:
.L_simem_size_0:
called_computation_lowered:
.L_overlay_start_0:
0x88: {  	s2 =	sld [smem:$0x3FD9]  }
0x89: {  	s3 =	sld [smem:$0x3FFE];
	_ =	sdelay $0x1  }
0x8a: {  	s1 =	srdreg.scid  }
0x8b: {  	s0 =	sand.u32 $0x1, s1  }
0x8c: {  	s17 =	sshll.u32 s0, $0xA;
	s2 =	sadd.s32 s3, s2  }
0x8d: {  	s2 =	sadd.s32 s2, s17  }
0x8e: {  	[smem:$0x3FC2] =	sst s2  }
0x8f: {  	_ = 	snop  }
0x90: {  	s2 =	sld [smem:$0x3FD0];
	(tm) =	ssettm $0x1  }
0x91: {  	s18 =	sld [smem:$0x3FFB];
	_ =	sdelay $0x3  }
0x92: {  	_ =	strace s18  }
0x93: {  	s3 =	sld [smem:$0x3FFC];
	_ =	sdelay $0x3  }
0x94: {  	_ =	strace s3  }
0x95: {  	s3 =	sld [smem:$0x3FFD];
	_ =	sdelay $0x3  }
0x96: {  	_ =	strace s3  }
0x97: {  	_ =	strace $0x8FFFFFFF  }
0x98: {  	s19 =	sld [smem:$0x3FDB];
	_ =	sdelay $0x1  }
0x99: {  	s4 =	simm.s32 $_scs_section_size  }
0x9a: {  	s5 =	simm.s32 $_size__tile_overlayer_lowered;
	s6 =	simm.s32 $_tile_overlayer_lowered  }
0x9b: {  	s22 =	simm.s32 $0x1BFF;
	s21 =	sshll.u32 s6, $0x1;
	s3 =	sadd.s32 s4, s19  }
0x9c: {  	s7 =	simm.s32 $0x0;
	s20 =	sshll.u32 s5, $0x1;
	s5 =	sadd.s32 s21, s3  }
0x9d: {  	[timem:s7], [sflag:s22] =	dma.local [hbm:s5], s20  }
0x9e: {  	_ =	swait.ge [sflag:s22], s20  }
0x9f: {  	s4 =	ssub.s32 $0x0, s20;
	[sflag:s22] =	ssyncset.done $0x0  }
0xa0: {  	[sflag:s22] =	ssyncadd.s32 s4;
	_ =	sdelay $0x1  }
0xa1: {  	s23 =	simm.s32 $0x1B8B  }
0xa2: {  	_ =	swait.ge [sflag:s23], $0x1  }
0xa3: {  	[sflag:s23] =	ssyncset.done $0x0  }
0xa4: {  	s25 =	simm.s32 $0x1B8E;
	s24 =	sld [smem:$0x3FFE];
	[sflag:s23] =	ssyncadd.s32 $0xFFFFFFFF  }
0xa5: {  	s26 =	simm.s32 $execute0_lowered;
	[smem:$0x3FD2] =	sst s25  }
0xa6: {  	s5 =	sshll.u32 s26, $0x1;
	_ =	strace $0x80000046;
	[dreg:$0x1] =	wrdreg $0xFFFFFFFF  }
0xa7: {  	s28 =	simm.s32 $_size_execute0_lowered;
	s3 =	sadd.s32 s3, s5;
	[dreg:$0x0] =	wrdreg $0x0  }
0xa8: {  	s5 =	sshll.u32 s28, $0x1;
	[dreg:$0x2] =	wrdreg s3  }
0xa9: {  	[dreg:$0x3] =	wrdreg s5  }
0xaa: {  	[dreg:$0x4] =	wrdreg $0xC0  }
0xab: {  	_ =	task [dreg:s7], $0x5FFFF  }
0xac: {  	[dreg:$0x1] =	wrdreg $0xFFFFFFFF  }
0xad: {  	[dreg:$0x0] =	wrdreg $0x60  }
0xae: {  	[dreg:$0x2] =	wrdreg s2  }
0xaf: {  	[dreg:$0x3] =	wrdreg s24  }
0xb0: {  	[dreg:$0x4] =	wrdreg $0x90000  }
0xb1: {  	[dreg:$0x5] =	wrdreg $0x9  }
0xb2: {  	_ =	task.clear_ibuf [dreg:s7], $0x6FFFF;
	_ =	strace $0x90000046  }
0xb3: {  	s29 =	simm.s32 $0x9;
	_ =	strace $0x80000048  }
0xb4: {  	_ =	swait.ge [sflag:s29], $0x1  }
0xb5: {  	[sflag:s29] =	ssyncadd.s32 $0xFFFFFFFF  }
0xb6: {  	_ =	strace $0x90000048  }
0xb7: {  	_ =	sfence  }
0xb8: {  	s30 =	sld [smem:$0x0];
	_ =	sdelay $0x2  }
0xb9: {  	s31 =	sshll.u32 s1, $0xD;
	s1 =	sshrl.u32 s1, $0x2  }
0xba: {  	s3 =	sand.u32 $0x4000, s31;
	s1 =	sadd.s32 s1, s30  }
0xbb: {  	s0 =	sor.u32 s3, s0;
	s1 =	sshll.u32 s1, $0x11  }
0xbc: {  	s0 =	sor.u32 s1, s0  }
0xbd: {  	s0 =	sadd.s32 $0x8F2B, s0  }
0xbe: {  	[sflag:s0] =	ssyncadd.remote.s32 $0x1  }
0xbf: {  	_ =	sfence.sel $0xFFFF  }
0xc0: {  	[dreg:$0x0] =	wrdreg $0xFFFFFFFF;
	(pc) =	sbr.abs _section_cstart, $3  }
0xc1: {  	[dreg:$0x1] =	wrdreg $0xFFFFFFFF  }
0xc2: {  	_ =	task.clear_ibuf [dreg:s7], $0x2FFFF;
	_ =	strace $0x9FFFFFFF  }
0xc3: {  	(tm) =	ssettm $0x7FFFFFFF  }
tec
execute0_lowered:
.L_overlay_start_1:
0x0: {  	(tag) =	ssettag $0x1  }
0x1: {  	s4 =	rddreg [dreg:$0x0]  }
0x2: {  	s5 =	rddreg [dreg:$0x1]  }
0x3: {  	s1 =	rddreg [dreg:$0x2];
	s2 =	srdreg.scid;
	s3 =	simm.s32 $0x0  }
0x4: {  	s16 =	simm.s32 $0x1;
	s17 =	simm.s32 $0x2;
	s18 =	simm.s32 $0x3  }
0x5: {  	s19 =	simm.s32 $0x4;
	s28 =	simm.s32 $0x4F00;
	s6 =	sand.u32 $0x1, s2  }
0x6: {  	s29 =	simm.s32 $0x0;
	s2 =	stileid.u32;
	s7 =	smul.u32 $0x14000, s6  }
0x7: {  	[smem:$0x7FF] =	sst s3;
	s8 =	sshll.u32 s6, $0x4;
	s9 =	smul.u32 $0x140, s2  }
0x8: {  	s6 =	ssub.s32 $0x2, s6;
	_ =	strace $0x80000047;
	s11 =	smul.u32 $0x28000, s2  }
0x9: {  	s20 =	smul.u32 $0x1400, s2;
	s8 =	sor.u32 s2, s8;
	s10 =	sshrl.u32 s6, $0x1  }
0xa: {  	s8 =	smul.u32 $0xA00, s8;
	s12 =	sadd.s32 s7, s5;
	s10 =	ssub.s32 s6, s10  }
0xb: {  	s13 =	sadd.s32 $0x40, s9;
	s24 =	sshrl.u32 s11, $0x2;
	s26 =	sadd.s32 $0x80, s9  }
0xc: {  	s14 =	sadd.s32 $0xC0, s9;
	s15 =	sadd.s32 $0x100, s9;
	s11 =	simm.s32 $0x5  }
0xd: {  	s25 =	sshll.u32 s13, $0x7;
	s5 =	sadd.s32 s24, s1;
	s30 =	sshll.u32 s26, $0x7  }
0xe: {  	s31 =	sshll.u32 s14, $0x7;
	s9 =	sshll.u32 s15, $0x7;
	s24 =	sadd.s32 $0x2A00, s12  }
0xf: {  	s21 =	sshll.u32 s13, $0x4;
	s22 =	sshll.u32 s26, $0x4;
	s23 =	sshll.u32 s14, $0x4  }
0x10: {  	s10 =	smax.u32 s10, $0x1;
	s12 =	simm.s32 $0x5000;
	s13 =	simm.s32 $0x80  }
0x11: {  	s14 =	simm.s32 $0x100;
	s26 =	simm.s32 $0x4E80;
	s4 =	sadd.s32 s4, s8  }
0x12: {  	s6 =	sadd.s32 s25, s1;
	s7 =	sadd.s32 s30, s1;
	s8 =	sadd.s32 s31, s1  }
0x13: {  	s9 =	sadd.s32 s9, s1;
	s25 =	sshll.u32 s15, $0x4;
	s15 =	simm.s32 $0x180  }
0x14: {  	s20 =	sadd.s32 s20, s24;
	s21 =	sadd.s32 s21, s24;
	s22 =	sadd.s32 s22, s24  }
0x15: {  	v0 =	vimm.f32 $0.0e+00;
	v1 =	vimm.f32 $1.000000000e+00;
	s23 =	sadd.s32 s23, s24;
	s24 =	sadd.s32 s25, s24;
	s25 =	simm.s32 $0x4E00  }
.LBB2_1:
0x16: {  	[tilespmem:s3], [sflag:$0x5] =	stream.linear.gather [hbm4b:s4+s3], $0x4F80, $0x38;
	[tilespmem:$0x13000] =	vst v63  }
0x17: {  	_ =	swait.ge [sflag:s11], $0x4F80  }
0x18: {  	[sflag:s11] =	ssyncset.done $0x0  }
0x19: {  	s30 =	simm.s32 $0x0;
	s31 =	simm.s32 $0x200;
	[sflag:s11] =	ssyncadd.s32 $0xFFFFB080  }
.LBB2_2:
0x1a: {  	p0 =	sne.s32 s31, $0x7E00;
	[tilespmem:s30+$0x5070] =	vst v0  }
0x1b: {  	[tilespmem:s30+$0x5000] =	vst v0  }
0x1c: {  	[tilespmem:s30+$0x5010] =	vst v0  }
.Ltmp0:
0x1d: {  	[tilespmem:s30+$0x5020] =	vst v0;
	(pc) =	sbr.rel @p0 .LBB2_2-.Ltmp0, $4  }
0x1e: {  	[tilespmem:s30+$0x5030] =	vst v0  }
0x1f: {  	[tilespmem:s30+$0x5040] =	vst v0  }
0x20: {  	[tilespmem:s30+$0x5050] =	vst v0  }
0x21: {  	[tilespmem:s30+$0x5060] =	vst v0;
	s30 =	sshra.s32 s31, $0x2;
	s31 =	sadd.s32 $0x200, s31  }
0x22: {  	[tilespmem:s30+$0x5070] =	vst v0  }
0x23: {  	[tilespmem:s30+$0x5000] =	vst v0  }
0x24: {  	[tilespmem:s30+$0x5010] =	vst v0  }
0x25: {  	[tilespmem:s30+$0x5020] =	vst v0  }
0x26: {  	[tilespmem:s30+$0x5030] =	vst v0  }
0x27: {  	[tilespmem:s30+$0x5040] =	vst v0  }
0x28: {  	[tilespmem:s30+$0x5050] =	vst v0  }
0x29: {  	[tilespmem:s30+$0x5060] =	vst v0  }
0x2a: {  	[spmem:s5] =	stream.linear.scatter [tilespmem:s12], [sflag:$0x5], $0x2000, $0x38;
	[tilespmem:$0x13000] =	vst v63  }
0x2b: {  	_ =	swait.ge [sflag:s11], $0x2000  }
0x2c: {  	[sflag:s11] =	ssyncset.done $0x0  }
0x2d: {  	[sflag:s11] =	ssyncadd.s32 $0xFFFFE000  }
0x2e: {  	[spmem:s6] =	stream.linear.scatter [tilespmem:s12], [sflag:$0x5], $0x2000, $0x38;
	[tilespmem:$0x13000] =	vst v63  }
0x2f: {  	_ =	swait.ge [sflag:s11], $0x2000  }
0x30: {  	[sflag:s11] =	ssyncset.done $0x0  }
0x31: {  	[sflag:s11] =	ssyncadd.s32 $0xFFFFE000  }
0x32: {  	[spmem:s7] =	stream.linear.scatter [tilespmem:s12], [sflag:$0x5], $0x2000, $0x38;
	[tilespmem:$0x13000] =	vst v63  }
0x33: {  	_ =	swait.ge [sflag:s11], $0x2000  }
0x34: {  	[sflag:s11] =	ssyncset.done $0x0  }
0x35: {  	[sflag:s11] =	ssyncadd.s32 $0xFFFFE000  }
0x36: {  	[spmem:s8] =	stream.linear.scatter [tilespmem:s12], [sflag:$0x5], $0x2000, $0x38;
	[tilespmem:$0x13000] =	vst v63  }
0x37: {  	_ =	swait.ge [sflag:s11], $0x2000  }
0x38: {  	[sflag:s11] =	ssyncset.done $0x0  }
0x39: {  	[sflag:s11] =	ssyncadd.s32 $0xFFFFE000  }
0x3a: {  	[spmem:s9] =	stream.linear.scatter [tilespmem:s12], [sflag:$0x5], $0x2000, $0x38;
	[tilespmem:$0x13000] =	vst v63  }
0x3b: {  	_ =	swait.ge [sflag:s11], $0x2000  }
0x3c: {  	[sflag:s11] =	ssyncset.done $0x0  }
0x3d: {  	[sflag:s11] =	ssyncadd.s32 $0xFFFFE000  }
0x3e: {  	s30 =	simm.s32 $0x0;
	s31 =	simm.s32 $0x200;
	[bflag:$0x0] =	sbarrier.arrive $0xFFFF  }
.LBB2_4:
0x3f: {  	p0 =	sne.s32 s31, $0xFE00;
	[tilespmem:s30+$0x5070] =	vst v1  }
0x40: {  	[tilespmem:s30+$0x5000] =	vst v1  }
0x41: {  	[tilespmem:s30+$0x5010] =	vst v1  }
.Ltmp1:
0x42: {  	[tilespmem:s30+$0x5020] =	vst v1;
	(pc) =	sbr.rel @p0 .LBB2_4-.Ltmp1, $4  }
0x43: {  	[tilespmem:s30+$0x5030] =	vst v1  }
0x44: {  	[tilespmem:s30+$0x5040] =	vst v1  }
0x45: {  	[tilespmem:s30+$0x5050] =	vst v1  }
0x46: {  	[tilespmem:s30+$0x5060] =	vst v1;
	s30 =	sshra.s32 s31, $0x2;
	s31 =	sadd.s32 $0x200, s31  }
0x47: {  	[tilespmem:s30+$0x5070] =	vst v1  }
0x48: {  	[tilespmem:s30+$0x5000] =	vst v1  }
0x49: {  	[tilespmem:s30+$0x5010] =	vst v1  }
0x4a: {  	[tilespmem:s30+$0x5020] =	vst v1  }
0x4b: {  	[tilespmem:s30+$0x5030] =	vst v1  }
0x4c: {  	[tilespmem:s30+$0x5040] =	vst v1  }
0x4d: {  	[tilespmem:s30+$0x5050] =	vst v1  }
0x4e: {  	[tilespmem:s30+$0x5060] =	vst v1;
	(ifvalue) =	ssetifvalue $0xFFFFFFFF  }
0x4f: {  	[spmem:s1] =	stream.indirect.scatter.add.f32 [tilespmem:s12], [sflag:$0x1], $0x80, s3, s13, $0x40b8;
	[tilespmem:$0x13000] =	vst v63  }
0x50: {  	(ifvalue) =	ssetifvalue $0xFFFFFFFF  }
0x51: {  	[spmem:s1] =	stream.indirect.scatter.add.f32 [tilespmem:s12], [sflag:$0x2], $0x80, s13, s13, $0x40b8;
	[tilespmem:$0x13000] =	vst v63  }
0x52: {  	(ifvalue) =	ssetifvalue $0xFFFFFFFF  }
0x53: {  	[spmem:s1] =	stream.indirect.scatter.add.f32 [tilespmem:s12], [sflag:$0x3], $0x80, s14, s13, $0x40b8;
	[tilespmem:$0x13000] =	vst v63  }
0x54: {  	(ifvalue) =	ssetifvalue $0xFFFFFFFF  }
0x55: {  	[spmem:s1] =	stream.indirect.scatter.add.f32 [tilespmem:s12], [sflag:$0x4], $0x80, s15, s13, $0x40b8;
	[tilespmem:$0x13000] =	vst v63  }
0x56: {  	_ =	swait.ge [sflag:s16], $0x4000  }
0x57: {  	[sflag:s16] =	ssyncset.done $0x0  }
0x58: {  	s30 =	simm.s32 $0x200;
	[sflag:s16] =	ssyncadd.s32 $0xFFFFC000;
	(ifvalue) =	ssetifvalue $0xFFFFFFFF  }
0x59: {  	[spmem:s1] =	stream.indirect.scatter.add.f32 [tilespmem:s12], [sflag:$0x1], $0x80, s30, s13, $0x40b8;
	[tilespmem:$0x13000] =	vst v63  }
0x5a: {  	_ =	swait.ge [sflag:s17], $0x4000  }
0x5b: {  	[sflag:s17] =	ssyncset.done $0x0  }
0x5c: {  	s30 =	simm.s32 $0x280;
	[sflag:s17] =	ssyncadd.s32 $0xFFFFC000;
	(ifvalue) =	ssetifvalue $0xFFFFFFFF  }
0x5d: {  	[spmem:s1] =	stream.indirect.scatter.add.f32 [tilespmem:s12], [sflag:$0x2], $0x80, s30, s13, $0x40b8;
	[tilespmem:$0x13000] =	vst v63  }
0x5e: {  	_ =	swait.ge [sflag:s18], $0x4000  }
0x5f: {  	[sflag:s18] =	ssyncset.done $0x0  }
0x60: {  	s30 =	simm.s32 $0x300;
	[sflag:s18] =	ssyncadd.s32 $0xFFFFC000;
	(ifvalue) =	ssetifvalue $0xFFFFFFFF  }
0x61: {  	[spmem:s1] =	stream.indirect.scatter.add.f32 [tilespmem:s12], [sflag:$0x3], $0x80, s30, s13, $0x40b8;
	[tilespmem:$0x13000] =	vst v63  }
0x62: {  	_ =	swait.ge [sflag:s19], $0x4000  }
0x63: {  	s31 =	simm.s32 $0x380;
	[sflag:s19] =	ssyncset.done $0x0  }
0x64: {  	s30 =	simm.s32 $0xFFFED800;
	[sflag:s19] =	ssyncadd.s32 $0xFFFFC000;
	(ifvalue) =	ssetifvalue $0xFFFFFFFF  }
.LBB2_6:
0x65: {  	[spmem:s1] =	stream.indirect.scatter.add.f32 [tilespmem:s12], [sflag:$0x4], $0x80, s31, s13, $0x40b8;
	[tilespmem:$0x13000] =	vst v63  }
0x66: {  	p0 =	sne.s32 s30, $0xFFFFF800;
	s31 =	smov.u32 s30;
	s30 =	sadd.s32 $0x800, s30  }
0x67: {  	_ =	swait.ge [sflag:s16], $0x4000  }
0x68: {  	[sflag:s16] =	ssyncset.done $0x0  }
0x69: {  	s31 =	sshra.s32 s31, $0x2;
	[sflag:s16] =	ssyncadd.s32 $0xFFFFC000  }
0x6a: {  	s0 =	sadd.s32 $0x4E00, s31;
	(ifvalue) =	ssetifvalue $0xFFFFFFFF  }
0x6b: {  	[spmem:s1] =	stream.indirect.scatter.add.f32 [tilespmem:s12], [sflag:$0x1], $0x80, s0, s13, $0x40b8;
	[tilespmem:$0x13000] =	vst v63  }
0x6c: {  	_ =	swait.ge [sflag:s17], $0x4000  }
0x6d: {  	[sflag:s17] =	ssyncset.done $0x0  }
0x6e: {  	[sflag:s17] =	ssyncadd.s32 $0xFFFFC000  }
0x6f: {  	s0 =	sadd.s32 $0x4E80, s31;
	(ifvalue) =	ssetifvalue $0xFFFFFFFF  }
0x70: {  	[spmem:s1] =	stream.indirect.scatter.add.f32 [tilespmem:s12], [sflag:$0x2], $0x80, s0, s13, $0x40b8;
	[tilespmem:$0x13000] =	vst v63  }
0x71: {  	_ =	swait.ge [sflag:s18], $0x4000  }
0x72: {  	[sflag:s18] =	ssyncset.done $0x0  }
0x73: {  	[sflag:s18] =	ssyncadd.s32 $0xFFFFC000  }
0x74: {  	s0 =	sadd.s32 $0x4F00, s31;
	(ifvalue) =	ssetifvalue $0xFFFFFFFF  }
0x75: {  	[spmem:s1] =	stream.indirect.scatter.add.f32 [tilespmem:s12], [sflag:$0x3], $0x80, s0, s13, $0x40b8;
	[tilespmem:$0x13000] =	vst v63  }
.Ltmp2:
0x76: {  	_ = 	snop;
	(pc) =	sbr.rel @p0 .LBB2_6-.Ltmp2, $4  }
0x77: {  	_ =	swait.ge [sflag:s19], $0x4000  }
0x78: {  	[sflag:s19] =	ssyncset.done $0x0  }
0x79: {  	[sflag:s19] =	ssyncadd.s32 $0xFFFFC000  }
0x7a: {  	s31 =	sadd.s32 $0x4F80, s31;
	(ifvalue) =	ssetifvalue $0xFFFFFFFF  }
0x7b: {  	[spmem:s1] =	stream.indirect.scatter.add.f32 [tilespmem:s12], [sflag:$0x4], $0x80, s31, s13, $0x40b8;
	[tilespmem:$0x13000] =	vst v63  }
0x7c: {  	_ =	swait.ge [sflag:s16], $0x4000  }
0x7d: {  	[sflag:s16] =	ssyncset.done $0x0  }
0x7e: {  	[sflag:s16] =	ssyncadd.s32 $0xFFFFC000;
	(ifvalue) =	ssetifvalue $0xFFFFFFFF  }
0x7f: {  	[spmem:s1] =	stream.indirect.scatter.add.f32 [tilespmem:s12], [sflag:$0x1], $0x80, s25, s13, $0x40b8;
	[tilespmem:$0x13000] =	vst v63  }
0x80: {  	_ =	swait.ge [sflag:s17], $0x4000  }
0x81: {  	[sflag:s17] =	ssyncset.done $0x0  }
0x82: {  	[sflag:s17] =	ssyncadd.s32 $0xFFFFC000;
	(ifvalue) =	ssetifvalue $0xFFFFFFFF  }
0x83: {  	[spmem:s1] =	stream.indirect.scatter.add.f32 [tilespmem:s12], [sflag:$0x2], $0x80, s26, s13, $0x40b8;
	[tilespmem:$0x13000] =	vst v63  }
0x84: {  	_ =	swait.ge [sflag:s18], $0x4000  }
0x85: {  	[sflag:s18] =	ssyncset.done $0x0  }
0x86: {  	[sflag:s18] =	ssyncadd.s32 $0xFFFFC000;
	(ifvalue) =	ssetifvalue $0xFFFFFFFF  }
0x87: {  	[spmem:s1] =	stream.indirect.scatter.add.f32 [tilespmem:s12], [sflag:$0x3], $0x80, s28, s13, $0x40b8;
	[tilespmem:$0x13000] =	vst v63  }
0x88: {  	_ =	swait.ge [sflag:s19], $0x4000  }
0x89: {  	[sflag:s19] =	ssyncset.done $0x0  }
0x8a: {  	[sflag:s19] =	ssyncadd.s32 $0xFFFFC000  }
0x8b: {  	_ =	swait.ge [sflag:s16], $0x4000  }
0x8c: {  	[sflag:s16] =	ssyncset.done $0x0  }
0x8d: {  	[sflag:s16] =	ssyncadd.s32 $0xFFFFC000  }
0x8e: {  	_ =	swait.ge [sflag:s17], $0x4000  }
0x8f: {  	[sflag:s17] =	ssyncset.done $0x0  }
0x90: {  	[sflag:s17] =	ssyncadd.s32 $0xFFFFC000  }
0x91: {  	_ =	swait.ge [sflag:s18], $0x4000  }
0x92: {  	[sflag:s18] =	ssyncset.done $0x0  }
0x93: {  	[sflag:s18] =	ssyncadd.s32 $0xFFFFC000  }
0x94: {  	[bflag:$0x0] =	sbarrier.arrive $0xFFFF  }
0x95: {  	[tilespmem:s12], [sflag:$0x5] =	stream.linear.gather [spmem:s5], $0x2000, $0x38;
	[tilespmem:$0x13000] =	vst v63  }
0x96: {  	_ =	swait.ge [sflag:s11], $0x2000  }
0x97: {  	[sflag:s11] =	ssyncset.done $0x0  }
0x98: {  	[sflag:s11] =	ssyncadd.s32 $0xFFFFE000  }
0x99: {  	[hbm4b:s20+s3] =	stream.linear.scatter [tilespmem:s12], [sflag:$0x5], $0x2000, $0x38;
	[tilespmem:$0x13000] =	vst v63  }
0x9a: {  	_ =	swait.ge [sflag:s11], $0x2000  }
0x9b: {  	[sflag:s11] =	ssyncset.done $0x0  }
0x9c: {  	[sflag:s11] =	ssyncadd.s32 $0xFFFFE000  }
0x9d: {  	[tilespmem:s12], [sflag:$0x5] =	stream.linear.gather [spmem:s6], $0x2000, $0x38;
	[tilespmem:$0x13000] =	vst v63  }
0x9e: {  	_ =	swait.ge [sflag:s11], $0x2000  }
0x9f: {  	[sflag:s11] =	ssyncset.done $0x0  }
0xa0: {  	[sflag:s11] =	ssyncadd.s32 $0xFFFFE000  }
0xa1: {  	[hbm4b:s21+s3] =	stream.linear.scatter [tilespmem:s12], [sflag:$0x5], $0x2000, $0x38;
	[tilespmem:$0x13000] =	vst v63  }
0xa2: {  	_ =	swait.ge [sflag:s11], $0x2000  }
0xa3: {  	[sflag:s11] =	ssyncset.done $0x0  }
0xa4: {  	[sflag:s11] =	ssyncadd.s32 $0xFFFFE000  }
0xa5: {  	[tilespmem:s12], [sflag:$0x5] =	stream.linear.gather [spmem:s7], $0x2000, $0x38;
	[tilespmem:$0x13000] =	vst v63  }
0xa6: {  	_ =	swait.ge [sflag:s11], $0x2000  }
0xa7: {  	[sflag:s11] =	ssyncset.done $0x0  }
0xa8: {  	[sflag:s11] =	ssyncadd.s32 $0xFFFFE000  }
0xa9: {  	[hbm4b:s22+s3] =	stream.linear.scatter [tilespmem:s12], [sflag:$0x5], $0x2000, $0x38;
	[tilespmem:$0x13000] =	vst v63  }
0xaa: {  	_ =	swait.ge [sflag:s11], $0x2000  }
0xab: {  	[sflag:s11] =	ssyncset.done $0x0  }
0xac: {  	[sflag:s11] =	ssyncadd.s32 $0xFFFFE000  }
0xad: {  	[tilespmem:s12], [sflag:$0x5] =	stream.linear.gather [spmem:s8], $0x2000, $0x38;
	[tilespmem:$0x13000] =	vst v63  }
0xae: {  	_ =	swait.ge [sflag:s11], $0x2000  }
0xaf: {  	[sflag:s11] =	ssyncset.done $0x0  }
0xb0: {  	[sflag:s11] =	ssyncadd.s32 $0xFFFFE000  }
0xb1: {  	[hbm4b:s23+s3] =	stream.linear.scatter [tilespmem:s12], [sflag:$0x5], $0x2000, $0x38;
	[tilespmem:$0x13000] =	vst v63  }
0xb2: {  	_ =	swait.ge [sflag:s11], $0x2000  }
0xb3: {  	[sflag:s11] =	ssyncset.done $0x0  }
0xb4: {  	[sflag:s11] =	ssyncadd.s32 $0xFFFFE000  }
0xb5: {  	[tilespmem:s12], [sflag:$0x5] =	stream.linear.gather [spmem:s9], $0x2000, $0x38;
	[tilespmem:$0x13000] =	vst v63  }
0xb6: {  	s29 =	sadd.s32 $0x1, s29;
	_ =	swait.ge [sflag:s11], $0x2000  }
0xb7: {  	p0 =	sne.s32 s29, s10;
	[sflag:s11] =	ssyncset.done $0x0  }
.Ltmp3:
0xb8: {  	[sflag:s11] =	ssyncadd.s32 $0xFFFFE000;
	(pc) =	sbr.rel @p0 .LBB2_1-.Ltmp3, $4  }
0xb9: {  	[hbm4b:s24+s3] =	stream.linear.scatter [tilespmem:s12], [sflag:$0x5], $0x2000, $0x38;
	[tilespmem:$0x13000] =	vst v63  }
0xba: {  	_ =	swait.ge [sflag:s11], $0x2000  }
0xbb: {  	[sflag:s11] =	ssyncset.done $0x0  }
0xbc: {  	[sflag:s11] =	ssyncadd.s32 $0xFFFFE000  }
0xbd: {  	_ =	sfence.sel $0x180000  }
0xbe: {  	[bflag:$0x0] =	sbarrier.arrive $0xFFFF  }
0xbf: {  	_ =	strace $0x90000047  }
0xc0: {  	[bflag:$0x2] =	sbarrier.arrive $0xFFFF  }
0xc1: {  	p0 =	sne.s32 s2, $0x0;
	s0 =	rddreg [dreg:$0x3]  }
0xc2: {  	s0 =	sadd.s32 @!p0 $0x100000, s0  }
0xc3: {  	[sflag:s0] =	ssyncadd.tile.s32 @!p0 $0x1;
	_ =	shalt  }
.Lfunc_end2:
_tile_overlayer_lowered:
.L_overlay_start_2:
0xc4: {  	(tag) =	ssettag $0x2  }
0xc5: {  	s0 =	rddreg [dreg:$0x0];
	s2 =	stileid.u32  }
0xc6: {  	s1 =	rddreg [dreg:$0x1];
	p0 =	sne.s32 s2, $0x0  }
0xc7: {  	s3 =	rddreg [dreg:$0x2];
	[bflag:$0x3] =	sbarrier.arrive $0xFFFF;
	s2 =	simm.s32 @!p0 $0x1C05  }
0xc8: {  	[timem:s3], [sflag:s2] =	dma.local @!p0 [hbm:s0], s1  }
0xc9: {  	s0 =	simm.s32 @!p0 $0x5  }
0xca: {  	_ =	swait.ge @!p0 [sflag:s0], s1  }
0xcb: {  	s1 =	ssub.s32 @!p0 $0x0, s1;
	[sflag:s0] =	ssyncset.done @!p0 $0x0  }
0xcc: {  	[sflag:s0] =	ssyncadd.s32 @!p0 s1  }
0xcd: {  	[bflag:$0x3] =	sbarrier.arrive $0xFFFF  }
0xce: {  	_ =	shalt  }

</sc_bundles>
